<compile_context>
chip_gen: v7x
topology: tpu7x:2x2x1
jax: 0.10.2.dev20260603
libtpu: 0.0.44.dev20260713+nightly
codegen_flags: <defaults>
</compile_context>

<pallas_src>
import functools
import math

import jax
import jax.numpy as jnp
from jax import lax
from jax.experimental import pallas as pl
from jax.experimental.pallas import tpu as pltpu
from jax.experimental.pallas import tpu_sc as plsc

VOCAB = 1000000
EMB = 64
NC = 2
NS = 16
NW = NC * NS
LANE = 128
SCALE = math.sqrt(EMB)


def _emb_kernel(n_seq, table_hbm, idx_hbm, out_hbm,
                idx_v, in0, in1, ob0, ob1, gsem0, gsem1, osem0, osem1):
    w = lax.axis_index("s") * NC + lax.axis_index("c")

    pltpu.sync_copy(idx_hbm.at[:, w], idx_v)

    def idx_row(s):
        return idx_v.at[s >> 3, s & 7]

    pltpu.async_copy(table_hbm.at[idx_row(0)], in0, gsem0)
    pltpu.async_copy(table_hbm.at[idx_row(1)], in1, gsem1)

    iota = lax.iota(jnp.int32, 16)
    rows_j0 = [j0 + iota for j0 in range(0, LANE, 16)]

    def do_block(s, buf_in, buf_ob, gsem, osem):
        pltpu.make_async_copy(table_hbm.at[idx_row(s)], buf_in, gsem).wait()

        @pl.when(s >= 2)
        def _():
            pltpu.make_async_copy(buf_ob, out_hbm.at[s - 2, :, w], osem).wait()

        @plsc.parallel_loop(0, 16, unroll=2)
        def diag(d):
            perm = (iota + d) & 15
            ph = perm >> 3
            pm = (perm & 7) * LANE
            cols = [perm + 16 * c for c in range(EMB // 16)]
            rvec = [ph + 2 * c for c in range(EMB // 16)]
            for g in range(LANE // 16):
                mv = pm + rows_j0[g]
                for c in range(EMB // 16):
                    vals = plsc.load_gather(buf_in, [rows_j0[g], cols[c]])
                    plsc.store_scatter(buf_ob, [rvec[c], mv], vals * SCALE)

        pltpu.async_copy(buf_ob, out_hbm.at[s, :, w], osem)

        @pl.when(s + 2 < n_seq)
        def _():
            pltpu.async_copy(table_hbm.at[idx_row(s + 2)], buf_in, gsem)

    def body(j):
        do_block(j, in0, ob0, gsem0, osem0)
        do_block(j + 1, in1, ob1, gsem1, osem1)

    pl.loop(0, n_seq, step=2)(body)

    pltpu.make_async_copy(ob0, out_hbm.at[n_seq - 2, :, w], osem0).wait()
    pltpu.make_async_copy(ob1, out_hbm.at[n_seq - 1, :, w], osem1).wait()


def kernel(tokens, table):
    n_batch, n_seq = tokens.shape
    assert n_batch == NW * LANE and n_seq % 2 == 0

    idx = jnp.transpose(
        jnp.reshape(tokens.astype(jnp.int32).T, (n_seq // 8, 8, NW, LANE)),
        (0, 2, 1, 3))

    mesh = plsc.VectorSubcoreMesh(
        core_axis_name="c", subcore_axis_name="s",
        num_cores=NC, num_subcores=NS)

    run = functools.partial(
        pl.kernel,
        out_type=jax.ShapeDtypeStruct((n_seq, EMB // 8, NW, 8 * LANE),
                                      jnp.float32),
        mesh=mesh,
        compiler_params=pltpu.CompilerParams(
            use_tc_tiling_on_sc=False, needs_layout_passes=False),
        scratch_types=[
            pltpu.VMEM((n_seq // 8, 8, LANE), jnp.int32),
            pltpu.VMEM((LANE, EMB), jnp.float32),
            pltpu.VMEM((LANE, EMB), jnp.float32),
            pltpu.VMEM((EMB // 8, 8 * LANE), jnp.float32),
            pltpu.VMEM((EMB // 8, 8 * LANE), jnp.float32),
            pltpu.SemaphoreType.DMA,
            pltpu.SemaphoreType.DMA,
            pltpu.SemaphoreType.DMA,
            pltpu.SemaphoreType.DMA,
        ],
    )(functools.partial(_emb_kernel, n_seq))

    out4 = run(table, idx)
    out5 = jnp.reshape(out4, (n_seq, EMB // 8, NW, 8, LANE))
    out = jnp.transpose(out5, (2, 4, 0, 1, 3)).reshape(
        NW * LANE, n_seq, EMB)
    return out

# --- scband reference (transcript-rebuilt; emitter-appended) ---
"""Pipeline reference for scband-token-embedding-47631187312692 (READ-ONLY COPY).

The authoritative reference and input builder live on the scoring server;
editing this copy changes nothing except your own understanding.
"""

import jax, jax.numpy as jnp
import numpy as np
import math

VOCAB_SIZE = 1000000
EMB_SIZE = 64

def setup_inputs(seed: int = 0) -> dict:
    key = jax.random.key(seed)
    k1, k2 = jax.random.split(key)
    tokens = jax.random.randint(k1, (4096, 200), 0, VOCAB_SIZE, dtype=jnp.int64 if jax.config.jax_enable_x64 else jnp.int32)
    table = jax.random.normal(k2, (VOCAB_SIZE, EMB_SIZE), dtype=jnp.float32)
    return {"tokens": tokens, "table": table}

def reference(tokens, table):
    # TokenEmbedding.forward: embedding(tokens.long()) * sqrt(emb_size)
    emb = jnp.take(table, tokens, axis=0)
    return emb * math.sqrt(EMB_SIZE)

if __name__ == "__main__":
    import jax
    _d = setup_inputs()
    print(jax.jit(kernel)(*tuple(_d.values())))

</pallas_src>

<mosaic_0001>
#map = affine_map<(d0, d1) -> (0, 0)>
#map1 = affine_map<(d0, d1) -> (0, 0, 0, 0)>
module attributes {stable_mosaic.version = 14 : i64} {
  func.func @_emb_kernel(%arg0: i32, %arg1: i32, %arg2: memref<1000000x64xf32, #tpu.memory_space<hbm>>, %arg3: memref<25x32x8x128xi32, #tpu.memory_space<hbm>>, %arg4: memref<200x8x32x1024xf32, #tpu.memory_space<hbm>>, %arg5: memref<25x8x128xi32, #tpu.memory_space<vmem>>, %arg6: memref<128x64xf32, #tpu.memory_space<vmem>>, %arg7: memref<128x64xf32, #tpu.memory_space<vmem>>, %arg8: memref<8x1024xf32, #tpu.memory_space<vmem>>, %arg9: memref<8x1024xf32, #tpu.memory_space<vmem>>, %arg10: memref<!tpu.dma_semaphore, #tpu.memory_space<semaphore_mem>>, %arg11: memref<!tpu.dma_semaphore, #tpu.memory_space<semaphore_mem>>, %arg12: memref<!tpu.dma_semaphore, #tpu.memory_space<semaphore_mem>>, %arg13: memref<!tpu.dma_semaphore, #tpu.memory_space<semaphore_mem>>) attributes {dimension_semantics = [#tpu.dimension_semantics<core_parallel>, #tpu.dimension_semantics<subcore_parallel>], iteration_bounds = array<i64: 2, 16>, scalar_prefetch = 0 : i64, scratch_operands = 9 : i64, tpu.core_type = #tpu.core_type<sc_vector_subcore>, window_params = [{transform_indices = #map}, {transform_indices = #map1}, {transform_indices = #map1}]} {
    %mul3A = arith.constant 2 : i32
    %mul3A_0 = arith.muli %arg1, %mul3A : i32
    %add3A = arith.addi %mul3A_0, %arg0 : i32
    "tpu.region"() ({
      %run_scoped3A = tpu.sem_alloc : memref<!tpu.dma_semaphore, #tpu.memory_space<semaphore_mem>>
      %dma_start3A_61 = arith.constant 0 : i32
      %dma_start3A_62 = arith.constant 0 : i32
      %dma_start3A_63 = arith.constant 0 : i32
      %dma_start3A_64 = tpu.memref_slice %arg3[%dma_start3A_61, %add3A, %dma_start3A_62, %dma_start3A_63] : memref<25x32x8x128xi32, #tpu.memory_space<hbm>> -> memref<25x1x8x128xi32, #tpu.memory_space<hbm>>
      %dma_start3A_65 = tpu.memref_squeeze %dma_start3A_64 : memref<25x1x8x128xi32, #tpu.memory_space<hbm>> -> memref<25x8x128xi32, #tpu.memory_space<hbm>>
      %dma_start3A_66 = arith.constant 0 : i32
      %dma_start3A_67 = arith.constant 0 : i32
      %dma_start3A_68 = arith.constant 0 : i32
      %dma_start3A_69 = tpu.memref_slice %arg3[%dma_start3A_66, %add3A, %dma_start3A_67, %dma_start3A_68] : memref<25x32x8x128xi32, #tpu.memory_space<hbm>> -> memref<25x1x8x128xi32, #tpu.memory_space<hbm>>
      %dma_start3A_70 = tpu.memref_squeeze %dma_start3A_69 : memref<25x1x8x128xi32, #tpu.memory_space<hbm>> -> memref<25x8x128xi32, #tpu.memory_space<hbm>>
      tpu.enqueue_dma source(%dma_start3A_70 : memref<25x8x128xi32, #tpu.memory_space<hbm>>) target(%arg5 : memref<25x8x128xi32, #tpu.memory_space<vmem>>) target_semaphore(%run_scoped3A : memref<!tpu.dma_semaphore, #tpu.memory_space<semaphore_mem>>)
      %dma_wait3A_71 = arith.constant 0 : i32
      %dma_wait3A_72 = arith.constant 0 : i32
      %dma_wait3A_73 = arith.constant 0 : i32
      %dma_wait3A_74 = tpu.memref_slice %arg3[%dma_wait3A_71, %add3A, %dma_wait3A_72, %dma_wait3A_73] : memref<25x32x8x128xi32, #tpu.memory_space<hbm>> -> memref<25x1x8x128xi32, #tpu.memory_space<hbm>>
      %dma_wait3A_75 = tpu.memref_squeeze %dma_wait3A_74 : memref<25x1x8x128xi32, #tpu.memory_space<hbm>> -> memref<25x8x128xi32, #tpu.memory_space<hbm>>
      %dma_wait3A_76 = arith.constant 0 : i32
      %dma_wait3A_77 = arith.constant 0 : i32
      %dma_wait3A_78 = arith.constant 0 : i32
      %dma_wait3A_79 = tpu.memref_slice %arg3[%dma_wait3A_76, %add3A, %dma_wait3A_77, %dma_wait3A_78] : memref<25x32x8x128xi32, #tpu.memory_space<hbm>> -> memref<25x1x8x128xi32, #tpu.memory_space<hbm>>
      %dma_wait3A_80 = tpu.memref_squeeze %dma_wait3A_79 : memref<25x1x8x128xi32, #tpu.memory_space<hbm>> -> memref<25x8x128xi32, #tpu.memory_space<hbm>>
      tpu.wait_dma2 semaphore(%run_scoped3A : memref<!tpu.dma_semaphore, #tpu.memory_space<semaphore_mem>>) src(%dma_wait3A_80 : memref<25x8x128xi32, #tpu.memory_space<hbm>>) dst(%arg5 : memref<25x8x128xi32, #tpu.memory_space<vmem>>)
      tpu.yield
    }) : () -> ()
    %dma_start3A = arith.constant 0 : i32
    %dma_start3A_1 = arith.constant 0 : i32
    %dma_start3A_2 = arith.constant 0 : i32
    %dma_start3A_3 = tpu.memref_slice %arg5[%dma_start3A, %dma_start3A_1, %dma_start3A_2] : memref<25x8x128xi32, #tpu.memory_space<vmem>> -> memref<1x1x128xi32, #tpu.memory_space<vmem>>
    %dma_start3A_4 = tpu.memref_squeeze %dma_start3A_3 : memref<1x1x128xi32, #tpu.memory_space<vmem>> -> memref<128xi32, #tpu.memory_space<vmem>>
    %dma_start3A_5 = arith.constant 0 : i32
    %dma_start3A_6 = arith.constant 0 : i32
    %dma_start3A_7 = tpu.memref_slice %arg2[%dma_start3A_5, %dma_start3A_6] : memref<1000000x64xf32, #tpu.memory_space<hbm>> -> memref<1000000x64xf32, #tpu.memory_space<hbm>>
    tpu.enqueue_indirect_dma source(%dma_start3A_7 : memref<1000000x64xf32, #tpu.memory_space<hbm>>) target(%arg6 : memref<128x64xf32, #tpu.memory_space<vmem>>) offsets(%dma_start3A_4 : memref<128xi32, #tpu.memory_space<vmem>>) semaphore(%arg10 : memref<!tpu.dma_semaphore, #tpu.memory_space<semaphore_mem>>)
    %dma_start3A_8 = arith.constant 0 : i32
    %dma_start3A_9 = arith.constant 1 : i32
    %dma_start3A_10 = arith.constant 0 : i32
    %dma_start3A_11 = tpu.memref_slice %arg5[%dma_start3A_8, %dma_start3A_9, %dma_start3A_10] : memref<25x8x128xi32, #tpu.memory_space<vmem>> -> memref<1x1x128xi32, #tpu.memory_space<vmem>>
    %dma_start3A_12 = tpu.memref_squeeze %dma_start3A_11 : memref<1x1x128xi32, #tpu.memory_space<vmem>> -> memref<128xi32, #tpu.memory_space<vmem>>
    %dma_start3A_13 = arith.constant 0 : i32
    %dma_start3A_14 = arith.constant 0 : i32
    %dma_start3A_15 = tpu.memref_slice %arg2[%dma_start3A_13, %dma_start3A_14] : memref<1000000x64xf32, #tpu.memory_space<hbm>> -> memref<1000000x64xf32, #tpu.memory_space<hbm>>
    tpu.enqueue_indirect_dma source(%dma_start3A_15 : memref<1000000x64xf32, #tpu.memory_space<hbm>>) target(%arg7 : memref<128x64xf32, #tpu.memory_space<vmem>>) offsets(%dma_start3A_12 : memref<128xi32, #tpu.memory_space<vmem>>) semaphore(%arg11 : memref<!tpu.dma_semaphore, #tpu.memory_space<semaphore_mem>>)
    %iota3A = tpu.iota {dimensions = array<i32: 0>} : vector<16xi32>
    %add3A_16 = arith.constant 0 : i32
    %add3A_17 = vector.broadcast %add3A_16 : i32 to vector<16xi32>
    %add3A_18 = arith.addi %add3A_17, %iota3A : vector<16xi32>
    %add3A_19 = arith.constant 16 : i32
    %add3A_20 = vector.broadcast %add3A_19 : i32 to vector<16xi32>
    %add3A_21 = arith.addi %add3A_20, %iota3A : vector<16xi32>
    %add3A_22 = arith.constant 32 : i32
    %add3A_23 = vector.broadcast %add3A_22 : i32 to vector<16xi32>
    %add3A_24 = arith.addi %add3A_23, %iota3A : vector<16xi32>
    %add3A_25 = arith.constant 48 : i32
    %add3A_26 = vector.broadcast %add3A_25 : i32 to vector<16xi32>
    %add3A_27 = arith.addi %add3A_26, %iota3A : vector<16xi32>
    %add3A_28 = arith.constant 64 : i32
    %add3A_29 = vector.broadcast %add3A_28 : i32 to vector<16xi32>
    %add3A_30 = arith.addi %add3A_29, %iota3A : vector<16xi32>
    %add3A_31 = arith.constant 80 : i32
    %add3A_32 = vector.broadcast %add3A_31 : i32 to vector<16xi32>
    %add3A_33 = arith.addi %add3A_32, %iota3A : vector<16xi32>
    %add3A_34 = arith.constant 96 : i32
    %add3A_35 = vector.broadcast %add3A_34 : i32 to vector<16xi32>
    %add3A_36 = arith.addi %add3A_35, %iota3A : vector<16xi32>
    %add3A_37 = arith.constant 112 : i32
    %add3A_38 = vector.broadcast %add3A_37 : i32 to vector<16xi32>
    %add3A_39 = arith.addi %add3A_38, %iota3A : vector<16xi32>
    %scan3A = arith.constant 0 : i32
    %scan3A_40 = arith.constant 100 : i32
    %scan3A_41 = arith.addi %scan3A, %scan3A_40 : i32
    %scan3A_42 = arith.constant 1 : i32
    scf.for %scan3A_61 = %scan3A to %scan3A_41 step %scan3A_42  : i32 {
      %mul3A_62 = arith.constant 2 : i32
      %mul3A_63 = arith.muli %scan3A_61, %mul3A_62 : i32
      %add3A_64 = arith.constant 0 : i32
      %add3A_65 = arith.addi %add3A_64, %mul3A_63 : i32
      %shift_right_arithmetic3A = arith.constant 3 : i32
      %shift_right_arithmetic3A_66 = arith.shrsi %add3A_65, %shift_right_arithmetic3A : i32
      %and3A = arith.constant 7 : i32
      %and3A_67 = arith.andi %add3A_65, %and3A : i32
      %dma_wait3A_68 = arith.constant 0 : i32
      %dma_wait3A_69 = tpu.memref_slice %arg5[%shift_right_arithmetic3A_66, %and3A_67, %dma_wait3A_68] : memref<25x8x128xi32, #tpu.memory_space<vmem>> -> memref<1x1x128xi32, #tpu.memory_space<vmem>>
      %dma_wait3A_70 = tpu.memref_squeeze %dma_wait3A_69 : memref<1x1x128xi32, #tpu.memory_space<vmem>> -> memref<128xi32, #tpu.memory_space<vmem>>
      %dma_wait3A_71 = arith.constant 0 : i32
      %dma_wait3A_72 = arith.constant 0 : i32
      %dma_wait3A_73 = tpu.memref_slice %arg2[%dma_wait3A_71, %dma_wait3A_72] : memref<1000000x64xf32, #tpu.memory_space<hbm>> -> memref<1000000x64xf32, #tpu.memory_space<hbm>>
      tpu.wait_indirect_dma semaphore(%arg10 : memref<!tpu.dma_semaphore, #tpu.memory_space<semaphore_mem>>) src(%dma_wait3A_73 : memref<1000000x64xf32, #tpu.memory_space<hbm>>) dst(%arg6 : memref<128x64xf32, #tpu.memory_space<vmem>>)
      %ge3A = arith.constant 2 : i32
      %ge3A_74 = arith.cmpi sge, %add3A_65, %ge3A : i32
      %convert_element_type3A = arith.extui %ge3A_74 : i1 to i32
      %cond3A = arith.constant 0 : i32
      %cond3A_75 = arith.cmpi ne, %convert_element_type3A, %cond3A : i32
      scf.if %cond3A_75 {
        %sub3A = arith.constant 2 : i32
        %sub3A_127 = arith.subi %add3A_65, %sub3A : i32
        %dma_wait3A_128 = arith.constant 0 : i32
        %dma_wait3A_129 = arith.constant 0 : i32
        %dma_wait3A_130 = tpu.memref_slice %arg4[%sub3A_127, %dma_wait3A_128, %add3A, %dma_wait3A_129] : memref<200x8x32x1024xf32, #tpu.memory_space<hbm>> -> memref<1x8x1x1024xf32, #tpu.memory_space<hbm>>
        %dma_wait3A_131 = tpu.memref_squeeze %dma_wait3A_130 : memref<1x8x1x1024xf32, #tpu.memory_space<hbm>> -> memref<8x1024xf32, #tpu.memory_space<hbm>>
        %dma_wait3A_132 = arith.constant 0 : i32
        %dma_wait3A_133 = arith.constant 0 : i32
        %dma_wait3A_134 = tpu.memref_slice %arg4[%sub3A_127, %dma_wait3A_132, %add3A, %dma_wait3A_133] : memref<200x8x32x1024xf32, #tpu.memory_space<hbm>> -> memref<1x8x1x1024xf32, #tpu.memory_space<hbm>>
        %dma_wait3A_135 = tpu.memref_squeeze %dma_wait3A_134 : memref<1x8x1x1024xf32, #tpu.memory_space<hbm>> -> memref<8x1024xf32, #tpu.memory_space<hbm>>
        tpu.wait_dma2 semaphore(%arg12 : memref<!tpu.dma_semaphore, #tpu.memory_space<semaphore_mem>>) src(%arg8 : memref<8x1024xf32, #tpu.memory_space<vmem>>) dst(%dma_wait3A_135 : memref<8x1024xf32, #tpu.memory_space<hbm>>)
      } else {
      }
      %parallel_loop3A = arith.constant 0 : i32
      %parallel_loop3A_76 = arith.constant 16 : i32
      %parallel_loop3A_77 = arith.constant 1 : i32
      scf.for %parallel_loop3A_127 = %parallel_loop3A to %parallel_loop3A_76 step %parallel_loop3A_77  : i32 {
        %parallel_loop3A_128 = vector.broadcast %parallel_loop3A_127 : i32 to vector<16xi32>
        %parallel_loop3A_129 = arith.addi %iota3A, %parallel_loop3A_128 : vector<16xi32>
        %parallel_loop3A_130 = arith.constant 15 : i32
        %parallel_loop3A_131 = vector.broadcast %parallel_loop3A_130 : i32 to vector<16xi32>
        %parallel_loop3A_132 = arith.andi %parallel_loop3A_129, %parallel_loop3A_131 : vector<16xi32>
        %parallel_loop3A_133 = arith.constant 3 : i32
        %parallel_loop3A_134 = vector.broadcast %parallel_loop3A_133 : i32 to vector<16xi32>
        %parallel_loop3A_135 = arith.shrsi %parallel_loop3A_132, %parallel_loop3A_134 : vector<16xi32>
        %parallel_loop3A_136 = arith.constant 7 : i32
        %parallel_loop3A_137 = vector.broadcast %parallel_loop3A_136 : i32 to vector<16xi32>
        %parallel_loop3A_138 = arith.andi %parallel_loop3A_132, %parallel_loop3A_137 : vector<16xi32>
        %parallel_loop3A_139 = arith.constant 128 : i32
        %parallel_loop3A_140 = vector.broadcast %parallel_loop3A_139 : i32 to vector<16xi32>
        %parallel_loop3A_141 = arith.muli %parallel_loop3A_138, %parallel_loop3A_140 : vector<16xi32>
        %parallel_loop3A_142 = arith.constant 0 : i32
        %parallel_loop3A_143 = vector.broadcast %parallel_loop3A_142 : i32 to vector<16xi32>
        %parallel_loop3A_144 = arith.addi %parallel_loop3A_132, %parallel_loop3A_143 : vector<16xi32>
        %parallel_loop3A_145 = arith.constant 16 : i32
        %parallel_loop3A_146 = vector.broadcast %parallel_loop3A_145 : i32 to vector<16xi32>
        %parallel_loop3A_147 = arith.addi %parallel_loop3A_132, %parallel_loop3A_146 : vector<16xi32>
        %parallel_loop3A_148 = arith.constant 32 : i32
        %parallel_loop3A_149 = vector.broadcast %parallel_loop3A_148 : i32 to vector<16xi32>
        %parallel_loop3A_150 = arith.addi %parallel_loop3A_132, %parallel_loop3A_149 : vector<16xi32>
        %parallel_loop3A_151 = arith.constant 48 : i32
        %parallel_loop3A_152 = vector.broadcast %parallel_loop3A_151 : i32 to vector<16xi32>
        %parallel_loop3A_153 = arith.addi %parallel_loop3A_132, %parallel_loop3A_152 : vector<16xi32>
        %parallel_loop3A_154 = arith.constant 0 : i32
        %parallel_loop3A_155 = vector.broadcast %parallel_loop3A_154 : i32 to vector<16xi32>
        %parallel_loop3A_156 = arith.addi %parallel_loop3A_135, %parallel_loop3A_155 : vector<16xi32>
        %parallel_loop3A_157 = arith.constant 2 : i32
        %parallel_loop3A_158 = vector.broadcast %parallel_loop3A_157 : i32 to vector<16xi32>
        %parallel_loop3A_159 = arith.addi %parallel_loop3A_135, %parallel_loop3A_158 : vector<16xi32>
        %parallel_loop3A_160 = arith.constant 4 : i32
        %parallel_loop3A_161 = vector.broadcast %parallel_loop3A_160 : i32 to vector<16xi32>
        %parallel_loop3A_162 = arith.addi %parallel_loop3A_135, %parallel_loop3A_161 : vector<16xi32>
        %parallel_loop3A_163 = arith.constant 6 : i32
        %parallel_loop3A_164 = vector.broadcast %parallel_loop3A_163 : i32 to vector<16xi32>
        %parallel_loop3A_165 = arith.addi %parallel_loop3A_135, %parallel_loop3A_164 : vector<16xi32>
        %parallel_loop3A_166 = arith.addi %parallel_loop3A_141, %add3A_18 : vector<16xi32>
        %parallel_loop3A_167 = tpu.vector_load_idx %arg6[%add3A_18, %parallel_loop3A_144] : memref<128x64xf32, #tpu.memory_space<vmem>>[vector<16xi32>, vector<16xi32>], vector<16xf32>,
        %parallel_loop3A_168 = arith.constant 8.000000e+00 : f32
        %parallel_loop3A_169 = vector.broadcast %parallel_loop3A_168 : f32 to vector<16xf32>
        %parallel_loop3A_170 = arith.mulf %parallel_loop3A_167, %parallel_loop3A_169 : vector<16xf32>
        tpu.vector_store_idx %arg8[%parallel_loop3A_156, %parallel_loop3A_166], %parallel_loop3A_170 : memref<8x1024xf32, #tpu.memory_space<vmem>>[vector<16xi32>, vector<16xi32>], vector<16xf32>,
        %parallel_loop3A_171 = tpu.vector_load_idx %arg6[%add3A_18, %parallel_loop3A_147] : memref<128x64xf32, #tpu.memory_space<vmem>>[vector<16xi32>, vector<16xi32>], vector<16xf32>,
        %parallel_loop3A_172 = arith.constant 8.000000e+00 : f32
        %parallel_loop3A_173 = vector.broadcast %parallel_loop3A_172 : f32 to vector<16xf32>
        %parallel_loop3A_174 = arith.mulf %parallel_loop3A_171, %parallel_loop3A_173 : vector<16xf32>
        tpu.vector_store_idx %arg8[%parallel_loop3A_159, %parallel_loop3A_166], %parallel_loop3A_174 : memref<8x1024xf32, #tpu.memory_space<vmem>>[vector<16xi32>, vector<16xi32>], vector<16xf32>,
        %parallel_loop3A_175 = tpu.vector_load_idx %arg6[%add3A_18, %parallel_loop3A_150] : memref<128x64xf32, #tpu.memory_space<vmem>>[vector<16xi32>, vector<16xi32>], vector<16xf32>,
        %parallel_loop3A_176 = arith.constant 8.000000e+00 : f32
        %parallel_loop3A_177 = vector.broadcast %parallel_loop3A_176 : f32 to vector<16xf32>
        %parallel_loop3A_178 = arith.mulf %parallel_loop3A_175, %parallel_loop3A_177 : vector<16xf32>
        tpu.vector_store_idx %arg8[%parallel_loop3A_162, %parallel_loop3A_166], %parallel_loop3A_178 : memref<8x1024xf32, #tpu.memory_space<vmem>>[vector<16xi32>, vector<16xi32>], vector<16xf32>,
        %parallel_loop3A_179 = tpu.vector_load_idx %arg6[%add3A_18, %parallel_loop3A_153] : memref<128x64xf32, #tpu.memory_space<vmem>>[vector<16xi32>, vector<16xi32>], vector<16xf32>,
        %parallel_loop3A_180 = arith.constant 8.000000e+00 : f32
        %parallel_loop3A_181 = vector.broadcast %parallel_loop3A_180 : f32 to vector<16xf32>
        %parallel_loop3A_182 = arith.mulf %parallel_loop3A_179, %parallel_loop3A_181 : vector<16xf32>
        tpu.vector_store_idx %arg8[%parallel_loop3A_165, %parallel_loop3A_166], %parallel_loop3A_182 : memref<8x1024xf32, #tpu.memory_space<vmem>>[vector<16xi32>, vector<16xi32>], vector<16xf32>,
        %parallel_loop3A_183 = arith.addi %parallel_loop3A_141, %add3A_21 : vector<16xi32>
        %parallel_loop3A_184 = tpu.vector_load_idx %arg6[%add3A_21, %parallel_loop3A_144] : memref<128x64xf32, #tpu.memory_space<vmem>>[vector<16xi32>, vector<16xi32>], vector<16xf32>,
        %parallel_loop3A_185 = arith.constant 8.000000e+00 : f32
        %parallel_loop3A_186 = vector.broadcast %parallel_loop3A_185 : f32 to vector<16xf32>
        %parallel_loop3A_187 = arith.mulf %parallel_loop3A_184, %parallel_loop3A_186 : vector<16xf32>
        tpu.vector_store_idx %arg8[%parallel_loop3A_156, %parallel_loop3A_183], %parallel_loop3A_187 : memref<8x1024xf32, #tpu.memory_space<vmem>>[vector<16xi32>, vector<16xi32>], vector<16xf32>,
        %parallel_loop3A_188 = tpu.vector_load_idx %arg6[%add3A_21, %parallel_loop3A_147] : memref<128x64xf32, #tpu.memory_space<vmem>>[vector<16xi32>, vector<16xi32>], vector<16xf32>,
        %parallel_loop3A_189 = arith.constant 8.000000e+00 : f32
        %parallel_loop3A_190 = vector.broadcast %parallel_loop3A_189 : f32 to vector<16xf32>
        %parallel_loop3A_191 = arith.mulf %parallel_loop3A_188, %parallel_loop3A_190 : vector<16xf32>
        tpu.vector_store_idx %arg8[%parallel_loop3A_159, %parallel_loop3A_183], %parallel_loop3A_191 : memref<8x1024xf32, #tpu.memory_space<vmem>>[vector<16xi32>, vector<16xi32>], vector<16xf32>,
        %parallel_loop3A_192 = tpu.vector_load_idx %arg6[%add3A_21, %parallel_loop3A_150] : memref<128x64xf32, #tpu.memory_space<vmem>>[vector<16xi32>, vector<16xi32>], vector<16xf32>,
        %parallel_loop3A_193 = arith.constant 8.000000e+00 : f32
        %parallel_loop3A_194 = vector.broadcast %parallel_loop3A_193 : f32 to vector<16xf32>
        %parallel_loop3A_195 = arith.mulf %parallel_loop3A_192, %parallel_loop3A_194 : vector<16xf32>
        tpu.vector_store_idx %arg8[%parallel_loop3A_162, %parallel_loop3A_183], %parallel_loop3A_195 : memref<8x1024xf32, #tpu.memory_space<vmem>>[vector<16xi32>, vector<16xi32>], vector<16xf32>,
        %parallel_loop3A_196 = tpu.vector_load_idx %arg6[%add3A_21, %parallel_loop3A_153] : memref<128x64xf32, #tpu.memory_space<vmem>>[vector<16xi32>, vector<16xi32>], vector<16xf32>,
        %parallel_loop3A_197 = arith.constant 8.000000e+00 : f32
        %parallel_loop3A_198 = vector.broadcast %parallel_loop3A_197 : f32 to vector<16xf32>
        %parallel_loop3A_199 = arith.mulf %parallel_loop3A_196, %parallel_loop3A_198 : vector<16xf32>
        tpu.vector_store_idx %arg8[%parallel_loop3A_165, %parallel_loop3A_183], %parallel_loop3A_199 : memref<8x1024xf32, #tpu.memory_space<vmem>>[vector<16xi32>, vector<16xi32>], vector<16xf32>,
        %parallel_loop3A_200 = arith.addi %parallel_loop3A_141, %add3A_24 : vector<16xi32>
        %parallel_loop3A_201 = tpu.vector_load_idx %arg6[%add3A_24, %parallel_loop3A_144] : memref<128x64xf32, #tpu.memory_space<vmem>>[vector<16xi32>, vector<16xi32>], vector<16xf32>,
        %parallel_loop3A_202 = arith.constant 8.000000e+00 : f32
        %parallel_loop3A_203 = vector.broadcast %parallel_loop3A_202 : f32 to vector<16xf32>
        %parallel_loop3A_204 = arith.mulf %parallel_loop3A_201, %parallel_loop3A_203 : vector<16xf32>
        tpu.vector_store_idx %arg8[%parallel_loop3A_156, %parallel_loop3A_200], %parallel_loop3A_204 : memref<8x1024xf32, #tpu.memory_space<vmem>>[vector<16xi32>, vector<16xi32>], vector<16xf32>,
        %parallel_loop3A_205 = tpu.vector_load_idx %arg6[%add3A_24, %parallel_loop3A_147] : memref<128x64xf32, #tpu.memory_space<vmem>>[vector<16xi32>, vector<16xi32>], vector<16xf32>,
        %parallel_loop3A_206 = arith.constant 8.000000e+00 : f32
        %parallel_loop3A_207 = vector.broadcast %parallel_loop3A_206 : f32 to vector<16xf32>
        %parallel_loop3A_208 = arith.mulf %parallel_loop3A_205, %parallel_loop3A_207 : vector<16xf32>
        tpu.vector_store_idx %arg8[%parallel_loop3A_159, %parallel_loop3A_200], %parallel_loop3A_208 : memref<8x1024xf32, #tpu.memory_space<vmem>>[vector<16xi32>, vector<16xi32>], vector<16xf32>,
        %parallel_loop3A_209 = tpu.vector_load_idx %arg6[%add3A_24, %parallel_loop3A_150] : memref<128x64xf32, #tpu.memory_space<vmem>>[vector<16xi32>, vector<16xi32>], vector<16xf32>,
        %parallel_loop3A_210 = arith.constant 8.000000e+00 : f32
        %parallel_loop3A_211 = vector.broadcast %parallel_loop3A_210 : f32 to vector<16xf32>
        %parallel_loop3A_212 = arith.mulf %parallel_loop3A_209, %parallel_loop3A_211 : vector<16xf32>
        tpu.vector_store_idx %arg8[%parallel_loop3A_162, %parallel_loop3A_200], %parallel_loop3A_212 : memref<8x1024xf32, #tpu.memory_space<vmem>>[vector<16xi32>, vector<16xi32>], vector<16xf32>,
        %parallel_loop3A_213 = tpu.vector_load_idx %arg6[%add3A_24, %parallel_loop3A_153] : memref<128x64xf32, #tpu.memory_space<vmem>>[vector<16xi32>, vector<16xi32>], vector<16xf32>,
        %parallel_loop3A_214 = arith.constant 8.000000e+00 : f32
        %parallel_loop3A_215 = vector.broadcast %parallel_loop3A_214 : f32 to vector<16xf32>
        %parallel_loop3A_216 = arith.mulf %parallel_loop3A_213, %parallel_loop3A_215 : vector<16xf32>
        tpu.vector_store_idx %arg8[%parallel_loop3A_165, %parallel_loop3A_200], %parallel_loop3A_216 : memref<8x1024xf32, #tpu.memory_space<vmem>>[vector<16xi32>, vector<16xi32>], vector<16xf32>,
        %parallel_loop3A_217 = arith.addi %parallel_loop3A_141, %add3A_27 : vector<16xi32>
        %parallel_loop3A_218 = tpu.vector_load_idx %arg6[%add3A_27, %parallel_loop3A_144] : memref<128x64xf32, #tpu.memory_space<vmem>>[vector<16xi32>, vector<16xi32>], vector<16xf32>,
        %parallel_loop3A_219 = arith.constant 8.000000e+00 : f32
        %parallel_loop3A_220 = vector.broadcast %parallel_loop3A_219 : f32 to vector<16xf32>
        %parallel_loop3A_221 = arith.mulf %parallel_loop3A_218, %parallel_loop3A_220 : vector<16xf32>
        tpu.vector_store_idx %arg8[%parallel_loop3A_156, %parallel_loop3A_217], %parallel_loop3A_221 : memref<8x1024xf32, #tpu.memory_space<vmem>>[vector<16xi32>, vector<16xi32>], vector<16xf32>,
        %parallel_loop3A_222 = tpu.vector_load_idx %arg6[%add3A_27, %parallel_loop3A_147] : memref<128x64xf32, #tpu.memory_space<vmem>>[vector<16xi32>, vector<16xi32>], vector<16xf32>,
        %parallel_loop3A_223 = arith.constant 8.000000e+00 : f32
        %parallel_loop3A_224 = vector.broadcast %parallel_loop3A_223 : f32 to vector<16xf32>
        %parallel_loop3A_225 = arith.mulf %parallel_loop3A_222, %parallel_loop3A_224 : vector<16xf32>
        tpu.vector_store_idx %arg8[%parallel_loop3A_159, %parallel_loop3A_217], %parallel_loop3A_225 : memref<8x1024xf32, #tpu.memory_space<vmem>>[vector<16xi32>, vector<16xi32>], vector<16xf32>,
        %parallel_loop3A_226 = tpu.vector_load_idx %arg6[%add3A_27, %parallel_loop3A_150] : memref<128x64xf32, #tpu.memory_space<vmem>>[vector<16xi32>, vector<16xi32>], vector<16xf32>,
        %parallel_loop3A_227 = arith.constant 8.000000e+00 : f32
        %parallel_loop3A_228 = vector.broadcast %parallel_loop3A_227 : f32 to vector<16xf32>
        %parallel_loop3A_229 = arith.mulf %parallel_loop3A_226, %parallel_loop3A_228 : vector<16xf32>
        tpu.vector_store_idx %arg8[%parallel_loop3A_162, %parallel_loop3A_217], %parallel_loop3A_229 : memref<8x1024xf32, #tpu.memory_space<vmem>>[vector<16xi32>, vector<16xi32>], vector<16xf32>,
        %parallel_loop3A_230 = tpu.vector_load_idx %arg6[%add3A_27, %parallel_loop3A_153] : memref<128x64xf32, #tpu.memory_space<vmem>>[vector<16xi32>, vector<16xi32>], vector<16xf32>,
        %parallel_loop3A_231 = arith.constant 8.000000e+00 : f32
        %parallel_loop3A_232 = vector.broadcast %parallel_loop3A_231 : f32 to vector<16xf32>
        %parallel_loop3A_233 = arith.mulf %parallel_loop3A_230, %parallel_loop3A_232 : vector<16xf32>
        tpu.vector_store_idx %arg8[%parallel_loop3A_165, %parallel_loop3A_217], %parallel_loop3A_233 : memref<8x1024xf32, #tpu.memory_space<vmem>>[vector<16xi32>, vector<16xi32>], vector<16xf32>,
        %parallel_loop3A_234 = arith.addi %parallel_loop3A_141, %add3A_30 : vector<16xi32>
        %parallel_loop3A_235 = tpu.vector_load_idx %arg6[%add3A_30, %parallel_loop3A_144] : memref<128x64xf32, #tpu.memory_space<vmem>>[vector<16xi32>, vector<16xi32>], vector<16xf32>,
        %parallel_loop3A_236 = arith.constant 8.000000e+00 : f32
        %parallel_loop3A_237 = vector.broadcast %parallel_loop3A_236 : f32 to vector<16xf32>
        %parallel_loop3A_238 = arith.mulf %parallel_loop3A_235, %parallel_loop3A_237 : vector<16xf32>
        tpu.vector_store_idx %arg8[%parallel_loop3A_156, %parallel_loop3A_234], %parallel_loop3A_238 : memref<8x1024xf32, #tpu.memory_space<vmem>>[vector<16xi32>, vector<16xi32>], vector<16xf32>,
        %parallel_loop3A_239 = tpu.vector_load_idx %arg6[%add3A_30, %parallel_loop3A_147] : memref<128x64xf32, #tpu.memory_space<vmem>>[vector<16xi32>, vector<16xi32>], vector<16xf32>,
        %parallel_loop3A_240 = arith.constant 8.000000e+00 : f32
        %parallel_loop3A_241 = vector.broadcast %parallel_loop3A_240 : f32 to vector<16xf32>
        %parallel_loop3A_242 = arith.mulf %parallel_loop3A_239, %parallel_loop3A_241 : vector<16xf32>
        tpu.vector_store_idx %arg8[%parallel_loop3A_159, %parallel_loop3A_234], %parallel_loop3A_242 : memref<8x1024xf32, #tpu.memory_space<vmem>>[vector<16xi32>, vector<16xi32>], vector<16xf32>,
        %parallel_loop3A_243 = tpu.vector_load_idx %arg6[%add3A_30, %parallel_loop3A_150] : memref<128x64xf32, #tpu.memory_space<vmem>>[vector<16xi32>, vector<16xi32>], vector<16xf32>,
        %parallel_loop3A_244 = arith.constant 8.000000e+00 : f32
        %parallel_loop3A_245 = vector.broadcast %parallel_loop3A_244 : f32 to vector<16xf32>
        %parallel_loop3A_246 = arith.mulf %parallel_loop3A_243, %parallel_loop3A_245 : vector<16xf32>
        tpu.vector_store_idx %arg8[%parallel_loop3A_162, %parallel_loop3A_234], %parallel_loop3A_246 : memref<8x1024xf32, #tpu.memory_space<vmem>>[vector<16xi32>, vector<16xi32>], vector<16xf32>,
        %parallel_loop3A_247 = tpu.vector_load_idx %arg6[%add3A_30, %parallel_loop3A_153] : memref<128x64xf32, #tpu.memory_space<vmem>>[vector<16xi32>, vector<16xi32>], vector<16xf32>,
        %parallel_loop3A_248 = arith.constant 8.000000e+00 : f32
        %parallel_loop3A_249 = vector.broadcast %parallel_loop3A_248 : f32 to vector<16xf32>
        %parallel_loop3A_250 = arith.mulf %parallel_loop3A_247, %parallel_loop3A_249 : vector<16xf32>
        tpu.vector_store_idx %arg8[%parallel_loop3A_165, %parallel_loop3A_234], %parallel_loop3A_250 : memref<8x1024xf32, #tpu.memory_space<vmem>>[vector<16xi32>, vector<16xi32>], vector<16xf32>,
        %parallel_loop3A_251 = arith.addi %parallel_loop3A_141, %add3A_33 : vector<16xi32>
        %parallel_loop3A_252 = tpu.vector_load_idx %arg6[%add3A_33, %parallel_loop3A_144] : memref<128x64xf32, #tpu.memory_space<vmem>>[vector<16xi32>, vector<16xi32>], vector<16xf32>,
        %parallel_loop3A_253 = arith.constant 8.000000e+00 : f32
        %parallel_loop3A_254 = vector.broadcast %parallel_loop3A_253 : f32 to vector<16xf32>
        %parallel_loop3A_255 = arith.mulf %parallel_loop3A_252, %parallel_loop3A_254 : vector<16xf32>
        tpu.vector_store_idx %arg8[%parallel_loop3A_156, %parallel_loop3A_251], %parallel_loop3A_255 : memref<8x1024xf32, #tpu.memory_space<vmem>>[vector<16xi32>, vector<16xi32>], vector<16xf32>,
        %parallel_loop3A_256 = tpu.vector_load_idx %arg6[%add3A_33, %parallel_loop3A_147] : memref<128x64xf32, #tpu.memory_space<vmem>>[vector<16xi32>, vector<16xi32>], vector<16xf32>,
        %parallel_loop3A_257 = arith.constant 8.000000e+00 : f32
        %parallel_loop3A_258 = vector.broadcast %parallel_loop3A_257 : f32 to vector<16xf32>
        %parallel_loop3A_259 = arith.mulf %parallel_loop3A_256, %parallel_loop3A_258 : vector<16xf32>
        tpu.vector_store_idx %arg8[%parallel_loop3A_159, %parallel_loop3A_251], %parallel_loop3A_259 : memref<8x1024xf32, #tpu.memory_space<vmem>>[vector<16xi32>, vector<16xi32>], vector<16xf32>,
        %parallel_loop3A_260 = tpu.vector_load_idx %arg6[%add3A_33, %parallel_loop3A_150] : memref<128x64xf32, #tpu.memory_space<vmem>>[vector<16xi32>, vector<16xi32>], vector<16xf32>,
        %parallel_loop3A_261 = arith.constant 8.000000e+00 : f32
        %parallel_loop3A_262 = vector.broadcast %parallel_loop3A_261 : f32 to vector<16xf32>
        %parallel_loop3A_263 = arith.mulf %parallel_loop3A_260, %parallel_loop3A_262 : vector<16xf32>
        tpu.vector_store_idx %arg8[%parallel_loop3A_162, %parallel_loop3A_251], %parallel_loop3A_263 : memref<8x1024xf32, #tpu.memory_space<vmem>>[vector<16xi32>, vector<16xi32>], vector<16xf32>,
        %parallel_loop3A_264 = tpu.vector_load_idx %arg6[%add3A_33, %parallel_loop3A_153] : memref<128x64xf32, #tpu.memory_space<vmem>>[vector<16xi32>, vector<16xi32>], vector<16xf32>,
        %parallel_loop3A_265 = arith.constant 8.000000e+00 : f32
        %parallel_loop3A_266 = vector.broadcast %parallel_loop3A_265 : f32 to vector<16xf32>
        %parallel_loop3A_267 = arith.mulf %parallel_loop3A_264, %parallel_loop3A_266 : vector<16xf32>
        tpu.vector_store_idx %arg8[%parallel_loop3A_165, %parallel_loop3A_251], %parallel_loop3A_267 : memref<8x1024xf32, #tpu.memory_space<vmem>>[vector<16xi32>, vector<16xi32>], vector<16xf32>,
        %parallel_loop3A_268 = arith.addi %parallel_loop3A_141, %add3A_36 : vector<16xi32>
        %parallel_loop3A_269 = tpu.vector_load_idx %arg6[%add3A_36, %parallel_loop3A_144] : memref<128x64xf32, #tpu.memory_space<vmem>>[vector<16xi32>, vector<16xi32>], vector<16xf32>,
        %parallel_loop3A_270 = arith.constant 8.000000e+00 : f32
        %parallel_loop3A_271 = vector.broadcast %parallel_loop3A_270 : f32 to vector<16xf32>
        %parallel_loop3A_272 = arith.mulf %parallel_loop3A_269, %parallel_loop3A_271 : vector<16xf32>
        tpu.vector_store_idx %arg8[%parallel_loop3A_156, %parallel_loop3A_268], %parallel_loop3A_272 : memref<8x1024xf32, #tpu.memory_space<vmem>>[vector<16xi32>, vector<16xi32>], vector<16xf32>,
        %parallel_loop3A_273 = tpu.vector_load_idx %arg6[%add3A_36, %parallel_loop3A_147] : memref<128x64xf32, #tpu.memory_space<vmem>>[vector<16xi32>, vector<16xi32>], vector<16xf32>,
        %parallel_loop3A_274 = arith.constant 8.000000e+00 : f32
        %parallel_loop3A_275 = vector.broadcast %parallel_loop3A_274 : f32 to vector<16xf32>
        %parallel_loop3A_276 = arith.mulf %parallel_loop3A_273, %parallel_loop3A_275 : vector<16xf32>
        tpu.vector_store_idx %arg8[%parallel_loop3A_159, %parallel_loop3A_268], %parallel_loop3A_276 : memref<8x1024xf32, #tpu.memory_space<vmem>>[vector<16xi32>, vector<16xi32>], vector<16xf32>,
        %parallel_loop3A_277 = tpu.vector_load_idx %arg6[%add3A_36, %parallel_loop3A_150] : memref<128x64xf32, #tpu.memory_space<vmem>>[vector<16xi32>, vector<16xi32>], vector<16xf32>,
        %parallel_loop3A_278 = arith.constant 8.000000e+00 : f32
        %parallel_loop3A_279 = vector.broadcast %parallel_loop3A_278 : f32 to vector<16xf32>
        %parallel_loop3A_280 = arith.mulf %parallel_loop3A_277, %parallel_loop3A_279 : vector<16xf32>
        tpu.vector_store_idx %arg8[%parallel_loop3A_162, %parallel_loop3A_268], %parallel_loop3A_280 : memref<8x1024xf32, #tpu.memory_space<vmem>>[vector<16xi32>, vector<16xi32>], vector<16xf32>,
        %parallel_loop3A_281 = tpu.vector_load_idx %arg6[%add3A_36, %parallel_loop3A_153] : memref<128x64xf32, #tpu.memory_space<vmem>>[vector<16xi32>, vector<16xi32>], vector<16xf32>,
        %parallel_loop3A_282 = arith.constant 8.000000e+00 : f32
        %parallel_loop3A_283 = vector.broadcast %parallel_loop3A_282 : f32 to vector<16xf32>
        %parallel_loop3A_284 = arith.mulf %parallel_loop3A_281, %parallel_loop3A_283 : vector<16xf32>
        tpu.vector_store_idx %arg8[%parallel_loop3A_165, %parallel_loop3A_268], %parallel_loop3A_284 : memref<8x1024xf32, #tpu.memory_space<vmem>>[vector<16xi32>, vector<16xi32>], vector<16xf32>,
        %parallel_loop3A_285 = arith.addi %parallel_loop3A_141, %add3A_39 : vector<16xi32>
        %parallel_loop3A_286 = tpu.vector_load_idx %arg6[%add3A_39, %parallel_loop3A_144] : memref<128x64xf32, #tpu.memory_space<vmem>>[vector<16xi32>, vector<16xi32>], vector<16xf32>,
        %parallel_loop3A_287 = arith.constant 8.000000e+00 : f32
        %parallel_loop3A_288 = vector.broadcast %parallel_loop3A_287 : f32 to vector<16xf32>
        %parallel_loop3A_289 = arith.mulf %parallel_loop3A_286, %parallel_loop3A_288 : vector<16xf32>
        tpu.vector_store_idx %arg8[%parallel_loop3A_156, %parallel_loop3A_285], %parallel_loop3A_289 : memref<8x1024xf32, #tpu.memory_space<vmem>>[vector<16xi32>, vector<16xi32>], vector<16xf32>,
        %parallel_loop3A_290 = tpu.vector_load_idx %arg6[%add3A_39, %parallel_loop3A_147] : memref<128x64xf32, #tpu.memory_space<vmem>>[vector<16xi32>, vector<16xi32>], vector<16xf32>,
        %parallel_loop3A_291 = arith.constant 8.000000e+00 : f32
        %parallel_loop3A_292 = vector.broadcast %parallel_loop3A_291 : f32 to vector<16xf32>
        %parallel_loop3A_293 = arith.mulf %parallel_loop3A_290, %parallel_loop3A_292 : vector<16xf32>
        tpu.vector_store_idx %arg8[%parallel_loop3A_159, %parallel_loop3A_285], %parallel_loop3A_293 : memref<8x1024xf32, #tpu.memory_space<vmem>>[vector<16xi32>, vector<16xi32>], vector<16xf32>,
        %parallel_loop3A_294 = tpu.vector_load_idx %arg6[%add3A_39, %parallel_loop3A_150] : memref<128x64xf32, #tpu.memory_space<vmem>>[vector<16xi32>, vector<16xi32>], vector<16xf32>,
        %parallel_loop3A_295 = arith.constant 8.000000e+00 : f32
        %parallel_loop3A_296 = vector.broadcast %parallel_loop3A_295 : f32 to vector<16xf32>
        %parallel_loop3A_297 = arith.mulf %parallel_loop3A_294, %parallel_loop3A_296 : vector<16xf32>
        tpu.vector_store_idx %arg8[%parallel_loop3A_162, %parallel_loop3A_285], %parallel_loop3A_297 : memref<8x1024xf32, #tpu.memory_space<vmem>>[vector<16xi32>, vector<16xi32>], vector<16xf32>,
        %parallel_loop3A_298 = tpu.vector_load_idx %arg6[%add3A_39, %parallel_loop3A_153] : memref<128x64xf32, #tpu.memory_space<vmem>>[vector<16xi32>, vector<16xi32>], vector<16xf32>,
        %parallel_loop3A_299 = arith.constant 8.000000e+00 : f32
        %parallel_loop3A_300 = vector.broadcast %parallel_loop3A_299 : f32 to vector<16xf32>
        %parallel_loop3A_301 = arith.mulf %parallel_loop3A_298, %parallel_loop3A_300 : vector<16xf32>
        tpu.vector_store_idx %arg8[%parallel_loop3A_165, %parallel_loop3A_285], %parallel_loop3A_301 : memref<8x1024xf32, #tpu.memory_space<vmem>>[vector<16xi32>, vector<16xi32>], vector<16xf32>,
      } {sc.loop_unroll_factor = 2 : i64, sc.parallel_access}
      %dma_start3A_78 = arith.constant 0 : i32
      %dma_start3A_79 = arith.constant 0 : i32
      %dma_start3A_80 = tpu.memref_slice %arg4[%add3A_65, %dma_start3A_78, %add3A, %dma_start3A_79] : memref<200x8x32x1024xf32, #tpu.memory_space<hbm>> -> memref<1x8x1x1024xf32, #tpu.memory_space<hbm>>
      %dma_start3A_81 = tpu.memref_squeeze %dma_start3A_80 : memref<1x8x1x1024xf32, #tpu.memory_space<hbm>> -> memref<8x1024xf32, #tpu.memory_space<hbm>>
      %dma_start3A_82 = arith.constant 0 : i32
      %dma_start3A_83 = arith.constant 0 : i32
      %dma_start3A_84 = tpu.memref_slice %arg4[%add3A_65, %dma_start3A_82, %add3A, %dma_start3A_83] : memref<200x8x32x1024xf32, #tpu.memory_space<hbm>> -> memref<1x8x1x1024xf32, #tpu.memory_space<hbm>>
      %dma_start3A_85 = tpu.memref_squeeze %dma_start3A_84 : memref<1x8x1x1024xf32, #tpu.memory_space<hbm>> -> memref<8x1024xf32, #tpu.memory_space<hbm>>
      tpu.enqueue_dma source(%arg8 : memref<8x1024xf32, #tpu.memory_space<vmem>>) target(%dma_start3A_85 : memref<8x1024xf32, #tpu.memory_space<hbm>>) target_semaphore(%arg12 : memref<!tpu.dma_semaphore, #tpu.memory_space<semaphore_mem>>)
      %add3A_86 = arith.constant 2 : i32
      %add3A_87 = arith.addi %add3A_65, %add3A_86 : i32
      %lt3A = arith.constant 200 : i32
      %lt3A_88 = arith.cmpi slt, %add3A_87, %lt3A : i32
      %convert_element_type3A_89 = arith.extui %lt3A_88 : i1 to i32
      %cond3A_90 = arith.constant 0 : i32
      %cond3A_91 = arith.cmpi ne, %convert_element_type3A_89, %cond3A_90 : i32
      scf.if %cond3A_91 {
        %add3A_127 = arith.constant 2 : i32
        %add3A_128 = arith.addi %add3A_65, %add3A_127 : i32
        %shift_right_arithmetic3A_129 = arith.constant 3 : i32
        %shift_right_arithmetic3A_130 = arith.shrsi %add3A_128, %shift_right_arithmetic3A_129 : i32
        %and3A_131 = arith.constant 7 : i32
        %and3A_132 = arith.andi %add3A_128, %and3A_131 : i32
        %dma_start3A_133 = arith.constant 0 : i32
        %dma_start3A_134 = tpu.memref_slice %arg5[%shift_right_arithmetic3A_130, %and3A_132, %dma_start3A_133] : memref<25x8x128xi32, #tpu.memory_space<vmem>> -> memref<1x1x128xi32, #tpu.memory_space<vmem>>
        %dma_start3A_135 = tpu.memref_squeeze %dma_start3A_134 : memref<1x1x128xi32, #tpu.memory_space<vmem>> -> memref<128xi32, #tpu.memory_space<vmem>>
        %dma_start3A_136 = arith.constant 0 : i32
        %dma_start3A_137 = arith.constant 0 : i32
        %dma_start3A_138 = tpu.memref_slice %arg2[%dma_start3A_136, %dma_start3A_137] : memref<1000000x64xf32, #tpu.memory_space<hbm>> -> memref<1000000x64xf32, #tpu.memory_space<hbm>>
        tpu.enqueue_indirect_dma source(%dma_start3A_138 : memref<1000000x64xf32, #tpu.memory_space<hbm>>) target(%arg6 : memref<128x64xf32, #tpu.memory_space<vmem>>) offsets(%dma_start3A_135 : memref<128xi32, #tpu.memory_space<vmem>>) semaphore(%arg10 : memref<!tpu.dma_semaphore, #tpu.memory_space<semaphore_mem>>)
      } else {
      }
      %add3A_92 = arith.constant 1 : i32
      %add3A_93 = arith.addi %add3A_65, %add3A_92 : i32
      %shift_right_arithmetic3A_94 = arith.constant 3 : i32
      %shift_right_arithmetic3A_95 = arith.shrsi %add3A_93, %shift_right_arithmetic3A_94 : i32
      %and3A_96 = arith.constant 7 : i32
      %and3A_97 = arith.andi %add3A_93, %and3A_96 : i32
      %dma_wait3A_98 = arith.constant 0 : i32
      %dma_wait3A_99 = tpu.memref_slice %arg5[%shift_right_arithmetic3A_95, %and3A_97, %dma_wait3A_98] : memref<25x8x128xi32, #tpu.memory_space<vmem>> -> memref<1x1x128xi32, #tpu.memory_space<vmem>>
      %dma_wait3A_100 = tpu.memref_squeeze %dma_wait3A_99 : memref<1x1x128xi32, #tpu.memory_space<vmem>> -> memref<128xi32, #tpu.memory_space<vmem>>
      %dma_wait3A_101 = arith.constant 0 : i32
      %dma_wait3A_102 = arith.constant 0 : i32
      %dma_wait3A_103 = tpu.memref_slice %arg2[%dma_wait3A_101, %dma_wait3A_102] : memref<1000000x64xf32, #tpu.memory_space<hbm>> -> memref<1000000x64xf32, #tpu.memory_space<hbm>>
      tpu.wait_indirect_dma semaphore(%arg11 : memref<!tpu.dma_semaphore, #tpu.memory_space<semaphore_mem>>) src(%dma_wait3A_103 : memref<1000000x64xf32, #tpu.memory_space<hbm>>) dst(%arg7 : memref<128x64xf32, #tpu.memory_space<vmem>>)
      %ge3A_104 = arith.constant 2 : i32
      %ge3A_105 = arith.cmpi sge, %add3A_93, %ge3A_104 : i32
      %convert_element_type3A_106 = arith.extui %ge3A_105 : i1 to i32
      %cond3A_107 = arith.constant 0 : i32
      %cond3A_108 = arith.cmpi ne, %convert_element_type3A_106, %cond3A_107 : i32
      scf.if %cond3A_108 {
        %sub3A = arith.constant 2 : i32
        %sub3A_127 = arith.subi %add3A_93, %sub3A : i32
        %dma_wait3A_128 = arith.constant 0 : i32
        %dma_wait3A_129 = arith.constant 0 : i32
        %dma_wait3A_130 = tpu.memref_slice %arg4[%sub3A_127, %dma_wait3A_128, %add3A, %dma_wait3A_129] : memref<200x8x32x1024xf32, #tpu.memory_space<hbm>> -> memref<1x8x1x1024xf32, #tpu.memory_space<hbm>>
        %dma_wait3A_131 = tpu.memref_squeeze %dma_wait3A_130 : memref<1x8x1x1024xf32, #tpu.memory_space<hbm>> -> memref<8x1024xf32, #tpu.memory_space<hbm>>
        %dma_wait3A_132 = arith.constant 0 : i32
        %dma_wait3A_133 = arith.constant 0 : i32
        %dma_wait3A_134 = tpu.memref_slice %arg4[%sub3A_127, %dma_wait3A_132, %add3A, %dma_wait3A_133] : memref<200x8x32x1024xf32, #tpu.memory_space<hbm>> -> memref<1x8x1x1024xf32, #tpu.memory_space<hbm>>
        %dma_wait3A_135 = tpu.memref_squeeze %dma_wait3A_134 : memref<1x8x1x1024xf32, #tpu.memory_space<hbm>> -> memref<8x1024xf32, #tpu.memory_space<hbm>>
        tpu.wait_dma2 semaphore(%arg13 : memref<!tpu.dma_semaphore, #tpu.memory_space<semaphore_mem>>) src(%arg9 : memref<8x1024xf32, #tpu.memory_space<vmem>>) dst(%dma_wait3A_135 : memref<8x1024xf32, #tpu.memory_space<hbm>>)
      } else {
      }
      %parallel_loop3A_109 = arith.constant 0 : i32
      %parallel_loop3A_110 = arith.constant 16 : i32
      %parallel_loop3A_111 = arith.constant 1 : i32
      scf.for %parallel_loop3A_127 = %parallel_loop3A_109 to %parallel_loop3A_110 step %parallel_loop3A_111  : i32 {
        %parallel_loop3A_128 = vector.broadcast %parallel_loop3A_127 : i32 to vector<16xi32>
        %parallel_loop3A_129 = arith.addi %iota3A, %parallel_loop3A_128 : vector<16xi32>
        %parallel_loop3A_130 = arith.constant 15 : i32
        %parallel_loop3A_131 = vector.broadcast %parallel_loop3A_130 : i32 to vector<16xi32>
        %parallel_loop3A_132 = arith.andi %parallel_loop3A_129, %parallel_loop3A_131 : vector<16xi32>
        %parallel_loop3A_133 = arith.constant 3 : i32
        %parallel_loop3A_134 = vector.broadcast %parallel_loop3A_133 : i32 to vector<16xi32>
        %parallel_loop3A_135 = arith.shrsi %parallel_loop3A_132, %parallel_loop3A_134 : vector<16xi32>
        %parallel_loop3A_136 = arith.constant 7 : i32
        %parallel_loop3A_137 = vector.broadcast %parallel_loop3A_136 : i32 to vector<16xi32>
        %parallel_loop3A_138 = arith.andi %parallel_loop3A_132, %parallel_loop3A_137 : vector<16xi32>
        %parallel_loop3A_139 = arith.constant 128 : i32
        %parallel_loop3A_140 = vector.broadcast %parallel_loop3A_139 : i32 to vector<16xi32>
        %parallel_loop3A_141 = arith.muli %parallel_loop3A_138, %parallel_loop3A_140 : vector<16xi32>
        %parallel_loop3A_142 = arith.constant 0 : i32
        %parallel_loop3A_143 = vector.broadcast %parallel_loop3A_142 : i32 to vector<16xi32>
        %parallel_loop3A_144 = arith.addi %parallel_loop3A_132, %parallel_loop3A_143 : vector<16xi32>
        %parallel_loop3A_145 = arith.constant 16 : i32
        %parallel_loop3A_146 = vector.broadcast %parallel_loop3A_145 : i32 to vector<16xi32>
        %parallel_loop3A_147 = arith.addi %parallel_loop3A_132, %parallel_loop3A_146 : vector<16xi32>
        %parallel_loop3A_148 = arith.constant 32 : i32
        %parallel_loop3A_149 = vector.broadcast %parallel_loop3A_148 : i32 to vector<16xi32>
        %parallel_loop3A_150 = arith.addi %parallel_loop3A_132, %parallel_loop3A_149 : vector<16xi32>
        %parallel_loop3A_151 = arith.constant 48 : i32
        %parallel_loop3A_152 = vector.broadcast %parallel_loop3A_151 : i32 to vector<16xi32>
        %parallel_loop3A_153 = arith.addi %parallel_loop3A_132, %parallel_loop3A_152 : vector<16xi32>
        %parallel_loop3A_154 = arith.constant 0 : i32
        %parallel_loop3A_155 = vector.broadcast %parallel_loop3A_154 : i32 to vector<16xi32>
        %parallel_loop3A_156 = arith.addi %parallel_loop3A_135, %parallel_loop3A_155 : vector<16xi32>
        %parallel_loop3A_157 = arith.constant 2 : i32
        %parallel_loop3A_158 = vector.broadcast %parallel_loop3A_157 : i32 to vector<16xi32>
        %parallel_loop3A_159 = arith.addi %parallel_loop3A_135, %parallel_loop3A_158 : vector<16xi32>
        %parallel_loop3A_160 = arith.constant 4 : i32
        %parallel_loop3A_161 = vector.broadcast %parallel_loop3A_160 : i32 to vector<16xi32>
        %parallel_loop3A_162 = arith.addi %parallel_loop3A_135, %parallel_loop3A_161 : vector<16xi32>
        %parallel_loop3A_163 = arith.constant 6 : i32
        %parallel_loop3A_164 = vector.broadcast %parallel_loop3A_163 : i32 to vector<16xi32>
        %parallel_loop3A_165 = arith.addi %parallel_loop3A_135, %parallel_loop3A_164 : vector<16xi32>
        %parallel_loop3A_166 = arith.addi %parallel_loop3A_141, %add3A_18 : vector<16xi32>
        %parallel_loop3A_167 = tpu.vector_load_idx %arg7[%add3A_18, %parallel_loop3A_144] : memref<128x64xf32, #tpu.memory_space<vmem>>[vector<16xi32>, vector<16xi32>], vector<16xf32>,
        %parallel_loop3A_168 = arith.constant 8.000000e+00 : f32
        %parallel_loop3A_169 = vector.broadcast %parallel_loop3A_168 : f32 to vector<16xf32>
        %parallel_loop3A_170 = arith.mulf %parallel_loop3A_167, %parallel_loop3A_169 : vector<16xf32>
        tpu.vector_store_idx %arg9[%parallel_loop3A_156, %parallel_loop3A_166], %parallel_loop3A_170 : memref<8x1024xf32, #tpu.memory_space<vmem>>[vector<16xi32>, vector<16xi32>], vector<16xf32>,
        %parallel_loop3A_171 = tpu.vector_load_idx %arg7[%add3A_18, %parallel_loop3A_147] : memref<128x64xf32, #tpu.memory_space<vmem>>[vector<16xi32>, vector<16xi32>], vector<16xf32>,
        %parallel_loop3A_172 = arith.constant 8.000000e+00 : f32
        %parallel_loop3A_173 = vector.broadcast %parallel_loop3A_172 : f32 to vector<16xf32>
        %parallel_loop3A_174 = arith.mulf %parallel_loop3A_171, %parallel_loop3A_173 : vector<16xf32>
        tpu.vector_store_idx %arg9[%parallel_loop3A_159, %parallel_loop3A_166], %parallel_loop3A_174 : memref<8x1024xf32, #tpu.memory_space<vmem>>[vector<16xi32>, vector<16xi32>], vector<16xf32>,
        %parallel_loop3A_175 = tpu.vector_load_idx %arg7[%add3A_18, %parallel_loop3A_150] : memref<128x64xf32, #tpu.memory_space<vmem>>[vector<16xi32>, vector<16xi32>], vector<16xf32>,
        %parallel_loop3A_176 = arith.constant 8.000000e+00 : f32
        %parallel_loop3A_177 = vector.broadcast %parallel_loop3A_176 : f32 to vector<16xf32>
        %parallel_loop3A_178 = arith.mulf %parallel_loop3A_175, %parallel_loop3A_177 : vector<16xf32>
        tpu.vector_store_idx %arg9[%parallel_loop3A_162, %parallel_loop3A_166], %parallel_loop3A_178 : memref<8x1024xf32, #tpu.memory_space<vmem>>[vector<16xi32>, vector<16xi32>], vector<16xf32>,
        %parallel_loop3A_179 = tpu.vector_load_idx %arg7[%add3A_18, %parallel_loop3A_153] : memref<128x64xf32, #tpu.memory_space<vmem>>[vector<16xi32>, vector<16xi32>], vector<16xf32>,
        %parallel_loop3A_180 = arith.constant 8.000000e+00 : f32
        %parallel_loop3A_181 = vector.broadcast %parallel_loop3A_180 : f32 to vector<16xf32>
        %parallel_loop3A_182 = arith.mulf %parallel_loop3A_179, %parallel_loop3A_181 : vector<16xf32>
        tpu.vector_store_idx %arg9[%parallel_loop3A_165, %parallel_loop3A_166], %parallel_loop3A_182 : memref<8x1024xf32, #tpu.memory_space<vmem>>[vector<16xi32>, vector<16xi32>], vector<16xf32>,
        %parallel_loop3A_183 = arith.addi %parallel_loop3A_141, %add3A_21 : vector<16xi32>
        %parallel_loop3A_184 = tpu.vector_load_idx %arg7[%add3A_21, %parallel_loop3A_144] : memref<128x64xf32, #tpu.memory_space<vmem>>[vector<16xi32>, vector<16xi32>], vector<16xf32>,
        %parallel_loop3A_185 = arith.constant 8.000000e+00 : f32
        %parallel_loop3A_186 = vector.broadcast %parallel_loop3A_185 : f32 to vector<16xf32>
        %parallel_loop3A_187 = arith.mulf %parallel_loop3A_184, %parallel_loop3A_186 : vector<16xf32>
        tpu.vector_store_idx %arg9[%parallel_loop3A_156, %parallel_loop3A_183], %parallel_loop3A_187 : memref<8x1024xf32, #tpu.memory_space<vmem>>[vector<16xi32>, vector<16xi32>], vector<16xf32>,
        %parallel_loop3A_188 = tpu.vector_load_idx %arg7[%add3A_21, %parallel_loop3A_147] : memref<128x64xf32, #tpu.memory_space<vmem>>[vector<16xi32>, vector<16xi32>], vector<16xf32>,
        %parallel_loop3A_189 = arith.constant 8.000000e+00 : f32
        %parallel_loop3A_190 = vector.broadcast %parallel_loop3A_189 : f32 to vector<16xf32>
        %parallel_loop3A_191 = arith.mulf %parallel_loop3A_188, %parallel_loop3A_190 : vector<16xf32>
        tpu.vector_store_idx %arg9[%parallel_loop3A_159, %parallel_loop3A_183], %parallel_loop3A_191 : memref<8x1024xf32, #tpu.memory_space<vmem>>[vector<16xi32>, vector<16xi32>], vector<16xf32>,
        %parallel_loop3A_192 = tpu.vector_load_idx %arg7[%add3A_21, %parallel_loop3A_150] : memref<128x64xf32, #tpu.memory_space<vmem>>[vector<16xi32>, vector<16xi32>], vector<16xf32>,
        %parallel_loop3A_193 = arith.constant 8.000000e+00 : f32
        %parallel_loop3A_194 = vector.broadcast %parallel_loop3A_193 : f32 to vector<16xf32>
        %parallel_loop3A_195 = arith.mulf %parallel_loop3A_192, %parallel_loop3A_194 : vector<16xf32>
        tpu.vector_store_idx %arg9[%parallel_loop3A_162, %parallel_loop3A_183], %parallel_loop3A_195 : memref<8x1024xf32, #tpu.memory_space<vmem>>[vector<16xi32>, vector<16xi32>], vector<16xf32>,
        %parallel_loop3A_196 = tpu.vector_load_idx %arg7[%add3A_21, %parallel_loop3A_153] : memref<128x64xf32, #tpu.memory_space<vmem>>[vector<16xi32>, vector<16xi32>], vector<16xf32>,
        %parallel_loop3A_197 = arith.constant 8.000000e+00 : f32
        %parallel_loop3A_198 = vector.broadcast %parallel_loop3A_197 : f32 to vector<16xf32>
        %parallel_loop3A_199 = arith.mulf %parallel_loop3A_196, %parallel_loop3A_198 : vector<16xf32>
        tpu.vector_store_idx %arg9[%parallel_loop3A_165, %parallel_loop3A_183], %parallel_loop3A_199 : memref<8x1024xf32, #tpu.memory_space<vmem>>[vector<16xi32>, vector<16xi32>], vector<16xf32>,
        %parallel_loop3A_200 = arith.addi %parallel_loop3A_141, %add3A_24 : vector<16xi32>
        %parallel_loop3A_201 = tpu.vector_load_idx %arg7[%add3A_24, %parallel_loop3A_144] : memref<128x64xf32, #tpu.memory_space<vmem>>[vector<16xi32>, vector<16xi32>], vector<16xf32>,
        %parallel_loop3A_202 = arith.constant 8.000000e+00 : f32
        %parallel_loop3A_203 = vector.broadcast %parallel_loop3A_202 : f32 to vector<16xf32>
        %parallel_loop3A_204 = arith.mulf %parallel_loop3A_201, %parallel_loop3A_203 : vector<16xf32>
        tpu.vector_store_idx %arg9[%parallel_loop3A_156, %parallel_loop3A_200], %parallel_loop3A_204 : memref<8x1024xf32, #tpu.memory_space<vmem>>[vector<16xi32>, vector<16xi32>], vector<16xf32>,
        %parallel_loop3A_205 = tpu.vector_load_idx %arg7[%add3A_24, %parallel_loop3A_147] : memref<128x64xf32, #tpu.memory_space<vmem>>[vector<16xi32>, vector<16xi32>], vector<16xf32>,
        %parallel_loop3A_206 = arith.constant 8.000000e+00 : f32
        %parallel_loop3A_207 = vector.broadcast %parallel_loop3A_206 : f32 to vector<16xf32>
        %parallel_loop3A_208 = arith.mulf %parallel_loop3A_205, %parallel_loop3A_207 : vector<16xf32>
        tpu.vector_store_idx %arg9[%parallel_loop3A_159, %parallel_loop3A_200], %parallel_loop3A_208 : memref<8x1024xf32, #tpu.memory_space<vmem>>[vector<16xi32>, vector<16xi32>], vector<16xf32>,
        %parallel_loop3A_209 = tpu.vector_load_idx %arg7[%add3A_24, %parallel_loop3A_150] : memref<128x64xf32, #tpu.memory_space<vmem>>[vector<16xi32>, vector<16xi32>], vector<16xf32>,
        %parallel_loop3A_210 = arith.constant 8.000000e+00 : f32
        %parallel_loop3A_211 = vector.broadcast %parallel_loop3A_210 : f32 to vector<16xf32>
        %parallel_loop3A_212 = arith.mulf %parallel_loop3A_209, %parallel_loop3A_211 : vector<16xf32>
        tpu.vector_store_idx %arg9[%parallel_loop3A_162, %parallel_loop3A_200], %parallel_loop3A_212 : memref<8x1024xf32, #tpu.memory_space<vmem>>[vector<16xi32>, vector<16xi32>], vector<16xf32>,
        %parallel_loop3A_213 = tpu.vector_load_idx %arg7[%add3A_24, %parallel_loop3A_153] : memref<128x64xf32, #tpu.memory_space<vmem>>[vector<16xi32>, vector<16xi32>], vector<16xf32>,
        %parallel_loop3A_214 = arith.constant 8.000000e+00 : f32
        %parallel_loop3A_215 = vector.broadcast %parallel_loop3A_214 : f32 to vector<16xf32>
        %parallel_loop3A_216 = arith.mulf %parallel_loop3A_213, %parallel_loop3A_215 : vector<16xf32>
        tpu.vector_store_idx %arg9[%parallel_loop3A_165, %parallel_loop3A_200], %parallel_loop3A_216 : memref<8x1024xf32, #tpu.memory_space<vmem>>[vector<16xi32>, vector<16xi32>], vector<16xf32>,
        %parallel_loop3A_217 = arith.addi %parallel_loop3A_141, %add3A_27 : vector<16xi32>
        %parallel_loop3A_218 = tpu.vector_load_idx %arg7[%add3A_27, %parallel_loop3A_144] : memref<128x64xf32, #tpu.memory_space<vmem>>[vector<16xi32>, vector<16xi32>], vector<16xf32>,
        %parallel_loop3A_219 = arith.constant 8.000000e+00 : f32
        %parallel_loop3A_220 = vector.broadcast %parallel_loop3A_219 : f32 to vector<16xf32>
        %parallel_loop3A_221 = arith.mulf %parallel_loop3A_218, %parallel_loop3A_220 : vector<16xf32>
        tpu.vector_store_idx %arg9[%parallel_loop3A_156, %parallel_loop3A_217], %parallel_loop3A_221 : memref<8x1024xf32, #tpu.memory_space<vmem>>[vector<16xi32>, vector<16xi32>], vector<16xf32>,
        %parallel_loop3A_222 = tpu.vector_load_idx %arg7[%add3A_27, %parallel_loop3A_147] : memref<128x64xf32, #tpu.memory_space<vmem>>[vector<16xi32>, vector<16xi32>], vector<16xf32>,
        %parallel_loop3A_223 = arith.constant 8.000000e+00 : f32
        %parallel_loop3A_224 = vector.broadcast %parallel_loop3A_223 : f32 to vector<16xf32>
        %parallel_loop3A_225 = arith.mulf %parallel_loop3A_222, %parallel_loop3A_224 : vector<16xf32>
        tpu.vector_store_idx %arg9[%parallel_loop3A_159, %parallel_loop3A_217], %parallel_loop3A_225 : memref<8x1024xf32, #tpu.memory_space<vmem>>[vector<16xi32>, vector<16xi32>], vector<16xf32>,
        %parallel_loop3A_226 = tpu.vector_load_idx %arg7[%add3A_27, %parallel_loop3A_150] : memref<128x64xf32, #tpu.memory_space<vmem>>[vector<16xi32>, vector<16xi32>], vector<16xf32>,
        %parallel_loop3A_227 = arith.constant 8.000000e+00 : f32
        %parallel_loop3A_228 = vector.broadcast %parallel_loop3A_227 : f32 to vector<16xf32>
        %parallel_loop3A_229 = arith.mulf %parallel_loop3A_226, %parallel_loop3A_228 : vector<16xf32>
        tpu.vector_store_idx %arg9[%parallel_loop3A_162, %parallel_loop3A_217], %parallel_loop3A_229 : memref<8x1024xf32, #tpu.memory_space<vmem>>[vector<16xi32>, vector<16xi32>], vector<16xf32>,
        %parallel_loop3A_230 = tpu.vector_load_idx %arg7[%add3A_27, %parallel_loop3A_153] : memref<128x64xf32, #tpu.memory_space<vmem>>[vector<16xi32>, vector<16xi32>], vector<16xf32>,
        %parallel_loop3A_231 = arith.constant 8.000000e+00 : f32
        %parallel_loop3A_232 = vector.broadcast %parallel_loop3A_231 : f32 to vector<16xf32>
        %parallel_loop3A_233 = arith.mulf %parallel_loop3A_230, %parallel_loop3A_232 : vector<16xf32>
        tpu.vector_store_idx %arg9[%parallel_loop3A_165, %parallel_loop3A_217], %parallel_loop3A_233 : memref<8x1024xf32, #tpu.memory_space<vmem>>[vector<16xi32>, vector<16xi32>], vector<16xf32>,
        %parallel_loop3A_234 = arith.addi %parallel_loop3A_141, %add3A_30 : vector<16xi32>
        %parallel_loop3A_235 = tpu.vector_load_idx %arg7[%add3A_30, %parallel_loop3A_144] : memref<128x64xf32, #tpu.memory_space<vmem>>[vector<16xi32>, vector<16xi32>], vector<16xf32>,
        %parallel_loop3A_236 = arith.constant 8.000000e+00 : f32
        %parallel_loop3A_237 = vector.broadcast %parallel_loop3A_236 : f32 to vector<16xf32>
        %parallel_loop3A_238 = arith.mulf %parallel_loop3A_235, %parallel_loop3A_237 : vector<16xf32>
        tpu.vector_store_idx %arg9[%parallel_loop3A_156, %parallel_loop3A_234], %parallel_loop3A_238 : memref<8x1024xf32, #tpu.memory_space<vmem>>[vector<16xi32>, vector<16xi32>], vector<16xf32>,
        %parallel_loop3A_239 = tpu.vector_load_idx %arg7[%add3A_30, %parallel_loop3A_147] : memref<128x64xf32, #tpu.memory_space<vmem>>[vector<16xi32>, vector<16xi32>], vector<16xf32>,
        %parallel_loop3A_240 = arith.constant 8.000000e+00 : f32
        %parallel_loop3A_241 = vector.broadcast %parallel_loop3A_240 : f32 to vector<16xf32>
        %parallel_loop3A_242 = arith.mulf %parallel_loop3A_239, %parallel_loop3A_241 : vector<16xf32>
        tpu.vector_store_idx %arg9[%parallel_loop3A_159, %parallel_loop3A_234], %parallel_loop3A_242 : memref<8x1024xf32, #tpu.memory_space<vmem>>[vector<16xi32>, vector<16xi32>], vector<16xf32>,
        %parallel_loop3A_243 = tpu.vector_load_idx %arg7[%add3A_30, %parallel_loop3A_150] : memref<128x64xf32, #tpu.memory_space<vmem>>[vector<16xi32>, vector<16xi32>], vector<16xf32>,
        %parallel_loop3A_244 = arith.constant 8.000000e+00 : f32
        %parallel_loop3A_245 = vector.broadcast %parallel_loop3A_244 : f32 to vector<16xf32>
        %parallel_loop3A_246 = arith.mulf %parallel_loop3A_243, %parallel_loop3A_245 : vector<16xf32>
        tpu.vector_store_idx %arg9[%parallel_loop3A_162, %parallel_loop3A_234], %parallel_loop3A_246 : memref<8x1024xf32, #tpu.memory_space<vmem>>[vector<16xi32>, vector<16xi32>], vector<16xf32>,
        %parallel_loop3A_247 = tpu.vector_load_idx %arg7[%add3A_30, %parallel_loop3A_153] : memref<128x64xf32, #tpu.memory_space<vmem>>[vector<16xi32>, vector<16xi32>], vector<16xf32>,
        %parallel_loop3A_248 = arith.constant 8.000000e+00 : f32
        %parallel_loop3A_249 = vector.broadcast %parallel_loop3A_248 : f32 to vector<16xf32>
        %parallel_loop3A_250 = arith.mulf %parallel_loop3A_247, %parallel_loop3A_249 : vector<16xf32>
        tpu.vector_store_idx %arg9[%parallel_loop3A_165, %parallel_loop3A_234], %parallel_loop3A_250 : memref<8x1024xf32, #tpu.memory_space<vmem>>[vector<16xi32>, vector<16xi32>], vector<16xf32>,
        %parallel_loop3A_251 = arith.addi %parallel_loop3A_141, %add3A_33 : vector<16xi32>
        %parallel_loop3A_252 = tpu.vector_load_idx %arg7[%add3A_33, %parallel_loop3A_144] : memref<128x64xf32, #tpu.memory_space<vmem>>[vector<16xi32>, vector<16xi32>], vector<16xf32>,
        %parallel_loop3A_253 = arith.constant 8.000000e+00 : f32
        %parallel_loop3A_254 = vector.broadcast %parallel_loop3A_253 : f32 to vector<16xf32>
        %parallel_loop3A_255 = arith.mulf %parallel_loop3A_252, %parallel_loop3A_254 : vector<16xf32>
        tpu.vector_store_idx %arg9[%parallel_loop3A_156, %parallel_loop3A_251], %parallel_loop3A_255 : memref<8x1024xf32, #tpu.memory_space<vmem>>[vector<16xi32>, vector<16xi32>], vector<16xf32>,
        %parallel_loop3A_256 = tpu.vector_load_idx %arg7[%add3A_33, %parallel_loop3A_147] : memref<128x64xf32, #tpu.memory_space<vmem>>[vector<16xi32>, vector<16xi32>], vector<16xf32>,
        %parallel_loop3A_257 = arith.constant 8.000000e+00 : f32
        %parallel_loop3A_258 = vector.broadcast %parallel_loop3A_257 : f32 to vector<16xf32>
        %parallel_loop3A_259 = arith.mulf %parallel_loop3A_256, %parallel_loop3A_258 : vector<16xf32>
        tpu.vector_store_idx %arg9[%parallel_loop3A_159, %parallel_loop3A_251], %parallel_loop3A_259 : memref<8x1024xf32, #tpu.memory_space<vmem>>[vector<16xi32>, vector<16xi32>], vector<16xf32>,
        %parallel_loop3A_260 = tpu.vector_load_idx %arg7[%add3A_33, %parallel_loop3A_150] : memref<128x64xf32, #tpu.memory_space<vmem>>[vector<16xi32>, vector<16xi32>], vector<16xf32>,
        %parallel_loop3A_261 = arith.constant 8.000000e+00 : f32
        %parallel_loop3A_262 = vector.broadcast %parallel_loop3A_261 : f32 to vector<16xf32>
        %parallel_loop3A_263 = arith.mulf %parallel_loop3A_260, %parallel_loop3A_262 : vector<16xf32>
        tpu.vector_store_idx %arg9[%parallel_loop3A_162, %parallel_loop3A_251], %parallel_loop3A_263 : memref<8x1024xf32, #tpu.memory_space<vmem>>[vector<16xi32>, vector<16xi32>], vector<16xf32>,
        %parallel_loop3A_264 = tpu.vector_load_idx %arg7[%add3A_33, %parallel_loop3A_153] : memref<128x64xf32, #tpu.memory_space<vmem>>[vector<16xi32>, vector<16xi32>], vector<16xf32>,
        %parallel_loop3A_265 = arith.constant 8.000000e+00 : f32
        %parallel_loop3A_266 = vector.broadcast %parallel_loop3A_265 : f32 to vector<16xf32>
        %parallel_loop3A_267 = arith.mulf %parallel_loop3A_264, %parallel_loop3A_266 : vector<16xf32>
        tpu.vector_store_idx %arg9[%parallel_loop3A_165, %parallel_loop3A_251], %parallel_loop3A_267 : memref<8x1024xf32, #tpu.memory_space<vmem>>[vector<16xi32>, vector<16xi32>], vector<16xf32>,
        %parallel_loop3A_268 = arith.addi %parallel_loop3A_141, %add3A_36 : vector<16xi32>
        %parallel_loop3A_269 = tpu.vector_load_idx %arg7[%add3A_36, %parallel_loop3A_144] : memref<128x64xf32, #tpu.memory_space<vmem>>[vector<16xi32>, vector<16xi32>], vector<16xf32>,
        %parallel_loop3A_270 = arith.constant 8.000000e+00 : f32
        %parallel_loop3A_271 = vector.broadcast %parallel_loop3A_270 : f32 to vector<16xf32>
        %parallel_loop3A_272 = arith.mulf %parallel_loop3A_269, %parallel_loop3A_271 : vector<16xf32>
        tpu.vector_store_idx %arg9[%parallel_loop3A_156, %parallel_loop3A_268], %parallel_loop3A_272 : memref<8x1024xf32, #tpu.memory_space<vmem>>[vector<16xi32>, vector<16xi32>], vector<16xf32>,
        %parallel_loop3A_273 = tpu.vector_load_idx %arg7[%add3A_36, %parallel_loop3A_147] : memref<128x64xf32, #tpu.memory_space<vmem>>[vector<16xi32>, vector<16xi32>], vector<16xf32>,
        %parallel_loop3A_274 = arith.constant 8.000000e+00 : f32
        %parallel_loop3A_275 = vector.broadcast %parallel_loop3A_274 : f32 to vector<16xf32>
        %parallel_loop3A_276 = arith.mulf %parallel_loop3A_273, %parallel_loop3A_275 : vector<16xf32>
        tpu.vector_store_idx %arg9[%parallel_loop3A_159, %parallel_loop3A_268], %parallel_loop3A_276 : memref<8x1024xf32, #tpu.memory_space<vmem>>[vector<16xi32>, vector<16xi32>], vector<16xf32>,
        %parallel_loop3A_277 = tpu.vector_load_idx %arg7[%add3A_36, %parallel_loop3A_150] : memref<128x64xf32, #tpu.memory_space<vmem>>[vector<16xi32>, vector<16xi32>], vector<16xf32>,
        %parallel_loop3A_278 = arith.constant 8.000000e+00 : f32
        %parallel_loop3A_279 = vector.broadcast %parallel_loop3A_278 : f32 to vector<16xf32>
        %parallel_loop3A_280 = arith.mulf %parallel_loop3A_277, %parallel_loop3A_279 : vector<16xf32>
        tpu.vector_store_idx %arg9[%parallel_loop3A_162, %parallel_loop3A_268], %parallel_loop3A_280 : memref<8x1024xf32, #tpu.memory_space<vmem>>[vector<16xi32>, vector<16xi32>], vector<16xf32>,
        %parallel_loop3A_281 = tpu.vector_load_idx %arg7[%add3A_36, %parallel_loop3A_153] : memref<128x64xf32, #tpu.memory_space<vmem>>[vector<16xi32>, vector<16xi32>], vector<16xf32>,
        %parallel_loop3A_282 = arith.constant 8.000000e+00 : f32
        %parallel_loop3A_283 = vector.broadcast %parallel_loop3A_282 : f32 to vector<16xf32>
        %parallel_loop3A_284 = arith.mulf %parallel_loop3A_281, %parallel_loop3A_283 : vector<16xf32>
        tpu.vector_store_idx %arg9[%parallel_loop3A_165, %parallel_loop3A_268], %parallel_loop3A_284 : memref<8x1024xf32, #tpu.memory_space<vmem>>[vector<16xi32>, vector<16xi32>], vector<16xf32>,
        %parallel_loop3A_285 = arith.addi %parallel_loop3A_141, %add3A_39 : vector<16xi32>
        %parallel_loop3A_286 = tpu.vector_load_idx %arg7[%add3A_39, %parallel_loop3A_144] : memref<128x64xf32, #tpu.memory_space<vmem>>[vector<16xi32>, vector<16xi32>], vector<16xf32>,
        %parallel_loop3A_287 = arith.constant 8.000000e+00 : f32
        %parallel_loop3A_288 = vector.broadcast %parallel_loop3A_287 : f32 to vector<16xf32>
        %parallel_loop3A_289 = arith.mulf %parallel_loop3A_286, %parallel_loop3A_288 : vector<16xf32>
        tpu.vector_store_idx %arg9[%parallel_loop3A_156, %parallel_loop3A_285], %parallel_loop3A_289 : memref<8x1024xf32, #tpu.memory_space<vmem>>[vector<16xi32>, vector<16xi32>], vector<16xf32>,
        %parallel_loop3A_290 = tpu.vector_load_idx %arg7[%add3A_39, %parallel_loop3A_147] : memref<128x64xf32, #tpu.memory_space<vmem>>[vector<16xi32>, vector<16xi32>], vector<16xf32>,
        %parallel_loop3A_291 = arith.constant 8.000000e+00 : f32
        %parallel_loop3A_292 = vector.broadcast %parallel_loop3A_291 : f32 to vector<16xf32>
        %parallel_loop3A_293 = arith.mulf %parallel_loop3A_290, %parallel_loop3A_292 : vector<16xf32>
        tpu.vector_store_idx %arg9[%parallel_loop3A_159, %parallel_loop3A_285], %parallel_loop3A_293 : memref<8x1024xf32, #tpu.memory_space<vmem>>[vector<16xi32>, vector<16xi32>], vector<16xf32>,
        %parallel_loop3A_294 = tpu.vector_load_idx %arg7[%add3A_39, %parallel_loop3A_150] : memref<128x64xf32, #tpu.memory_space<vmem>>[vector<16xi32>, vector<16xi32>], vector<16xf32>,
        %parallel_loop3A_295 = arith.constant 8.000000e+00 : f32
        %parallel_loop3A_296 = vector.broadcast %parallel_loop3A_295 : f32 to vector<16xf32>
        %parallel_loop3A_297 = arith.mulf %parallel_loop3A_294, %parallel_loop3A_296 : vector<16xf32>
        tpu.vector_store_idx %arg9[%parallel_loop3A_162, %parallel_loop3A_285], %parallel_loop3A_297 : memref<8x1024xf32, #tpu.memory_space<vmem>>[vector<16xi32>, vector<16xi32>], vector<16xf32>,
        %parallel_loop3A_298 = tpu.vector_load_idx %arg7[%add3A_39, %parallel_loop3A_153] : memref<128x64xf32, #tpu.memory_space<vmem>>[vector<16xi32>, vector<16xi32>], vector<16xf32>,
        %parallel_loop3A_299 = arith.constant 8.000000e+00 : f32
        %parallel_loop3A_300 = vector.broadcast %parallel_loop3A_299 : f32 to vector<16xf32>
        %parallel_loop3A_301 = arith.mulf %parallel_loop3A_298, %parallel_loop3A_300 : vector<16xf32>
        tpu.vector_store_idx %arg9[%parallel_loop3A_165, %parallel_loop3A_285], %parallel_loop3A_301 : memref<8x1024xf32, #tpu.memory_space<vmem>>[vector<16xi32>, vector<16xi32>], vector<16xf32>,
      } {sc.loop_unroll_factor = 2 : i64, sc.parallel_access}
      %dma_start3A_112 = arith.constant 0 : i32
      %dma_start3A_113 = arith.constant 0 : i32
      %dma_start3A_114 = tpu.memref_slice %arg4[%add3A_93, %dma_start3A_112, %add3A, %dma_start3A_113] : memref<200x8x32x1024xf32, #tpu.memory_space<hbm>> -> memref<1x8x1x1024xf32, #tpu.memory_space<hbm>>
      %dma_start3A_115 = tpu.memref_squeeze %dma_start3A_114 : memref<1x8x1x1024xf32, #tpu.memory_space<hbm>> -> memref<8x1024xf32, #tpu.memory_space<hbm>>
      %dma_start3A_116 = arith.constant 0 : i32
      %dma_start3A_117 = arith.constant 0 : i32
      %dma_start3A_118 = tpu.memref_slice %arg4[%add3A_93, %dma_start3A_116, %add3A, %dma_start3A_117] : memref<200x8x32x1024xf32, #tpu.memory_space<hbm>> -> memref<1x8x1x1024xf32, #tpu.memory_space<hbm>>
      %dma_start3A_119 = tpu.memref_squeeze %dma_start3A_118 : memref<1x8x1x1024xf32, #tpu.memory_space<hbm>> -> memref<8x1024xf32, #tpu.memory_space<hbm>>
      tpu.enqueue_dma source(%arg9 : memref<8x1024xf32, #tpu.memory_space<vmem>>) target(%dma_start3A_119 : memref<8x1024xf32, #tpu.memory_space<hbm>>) target_semaphore(%arg13 : memref<!tpu.dma_semaphore, #tpu.memory_space<semaphore_mem>>)
      %add3A_120 = arith.constant 2 : i32
      %add3A_121 = arith.addi %add3A_93, %add3A_120 : i32
      %lt3A_122 = arith.constant 200 : i32
      %lt3A_123 = arith.cmpi slt, %add3A_121, %lt3A_122 : i32
      %convert_element_type3A_124 = arith.extui %lt3A_123 : i1 to i32
      %cond3A_125 = arith.constant 0 : i32
      %cond3A_126 = arith.cmpi ne, %convert_element_type3A_124, %cond3A_125 : i32
      scf.if %cond3A_126 {
        %add3A_127 = arith.constant 2 : i32
        %add3A_128 = arith.addi %add3A_93, %add3A_127 : i32
        %shift_right_arithmetic3A_129 = arith.constant 3 : i32
        %shift_right_arithmetic3A_130 = arith.shrsi %add3A_128, %shift_right_arithmetic3A_129 : i32
        %and3A_131 = arith.constant 7 : i32
        %and3A_132 = arith.andi %add3A_128, %and3A_131 : i32
        %dma_start3A_133 = arith.constant 0 : i32
        %dma_start3A_134 = tpu.memref_slice %arg5[%shift_right_arithmetic3A_130, %and3A_132, %dma_start3A_133] : memref<25x8x128xi32, #tpu.memory_space<vmem>> -> memref<1x1x128xi32, #tpu.memory_space<vmem>>
        %dma_start3A_135 = tpu.memref_squeeze %dma_start3A_134 : memref<1x1x128xi32, #tpu.memory_space<vmem>> -> memref<128xi32, #tpu.memory_space<vmem>>
        %dma_start3A_136 = arith.constant 0 : i32
        %dma_start3A_137 = arith.constant 0 : i32
        %dma_start3A_138 = tpu.memref_slice %arg2[%dma_start3A_136, %dma_start3A_137] : memref<1000000x64xf32, #tpu.memory_space<hbm>> -> memref<1000000x64xf32, #tpu.memory_space<hbm>>
        tpu.enqueue_indirect_dma source(%dma_start3A_138 : memref<1000000x64xf32, #tpu.memory_space<hbm>>) target(%arg7 : memref<128x64xf32, #tpu.memory_space<vmem>>) offsets(%dma_start3A_135 : memref<128xi32, #tpu.memory_space<vmem>>) semaphore(%arg11 : memref<!tpu.dma_semaphore, #tpu.memory_space<semaphore_mem>>)
      } else {
      }
    }
    %scan3A_43 = arith.constant 100 : i32
    %dma_wait3A = arith.constant 198 : i32
    %dma_wait3A_44 = arith.constant 0 : i32
    %dma_wait3A_45 = arith.constant 0 : i32
    %dma_wait3A_46 = tpu.memref_slice %arg4[%dma_wait3A, %dma_wait3A_44, %add3A, %dma_wait3A_45] : memref<200x8x32x1024xf32, #tpu.memory_space<hbm>> -> memref<1x8x1x1024xf32, #tpu.memory_space<hbm>>
    %dma_wait3A_47 = tpu.memref_squeeze %dma_wait3A_46 : memref<1x8x1x1024xf32, #tpu.memory_space<hbm>> -> memref<8x1024xf32, #tpu.memory_space<hbm>>
    %dma_wait3A_48 = arith.constant 0 : i32
    %dma_wait3A_49 = arith.constant 0 : i32
    %dma_wait3A_50 = tpu.memref_slice %arg4[%dma_wait3A, %dma_wait3A_48, %add3A, %dma_wait3A_49] : memref<200x8x32x1024xf32, #tpu.memory_space<hbm>> -> memref<1x8x1x1024xf32, #tpu.memory_space<hbm>>
    %dma_wait3A_51 = tpu.memref_squeeze %dma_wait3A_50 : memref<1x8x1x1024xf32, #tpu.memory_space<hbm>> -> memref<8x1024xf32, #tpu.memory_space<hbm>>
    tpu.wait_dma2 semaphore(%arg12 : memref<!tpu.dma_semaphore, #tpu.memory_space<semaphore_mem>>) src(%arg8 : memref<8x1024xf32, #tpu.memory_space<vmem>>) dst(%dma_wait3A_51 : memref<8x1024xf32, #tpu.memory_space<hbm>>)
    %dma_wait3A_52 = arith.constant 199 : i32
    %dma_wait3A_53 = arith.constant 0 : i32
    %dma_wait3A_54 = arith.constant 0 : i32
    %dma_wait3A_55 = tpu.memref_slice %arg4[%dma_wait3A_52, %dma_wait3A_53, %add3A, %dma_wait3A_54] : memref<200x8x32x1024xf32, #tpu.memory_space<hbm>> -> memref<1x8x1x1024xf32, #tpu.memory_space<hbm>>
    %dma_wait3A_56 = tpu.memref_squeeze %dma_wait3A_55 : memref<1x8x1x1024xf32, #tpu.memory_space<hbm>> -> memref<8x1024xf32, #tpu.memory_space<hbm>>
    %dma_wait3A_57 = arith.constant 0 : i32
    %dma_wait3A_58 = arith.constant 0 : i32
    %dma_wait3A_59 = tpu.memref_slice %arg4[%dma_wait3A_52, %dma_wait3A_57, %add3A, %dma_wait3A_58] : memref<200x8x32x1024xf32, #tpu.memory_space<hbm>> -> memref<1x8x1x1024xf32, #tpu.memory_space<hbm>>
    %dma_wait3A_60 = tpu.memref_squeeze %dma_wait3A_59 : memref<1x8x1x1024xf32, #tpu.memory_space<hbm>> -> memref<8x1024xf32, #tpu.memory_space<hbm>>
    tpu.wait_dma2 semaphore(%arg13 : memref<!tpu.dma_semaphore, #tpu.memory_space<semaphore_mem>>) src(%arg9 : memref<8x1024xf32, #tpu.memory_space<vmem>>) dst(%dma_wait3A_60 : memref<8x1024xf32, #tpu.memory_space<hbm>>)
    return
  }
}

</mosaic_0001>

<sc_bundles>
// kernel: kernel.3.cloned.1.call-start
scs
__scs_entry_jumppad:
0x0: {  	(pc) =	sbr.rel $0x88, $3  }
0x1: {  	(tag) =	ssettag $0x0;
	lr =	simm.s32 $0x1  }
0x2: {  	[smem:$0x3F9F] =	sst lr;
	_ =	strace $0xD0000000  }
0x3: {  	_ = 	snop  }
0x4: {  	_ = 	snop  }
0x5: {  	_ = 	snop  }
0x6: {  	_ = 	snop  }
0x7: {  	_ = 	snop  }
__scs_overlays_trampoline_lowered:
0x8: {  	[smem:$0x3FAE] =	sst s0  }
0x9: {  	[smem:$0x3FAF] =	sst s1  }
0xa: {  	[smem:$0x3FB0] =	sst s2  }
0xb: {  	[smem:$0x3FB1] =	sst s3  }
0xc: {  	[smem:$0x3FB2] =	sst s4  }
0xd: {  	[smem:$0x3FB3] =	sst s5  }
0xe: {  	[smem:$0x3FB4] =	sst s6  }
0xf: {  	[smem:$0x3FB5] =	sst s7  }
0x10: {  	[smem:$0x3FB6] =	sst s8  }
0x11: {  	[smem:$0x3FB7] =	sst s9;
	s0 =	simm.s32 @!p0 $0x0  }
0x12: {  	s1 =	sld [smem:$0x3F9D];
	s0 =	simm.s32 @p0 $0x1  }
0x13: {  	[smem:$0x3FB8] =	sst s0;
	s0 =	simm.s32 @!p1 $0x0  }
0x14: {  	s2 =	sld [smem:$0x3F9C];
	s0 =	simm.s32 @p1 $0x1  }
0x15: {  	[smem:$0x3FB9] =	sst s0;
	s0 =	simm.s32 @!p2 $0x0  }
0x16: {  	s3 =	sld [smem:$0x3FDB];
	s0 =	simm.s32 @p2 $0x1  }
0x17: {  	s4 =	simm.s32 $0x1BF5;
	[smem:$0x3FBB] =	sst s0  }
0x18: {  	s0 =	sld [smem:$0x3F9E];
	_ =	swait.ge [sflag:s4], $0x0  }
0x19: {  	s7 =	sld [smem:$0x3F9F]  }
0x1a: {  	s8 =	sadd.s32 $0xFFFFE003, lr  }
0x1b: {  	s9 =	sadd.s32 $0xFFFFFEF7, lr;
	s5 =	simm.s32 $0xFFFFFFFF;
	p2 =	slt.u32 s8, $0xFFFFF086  }
0x1c: {  	p1 =	slt.u32 s9, $0xF7A;
	s5 =	simm.s32 @!p2 $0x0  }
0x1d: {  	s5 =	simm.s32 @p1 $0x1;
	p0 =	seq.s32 s7, s2  }
0x1e: {  	s7 =	smul.u32 @!p0 $0xF7A, s2;
	p2 =	seq.s32 @!p0 s5, $0x0  }
0x1f: {  	s9 =	smul.u32 $0xF7A, s1;
	s8 =	simm.s32 @!p0 $0x1BF5;
	p2 =	por !p2, p0  }
0x20: {  	[sflag:s8] =	ssyncset.s32 @!p0 $0xFFFFF086;
	s6 =	sadd.s32 @!p0 s3, s7;
	s7 =	simm.s32 @!p0 $0x108  }
0x21: {  	s3 =	sadd.s32 s3, s9;
	s6 =	sadd.s32 @!p0 $0x88, s6;
	s7 =	simm.s32 @p2 $0x1082  }
0x22: {  	[simem:s7], [sflag:s8] =	dma.local @!p0 [hbm:s6], $0xF7A  }
0x23: {  	s9 =	sor.u32 $0xD0000000, s2;
	s6 =	simm.s32 $0x108;
	_ =	swait.ge @!p0 [sflag:s8], $0x0  }
0x24: {  	s3 =	sadd.s32 $0x88, s3;
	s6 =	simm.s32 @!p1 $0x1082;
	[sflag:s4] =	ssyncset.s32 $0xFFFFF086  }
0x25: {  	[simem:s6], [sflag:s4] =	dma.local [hbm:s3], $0xF7A  }
0x26: {  	[smem:$0x3F9F] =	sst s1;
	(tag) =	ssettag s2;
	_ =	strace s9  }
0x27: {  	s1 =	sld [smem:$0x3FAF]  }
0x28: {  	s2 =	sld [smem:$0x3FB0]  }
0x29: {  	s4 =	sld [smem:$0x3FB2]  }
0x2a: {  	p0 =	seq.s32 s5, $0x0;
	s5 =	sld [smem:$0x3FB3]  }
0x2b: {  	s6 =	sld [smem:$0x3FB4]  }
0x2c: {  	s7 =	sld [smem:$0x3FB5]  }
0x2d: {  	s3 =	simm.s32 $0x108;
	s8 =	sld [smem:$0x3FB6]  }
0x2e: {  	s3 =	simm.s32 @!p0 $0x1082;
	s9 =	sld [smem:$0x3FB7]  }
0x2f: {  	lr =	sadd.s32 s0, s3;
	s0 =	sld [smem:$0x3FAE]  }
0x30: {  	s3 =	sld [smem:$0x3FB1]  }
0x31: {  	[smem:$0x3FBA] =	sst s10  }
0x32: {  	s10 =	sld [smem:$0x3FB8];
	_ =	sdelay $0x3  }
0x33: {  	p0 =	seq.s32 s10, $0x1;
	s10 =	sld [smem:$0x3FBA];
	_ =	sdelay $0x3  }
0x34: {  	[smem:$0x3FBA] =	sst s10  }
0x35: {  	s10 =	sld [smem:$0x3FB9];
	_ =	sdelay $0x3  }
0x36: {  	p1 =	seq.s32 s10, $0x1;
	s10 =	sld [smem:$0x3FBA];
	_ =	sdelay $0x3  }
0x37: {  	[smem:$0x3FBA] =	sst s10  }
0x38: {  	s10 =	sld [smem:$0x3FBB]  }
0x39: {  	_ = 	snop;
	(pc) =	sbr.ind lr, $3  }
0x3a: {  	_ = 	snop  }
0x3b: {  	_ = 	snop  }
0x3c: {  	p2 =	seq.s32 s10, $0x1;
	s10 =	sld [smem:$0x3FBA]  }
0x3d: {  	_ =	shalt  }
0x3e: {  	_ =	shalt  }
0x3f: {  	_ =	shalt  }
0x40: {  	_ =	shalt  }
0x41: {  	_ =	shalt  }
0x42: {  	_ =	shalt  }
0x43: {  	_ =	shalt  }
0x44: {  	_ =	shalt  }
0x45: {  	_ =	shalt  }
0x46: {  	_ =	shalt  }
0x47: {  	_ =	shalt  }
0x48: {  	_ =	shalt  }
0x49: {  	_ =	shalt  }
0x4a: {  	_ =	shalt  }
0x4b: {  	_ =	shalt  }
0x4c: {  	_ =	shalt  }
0x4d: {  	_ =	shalt  }
0x4e: {  	_ =	shalt  }
0x4f: {  	_ =	shalt  }
0x50: {  	_ =	shalt  }
0x51: {  	_ =	shalt  }
0x52: {  	_ =	shalt  }
0x53: {  	_ =	shalt  }
0x54: {  	_ =	shalt  }
0x55: {  	_ =	shalt  }
0x56: {  	_ =	shalt  }
0x57: {  	_ =	shalt  }
0x58: {  	_ =	shalt  }
0x59: {  	_ =	shalt  }
0x5a: {  	_ =	shalt  }
0x5b: {  	_ =	shalt  }
0x5c: {  	_ =	shalt  }
0x5d: {  	_ =	shalt  }
0x5e: {  	_ =	shalt  }
0x5f: {  	_ =	shalt  }
0x60: {  	_ =	shalt  }
0x61: {  	_ =	shalt  }
0x62: {  	_ =	shalt  }
0x63: {  	_ =	shalt  }
0x64: {  	_ =	shalt  }
0x65: {  	_ =	shalt  }
0x66: {  	_ =	shalt  }
0x67: {  	_ =	shalt  }
0x68: {  	_ =	shalt  }
0x69: {  	_ =	shalt  }
0x6a: {  	_ =	shalt  }
0x6b: {  	_ =	shalt  }
0x6c: {  	_ =	shalt  }
0x6d: {  	_ =	shalt  }
0x6e: {  	_ =	shalt  }
0x6f: {  	_ =	shalt  }
0x70: {  	_ =	shalt  }
0x71: {  	_ =	shalt  }
0x72: {  	_ =	shalt  }
0x73: {  	_ =	shalt  }
0x74: {  	_ =	shalt  }
0x75: {  	_ =	shalt  }
0x76: {  	_ =	shalt  }
0x77: {  	_ =	shalt  }
0x78: {  	_ =	shalt  }
0x79: {  	_ =	shalt  }
0x7a: {  	_ =	shalt  }
0x7b: {  	_ =	shalt  }
0x7c: {  	_ =	shalt  }
0x7d: {  	_ =	shalt  }
0x7e: {  	_ =	shalt  }
0x7f: {  	_ =	shalt  }
0x80: {  	_ =	shalt  }
0x81: {  	_ =	shalt  }
0x82: {  	_ =	shalt  }
0x83: {  	_ =	shalt  }
0x84: {  	_ =	shalt  }
0x85: {  	_ =	shalt  }
0x86: {  	_ =	shalt  }
0x87: {  	_ =	shalt  }
.Lfunc_end0:
.L_simem_size_0:
called_computation_lowered:
.L_overlay_start_0:
0x88: {  	s2 =	sld [smem:$0x3FD9]  }
0x89: {  	s3 =	sld [smem:$0x3FFE];
	_ =	sdelay $0x1  }
0x8a: {  	s1 =	srdreg.scid  }
0x8b: {  	s0 =	sand.u32 $0x1, s1  }
0x8c: {  	s17 =	sshll.u32 s0, $0xA;
	s2 =	sadd.s32 s3, s2  }
0x8d: {  	s2 =	sadd.s32 s2, s17  }
0x8e: {  	[smem:$0x3FC6] =	sst s2  }
0x8f: {  	_ = 	snop  }
0x90: {  	s2 =	sld [smem:$0x3FC9]  }
0x91: {  	s18 =	sld [smem:$0x3FD0];
	(tm) =	ssettm $0x1  }
0x92: {  	s4 =	sld [smem:$0x3FFB];
	_ =	sdelay $0x3  }
0x93: {  	_ =	strace s4  }
0x94: {  	s4 =	sld [smem:$0x3FFC];
	_ =	sdelay $0x3  }
0x95: {  	_ =	strace s4  }
0x96: {  	s4 =	sld [smem:$0x3FFD];
	_ =	sdelay $0x3  }
0x97: {  	_ =	strace s4  }
0x98: {  	_ =	strace $0x8FFFFFFF  }
0x99: {  	s19 =	sld [smem:$0x3FDB];
	_ =	sdelay $0x1  }
0x9a: {  	s5 =	simm.s32 $_scs_section_size  }
0x9b: {  	s6 =	simm.s32 $_size__tile_overlayer_lowered;
	s7 =	simm.s32 $_tile_overlayer_lowered  }
0x9c: {  	s22 =	simm.s32 $0x1BFF;
	s21 =	sshll.u32 s7, $0x1;
	s4 =	sadd.s32 s5, s19  }
0x9d: {  	s8 =	simm.s32 $0x0;
	s20 =	sshll.u32 s6, $0x1;
	s6 =	sadd.s32 s21, s4  }
0x9e: {  	[timem:s8], [sflag:s22] =	dma.local [hbm:s6], s20  }
0x9f: {  	_ =	swait.ge [sflag:s22], s20  }
0xa0: {  	s5 =	ssub.s32 $0x0, s20;
	[sflag:s22] =	ssyncset.done $0x0  }
0xa1: {  	[sflag:s22] =	ssyncadd.s32 s5;
	_ =	sdelay $0x1  }
0xa2: {  	s23 =	simm.s32 $0x1B8B  }
0xa3: {  	_ =	swait.ge [sflag:s23], $0x1  }
0xa4: {  	[sflag:s23] =	ssyncset.done $0x0  }
0xa5: {  	s25 =	simm.s32 $0x1B8E;
	s24 =	sld [smem:$0x3FFE];
	[sflag:s23] =	ssyncadd.s32 $0xFFFFFFFF  }
0xa6: {  	s26 =	simm.s32 $execute0_lowered;
	[smem:$0x3FD2] =	sst s25  }
0xa7: {  	s6 =	sshll.u32 s26, $0x1;
	_ =	strace $0x80000046;
	[dreg:$0x1] =	wrdreg $0xFFFFFFFF  }
0xa8: {  	s28 =	simm.s32 $_size_execute0_lowered;
	s4 =	sadd.s32 s4, s6;
	[dreg:$0x0] =	wrdreg $0x0  }
0xa9: {  	s6 =	sshll.u32 s28, $0x1;
	[dreg:$0x2] =	wrdreg s4  }
0xaa: {  	[dreg:$0x3] =	wrdreg s6  }
0xab: {  	[dreg:$0x4] =	wrdreg $0xC0  }
0xac: {  	_ =	task [dreg:s8], $0x5FFFF  }
0xad: {  	[dreg:$0x1] =	wrdreg $0xFFFFFFFF  }
0xae: {  	[dreg:$0x0] =	wrdreg $0x60  }
0xaf: {  	[dreg:$0x2] =	wrdreg s24  }
0xb0: {  	[dreg:$0x3] =	wrdreg s2  }
0xb1: {  	[dreg:$0x4] =	wrdreg s18  }
0xb2: {  	[dreg:$0x5] =	wrdreg $0x9  }
0xb3: {  	_ =	task.clear_ibuf [dreg:s8], $0x6FFFF;
	_ =	strace $0x90000046  }
0xb4: {  	s29 =	simm.s32 $0x9;
	_ =	strace $0x80000048  }
0xb5: {  	_ =	swait.ge [sflag:s29], $0x1  }
0xb6: {  	[sflag:s29] =	ssyncadd.s32 $0xFFFFFFFF  }
0xb7: {  	_ =	strace $0x90000048  }
0xb8: {  	_ =	sfence  }
0xb9: {  	s30 =	sld [smem:$0x0];
	_ =	sdelay $0x2  }
0xba: {  	s31 =	sshll.u32 s1, $0xD;
	s1 =	sshrl.u32 s1, $0x2  }
0xbb: {  	s3 =	sand.u32 $0x4000, s31;
	s1 =	sadd.s32 s1, s30  }
0xbc: {  	s0 =	sor.u32 s3, s0;
	s1 =	sshll.u32 s1, $0x11  }
0xbd: {  	s0 =	sor.u32 s1, s0  }
0xbe: {  	s0 =	sadd.s32 $0x8F2B, s0  }
0xbf: {  	[sflag:s0] =	ssyncadd.remote.s32 $0x1  }
0xc0: {  	_ =	sfence.sel $0xFFFF  }
0xc1: {  	[dreg:$0x0] =	wrdreg $0xFFFFFFFF;
	(pc) =	sbr.abs _section_cstart, $3  }
0xc2: {  	[dreg:$0x1] =	wrdreg $0xFFFFFFFF  }
0xc3: {  	_ =	task.clear_ibuf [dreg:s8], $0x2FFFF;
	_ =	strace $0x9FFFFFFF  }
0xc4: {  	(tm) =	ssettm $0x7FFFFFFF  }
0xc5: {  	_ =	shalt  }
tec
execute0_lowered:
.L_overlay_start_1:
0x0: {  	(tag) =	ssettag $0x1  }
0x1: {  	v23 =	vlaneseq.u32  }
0x2: {  	v59 =	vor.u32 $0x10, v23  }
0x3: {  	v1 =	vand.u32 $0x7, v23;
	v62 =	vor.u32 $0x30, v23;
	[tilespmem:$0x1FD80] =	vst v59  }
0x4: {  	v30 =	vmul.u32 $0x40, v23;
	v0 =	vor.u32 $0x1000, v1;
	[tilespmem:$0x1FDA0] =	vst v62  }
0x5: {  	s5 =	rddreg [dreg:$0x0];
	v58 =	vor.u32 $0x1800, v1;
	[tilespmem:$0x1FD50] =	vst v0  }
0x6: {  	s6 =	rddreg [dreg:$0x1];
	s3 =	srdreg.scid;
	v57 =	vor.u32 $0x30, v30;
	[tilespmem:$0x1FD70] =	vst v58  }
0x7: {  	s1 =	rddreg [dreg:$0x2];
	s4 =	sand.u32 $0x1, s3;
	s3 =	simm.s32 $0x0;
	v5 =	vor.u32 $0x830, v30;
	[tilespmem:$0x1FD60] =	vst v57  }
0x8: {  	[smem:$0x7FF] =	sst s3;
	v11 =	vor.u32 $0x1400, v30;
	[tilespmem:$0x1FD90] =	vst v5  }
0x9: {  	s0 =	rddreg [dreg:$0x3];
	v20 =	vor.u32 $0x70, v23;
	_ =	strace $0x80000047;
	[tilespmem:$0x1FDB0] =	vst v11  }
0xa: {  	[tilespmem:$0x1FDC0] =	vst v20  }
0xb: {  	v38 =	vmov v1;
	[tilespmem:$0x1FE00] =	vst v30  }
0xc: {  	v21 =	vor.u32 $0x10, v30;
	[tilespmem:$0x1FE10] =	vst v38  }
0xd: {  	v22 =	vor.u32 $0x800, v1;
	[tilespmem:$0x1FE20] =	vst v21  }
0xe: {  	v34 =	vor.u32 $0x20, v30;
	[tilespmem:$0x1FE30] =	vst v22  }
0xf: {  	v25 =	vor.u32 $0x400, v30;
	[tilespmem:$0x1FE40] =	vst v34  }
0x10: {  	v24 =	vor.u32 $0x410, v30;
	[tilespmem:$0x1FE50] =	vst v25  }
0x11: {  	v27 =	vor.u32 $0x420, v30;
	[tilespmem:$0x1FE60] =	vst v24  }
0x12: {  	v60 =	vor.u32 $0x430, v30;
	[tilespmem:$0x1FE70] =	vst v27  }
0x13: {  	v61 =	vor.u32 $0x20, v23;
	[tilespmem:$0x1FE80] =	vst v60  }
0x14: {  	v2 =	vor.u32 $0x800, v30;
	[tilespmem:$0x1FE90] =	vst v61  }
0x15: {  	v3 =	vor.u32 $0x810, v30;
	[tilespmem:$0x1FEA0] =	vst v2  }
0x16: {  	v4 =	vor.u32 $0x820, v30;
	[tilespmem:$0x1FEB0] =	vst v3  }
0x17: {  	v10 =	vor.u32 $0xC00, v30;
	[tilespmem:$0x1FEC0] =	vst v4  }
0x18: {  	v29 =	vor.u32 $0xC10, v30;
	[tilespmem:$0x1FED0] =	vst v10  }
0x19: {  	v12 =	vor.u32 $0xC20, v30;
	[tilespmem:$0x1FEE0] =	vst v29  }
0x1a: {  	v28 =	vor.u32 $0xC30, v30;
	[tilespmem:$0x1FEF0] =	vst v12  }
0x1b: {  	v26 =	vor.u32 $0x40, v23;
	[tilespmem:$0x1FF00] =	vst v28  }
0x1c: {  	v63 =	vor.u32 $0x1000, v30;
	[tilespmem:$0x1FF10] =	vst v26  }
0x1d: {  	v6 =	vor.u32 $0x1010, v30;
	[tilespmem:$0x1FF20] =	vst v63  }
0x1e: {  	v7 =	vor.u32 $0x1020, v30;
	[tilespmem:$0x1FF30] =	vst v6  }
0x1f: {  	v8 =	vor.u32 $0x1030, v30;
	[tilespmem:$0x1FF40] =	vst v7  }
0x20: {  	v9 =	vor.u32 $0x50, v23;
	[tilespmem:$0x1FF50] =	vst v8  }
0x21: {  	v13 =	vor.u32 $0x1420, v30;
	[tilespmem:$0x1FF60] =	vst v9  }
0x22: {  	v57 =	vor.u32 $0x1430, v30;
	[tilespmem:$0x1FF80] =	vst v13  }
0x23: {  	v46 =	vor.u32 $0x60, v23;
	[tilespmem:$0x1FF90] =	vst v57  }
0x24: {  	v47 =	vor.u32 $0x1800, v30;
	[tilespmem:$0x1FFA0] =	vst v46  }
0x25: {  	s2 =	stileid.u32;
	s10 =	simm.s32 $0x8000;
	v45 =	vor.u32 $0x1810, v30;
	[tilespmem:$0x1FFB0] =	vst v47  }
0x26: {  	s11 =	simm.s32 $0x5;
	s12 =	simm.s32 $0x80;
	s13 =	simm.s32 $0x6400;
	v42 =	vor.u32 $0x1820, v30;
	[tilespmem:$0x1FFC0] =	vst v45  }
0x27: {  	s14 =	simm.s32 $0x8400;
	s15 =	simm.s32 $0x1;
	s16 =	simm.s32 $0xA400;
	v41 =	vor.u32 $0x1830, v30;
	[tilespmem:$0x1FFD0] =	vst v42  }
0x28: {  	s17 =	simm.s32 $0x2;
	s18 =	simm.s32 $0x4;
	s19 =	simm.s32 $0xC400;
	v20 =	vor.u32 $0x1C00, v30;
	[tilespmem:$0x1FFE0] =	vst v41  }
.Ltmp0:
0x29: {  	s20 =	simm.s32 $0x3;
	s21 =	simm.s32 $0x0;
	v11 =	vor.u32 $0x1410, v30;
	[tilespmem:$0x1FDD0] =	vst v20;
	(pc) =	sbr.rel .LBB2_1-.Ltmp0, $4  }
0x2a: {  	s7 =	sshll.u32 s2, $0xB;
	s8 =	sshll.u32 s4, $0xA;
	s9 =	ssub.s32 $0x2, s4;
	v20 =	vor.u32 $0x1C10, v30;
	[tilespmem:$0x1FF70] =	vst v11  }
0x2b: {  	s5 =	sadd.s32 $0xF42800, s5;
	s4 =	sor.u32 s8, s7;
	s31 =	sshrl.u32 s9, $0x1;
	[tilespmem:$0x1FDE0] =	vst v20;
	v20 =	vor.u32 $0x1C20, v30  }
0x2c: {  	s7 =	sadd.s32 $0x8000, s1;
	s8 =	sshrl.u32 s4, $0x3;
	s9 =	ssub.s32 s9, s31;
	[tilespmem:$0x1FDF0] =	vst v20;
	v20 =	vor.u32 $0x1C30, v30  }
0x2d: {  	s6 =	sadd.s32 s6, s8;
	s8 =	smax.u32 s9, $0x1;
	s9 =	simm.s32 $0x400;
	[tilespmem:$0x1FFF0] =	vst v20  }
.LBB2_12:
0x2e: {  	_ =	swait.ge [sflag:s20], $0x2000  }
0x2f: {  	[sflag:s20] =	ssyncset.done $0x0  }
0x30: {  	[sflag:s20] =	ssyncadd.s32 $0xFFFFE000  }
0x31: {  	_ =	swait.ge [sflag:s18], $0x2000  }
0x32: {  	v30 =	vld [tilespmem:$0x1FE00]  }
0x33: {  	v38 =	vld [tilespmem:$0x1FE10]  }
0x34: {  	v21 =	vld [tilespmem:$0x1FE20]  }
0x35: {  	v22 =	vld [tilespmem:$0x1FE30]  }
0x36: {  	v34 =	vld [tilespmem:$0x1FE40]  }
0x37: {  	v25 =	vld [tilespmem:$0x1FE50]  }
0x38: {  	s21 =	sadd.s32 $0x1, s21;
	v24 =	vld [tilespmem:$0x1FE60]  }
0x39: {  	p0 =	sne.s32 s21, s8;
	v27 =	vld [tilespmem:$0x1FE70]  }
.Ltmp1:
0x3a: {  	v10 =	vld [tilespmem:$0x1FED0];
	(pc) =	sbr.rel @!p0 .LBB2_13-.Ltmp1, $4  }
0x3b: {  	v29 =	vld [tilespmem:$0x1FEE0]  }
0x3c: {  	v12 =	vld [tilespmem:$0x1FEF0]  }
0x3d: {  	[sflag:s18] =	ssyncset.done $0x0;
	v28 =	vld [tilespmem:$0x1FF00]  }
0x3e: {  	v23 =	vlaneseq.u32;
	v26 =	vld [tilespmem:$0x1FF10];
	[sflag:s18] =	ssyncadd.s32 $0xFFFFE000  }
.LBB2_1:
0x3f: {  	[tilespmem:s3], [sflag:$0x5] =	stream.strided.gather [hbm4b:s6+s9], $0x6400, s10, s9, $0x38;
	[tilespmem:$0xE400] =	vst v63  }
0x40: {  	_ =	swait.ge [sflag:s11], $0x6400  }
0x41: {  	[sflag:s11] =	ssyncset.done $0x0  }
0x42: {  	[sflag:s11] =	ssyncadd.s32 $0xFFFF9C00  }
0x43: {  	[tilespmem:s13], [sflag:$0x1] =	stream.indirect.gather [hbm4b:s5+s12], $0x40, s3, s12, $0xb8;
	[tilespmem:$0xE400] =	vst v63  }
0x44: {  	s22 =	simm.s32 $0x0  }
0x45: {  	[tilespmem:s14], [sflag:$0x2] =	stream.indirect.gather [hbm4b:s5+s12], $0x40, s12, s12, $0xb8;
	[tilespmem:$0xE400] =	vst v63  }
.LBB2_2:
0x46: {  	s23 =	simm.s32 $0x0  }
0x47: {  	v0 =	vadd.s32 s23, v23  }
0x48: {  	_ =	swait.ge [sflag:s15], $0x2000;
	v15 =	vand.u32 $0xF, v0  }
0x49: {  	p0 =	seq.s32 s22, $0x0;
	[sflag:s15] =	ssyncset.done $0x0;
	v1 =	vor.u32 v30, v15  }
0x4a: {  	s23 =	simm.s32 @!p0 $0x3;
	[sflag:s15] =	ssyncadd.s32 $0xFFFFE000  }
0x4b: {  	s24 =	simm.s32 $0x1;
	_ =	swait.ge @!p0 [sflag:s23], $0x2000  }
0x4c: {  	v2 =	vadd.s32 s24, v23;
	[sflag:s23] =	ssyncset.done @!p0 $0x0  }
0x4d: {  	v44 =	vand.u32 $0xF, v2;
	v31 =	vshll.u32 v0, $0x7;
	[sflag:s23] =	ssyncadd.s32 @!p0 $0xFFFFE000  }
0x4e: {  	v0 =	vor.u32 v30, v44;
	v3 =	vor.u32 v23, v31;
	v4 =	vand.u32 $0x400, v31;
	v1 =	vld.idx.msk [tilespmem:v1+s13+$0x0], $0xffff  }
0x4f: {  	v3 =	vand.u32 $0x388, v3;
	v16 =	vor.u32 v38, v4  }
0x50: {  	v5 =	vor.u32 v3, v16  }
0x51: {  	v6 =	vor.u32 v21, v15  }
0x52: {  	v8 =	vshll.u32 v2, $0x7  }
0x53: {  	v2 =	vor.u32 v23, v8;
	v7 =	vand.u32 $0x400, v8;
	v0 =	vld.idx.msk [tilespmem:v0+s13+$0x0], $0xffff;
	v1 =	vmul.f32 $8.000000000e+00, v1  }
0x54: {  	v2 =	vand.u32 $0x388, v2;
	v37 =	vor.u32 v38, v7  }
0x55: {  	v54 =	vmov v10;
	v10 =	vmov v8;
	v8 =	vor.u32 v2, v37;
	[tilespmem:v5+s16+$0x0] =	vst.idx.msk $0xffff, v1  }
0x56: {  	v1 =	vor.u32 v21, v44;
	v5 =	vld.idx.msk [tilespmem:v6+s13+$0x0], $0xffff  }
0x57: {  	v9 =	vor.u32 v22, v4  }
0x58: {  	v0 =	vmul.f32 $8.000000000e+00, v0;
	v6 =	vor.u32 v3, v9;
	_ =	sdelay $0x1  }
0x59: {  	[tilespmem:v8+s16+$0x0] =	vst.idx.msk $0xffff, v0  }
0x5a: {  	v0 =	vld.idx.msk [tilespmem:v1+s13+$0x0], $0xffff;
	v1 =	vmul.f32 $8.000000000e+00, v5;
	_ =	sdelay $0x1  }
0x5b: {  	v11 =	vor.u32 v34, v15;
	[tilespmem:v6+s16+$0x0] =	vst.idx.msk $0xffff, v1  }
0x5c: {  	v50 =	vld [tilespmem:$0x1FD50];
	_ =	sdelay $0x1  }
0x5d: {  	v13 =	vor.u32 v22, v7  }
0x5e: {  	v5 =	vor.u32 v2, v13  }
0x5f: {  	v1 =	vor.u32 v34, v44;
	v6 =	vld.idx.msk [tilespmem:v11+s13+$0x0], $0xffff  }
0x60: {  	v36 =	vor.u32 v50, v4  }
0x61: {  	v53 =	vld [tilespmem:$0x1FD60];
	v0 =	vmul.f32 $8.000000000e+00, v0;
	v8 =	vor.u32 v3, v36;
	_ =	sdelay $0x1  }
0x62: {  	[tilespmem:v5+s16+$0x0] =	vst.idx.msk $0xffff, v0  }
0x63: {  	v0 =	vld.idx.msk [tilespmem:v1+s13+$0x0], $0xffff;
	v1 =	vmul.f32 $8.000000000e+00, v6;
	_ =	sdelay $0x1  }
0x64: {  	v11 =	vor.u32 v53, v15;
	[tilespmem:v8+s16+$0x0] =	vst.idx.msk $0xffff, v1  }
0x65: {  	v39 =	vld [tilespmem:$0x1FD70];
	_ =	sdelay $0x1  }
0x66: {  	v57 =	vor.u32 v50, v7  }
0x67: {  	v5 =	vor.u32 v2, v57  }
0x68: {  	v1 =	vor.u32 v53, v44;
	v6 =	vld.idx.msk [tilespmem:v11+s13+$0x0], $0xffff  }
0x69: {  	v61 =	vmov v12;
	v12 =	vor.u32 v39, v4  }
0x6a: {  	v0 =	vmul.f32 $8.000000000e+00, v0;
	v3 =	vor.u32 v3, v12;
	_ =	sdelay $0x1  }
0x6b: {  	[tilespmem:v5+s16+$0x0] =	vst.idx.msk $0xffff, v0  }
0x6c: {  	v0 =	vld.idx.msk [tilespmem:v1+s13+$0x0], $0xffff;
	v1 =	vmul.f32 $8.000000000e+00, v6;
	_ =	sdelay $0x1  }
0x6d: {  	[tilespmem:v3+s16+$0x0] =	vst.idx.msk $0xffff, v1  }
0x6e: {  	v4 =	vor.u32 v25, v15;
	v33 =	vor.u32 v39, v7;
	v7 =	vld [tilespmem:$0x1FD80];
	_ =	sdelay $0x3  }
0x6f: {  	v2 =	vor.u32 v2, v33  }
0x70: {  	v1 =	vor.u32 v25, v44;
	v4 =	vld.idx.msk [tilespmem:v4+s13+$0x0], $0xffff;
	v3 =	vor.u32 v7, v31  }
0x71: {  	v3 =	vand.u32 $0x398, v3  }
0x72: {  	v0 =	vmul.f32 $8.000000000e+00, v0;
	v5 =	vor.u32 v3, v16  }
0x73: {  	v6 =	vor.u32 v24, v15  }
0x74: {  	[tilespmem:v2+s16+$0x0] =	vst.idx.msk $0xffff, v0  }
0x75: {  	v0 =	vld.idx.msk [tilespmem:v1+s13+$0x0], $0xffff;
	v1 =	vor.u32 v7, v10;
	v2 =	vmul.f32 $8.000000000e+00, v4  }
0x76: {  	v1 =	vand.u32 $0x398, v1  }
0x77: {  	v4 =	vor.u32 v1, v37;
	[tilespmem:v5+s16+$0x0] =	vst.idx.msk $0xffff, v2  }
0x78: {  	v2 =	vor.u32 v24, v44;
	v5 =	vld.idx.msk [tilespmem:v6+s13+$0x0], $0xffff;
	_ =	sdelay $0x1  }
0x79: {  	v0 =	vmul.f32 $8.000000000e+00, v0;
	v6 =	vor.u32 v3, v9;
	_ =	sdelay $0x1  }
0x7a: {  	[tilespmem:v4+s16+$0x0] =	vst.idx.msk $0xffff, v0  }
0x7b: {  	v17 =	vmov v7;
	v7 =	vor.u32 v27, v15;
	v0 =	vld.idx.msk [tilespmem:v2+s13+$0x0], $0xffff;
	v2 =	vmul.f32 $8.000000000e+00, v5;
	_ =	sdelay $0x1  }
0x7c: {  	[tilespmem:v6+s16+$0x0] =	vst.idx.msk $0xffff, v2  }
0x7d: {  	v47 =	vld [tilespmem:$0x1FE80]  }
0x7e: {  	v4 =	vor.u32 v1, v13  }
0x7f: {  	v2 =	vor.u32 v27, v44;
	v5 =	vld.idx.msk [tilespmem:v7+s13+$0x0], $0xffff;
	_ =	sdelay $0x1  }
0x80: {  	v6 =	vor.u32 v3, v36;
	v0 =	vmul.f32 $8.000000000e+00, v0  }
0x81: {  	v7 =	vor.u32 v47, v15  }
0x82: {  	[tilespmem:v4+s16+$0x0] =	vst.idx.msk $0xffff, v0  }
0x83: {  	v0 =	vld.idx.msk [tilespmem:v2+s13+$0x0], $0xffff;
	v2 =	vmul.f32 $8.000000000e+00, v5;
	_ =	sdelay $0x1  }
0x84: {  	v4 =	vor.u32 v1, v57;
	[tilespmem:v6+s16+$0x0] =	vst.idx.msk $0xffff, v2  }
0x85: {  	v2 =	vor.u32 v47, v44;
	v5 =	vld.idx.msk [tilespmem:v7+s13+$0x0], $0xffff;
	_ =	sdelay $0x1  }
0x86: {  	v3 =	vor.u32 v3, v12;
	v0 =	vmul.f32 $8.000000000e+00, v0  }
0x87: {  	v42 =	vld [tilespmem:$0x1FEA0]  }
0x88: {  	[tilespmem:v4+s16+$0x0] =	vst.idx.msk $0xffff, v0  }
0x89: {  	v0 =	vld.idx.msk [tilespmem:v2+s13+$0x0], $0xffff;
	v2 =	vmul.f32 $8.000000000e+00, v5;
	_ =	sdelay $0x1  }
0x8a: {  	[tilespmem:v3+s16+$0x0] =	vst.idx.msk $0xffff, v2  }
0x8b: {  	v6 =	vor.u32 v42, v15;
	v56 =	vld [tilespmem:$0x1FE90];
	_ =	sdelay $0x2  }
0x8c: {  	v1 =	vor.u32 v1, v33  }
0x8d: {  	v2 =	vor.u32 v42, v44  }
0x8e: {  	v4 =	vld.idx.msk [tilespmem:v6+s13+$0x0], $0xffff;
	v3 =	vor.u32 v56, v31  }
0x8f: {  	v59 =	vmov v31;
	v0 =	vmul.f32 $8.000000000e+00, v0;
	v31 =	vld [tilespmem:$0x1FEB0];
	v3 =	vand.u32 $0x3A8, v3  }
0x90: {  	v5 =	vor.u32 v3, v16  }
0x91: {  	[tilespmem:v1+s16+$0x0] =	vst.idx.msk $0xffff, v0  }
0x92: {  	v1 =	vor.u32 v56, v10;
	v0 =	vld.idx.msk [tilespmem:v2+s13+$0x0], $0xffff  }
0x93: {  	v2 =	vmul.f32 $8.000000000e+00, v4;
	v1 =	vand.u32 $0x3A8, v1  }
0x94: {  	v4 =	vor.u32 v1, v37;
	v6 =	vor.u32 v31, v15  }
0x95: {  	[tilespmem:v5+s16+$0x0] =	vst.idx.msk $0xffff, v2;
	v2 =	vor.u32 v31, v44;
	_ =	sdelay $0x1  }
0x96: {  	v0 =	vmul.f32 $8.000000000e+00, v0  }
0x97: {  	v32 =	vld [tilespmem:$0x1FEC0]  }
0x98: {  	s26 =	simm.s32 $0x2;
	[tilespmem:v4+s16+$0x0] =	vst.idx.msk $0xffff, v0;
	v5 =	vld.idx.msk [tilespmem:v6+s13+$0x0], $0xffff  }
0x99: {  	v7 =	vadd.s32 s26, v23;
	v0 =	vld.idx.msk [tilespmem:v2+s13+$0x0], $0xffff  }
0x9a: {  	v48 =	vand.u32 $0xF, v7;
	v8 =	vor.u32 v3, v9  }
0x9b: {  	v62 =	vshll.u32 v7, $0x7;
	v7 =	vor.u32 v1, v13;
	v6 =	vor.u32 v30, v48;
	_ =	sdelay $0x1  }
0x9c: {  	v5 =	vmul.f32 $8.000000000e+00, v5  }
0x9d: {  	v11 =	vor.u32 v32, v15;
	v0 =	vmul.f32 $8.000000000e+00, v0  }
0x9e: {  	[tilespmem:v8+s16+$0x0] =	vst.idx.msk $0xffff, v5  }
0x9f: {  	v6 =	vld.idx.msk [tilespmem:v6+s13+$0x0], $0xffff;
	[tilespmem:v7+s16+$0x0] =	vst.idx.msk $0xffff, v0  }
0xa0: {  	v35 =	vmovc v34;
	s28 =	simm.s32 $0x3;
	v34 =	vmov v10;
	v4 =	vand.u32 $0x400, v62;
	v2 =	vor.u32 v23, v62;
	v10 =	vld [tilespmem:$0x1FD90]  }
0xa1: {  	v14 =	vadd.s32 s28, v23;
	v60 =	vor.u32 v38, v4;
	v2 =	vand.u32 $0x388, v2  }
0xa2: {  	v40 =	vand.u32 $0xF, v14;
	v5 =	vor.u32 v32, v44;
	v8 =	vld.idx.msk [tilespmem:v11+s13+$0x0], $0xffff;
	v11 =	vor.u32 v2, v60  }
0xa3: {  	v18 =	vor.u32 v30, v40  }
0xa4: {  	v19 =	vor.u32 v21, v48;
	v20 =	vor.u32 v3, v36  }
0xa5: {  	v6 =	vmul.f32 $8.000000000e+00, v6;
	v0 =	vor.u32 v10, v15;
	_ =	sdelay $0x1  }
0xa6: {  	v55 =	vshll.u32 v14, $0x7;
	v5 =	vld.idx.msk [tilespmem:v5+s13+$0x0], $0xffff;
	[tilespmem:v11+s16+$0x0] =	vst.idx.msk $0xffff, v6;
	v6 =	vmul.f32 $8.000000000e+00, v8  }
0xa7: {  	v7 =	vld.idx.msk [tilespmem:v18+s13+$0x0], $0xffff;
	v18 =	vor.u32 v1, v57;
	v8 =	vor.u32 v23, v55;
	v11 =	vand.u32 $0x400, v55  }
0xa8: {  	v14 =	vld.idx.msk [tilespmem:v19+s13+$0x0], $0xffff;
	v8 =	vand.u32 $0x388, v8;
	v49 =	vor.u32 v38, v11;
	[tilespmem:v20+s16+$0x0] =	vst.idx.msk $0xffff, v6  }
0xa9: {  	v63 =	vmov v21;
	v51 =	vor.u32 v22, v4;
	v21 =	vor.u32 v8, v49;
	v0 =	vld.idx.msk [tilespmem:v0+s13+$0x0], $0xffff  }
0xaa: {  	v19 =	vor.u32 v10, v44;
	v10 =	vmov v22;
	v22 =	vor.u32 v2, v51  }
0xab: {  	v3 =	vor.u32 v3, v12;
	v5 =	vmul.f32 $8.000000000e+00, v5  }
0xac: {  	v7 =	vmul.f32 $8.000000000e+00, v7  }
0xad: {  	v14 =	vmul.f32 $8.000000000e+00, v14;
	[tilespmem:v18+s16+$0x0] =	vst.idx.msk $0xffff, v5  }
0xae: {  	v6 =	vor.u32 v63, v40;
	[tilespmem:v21+s16+$0x0] =	vst.idx.msk $0xffff, v7;
	v0 =	vmul.f32 $8.000000000e+00, v0  }
0xaf: {  	v20 =	vor.u32 v35, v48;
	[tilespmem:v22+s16+$0x0] =	vst.idx.msk $0xffff, v14  }
0xb0: {  	[tilespmem:v3+s16+$0x0] =	vst.idx.msk $0xffff, v0  }
0xb1: {  	v46 =	vor.u32 v10, v11;
	v5 =	vor.u32 v54, v15;
	v10 =	vld [tilespmem:$0x1FDA0]  }
0xb2: {  	v18 =	vld.idx.msk [tilespmem:v19+s13+$0x0], $0xffff  }
0xb3: {  	v6 =	vld.idx.msk [tilespmem:v6+s13+$0x0], $0xffff  }
0xb4: {  	v1 =	vor.u32 v1, v33;
	v7 =	vld.idx.msk [tilespmem:v20+s13+$0x0], $0xffff  }
0xb5: {  	v58 =	vor.u32 v50, v4;
	v19 =	vor.u32 v8, v46;
	v14 =	vor.u32 v54, v44  }
0xb6: {  	v0 =	vor.u32 v2, v58;
	v3 =	vor.u32 v35, v40;
	v5 =	vld.idx.msk [tilespmem:v5+s13+$0x0], $0xffff;
	v20 =	vor.u32 v10, v59  }
0xb7: {  	v18 =	vmul.f32 $8.000000000e+00, v18;
	v20 =	vand.u32 $0x3B8, v20  }
0xb8: {  	v21 =	vor.u32 v53, v48;
	v6 =	vmul.f32 $8.000000000e+00, v6;
	v22 =	vor.u32 v20, v16  }
0xb9: {  	[tilespmem:v1+s16+$0x0] =	vst.idx.msk $0xffff, v18;
	v1 =	vmul.f32 $8.000000000e+00, v7  }
0xba: {  	v7 =	vor.u32 v29, v15;
	[tilespmem:v19+s16+$0x0] =	vst.idx.msk $0xffff, v6;
	v14 =	vld.idx.msk [tilespmem:v14+s13+$0x0], $0xffff;
	v6 =	vor.u32 v10, v34  }
0xbb: {  	[tilespmem:v0+s16+$0x0] =	vst.idx.msk $0xffff, v1;
	v0 =	vld.idx.msk [tilespmem:v3+s13+$0x0], $0xffff;
	v3 =	vmul.f32 $8.000000000e+00, v5;
	v1 =	vand.u32 $0x3B8, v6  }
0xbc: {  	v35 =	vor.u32 v50, v11;
	v6 =	vor.u32 v1, v37  }
0xbd: {  	v5 =	vld.idx.msk [tilespmem:v21+s13+$0x0], $0xffff;
	v10 =	vor.u32 v39, v4;
	v4 =	vor.u32 v29, v44;
	[tilespmem:v22+s16+$0x0] =	vst.idx.msk $0xffff, v3  }
0xbe: {  	v18 =	vor.u32 v8, v35;
	[tilespmem:$0x1FD10] =	vst v10  }
0xbf: {  	v2 =	vor.u32 v2, v10;
	v14 =	vmul.f32 $8.000000000e+00, v14;
	v3 =	vor.u32 v53, v40;
	v7 =	vld.idx.msk [tilespmem:v7+s13+$0x0], $0xffff  }
0xc0: {  	[tilespmem:$0x1FD20] =	vst v9  }
0xc1: {  	v19 =	vor.u32 v25, v48;
	v0 =	vmul.f32 $8.000000000e+00, v0;
	[tilespmem:v6+s16+$0x0] =	vst.idx.msk $0xffff, v14  }
0xc2: {  	v21 =	vor.u32 v20, v9;
	v5 =	vmul.f32 $8.000000000e+00, v5;
	v4 =	vld.idx.msk [tilespmem:v4+s13+$0x0], $0xffff  }
0xc3: {  	v6 =	vor.u32 v61, v15;
	[tilespmem:v18+s16+$0x0] =	vst.idx.msk $0xffff, v0  }
0xc4: {  	[tilespmem:v2+s16+$0x0] =	vst.idx.msk $0xffff, v5;
	v2 =	vld.idx.msk [tilespmem:v3+s13+$0x0], $0xffff;
	v3 =	vmul.f32 $8.000000000e+00, v7;
	v7 =	vor.u32 v1, v13  }
0xc5: {  	v22 =	vor.u32 v39, v11;
	v11 =	vor.u32 v61, v44  }
0xc6: {  	v0 =	vor.u32 v17, v62;
	v5 =	vld.idx.msk [tilespmem:v19+s13+$0x0], $0xffff;
	[tilespmem:$0x1FD30] =	vst v22  }
0xc7: {  	v52 =	vmovc v36;
	v8 =	vor.u32 v8, v22;
	v0 =	vand.u32 $0x398, v0;
	[tilespmem:v21+s16+$0x0] =	vst.idx.msk $0xffff, v3;
	v4 =	vmul.f32 $8.000000000e+00, v4  }
0xc8: {  	v3 =	vor.u32 v0, v60;
	v6 =	vld.idx.msk [tilespmem:v6+s13+$0x0], $0xffff;
	[tilespmem:$0x1FBD0] =	vst v52  }
0xc9: {  	v14 =	vor.u32 v25, v40;
	[tilespmem:v7+s16+$0x0] =	vst.idx.msk $0xffff, v4  }
0xca: {  	v18 =	vor.u32 v24, v48;
	v19 =	vor.u32 v20, v52;
	v2 =	vmul.f32 $8.000000000e+00, v2;
	v7 =	vld.idx.msk [tilespmem:v11+s13+$0x0], $0xffff  }
0xcb: {  	v4 =	vmul.f32 $8.000000000e+00, v5;
	v5 =	vor.u32 v28, v15  }
0xcc: {  	[tilespmem:v8+s16+$0x0] =	vst.idx.msk $0xffff, v2;
	v8 =	vor.u32 v1, v57  }
0xcd: {  	[tilespmem:v3+s16+$0x0] =	vst.idx.msk $0xffff, v4;
	v4 =	vmul.f32 $8.000000000e+00, v6  }
0xce: {  	v2 =	vld.idx.msk [tilespmem:v14+s13+$0x0], $0xffff  }
0xcf: {  	v6 =	vld.idx.msk [tilespmem:v18+s13+$0x0], $0xffff;
	[tilespmem:v19+s16+$0x0] =	vst.idx.msk $0xffff, v4;
	v7 =	vmul.f32 $8.000000000e+00, v7  }
0xd0: {  	v3 =	vor.u32 v17, v55;
	v5 =	vld.idx.msk [tilespmem:v5+s13+$0x0], $0xffff;
	[tilespmem:$0x1FBE0] =	vst v12  }
0xd1: {  	v11 =	vor.u32 v28, v44;
	v3 =	vand.u32 $0x398, v3;
	[tilespmem:v8+s16+$0x0] =	vst.idx.msk $0xffff, v7  }
0xd2: {  	v14 =	vor.u32 v3, v49;
	v41 =	vld [tilespmem:$0x1FF20]  }
0xd3: {  	v18 =	vor.u32 v24, v40  }
0xd4: {  	v4 =	vor.u32 v0, v51  }
0xd5: {  	v19 =	vor.u32 v27, v48;
	v2 =	vmul.f32 $8.000000000e+00, v2  }
0xd6: {  	v20 =	vor.u32 v20, v12;
	v8 =	vld.idx.msk [tilespmem:v11+s13+$0x0], $0xffff  }
0xd7: {  	v6 =	vmul.f32 $8.000000000e+00, v6;
	[tilespmem:v14+s16+$0x0] =	vst.idx.msk $0xffff, v2;
	v7 =	vor.u32 v41, v15  }
0xd8: {  	v1 =	vor.u32 v1, v33;
	v2 =	vld.idx.msk [tilespmem:v18+s13+$0x0], $0xffff  }
0xd9: {  	[tilespmem:v4+s16+$0x0] =	vst.idx.msk $0xffff, v6;
	v4 =	vmul.f32 $8.000000000e+00, v5  }
0xda: {  	v11 =	vor.u32 v3, v46;
	v5 =	vld.idx.msk [tilespmem:v19+s13+$0x0], $0xffff;
	[tilespmem:$0x1FBF0] =	vst v33;
	v6 =	vor.u32 v41, v44  }
0xdb: {  	[tilespmem:v20+s16+$0x0] =	vst.idx.msk $0xffff, v4;
	v8 =	vmul.f32 $8.000000000e+00, v8  }
0xdc: {  	v18 =	vor.u32 v0, v58;
	v7 =	vld.idx.msk [tilespmem:v7+s13+$0x0], $0xffff;
	[tilespmem:$0x1FC10] =	vst v16  }
0xdd: {  	v2 =	vmul.f32 $8.000000000e+00, v2;
	[tilespmem:v1+s16+$0x0] =	vst.idx.msk $0xffff, v8  }
0xde: {  	v14 =	vor.u32 v26, v59;
	v19 =	vor.u32 v47, v48;
	v4 =	vor.u32 v27, v40;
	v63 =	vld [tilespmem:$0x1FF30]  }
0xdf: {  	v14 =	vand.u32 $0x3C8, v14;
	v1 =	vmul.f32 $8.000000000e+00, v5;
	v6 =	vld.idx.msk [tilespmem:v6+s13+$0x0], $0xffff;
	[tilespmem:v11+s16+$0x0] =	vst.idx.msk $0xffff, v2;
	v2 =	vor.u32 v26, v34  }
0xe0: {  	v54 =	vmov v37;
	v20 =	vor.u32 v14, v16;
	v2 =	vand.u32 $0x3C8, v2  }
0xe1: {  	[tilespmem:v18+s16+$0x0] =	vst.idx.msk $0xffff, v1;
	v1 =	vmul.f32 $8.000000000e+00, v7;
	v7 =	vor.u32 v2, v54;
	_ =	sdelay $0x1  }
0xe2: {  	v4 =	vld.idx.msk [tilespmem:v4+s13+$0x0], $0xffff;
	v5 =	vor.u32 v63, v15  }
0xe3: {  	v8 =	vld.idx.msk [tilespmem:v19+s13+$0x0], $0xffff;
	v6 =	vmul.f32 $8.000000000e+00, v6  }
0xe4: {  	v18 =	vor.u32 v3, v35;
	[tilespmem:v20+s16+$0x0] =	vst.idx.msk $0xffff, v1  }
0xe5: {  	v0 =	vor.u32 v0, v10;
	v11 =	vor.u32 v63, v44;
	[tilespmem:v7+s16+$0x0] =	vst.idx.msk $0xffff, v6  }
0xe6: {  	v1 =	vor.u32 v47, v40;
	v20 =	vor.u32 v14, v9;
	v9 =	vld [tilespmem:$0x1FF40]  }
0xe7: {  	v19 =	vor.u32 v42, v48;
	v4 =	vmul.f32 $8.000000000e+00, v4;
	v5 =	vld.idx.msk [tilespmem:v5+s13+$0x0], $0xffff  }
0xe8: {  	v6 =	vmul.f32 $8.000000000e+00, v8  }
0xe9: {  	[tilespmem:v18+s16+$0x0] =	vst.idx.msk $0xffff, v4  }
0xea: {  	v8 =	vld.idx.msk [tilespmem:v11+s13+$0x0], $0xffff;
	[tilespmem:v0+s16+$0x0] =	vst.idx.msk $0xffff, v6  }
0xeb: {  	v1 =	vld.idx.msk [tilespmem:v1+s13+$0x0], $0xffff;
	[tilespmem:$0x1FC50] =	vst v13;
	v7 =	vor.u32 v9, v15  }
0xec: {  	v4 =	vor.u32 v2, v13;
	v6 =	vld.idx.msk [tilespmem:v19+s13+$0x0], $0xffff;
	v0 =	vmul.f32 $8.000000000e+00, v5;
	v5 =	vor.u32 v56, v62  }
0xed: {  	v3 =	vor.u32 v3, v22;
	v5 =	vand.u32 $0x3A8, v5  }
0xee: {  	v11 =	vor.u32 v9, v44;
	[tilespmem:v20+s16+$0x0] =	vst.idx.msk $0xffff, v0;
	v18 =	vor.u32 v5, v60  }
0xef: {  	v8 =	vmul.f32 $8.000000000e+00, v8;
	v0 =	vor.u32 v42, v40;
	[tilespmem:$0x1FC60] =	vst v60  }
0xf0: {  	v19 =	vor.u32 v31, v48;
	v1 =	vmul.f32 $8.000000000e+00, v1;
	v7 =	vld.idx.msk [tilespmem:v7+s13+$0x0], $0xffff  }
0xf1: {  	v6 =	vmul.f32 $8.000000000e+00, v6;
	[tilespmem:v4+s16+$0x0] =	vst.idx.msk $0xffff, v8  }
0xf2: {  	v20 =	vor.u32 v14, v52;
	v9 =	vld [tilespmem:$0x1FF50];
	[tilespmem:v3+s16+$0x0] =	vst.idx.msk $0xffff, v1  }
0xf3: {  	v8 =	vld.idx.msk [tilespmem:v11+s13+$0x0], $0xffff;
	[tilespmem:v18+s16+$0x0] =	vst.idx.msk $0xffff, v6  }
0xf4: {  	v1 =	vor.u32 v56, v55;
	v0 =	vld.idx.msk [tilespmem:v0+s13+$0x0], $0xffff;
	[tilespmem:$0x1FC70] =	vst v57  }
0xf5: {  	v6 =	vor.u32 v2, v57;
	v3 =	vmul.f32 $8.000000000e+00, v7;
	v7 =	vand.u32 $0x3A8, v1;
	v11 =	vld.idx.msk [tilespmem:v19+s13+$0x0], $0xffff  }
0xf6: {  	v37 =	vmov v51;
	v19 =	vor.u32 v7, v49  }
0xf7: {  	v21 =	vor.u32 v5, v37;
	v4 =	vor.u32 v9, v15;
	[tilespmem:v20+s16+$0x0] =	vst.idx.msk $0xffff, v3  }
0xf8: {  	v8 =	vmul.f32 $8.000000000e+00, v8;
	v52 =	vld [tilespmem:$0x1FF70]  }
0xf9: {  	s29 =	simm.s32 $0x4;
	v18 =	vor.u32 v9, v44;
	v3 =	vor.u32 v31, v40;
	[tilespmem:$0x1FCA0] =	vst v37;
	v31 =	vld [tilespmem:$0x1FF60];
	v0 =	vmul.f32 $8.000000000e+00, v0  }
0xfa: {  	v1 =	vadd.s32 s29, v23;
	v9 =	vld [tilespmem:$0x1FDB0];
	[tilespmem:v6+s16+$0x0] =	vst.idx.msk $0xffff, v8;
	v8 =	vmul.f32 $8.000000000e+00, v11  }
0xfb: {  	v56 =	vand.u32 $0xF, v1;
	v10 =	vld [tilespmem:$0x1FD90];
	[tilespmem:v19+s16+$0x0] =	vst.idx.msk $0xffff, v0  }
0xfc: {  	v20 =	vor.u32 v30, v56;
	v4 =	vld.idx.msk [tilespmem:v4+s13+$0x0], $0xffff;
	[tilespmem:v21+s16+$0x0] =	vst.idx.msk $0xffff, v8  }
0xfd: {  	v43 =	vld [tilespmem:$0x1FE30]  }
0xfe: {  	v47 =	vmov v25;
	v25 =	vor.u32 v32, v48;
	v14 =	vor.u32 v14, v12;
	v11 =	vld.idx.msk [tilespmem:v18+s13+$0x0], $0xffff  }
0xff: {  	v45 =	vmovc v61;
	v2 =	vor.u32 v2, v33;
	v39 =	vshll.u32 v1, $0x7;
	v0 =	vlaneseq.u32;
	v3 =	vld.idx.msk [tilespmem:v3+s13+$0x0], $0xffff  }
0x100: {  	v42 =	vmovc v45;
	v18 =	vand.u32 $0x400, v39;
	v0 =	vor.u32 v0, v39;
	v21 =	vor.u32 v7, v46;
	v45 =	vld [tilespmem:$0x1FE20]  }
0x101: {  	v19 =	vld.idx.msk [tilespmem:v20+s13+$0x0], $0xffff;
	v24 =	vor.u32 v9, v15;
	v20 =	vand.u32 $0x388, v0;
	v0 =	vor.u32 v38, v18;
	[tilespmem:$0x1FCB0] =	vst v46  }
0x102: {  	v8 =	vor.u32 v9, v44;
	[tilespmem:$0x1FC00] =	vst v0;
	v4 =	vmul.f32 $8.000000000e+00, v4;
	v1 =	vor.u32 v43, v18  }
0x103: {  	s30 =	simm.s32 $0x5;
	v61 =	vmovc v16;
	v26 =	vor.u32 v20, v0;
	v0 =	vlaneseq.u32;
	v25 =	vld.idx.msk [tilespmem:v25+s13+$0x0], $0xffff;
	v11 =	vmul.f32 $8.000000000e+00, v11;
	[tilespmem:$0x1FC20] =	vst v1  }
0x104: {  	v28 =	vor.u32 v32, v40;
	v16 =	vmovc v29;
	v27 =	vadd.s32 s30, v0;
	v3 =	vmul.f32 $8.000000000e+00, v3;
	[tilespmem:v14+s16+$0x0] =	vst.idx.msk $0xffff, v4  }
0x105: {  	v23 =	vor.u32 v31, v59;
	v0 =	vand.u32 $0xF, v27;
	v29 =	vor.u32 v45, v56;
	[tilespmem:v2+s16+$0x0] =	vst.idx.msk $0xffff, v11  }
0x106: {  	v51 =	vmov v34;
	v19 =	vmul.f32 $8.000000000e+00, v19;
	v4 =	vor.u32 v30, v0;
	[tilespmem:v21+s16+$0x0] =	vst.idx.msk $0xffff, v3;
	v24 =	vld.idx.msk [tilespmem:v24+s13+$0x0], $0xffff  }
0x107: {  	v14 =	vand.u32 $0x3D8, v23;
	v23 =	vor.u32 v5, v58;
	v2 =	vor.u32 v31, v51;
	v8 =	vld.idx.msk [tilespmem:v8+s13+$0x0], $0xffff;
	[tilespmem:$0x1FCE0] =	vst v51  }
0x108: {  	v6 =	vor.u32 v10, v48;
	v11 =	vor.u32 v14, v61;
	[tilespmem:v26+s16+$0x0] =	vst.idx.msk $0xffff, v19;
	v26 =	vand.u32 $0x3D8, v2  }
0x109: {  	v34 =	vmovc v35;
	v12 =	vshll.u32 v27, $0x7;
	v21 =	vmul.f32 $8.000000000e+00, v25;
	v25 =	vld.idx.msk [tilespmem:v28+s13+$0x0], $0xffff;
	v27 =	vor.u32 v26, v54  }
0x10a: {  	v31 =	vor.u32 v7, v34;
	v28 =	vld.idx.msk [tilespmem:v29+s13+$0x0], $0xffff  }
0x10b: {  	v19 =	vor.u32 v20, v1;
	v1 =	vlaneseq.u32;
	v24 =	vmul.f32 $8.000000000e+00, v24  }
0x10c: {  	v30 =	vand.u32 $0x400, v12;
	v3 =	vor.u32 v1, v12;
	v4 =	vld.idx.msk [tilespmem:v4+s13+$0x0], $0xffff;
	[tilespmem:v23+s16+$0x0] =	vst.idx.msk $0xffff, v21;
	v8 =	vmul.f32 $8.000000000e+00, v8  }
0x10d: {  	v61 =	vor.u32 v38, v30;
	v32 =	vand.u32 $0x388, v3;
	[tilespmem:v11+s16+$0x0] =	vst.idx.msk $0xffff, v24  }
0x10e: {  	v23 =	vor.u32 v32, v61;
	v6 =	vld.idx.msk [tilespmem:v6+s13+$0x0], $0xffff;
	v24 =	vmul.f32 $8.000000000e+00, v25;
	[tilespmem:v27+s16+$0x0] =	vst.idx.msk $0xffff, v8  }
0x10f: {  	v8 =	vmul.f32 $8.000000000e+00, v28;
	v1 =	vld [tilespmem:$0x1FE40]  }
0x110: {  	v29 =	vor.u32 v52, v44;
	v11 =	vor.u32 v45, v0;
	v45 =	vld [tilespmem:$0x1FD10];
	[tilespmem:v31+s16+$0x0] =	vst.idx.msk $0xffff, v24  }
0x111: {  	v22 =	vor.u32 v52, v15;
	v4 =	vmul.f32 $8.000000000e+00, v4;
	v31 =	vld [tilespmem:$0x1FED0];
	[tilespmem:v19+s16+$0x0] =	vst.idx.msk $0xffff, v8  }
0x112: {  	v21 =	vor.u32 v10, v40;
	v2 =	vld [tilespmem:$0x1FD20]  }
0x113: {  	v10 =	vld [tilespmem:$0x1FF80];
	[tilespmem:v23+s16+$0x0] =	vst.idx.msk $0xffff, v4  }
0x114: {  	v3 =	vld [tilespmem:$0x1FD30]  }
0x115: {  	v28 =	vld.idx.msk [tilespmem:v29+s13+$0x0], $0xffff;
	v25 =	vor.u32 v1, v56;
	v27 =	vor.u32 v5, v45  }
0x116: {  	v22 =	vld.idx.msk [tilespmem:v22+s13+$0x0], $0xffff  }
0x117: {  	v21 =	vld.idx.msk [tilespmem:v21+s13+$0x0], $0xffff;
	v4 =	vor.u32 v26, v13  }
0x118: {  	v6 =	vmul.f32 $8.000000000e+00, v6;
	v19 =	vor.u32 v14, v2  }
0x119: {  	v11 =	vld.idx.msk [tilespmem:v11+s13+$0x0], $0xffff;
	v24 =	vor.u32 v31, v48;
	v7 =	vor.u32 v7, v3  }
0x11a: {  	v17 =	vmov v49;
	v49 =	vor.u32 v43, v30;
	v25 =	vld.idx.msk [tilespmem:v25+s13+$0x0], $0xffff;
	[tilespmem:v27+s16+$0x0] =	vst.idx.msk $0xffff, v6;
	v27 =	vmul.f32 $8.000000000e+00, v28  }
0x11b: {  	v5 =	vor.u32 v50, v18;
	v22 =	vmul.f32 $8.000000000e+00, v22;
	v28 =	vor.u32 v32, v49  }
0x11c: {  	v38 =	vor.u32 v20, v5;
	v21 =	vmul.f32 $8.000000000e+00, v21;
	v29 =	vor.u32 v10, v15;
	v13 =	vld [tilespmem:$0x1FDA0];
	[tilespmem:v4+s16+$0x0] =	vst.idx.msk $0xffff, v27  }
0x11d: {  	[tilespmem:v19+s16+$0x0] =	vst.idx.msk $0xffff, v22  }
0x11e: {  	v23 =	vor.u32 v10, v44;
	v24 =	vld.idx.msk [tilespmem:v24+s13+$0x0], $0xffff;
	v4 =	vmul.f32 $8.000000000e+00, v11;
	[tilespmem:v7+s16+$0x0] =	vst.idx.msk $0xffff, v21  }
0x11f: {  	v21 =	vmul.f32 $8.000000000e+00, v25;
	v43 =	vld [tilespmem:$0x1FBD0]  }
0x120: {  	v6 =	vor.u32 v31, v40;
	v19 =	vor.u32 v1, v0;
	v1 =	vld [tilespmem:$0x1FF90];
	[tilespmem:v28+s16+$0x0] =	vst.idx.msk $0xffff, v4  }
0x121: {  	v22 =	vld.idx.msk [tilespmem:v29+s13+$0x0], $0xffff;
	v31 =	vor.u32 v13, v62;
	[tilespmem:v38+s16+$0x0] =	vst.idx.msk $0xffff, v21  }
0x122: {  	v27 =	vand.u32 $0x3B8, v31;
	v38 =	vld [tilespmem:$0x1FD70]  }
0x123: {  	v23 =	vld.idx.msk [tilespmem:v23+s13+$0x0], $0xffff;
	v11 =	vor.u32 v27, v60  }
0x124: {  	v36 =	vmovc v51;
	v51 =	vmov v34;
	v29 =	vor.u32 v53, v56;
	v34 =	vor.u32 v14, v43  }
0x125: {  	v25 =	vor.u32 v16, v48;
	v28 =	vor.u32 v26, v57;
	v4 =	vor.u32 v13, v55;
	v31 =	vld.idx.msk [tilespmem:v6+s13+$0x0], $0xffff  }
0x126: {  	v21 =	vmul.f32 $8.000000000e+00, v24;
	v24 =	vand.u32 $0x3B8, v4  }
0x127: {  	v19 =	vld.idx.msk [tilespmem:v19+s13+$0x0], $0xffff;
	v22 =	vmul.f32 $8.000000000e+00, v22;
	v8 =	vor.u32 v38, v18;
	v18 =	vor.u32 v24, v17  }
0x128: {  	v6 =	vor.u32 v50, v30;
	[tilespmem:v11+s16+$0x0] =	vst.idx.msk $0xffff, v21;
	v11 =	vmul.f32 $8.000000000e+00, v23  }
0x129: {  	v29 =	vld.idx.msk [tilespmem:v29+s13+$0x0], $0xffff;
	v21 =	vor.u32 v32, v6;
	[tilespmem:v34+s16+$0x0] =	vst.idx.msk $0xffff, v22  }
0x12a: {  	v23 =	vld.idx.msk [tilespmem:v25+s13+$0x0], $0xffff;
	v25 =	vmul.f32 $8.000000000e+00, v31;
	[tilespmem:v28+s16+$0x0] =	vst.idx.msk $0xffff, v11  }
0x12b: {  	v7 =	vor.u32 v1, v15;
	v33 =	vor.u32 v1, v44;
	v1 =	vld [tilespmem:$0x1FFA0]  }
0x12c: {  	v19 =	vmul.f32 $8.000000000e+00, v19;
	v4 =	vld [tilespmem:$0x1FFB0];
	[tilespmem:v18+s16+$0x0] =	vst.idx.msk $0xffff, v25  }
0x12d: {  	v13 =	vld [tilespmem:$0x1FBE0]  }
0x12e: {  	v57 =	vmov v17;
	v17 =	vld [tilespmem:$0x1FD80];
	[tilespmem:v21+s16+$0x0] =	vst.idx.msk $0xffff, v19  }
0x12f: {  	v60 =	vor.u32 v16, v40;
	v20 =	vor.u32 v20, v8;
	v16 =	vld [tilespmem:$0x1FBF0]  }
0x130: {  	v22 =	vor.u32 v53, v0  }
0x131: {  	v53 =	vor.u32 v27, v37;
	v7 =	vld.idx.msk [tilespmem:v7+s13+$0x0], $0xffff  }
0x132: {  	v31 =	vld.idx.msk [tilespmem:v33+s13+$0x0], $0xffff;
	v18 =	vmul.f32 $8.000000000e+00, v29  }
0x133: {  	v11 =	vor.u32 v47, v56;
	v25 =	vor.u32 v42, v48;
	v14 =	vor.u32 v14, v13  }
0x134: {  	v29 =	vld.idx.msk [tilespmem:v60+s13+$0x0], $0xffff;
	[tilespmem:v20+s16+$0x0] =	vst.idx.msk $0xffff, v18;
	v20 =	vmul.f32 $8.000000000e+00, v23;
	v19 =	vor.u32 v26, v16  }
0x135: {  	v50 =	vmov v59;
	v18 =	vld.idx.msk [tilespmem:v22+s13+$0x0], $0xffff;
	v23 =	vor.u32 v24, v46  }
0x136: {  	v28 =	vor.u32 v1, v59;
	v59 =	vor.u32 v4, v15;
	[tilespmem:v53+s16+$0x0] =	vst.idx.msk $0xffff, v20;
	v26 =	vmul.f32 $8.000000000e+00, v7  }
0x137: {  	v21 =	vor.u32 v4, v44;
	v4 =	vld [tilespmem:$0x1FC00];
	v7 =	vor.u32 v38, v30;
	v30 =	vmul.f32 $8.000000000e+00, v31  }
0x138: {  	v11 =	vld.idx.msk [tilespmem:v11+s13+$0x0], $0xffff;
	[tilespmem:v14+s16+$0x0] =	vst.idx.msk $0xffff, v26  }
0x139: {  	v25 =	vld.idx.msk [tilespmem:v25+s13+$0x0], $0xffff;
	v26 =	vmul.f32 $8.000000000e+00, v29;
	[tilespmem:v19+s16+$0x0] =	vst.idx.msk $0xffff, v30  }
0x13a: {  	v20 =	vor.u32 v42, v40;
	v60 =	vor.u32 v17, v39;
	v42 =	vld [tilespmem:$0x1FE60]  }
0x13b: {  	v22 =	vand.u32 $0x398, v60;
	v31 =	vor.u32 v32, v7;
	v38 =	vld [tilespmem:$0x1FF00];
	[tilespmem:v23+s16+$0x0] =	vst.idx.msk $0xffff, v26  }
0x13c: {  	v37 =	vor.u32 v22, v4;
	v46 =	vld [tilespmem:$0x1FC10];
	_ =	sdelay $0x1  }
0x13d: {  	v53 =	vor.u32 v27, v58;
	v18 =	vmul.f32 $8.000000000e+00, v18;
	v21 =	vld.idx.msk [tilespmem:v21+s13+$0x0], $0xffff;
	v23 =	vor.u32 v1, v36  }
0x13e: {  	v11 =	vmul.f32 $8.000000000e+00, v11;
	v29 =	vld.idx.msk [tilespmem:v59+s13+$0x0], $0xffff;
	v23 =	vand.u32 $0x3E8, v23  }
0x13f: {  	v28 =	vand.u32 $0x3E8, v28;
	[tilespmem:v31+s16+$0x0] =	vst.idx.msk $0xffff, v18;
	v31 =	vor.u32 v23, v54  }
0x140: {  	v1 =	vld [tilespmem:$0x1FFC0];
	[tilespmem:v37+s16+$0x0] =	vst.idx.msk $0xffff, v11;
	v11 =	vmul.f32 $8.000000000e+00, v25;
	v26 =	vor.u32 v28, v46;
	_ =	sdelay $0x1  }
0x141: {  	[tilespmem:v53+s16+$0x0] =	vst.idx.msk $0xffff, v11;
	v11 =	vmul.f32 $8.000000000e+00, v21  }
0x142: {  	v14 =	vor.u32 v47, v0;
	v29 =	vmul.f32 $8.000000000e+00, v29  }
0x143: {  	v19 =	vor.u32 v42, v56;
	v59 =	vld [tilespmem:$0x1FC20];
	[tilespmem:v31+s16+$0x0] =	vst.idx.msk $0xffff, v11  }
0x144: {  	v30 =	vor.u32 v38, v48;
	[tilespmem:v26+s16+$0x0] =	vst.idx.msk $0xffff, v29  }
0x145: {  	v60 =	vmov v58;
	v58 =	vmov v54;
	v18 =	vor.u32 v1, v15;
	v54 =	vld [tilespmem:$0x1FDF0]  }
0x146: {  	v20 =	vld.idx.msk [tilespmem:v20+s13+$0x0], $0xffff  }
0x147: {  	v25 =	vld.idx.msk [tilespmem:v14+s13+$0x0], $0xffff  }
0x148: {  	v19 =	vld.idx.msk [tilespmem:v19+s13+$0x0], $0xffff  }
0x149: {  	v30 =	vld.idx.msk [tilespmem:v30+s13+$0x0], $0xffff  }
0x14a: {  	v32 =	vor.u32 v1, v44;
	v29 =	vld.idx.msk [tilespmem:v18+s13+$0x0], $0xffff;
	v1 =	vor.u32 v54, v15  }
0x14b: {  	[tilespmem:$0x1FC30] =	vst v1;
	v1 =	vld [tilespmem:$0x1FFF0]  }
0x14c: {  	v14 =	vor.u32 v17, v12  }
0x14d: {  	v34 =	vor.u32 v24, v51;
	v35 =	vand.u32 $0x398, v14  }
0x14e: {  	v47 =	vor.u32 v35, v61;
	_ =	sdelay $0x1  }
0x14f: {  	v20 =	vmul.f32 $8.000000000e+00, v20;
	v1 =	vor.u32 v1, v15  }
0x150: {  	v25 =	vmul.f32 $8.000000000e+00, v25;
	v21 =	vor.u32 v22, v59;
	v9 =	vld [tilespmem:$0x1FE70];
	[tilespmem:$0x1FC40] =	vst v1  }
0x151: {  	[tilespmem:v34+s16+$0x0] =	vst.idx.msk $0xffff, v20  }
0x152: {  	v1 =	vld [tilespmem:$0x1FDE0];
	[tilespmem:v47+s16+$0x0] =	vst.idx.msk $0xffff, v25  }
0x153: {  	v27 =	vor.u32 v27, v45;
	v19 =	vmul.f32 $8.000000000e+00, v19;
	v45 =	vld [tilespmem:$0x1FC50]  }
0x154: {  	v36 =	vor.u32 v38, v40;
	v32 =	vld.idx.msk [tilespmem:v32+s13+$0x0], $0xffff  }
0x155: {  	v31 =	vor.u32 v9, v56;
	v11 =	vld [tilespmem:$0x1FFD0];
	[tilespmem:v21+s16+$0x0] =	vst.idx.msk $0xffff, v19  }
0x156: {  	v14 =	vld [tilespmem:$0x1FDC0]  }
0x157: {  	v26 =	vor.u32 v42, v0;
	v42 =	vor.u32 v28, v2  }
0x158: {  	v19 =	vmul.f32 $8.000000000e+00, v30;
	v47 =	vor.u32 v23, v45  }
0x159: {  	v36 =	vld.idx.msk [tilespmem:v36+s13+$0x0], $0xffff  }
0x15a: {  	v29 =	vmul.f32 $8.000000000e+00, v29;
	v17 =	vld.idx.msk [tilespmem:v31+s13+$0x0], $0xffff;
	[tilespmem:v27+s16+$0x0] =	vst.idx.msk $0xffff, v19  }
0x15b: {  	v31 =	vmul.f32 $8.000000000e+00, v32;
	v30 =	vor.u32 v14, v50;
	v50 =	vld [tilespmem:$0x1FF10]  }
0x15c: {  	v26 =	vld.idx.msk [tilespmem:v26+s13+$0x0], $0xffff;
	v21 =	vor.u32 v11, v44;
	[tilespmem:v42+s16+$0x0] =	vst.idx.msk $0xffff, v29  }
0x15d: {  	v24 =	vor.u32 v24, v3;
	[tilespmem:v47+s16+$0x0] =	vst.idx.msk $0xffff, v31  }
0x15e: {  	v53 =	vor.u32 v35, v49;
	v20 =	vor.u32 v41, v48;
	v3 =	vld [tilespmem:$0x1FE80]  }
0x15f: {  	v25 =	vor.u32 v11, v15;
	v11 =	vld [tilespmem:$0x1FDD0]  }
0x160: {  	v34 =	vor.u32 v9, v0;
	v36 =	vmul.f32 $8.000000000e+00, v36;
	v19 =	vor.u32 v50, v62;
	v9 =	vld [tilespmem:$0x1FC60]  }
0x161: {  	v42 =	vand.u32 $0x3C8, v19;
	v19 =	vld.idx.msk [tilespmem:v21+s13+$0x0], $0xffff;
	v21 =	vmul.f32 $8.000000000e+00, v26  }
0x162: {  	v33 =	vld [tilespmem:$0x1FFE0];
	[tilespmem:v24+s16+$0x0] =	vst.idx.msk $0xffff, v36  }
0x163: {  	v20 =	vld.idx.msk [tilespmem:v20+s13+$0x0], $0xffff;
	[tilespmem:v53+s16+$0x0] =	vst.idx.msk $0xffff, v21  }
0x164: {  	v27 =	vor.u32 v41, v40;
	v2 =	vld [tilespmem:$0x1FC70]  }
0x165: {  	v29 =	vor.u32 v22, v5  }
0x166: {  	v25 =	vld.idx.msk [tilespmem:v25+s13+$0x0], $0xffff;
	v31 =	vor.u32 v3, v56  }
0x167: {  	v18 =	vor.u32 v1, v15;
	v17 =	vmul.f32 $8.000000000e+00, v17;
	v26 =	vor.u32 v42, v9  }
0x168: {  	v20 =	vmul.f32 $8.000000000e+00, v20;
	v24 =	vor.u32 v63, v48;
	v36 =	vor.u32 v28, v43  }
0x169: {  	v27 =	vld.idx.msk [tilespmem:v27+s13+$0x0], $0xffff;
	v37 =	vor.u32 v11, v15;
	v15 =	vor.u32 v33, v15;
	v32 =	vor.u32 v23, v2  }
0x16a: {  	v21 =	vor.u32 v50, v55;
	[tilespmem:v29+s16+$0x0] =	vst.idx.msk $0xffff, v17;
	v29 =	vld.idx.msk [tilespmem:v34+s13+$0x0], $0xffff;
	v2 =	vor.u32 v10, v48  }
0x16b: {  	v41 =	vand.u32 $0x3C8, v21;
	v25 =	vmul.f32 $8.000000000e+00, v25;
	v31 =	vld.idx.msk [tilespmem:v31+s13+$0x0], $0xffff;
	[tilespmem:$0x1FC80] =	vst v2  }
0x16c: {  	v34 =	vor.u32 v41, v57;
	v43 =	vmul.f32 $8.000000000e+00, v19;
	[tilespmem:v26+s16+$0x0] =	vst.idx.msk $0xffff, v20  }
0x16d: {  	v26 =	vor.u32 v35, v6;
	[tilespmem:v36+s16+$0x0] =	vst.idx.msk $0xffff, v25;
	v24 =	vld.idx.msk [tilespmem:v24+s13+$0x0], $0xffff  }
0x16e: {  	v15 =	vld.idx.msk [tilespmem:v15+s13+$0x0], $0xffff;
	[tilespmem:v32+s16+$0x0] =	vst.idx.msk $0xffff, v43  }
0x16f: {  	v27 =	vmul.f32 $8.000000000e+00, v27;
	v10 =	vld [tilespmem:$0x1FEA0]  }
0x170: {  	v29 =	vmul.f32 $8.000000000e+00, v29;
	[tilespmem:$0x1FC90] =	vst v62;
	v2 =	vld [tilespmem:$0x1FF60]  }
0x171: {  	v47 =	vmov v55;
	v55 =	vmov v51;
	v51 =	vld [tilespmem:$0x1FCA0];
	[tilespmem:v34+s16+$0x0] =	vst.idx.msk $0xffff, v27  }
0x172: {  	v50 =	vmov v57;
	v57 =	vmov v6;
	v6 =	vmov v4;
	v4 =	vld [tilespmem:$0x1FF40];
	[tilespmem:v26+s16+$0x0] =	vst.idx.msk $0xffff, v29  }
0x173: {  	v43 =	vld [tilespmem:$0x1FDB0]  }
0x174: {  	v21 =	vor.u32 v33, v44  }
0x175: {  	v22 =	vor.u32 v22, v8;
	_ =	sdelay $0x1  }
0x176: {  	v20 =	vor.u32 v63, v40  }
0x177: {  	v25 =	vor.u32 v3, v0;
	v27 =	vmul.f32 $8.000000000e+00, v31;
	v3 =	vor.u32 v43, v48  }
0x178: {  	v21 =	vld.idx.msk [tilespmem:v21+s13+$0x0], $0xffff;
	[tilespmem:$0x1FD40] =	vst v3  }
0x179: {  	v53 =	vor.u32 v52, v48;
	[tilespmem:v22+s16+$0x0] =	vst.idx.msk $0xffff, v27  }
0x17a: {  	v32 =	vor.u32 v10, v56;
	v62 =	vor.u32 v2, v62;
	v52 =	vor.u32 v42, v51;
	v2 =	vld [tilespmem:$0x1FCB0];
	_ =	sdelay $0x1  }
0x17b: {  	v28 =	vor.u32 v28, v13;
	v31 =	vor.u32 v4, v48;
	v20 =	vld.idx.msk [tilespmem:v20+s13+$0x0], $0xffff  }
0x17c: {  	v23 =	vor.u32 v23, v16;
	v22 =	vld.idx.msk [tilespmem:v25+s13+$0x0], $0xffff;
	v25 =	vmul.f32 $8.000000000e+00, v24  }
0x17d: {  	v26 =	vor.u32 v11, v44;
	v33 =	vld [tilespmem:$0x1FE90]  }
0x17e: {  	v15 =	vmul.f32 $8.000000000e+00, v15;
	v27 =	vld.idx.msk [tilespmem:v32+s13+$0x0], $0xffff;
	[tilespmem:v52+s16+$0x0] =	vst.idx.msk $0xffff, v25;
	v32 =	vor.u32 v41, v2  }
0x17f: {  	v19 =	vmov v8;
	v21 =	vmul.f32 $8.000000000e+00, v21;
	[tilespmem:$0x1FCC0] =	vst v48;
	v8 =	vld [tilespmem:$0x1FF50]  }
0x180: {  	v31 =	vld.idx.msk [tilespmem:v31+s13+$0x0], $0xffff;
	[tilespmem:v28+s16+$0x0] =	vst.idx.msk $0xffff, v15  }
0x181: {  	v3 =	vmov v60;
	[tilespmem:v23+s16+$0x0] =	vst.idx.msk $0xffff, v21;
	v20 =	vmul.f32 $8.000000000e+00, v20;
	v37 =	vld.idx.msk [tilespmem:v37+s13+$0x0], $0xffff  }
0x182: {  	v26 =	vld.idx.msk [tilespmem:v26+s13+$0x0], $0xffff;
	[tilespmem:$0x1FCD0] =	vst v3  }
0x183: {  	v34 =	vor.u32 v35, v7;
	v29 =	vld [tilespmem:$0x1FEB0];
	[tilespmem:v32+s16+$0x0] =	vst.idx.msk $0xffff, v20  }
0x184: {  	v24 =	vor.u32 v33, v39;
	v60 =	vmov v2;
	v2 =	vld [tilespmem:$0x1FCE0]  }
0x185: {  	v25 =	vor.u32 v4, v40;
	v24 =	vand.u32 $0x3A8, v24  }
0x186: {  	v22 =	vmul.f32 $8.000000000e+00, v22;
	v63 =	vor.u32 v8, v48;
	v48 =	vor.u32 v24, v6  }
0x187: {  	v28 =	vor.u32 v10, v0  }
0x188: {  	v15 =	vand.u32 $0x3F8, v30;
	v30 =	vor.u32 v42, v3;
	[tilespmem:v34+s16+$0x0] =	vst.idx.msk $0xffff, v22  }
0x189: {  	v20 =	vmul.f32 $8.000000000e+00, v27;
	v16 =	vor.u32 v14, v2;
	v2 =	vld [tilespmem:$0x1FDA0]  }
0x18a: {  	v32 =	vld.idx.msk [tilespmem:v25+s13+$0x0], $0xffff;
	[tilespmem:$0x1FCF0] =	vst v39  }
0x18b: {  	v22 =	vmul.f32 $8.000000000e+00, v31;
	[tilespmem:v48+s16+$0x0] =	vst.idx.msk $0xffff, v20  }
0x18c: {  	v20 =	vld.idx.msk [tilespmem:v28+s13+$0x0], $0xffff;
	[tilespmem:$0x1FD00] =	vst v12  }
0x18d: {  	v10 =	vor.u32 v15, v46;
	[tilespmem:v30+s16+$0x0] =	vst.idx.msk $0xffff, v22  }
0x18e: {  	v23 =	vor.u32 v2, v39;
	v2 =	vld [tilespmem:$0x1FD90];
	_ =	sdelay $0x1  }
0x18f: {  	v17 =	vmov v7;
	v7 =	vmov v50;
	v50 =	vmul.f32 $8.000000000e+00, v37  }
0x190: {  	v16 =	vand.u32 $0x3F8, v16  }
0x191: {  	v13 =	vor.u32 v16, v58;
	[tilespmem:v10+s16+$0x0] =	vst.idx.msk $0xffff, v50  }
0x192: {  	v30 =	vor.u32 v2, v56;
	v2 =	vld [tilespmem:$0x1FE00];
	_ =	sdelay $0x1  }
0x193: {  	s31 =	simm.s32 $0x6;
	v3 =	vlaneseq.u32;
	v26 =	vmul.f32 $8.000000000e+00, v26  }
0x194: {  	v27 =	vadd.s32 s31, v3;
	v28 =	vor.u32 v41, v55  }
0x195: {  	v52 =	vmov v6;
	v6 =	vand.u32 $0xF, v27;
	[tilespmem:v13+s16+$0x0] =	vst.idx.msk $0xffff, v26  }
0x196: {  	v10 =	vor.u32 v2, v6;
	v2 =	vld [tilespmem:$0x1FEC0]  }
0x197: {  	v32 =	vmul.f32 $8.000000000e+00, v32  }
0x198: {  	v25 =	vor.u32 v33, v12  }
0x199: {  	v25 =	vand.u32 $0x3A8, v25;
	v58 =	vmov v55;
	v55 =	vld.idx.msk [tilespmem:v63+s13+$0x0], $0xffff;
	[tilespmem:v28+s16+$0x0] =	vst.idx.msk $0xffff, v32  }
0x19a: {  	v38 =	vor.u32 v25, v61;
	v12 =	vor.u32 v29, v0;
	v63 =	vmov v0;
	v0 =	vld [tilespmem:$0x1FE20]  }
0x19b: {  	v13 =	vshll.u32 v27, $0x7;
	v27 =	vor.u32 v2, v56;
	v2 =	vld [tilespmem:$0x1FD10];
	_ =	sdelay $0x1  }
0x19c: {  	v21 =	vor.u32 v29, v56;
	v50 =	vld.idx.msk [tilespmem:v18+s13+$0x0], $0xffff;
	v18 =	vmul.f32 $8.000000000e+00, v20;
	_ =	sdelay $0x1  }
0x19d: {  	[tilespmem:v38+s16+$0x0] =	vst.idx.msk $0xffff, v18  }
0x19e: {  	v37 =	vor.u32 v0, v6;
	v0 =	vmov v2;
	v14 =	vor.u32 v42, v2;
	v2 =	vld [tilespmem:$0x1FD20];
	_ =	sdelay $0x1  }
0x19f: {  	v33 =	vld.idx.msk [tilespmem:v21+s13+$0x0], $0xffff;
	_ =	sdelay $0x1  }
0x1a0: {  	v31 =	vor.u32 v1, v44;
	v34 =	vor.u32 v24, v59  }
0x1a1: {  	v29 =	vor.u32 v15, v2;
	v2 =	vld [tilespmem:$0x1FE30];
	_ =	sdelay $0x1  }
0x1a2: {  	v18 =	vmul.f32 $8.000000000e+00, v33;
	_ =	sdelay $0x1  }
0x1a3: {  	v48 =	vld.idx.msk [tilespmem:v31+s13+$0x0], $0xffff;
	v31 =	vand.u32 $0x400, v13;
	[tilespmem:v34+s16+$0x0] =	vst.idx.msk $0xffff, v18  }
0x1a4: {  	v22 =	vmov v59;
	v59 =	vmov v6;
	v6 =	vor.u32 v2, v31;
	v2 =	vld [tilespmem:$0x1FE10];
	_ =	sdelay $0x3  }
0x1a5: {  	v11 =	vlaneseq.u32;
	v33 =	vld.idx.msk [tilespmem:v12+s13+$0x0], $0xffff  }
0x1a6: {  	v28 =	vor.u32 v11, v13;
	v12 =	vor.u32 v2, v31;
	v2 =	vld [tilespmem:$0x1FD30]  }
0x1a7: {  	v32 =	vand.u32 $0x388, v28;
	v28 =	vmul.f32 $8.000000000e+00, v55  }
0x1a8: {  	v50 =	vmul.f32 $8.000000000e+00, v50  }
0x1a9: {  	[tilespmem:v14+s16+$0x0] =	vst.idx.msk $0xffff, v28  }
0x1aa: {  	v34 =	vld.idx.msk [tilespmem:v27+s13+$0x0], $0xffff;
	[tilespmem:v29+s16+$0x0] =	vst.idx.msk $0xffff, v50  }
0x1ab: {  	v55 =	vmov v2;
	v27 =	vor.u32 v41, v2;
	v2 =	vld [tilespmem:$0x1FD40]  }
0x1ac: {  	v21 =	vor.u32 v8, v40;
	_ =	sdelay $0x4  }
0x1ad: {  	v46 =	vmovc v56;
	v35 =	vor.u32 v24, v5;
	v1 =	vmov v61;
	v36 =	vor.u32 v25, v49;
	v26 =	vld.idx.msk [tilespmem:v21+s13+$0x0], $0xffff  }
0x1ae: {  	v61 =	vmovc v40;
	v20 =	vand.u32 $0x3D8, v62;
	v62 =	vmovc v44;
	v21 =	vor.u32 v16, v45;
	v38 =	vld.idx.msk [tilespmem:v10+s13+$0x0], $0xffff;
	v56 =	vmul.f32 $8.000000000e+00, v48  }
0x1af: {  	s25 =	simm.s32 $0x7;
	s24 =	simm.s32 $0x8;
	s23 =	sshll.u32 s22, $0x8;
	v18 =	vor.u32 v54, v44;
	v28 =	vor.u32 v43, v40;
	v39 =	vor.u32 v32, v12;
	v29 =	vld.idx.msk [tilespmem:v2+s13+$0x0], $0xffff  }
.LBB2_3:
0x1b0: {  	v2 =	vld [tilespmem:$0x1FEC0];
	_ =	sdelay $0x4  }
0x1b1: {  	v41 =	vor.u32 v2, v63;
	v2 =	vld [tilespmem:$0x1FC30];
	_ =	sdelay $0x7  }
0x1b2: {  	v42 =	vld.idx.msk [tilespmem:v2+s13+$0x0], $0xffff  }
0x1b3: {  	v2 =	vld [tilespmem:$0x1FBD0];
	_ =	sdelay $0x4  }
0x1b4: {  	v14 =	vmul.f32 $8.000000000e+00, v38;
	v38 =	vor.u32 v15, v2;
	v2 =	vld [tilespmem:$0x1FCD0];
	_ =	sdelay $0x4  }
0x1b5: {  	v54 =	vmov v2;
	v2 =	vld [tilespmem:$0x1FE00];
	_ =	sdelay $0x2  }
0x1b6: {  	v40 =	vadd.s32 s25, v11  }
0x1b7: {  	[tilespmem:v21+s16+$0x0] =	vst.idx.msk $0xffff, v56;
	v21 =	vand.u32 $0xF, v40  }
0x1b8: {  	v50 =	vmov v5;
	v5 =	vor.u32 v2, v21;
	v2 =	vld [tilespmem:$0x1FF60]  }
0x1b9: {  	v26 =	vmul.f32 $8.000000000e+00, v26;
	_ =	sdelay $0x1  }
0x1ba: {  	v43 =	vld.idx.msk [tilespmem:v18+s13+$0x0], $0xffff;
	[tilespmem:v27+s16+$0x0] =	vst.idx.msk $0xffff, v26;
	v18 =	vmul.f32 $8.000000000e+00, v33  }
0x1bb: {  	v28 =	vld.idx.msk [tilespmem:v28+s13+$0x0], $0xffff;
	[tilespmem:v39+s16+$0x0] =	vst.idx.msk $0xffff, v14;
	v14 =	vmul.f32 $8.000000000e+00, v34  }
0x1bc: {  	[tilespmem:v36+s16+$0x0] =	vst.idx.msk $0xffff, v18;
	v8 =	vld.idx.msk [tilespmem:v37+s13+$0x0], $0xffff;
	v18 =	vor.u32 v2, v47  }
0x1bd: {  	v4 =	vlaneseq.u32;
	[tilespmem:v35+s16+$0x0] =	vst.idx.msk $0xffff, v14;
	v2 =	vld [tilespmem:$0x1FC70];
	v14 =	vand.u32 $0x3D8, v18;
	v18 =	vshll.u32 v40, $0x7  }
0x1be: {  	v48 =	vmov v21;
	v21 =	vor.u32 v4, v18;
	v4 =	vld [tilespmem:$0x1FE10];
	_ =	sdelay $0x1  }
0x1bf: {  	v5 =	vld.idx.msk [tilespmem:v5+s13+$0x0], $0xffff  }
0x1c0: {  	v10 =	vld [tilespmem:$0x1FFF0]  }
0x1c1: {  	v27 =	vand.u32 $0x400, v18;
	v34 =	vor.u32 v16, v2;
	v2 =	vld [tilespmem:$0x1FD90]  }
0x1c2: {  	v26 =	vmul.f32 $8.000000000e+00, v42;
	v3 =	vor.u32 v4, v27;
	v4 =	vld [tilespmem:$0x1FC40]  }
0x1c3: {  	v30 =	vld.idx.msk [tilespmem:v30+s13+$0x0], $0xffff  }
0x1c4: {  	[tilespmem:v38+s16+$0x0] =	vst.idx.msk $0xffff, v26;
	v26 =	vand.u32 $0x388, v21;
	v21 =	vmov v58;
	v58 =	vmul.f32 $8.000000000e+00, v5;
	v5 =	vld [tilespmem:$0x1FBF0]  }
0x1c5: {  	v35 =	vld.idx.msk [tilespmem:v41+s13+$0x0], $0xffff  }
0x1c6: {  	v44 =	vmovc v61;
	v61 =	vmov v63;
	v33 =	vor.u32 v20, v9;
	v36 =	vor.u32 v10, v62;
	v42 =	vld [tilespmem:$0x1FF90]  }
0x1c7: {  	[tilespmem:$0x1FB80] =	vst v47;
	v40 =	vor.u32 v2, v61;
	v2 =	vld [tilespmem:$0x1FF70]  }
0x1c8: {  	[tilespmem:$0x1FBB0] =	vst v7;
	v45 =	vmul.f32 $8.000000000e+00, v43;
	v47 =	vmovc v9;
	v9 =	vmovc v13;
	v13 =	vmov v7;
	v37 =	vor.u32 v14, v7;
	v7 =	vld [tilespmem:$0x1FE40]  }
0x1c9: {  	v29 =	vmul.f32 $8.000000000e+00, v29;
	v16 =	vor.u32 v16, v5;
	v5 =	vld [tilespmem:$0x1FD00]  }
0x1ca: {  	[tilespmem:v34+s16+$0x0] =	vst.idx.msk $0xffff, v45;
	v11 =	vld.idx.msk [tilespmem:v4+s13+$0x0], $0xffff  }
0x1cb: {  	v28 =	vmul.f32 $8.000000000e+00, v28;
	[tilespmem:v33+s16+$0x0] =	vst.idx.msk $0xffff, v29;
	v29 =	vld.idx.msk [tilespmem:v36+s13+$0x0], $0xffff  }
0x1cc: {  	v39 =	vor.u32 v32, v6;
	v41 =	vor.u32 v2, v44;
	v4 =	vld [tilespmem:$0x1FE20]  }
0x1cd: {  	[tilespmem:v37+s16+$0x0] =	vst.idx.msk $0xffff, v28;
	v2 =	vmov v59;
	v28 =	vor.u32 v7, v59;
	v59 =	vmov v0;
	v0 =	vld [tilespmem:$0x1FE30]  }
0x1ce: {  	[tilespmem:$0x1FBC0] =	vst v6;
	v24 =	vor.u32 v24, v19;
	v37 =	vld [tilespmem:$0x1FEE0]  }
0x1cf: {  	v56 =	vmovc v49;
	v49 =	vor.u32 v25, v57;
	v62 =	vmovc v6;
	v6 =	vmov v19;
	v8 =	vmul.f32 $8.000000000e+00, v8;
	v19 =	vld.idx.msk [tilespmem:v53+s13+$0x0], $0xffff  }
0x1d0: {  	v53 =	vld [tilespmem:$0x1FBE0]  }
0x1d1: {  	[tilespmem:v39+s16+$0x0] =	vst.idx.msk $0xffff, v8;
	v8 =	vmul.f32 $8.000000000e+00, v30;
	v39 =	vld [tilespmem:$0x1FD50]  }
0x1d2: {  	v35 =	vmul.f32 $8.000000000e+00, v35;
	v36 =	vld.idx.msk [tilespmem:v41+s13+$0x0], $0xffff  }
0x1d3: {  	[tilespmem:v24+s16+$0x0] =	vst.idx.msk $0xffff, v8;
	v41 =	vld [tilespmem:$0x1FED0]  }
0x1d4: {  	v34 =	vor.u32 v26, v3;
	[tilespmem:v49+s16+$0x0] =	vst.idx.msk $0xffff, v35;
	v49 =	vmov v22;
	v22 =	vmov v6;
	v6 =	vld.idx.msk [tilespmem:v28+s13+$0x0], $0xffff  }
0x1d5: {  	v43 =	vmov v55;
	v55 =	vor.u32 v0, v27;
	v0 =	vld [tilespmem:$0x1FC80]  }
0x1d6: {  	v33 =	vor.u32 v4, v48;
	v15 =	vor.u32 v15, v53;
	v53 =	vld [tilespmem:$0x1FF80]  }
0x1d7: {  	v35 =	vld [tilespmem:$0x1FD60]  }
0x1d8: {  	v30 =	vld.idx.msk [tilespmem:v40+s13+$0x0], $0xffff;
	v38 =	vor.u32 v41, v46  }
0x1d9: {  	v63 =	vor.u32 v20, v51;
	[tilespmem:v34+s16+$0x0] =	vst.idx.msk $0xffff, v58;
	v58 =	vmov v57;
	v57 =	vld [tilespmem:$0x1FCC0]  }
0x1da: {  	[tilespmem:$0x1FCA0] =	vst v51;
	v4 =	vor.u32 v14, v60;
	v11 =	vmul.f32 $8.000000000e+00, v11;
	v40 =	vmov v51;
	v51 =	vld [tilespmem:$0x1FDA0]  }
0x1db: {  	v25 =	vor.u32 v25, v17;
	v29 =	vmul.f32 $8.000000000e+00, v29;
	v33 =	vld.idx.msk [tilespmem:v33+s13+$0x0], $0xffff;
	v24 =	vor.u32 v53, v44  }
0x1dc: {  	v45 =	vor.u32 v39, v31;
	v19 =	vmul.f32 $8.000000000e+00, v19;
	[tilespmem:v15+s16+$0x0] =	vst.idx.msk $0xffff, v11;
	v15 =	vmul.f32 $8.000000000e+00, v36;
	v36 =	vld [tilespmem:$0x1FD70]  }
0x1dd: {  	[tilespmem:v16+s16+$0x0] =	vst.idx.msk $0xffff, v29;
	v16 =	vor.u32 v32, v45;
	v29 =	vld.idx.msk [tilespmem:v38+s13+$0x0], $0xffff  }
0x1de: {  	v28 =	vor.u32 v26, v55;
	v11 =	vor.u32 v41, v61;
	[tilespmem:v63+s16+$0x0] =	vst.idx.msk $0xffff, v19;
	v38 =	vld [tilespmem:$0x1FFB0]  }
0x1df: {  	v30 =	vmul.f32 $8.000000000e+00, v30;
	[tilespmem:v4+s16+$0x0] =	vst.idx.msk $0xffff, v15;
	v4 =	vor.u32 v35, v2;
	v34 =	vld.idx.msk [tilespmem:v0+s13+$0x0], $0xffff  }
0x1e0: {  	v8 =	vmovc v17;
	v17 =	vand.u32 $0x3B8, v23;
	v6 =	vmul.f32 $8.000000000e+00, v6;
	v19 =	vor.u32 v7, v48;
	v7 =	vld.idx.msk [tilespmem:v24+s13+$0x0], $0xffff  }
0x1e1: {  	v23 =	vor.u32 v17, v52;
	v15 =	vmul.f32 $8.000000000e+00, v33;
	[tilespmem:v25+s16+$0x0] =	vst.idx.msk $0xffff, v30;
	v0 =	vld [tilespmem:$0x1FE50]  }
0x1e2: {  	v24 =	vor.u32 v42, v57;
	v25 =	vor.u32 v37, v46;
	[tilespmem:v16+s16+$0x0] =	vst.idx.msk $0xffff, v6;
	v6 =	vld [tilespmem:$0x1FFA0]  }
0x1e3: {  	v30 =	vor.u32 v20, v54;
	v41 =	vor.u32 v36, v31;
	v11 =	vld.idx.msk [tilespmem:v11+s13+$0x0], $0xffff;
	[tilespmem:v28+s16+$0x0] =	vst.idx.msk $0xffff, v15  }
0x1e4: {  	v15 =	vor.u32 v51, v5;
	v28 =	vor.u32 v14, v21;
	v63 =	vld.idx.msk [tilespmem:v4+s13+$0x0], $0xffff;
	v29 =	vmul.f32 $8.000000000e+00, v29  }
0x1e5: {  	v16 =	vld.idx.msk [tilespmem:v19+s13+$0x0], $0xffff;
	v19 =	vand.u32 $0x3B8, v15;
	v15 =	vor.u32 v42, v44;
	v42 =	vor.u32 v39, v27  }
0x1e6: {  	v39 =	vld [tilespmem:$0x1FEF0];
	v31 =	vor.u32 v19, v1;
	v34 =	vmul.f32 $8.000000000e+00, v34;
	v7 =	vmul.f32 $8.000000000e+00, v7;
	[tilespmem:v23+s16+$0x0] =	vst.idx.msk $0xffff, v29  }
0x1e7: {  	v23 =	vor.u32 v37, v61;
	v29 =	vor.u32 v32, v41;
	v32 =	vor.u32 v26, v42;
	v37 =	vld [tilespmem:$0x1FD80]  }
0x1e8: {  	v25 =	vld.idx.msk [tilespmem:v25+s13+$0x0], $0xffff;
	[tilespmem:v30+s16+$0x0] =	vst.idx.msk $0xffff, v34;
	v30 =	vor.u32 v35, v48  }
0x1e9: {  	v20 =	vor.u32 v20, v59;
	v11 =	vmul.f32 $8.000000000e+00, v11;
	[tilespmem:v28+s16+$0x0] =	vst.idx.msk $0xffff, v7;
	v24 =	vld.idx.msk [tilespmem:v24+s13+$0x0], $0xffff  }
0x1ea: {  	v7 =	vor.u32 v0, v2;
	v34 =	vor.u32 v17, v49;
	v15 =	vld.idx.msk [tilespmem:v15+s13+$0x0], $0xffff;
	v16 =	vmul.f32 $8.000000000e+00, v16  }
0x1eb: {  	v4 =	vmov v1;
	v1 =	vld [tilespmem:$0x1FC90];
	v33 =	vor.u32 v39, v46;
	[tilespmem:v31+s16+$0x0] =	vst.idx.msk $0xffff, v11;
	v31 =	vmul.f32 $8.000000000e+00, v63  }
0x1ec: {  	v14 =	vor.u32 v14, v43;
	v23 =	vld.idx.msk [tilespmem:v23+s13+$0x0], $0xffff;
	v63 =	vor.u32 v37, v9;
	[tilespmem:v32+s16+$0x0] =	vst.idx.msk $0xffff, v16  }
0x1ed: {  	[tilespmem:v29+s16+$0x0] =	vst.idx.msk $0xffff, v31;
	v29 =	vld.idx.msk [tilespmem:v30+s13+$0x0], $0xffff;
	v25 =	vmul.f32 $8.000000000e+00, v25;
	v30 =	vor.u32 v38, v44  }
0x1ee: {  	v16 =	vand.u32 $0x398, v63;
	v63 =	vor.u32 v19, v56;
	v24 =	vmul.f32 $8.000000000e+00, v24  }
0x1ef: {  	v31 =	vld.idx.msk [tilespmem:v7+s13+$0x0], $0xffff;
	[tilespmem:v34+s16+$0x0] =	vst.idx.msk $0xffff, v25;
	v15 =	vmul.f32 $8.000000000e+00, v15  }
0x1f0: {  	v33 =	vld.idx.msk [tilespmem:v33+s13+$0x0], $0xffff;
	[tilespmem:v20+s16+$0x0] =	vst.idx.msk $0xffff, v24  }
0x1f1: {  	v28 =	vor.u32 v6, v1;
	v20 =	vor.u32 v0, v48;
	v0 =	vld [tilespmem:$0x1FE60];
	v23 =	vmul.f32 $8.000000000e+00, v23;
	[tilespmem:v14+s16+$0x0] =	vst.idx.msk $0xffff, v15  }
0x1f2: {  	v15 =	vand.u32 $0x3E8, v28;
	v28 =	vld.idx.msk [tilespmem:v30+s13+$0x0], $0xffff  }
0x1f3: {  	[tilespmem:v63+s16+$0x0] =	vst.idx.msk $0xffff, v23;
	v63 =	vld [tilespmem:$0x1FB80]  }
0x1f4: {  	v11 =	vor.u32 v38, v57  }
0x1f5: {  	v7 =	vor.u32 v36, v27;
	v36 =	vld [tilespmem:$0x1FF00]  }
0x1f6: {  	v25 =	vor.u32 v39, v61;
	v26 =	vor.u32 v26, v7  }
0x1f7: {  	v27 =	vor.u32 v16, v12  }
0x1f8: {  	v14 =	vor.u32 v0, v2;
	v23 =	vor.u32 v6, v63;
	v6 =	vld [tilespmem:$0x1FFC0]  }
0x1f9: {  	v11 =	vld.idx.msk [tilespmem:v11+s13+$0x0], $0xffff;
	v29 =	vmul.f32 $8.000000000e+00, v29;
	v30 =	vor.u32 v17, v50  }
0x1fa: {  	[tilespmem:$0x1FB90] =	vst v56;
	v56 =	vor.u32 v19, v58;
	v38 =	vor.u32 v36, v46;
	v31 =	vmul.f32 $8.000000000e+00, v31  }
0x1fb: {  	v39 =	vor.u32 v15, v47;
	v32 =	vld.idx.msk [tilespmem:v25+s13+$0x0], $0xffff;
	[tilespmem:v26+s16+$0x0] =	vst.idx.msk $0xffff, v29;
	v24 =	vand.u32 $0x3E8, v23  }
0x1fc: {  	[tilespmem:v27+s16+$0x0] =	vst.idx.msk $0xffff, v31;
	v20 =	vld.idx.msk [tilespmem:v20+s13+$0x0], $0xffff;
	v27 =	vmul.f32 $8.000000000e+00, v33;
	v26 =	vor.u32 v24, v13  }
0x1fd: {  	v35 =	vor.u32 v0, v48;
	v31 =	vld.idx.msk [tilespmem:v14+s13+$0x0], $0xffff;
	v14 =	vor.u32 v37, v18;
	v23 =	vor.u32 v6, v57  }
0x1fe: {  	v0 =	vld [tilespmem:$0x1FE70];
	v11 =	vmul.f32 $8.000000000e+00, v11;
	[tilespmem:v30+s16+$0x0] =	vst.idx.msk $0xffff, v27;
	v27 =	vor.u32 v36, v61;
	v29 =	vor.u32 v6, v44  }
0x1ff: {  	v25 =	vand.u32 $0x398, v14;
	v14 =	vmul.f32 $8.000000000e+00, v28;
	v28 =	vor.u32 v16, v62;
	v34 =	vld.idx.msk [tilespmem:v38+s13+$0x0], $0xffff  }
0x200: {  	[tilespmem:v39+s16+$0x0] =	vst.idx.msk $0xffff, v11;
	v11 =	vld [tilespmem:$0x1FFD0];
	v30 =	vor.u32 v25, v3  }
0x201: {  	v32 =	vmul.f32 $8.000000000e+00, v32;
	[tilespmem:v26+s16+$0x0] =	vst.idx.msk $0xffff, v14;
	v14 =	vld [tilespmem:$0x1FDF0]  }
0x202: {  	v31 =	vmul.f32 $8.000000000e+00, v31;
	v23 =	vld.idx.msk [tilespmem:v23+s13+$0x0], $0xffff  }
0x203: {  	v62 =	vmul.f32 $8.000000000e+00, v20;
	v29 =	vld.idx.msk [tilespmem:v29+s13+$0x0], $0xffff;
	[tilespmem:v56+s16+$0x0] =	vst.idx.msk $0xffff, v32  }
0x204: {  	[tilespmem:v28+s16+$0x0] =	vst.idx.msk $0xffff, v31;
	v27 =	vld.idx.msk [tilespmem:v27+s13+$0x0], $0xffff  }
0x205: {  	v31 =	vmul.f32 $8.000000000e+00, v34;
	v34 =	vor.u32 v11, v44;
	[tilespmem:v30+s16+$0x0] =	vst.idx.msk $0xffff, v62;
	v30 =	vor.u32 v11, v57;
	v11 =	vld [tilespmem:$0x1FDC0]  }
0x206: {  	v6 =	vor.u32 v14, v57  }
0x207: {  	[tilespmem:$0x1FC30] =	vst v6;
	v6 =	vor.u32 v10, v57  }
0x208: {  	[tilespmem:$0x1FC40] =	vst v6;
	v6 =	vld [tilespmem:$0x1FF20];
	_ =	sdelay $0x1  }
0x209: {  	v26 =	vor.u32 v0, v2;
	v37 =	vor.u32 v11, v1;
	v1 =	vld [tilespmem:$0x1FCF0]  }
0x20a: {  	v17 =	vor.u32 v17, v22  }
0x20b: {  	v56 =	vor.u32 v24, v60  }
0x20c: {  	v62 =	vld [tilespmem:$0x1FF10];
	v32 =	vor.u32 v6, v46  }
0x20d: {  	v33 =	vor.u32 v15, v40;
	v28 =	vld.idx.msk [tilespmem:v35+s13+$0x0], $0xffff  }
0x20e: {  	v35 =	vld.idx.msk [tilespmem:v26+s13+$0x0], $0xffff;
	v40 =	vmov v1;
	v1 =	vmul.f32 $8.000000000e+00, v29  }
0x20f: {  	[tilespmem:v17+s16+$0x0] =	vst.idx.msk $0xffff, v31;
	v10 =	vld [tilespmem:$0x1FDE0]  }
0x210: {  	v23 =	vmul.f32 $8.000000000e+00, v23;
	[tilespmem:v56+s16+$0x0] =	vst.idx.msk $0xffff, v1;
	v1 =	vld [tilespmem:$0x1FDD0]  }
0x211: {  	v32 =	vld.idx.msk [tilespmem:v32+s13+$0x0], $0xffff  }
0x212: {  	[tilespmem:v33+s16+$0x0] =	vst.idx.msk $0xffff, v23;
	v23 =	vor.u32 v0, v48;
	v0 =	vmul.f32 $8.000000000e+00, v27;
	v27 =	vmov v46;
	v46 =	vld [tilespmem:$0x1FFE0]  }
0x213: {  	v19 =	vor.u32 v19, v8;
	v31 =	vor.u32 v6, v61;
	v6 =	vld [tilespmem:$0x1FE80]  }
0x214: {  	[tilespmem:$0x1FCB0] =	vst v60;
	v60 =	vor.u32 v25, v55  }
0x215: {  	v17 =	vor.u32 v62, v40  }
0x216: {  	v20 =	vor.u32 v10, v57;
	v29 =	vor.u32 v16, v45;
	v26 =	vand.u32 $0x3C8, v17;
	v34 =	vld.idx.msk [tilespmem:v34+s13+$0x0], $0xffff  }
0x217: {  	v17 =	vmul.f32 $8.000000000e+00, v28;
	v33 =	vor.u32 v1, v57;
	v36 =	vor.u32 v46, v57;
	v57 =	vld [tilespmem:$0x1FF30]  }
0x218: {  	v56 =	vmov v9;
	v13 =	vor.u32 v6, v2;
	v30 =	vld.idx.msk [tilespmem:v30+s13+$0x0], $0xffff;
	v9 =	vmov v27;
	[tilespmem:v19+s16+$0x0] =	vst.idx.msk $0xffff, v0  }
0x219: {  	v28 =	vor.u32 v26, v52;
	v0 =	vor.u32 v53, v9;
	v31 =	vld.idx.msk [tilespmem:v31+s13+$0x0], $0xffff;
	[tilespmem:v60+s16+$0x0] =	vst.idx.msk $0xffff, v17  }
0x21a: {  	v19 =	vmul.f32 $8.000000000e+00, v35;
	[tilespmem:$0x1FC80] =	vst v0;
	v0 =	vld [tilespmem:$0x1FF70]  }
0x21b: {  	[tilespmem:$0x1FBD0] =	vst v54;
	v39 =	vor.u32 v15, v54;
	v17 =	vor.u32 v62, v5;
	v62 =	vld.idx.msk [tilespmem:v23+s13+$0x0], $0xffff  }
0x21c: {  	v54 =	vmov v2;
	[tilespmem:v29+s16+$0x0] =	vst.idx.msk $0xffff, v19;
	v2 =	vmul.f32 $8.000000000e+00, v32;
	v35 =	vor.u32 v57, v27  }
0x21d: {  	v13 =	vld.idx.msk [tilespmem:v13+s13+$0x0], $0xffff  }
0x21e: {  	v38 =	vor.u32 v24, v21;
	[tilespmem:v28+s16+$0x0] =	vst.idx.msk $0xffff, v2;
	v2 =	vld [tilespmem:$0x1FDB0]  }
0x21f: {  	v16 =	vor.u32 v16, v41;
	v60 =	vmovc v48;
	v23 =	vor.u32 v46, v44;
	v53 =	vor.u32 v0, v9;
	v0 =	vld [tilespmem:$0x1FF60]  }
0x220: {  	v29 =	vmul.f32 $8.000000000e+00, v30;
	v19 =	vmovc v41;
	v41 =	vor.u32 v26, v49;
	v48 =	vmul.f32 $8.000000000e+00, v62;
	v62 =	vmovc v49;
	v49 =	vld [tilespmem:$0x1FF50]  }
0x221: {  	[tilespmem:$0x1FBA0] =	vst v12;
	v12 =	vmov v3;
	v30 =	vmul.f32 $8.000000000e+00, v34;
	v27 =	vand.u32 $0x3C8, v17;
	v35 =	vld.idx.msk [tilespmem:v35+s13+$0x0], $0xffff  }
0x222: {  	v3 =	vmov v45;
	v45 =	vor.u32 v27, v4;
	[tilespmem:v39+s16+$0x0] =	vst.idx.msk $0xffff, v29;
	v39 =	vor.u32 v6, v60;
	v6 =	vld [tilespmem:$0x1FEA0]  }
0x223: {  	[tilespmem:v38+s16+$0x0] =	vst.idx.msk $0xffff, v30;
	v28 =	vor.u32 v57, v61;
	v17 =	vld [tilespmem:$0x1FF40]  }
0x224: {  	[tilespmem:$0x1FC90] =	vst v40;
	v46 =	vor.u32 v25, v42;
	v13 =	vmul.f32 $8.000000000e+00, v13;
	v38 =	vor.u32 v0, v40;
	v40 =	vld.idx.msk [tilespmem:v23+s13+$0x0], $0xffff  }
0x225: {  	v31 =	vmul.f32 $8.000000000e+00, v31;
	v36 =	vld.idx.msk [tilespmem:v36+s13+$0x0], $0xffff  }
0x226: {  	[tilespmem:v16+s16+$0x0] =	vst.idx.msk $0xffff, v13;
	v16 =	vor.u32 v1, v44;
	v1 =	vld [tilespmem:$0x1FE90]  }
0x227: {  	v0 =	vld [tilespmem:$0x1FD90];
	[tilespmem:v45+s16+$0x0] =	vst.idx.msk $0xffff, v31;
	v30 =	vor.u32 v6, v54  }
0x228: {  	[tilespmem:$0x1FCC0] =	vst v9;
	v31 =	vor.u32 v17, v9;
	v28 =	vld.idx.msk [tilespmem:v28+s13+$0x0], $0xffff  }
0x229: {  	v15 =	vor.u32 v15, v59;
	[tilespmem:v46+s16+$0x0] =	vst.idx.msk $0xffff, v48;
	v48 =	vld [tilespmem:$0x1FB90]  }
0x22a: {  	v57 =	vmovc v42;
	v29 =	vor.u32 v2, v9;
	v42 =	vor.u32 v49, v9;
	v13 =	vld.idx.msk [tilespmem:v39+s13+$0x0], $0xffff;
	v9 =	vmul.f32 $8.000000000e+00, v35  }
0x22b: {  	[tilespmem:$0x1FCF0] =	vst v56;
	v32 =	vor.u32 v24, v43;
	v23 =	vor.u32 v51, v56;
	v24 =	vor.u32 v1, v56;
	v56 =	vld [tilespmem:$0x1FBA0]  }
0x22c: {  	v35 =	vld.idx.msk [tilespmem:v30+s13+$0x0], $0xffff;
	v30 =	vmul.f32 $8.000000000e+00, v36;
	[tilespmem:v41+s16+$0x0] =	vst.idx.msk $0xffff, v9  }
0x22d: {  	v31 =	vld.idx.msk [tilespmem:v31+s13+$0x0], $0xffff  }
0x22e: {  	[tilespmem:v15+s16+$0x0] =	vst.idx.msk $0xffff, v30;
	v30 =	vor.u32 v0, v54;
	v0 =	vld [tilespmem:$0x1FE00]  }
0x22f: {  	v51 =	vld [tilespmem:$0x1FEB0];
	v45 =	vlaneseq.u32;
	v40 =	vmul.f32 $8.000000000e+00, v40;
	v39 =	vor.u32 v27, v48  }
0x230: {  	v25 =	vor.u32 v25, v7;
	v34 =	vadd.s32 s24, v45;
	v36 =	vor.u32 v17, v61  }
0x231: {  	v46 =	vand.u32 $0xF, v34;
	[tilespmem:v32+s16+$0x0] =	vst.idx.msk $0xffff, v40;
	v24 =	vand.u32 $0x3A8, v24  }
0x232: {  	v28 =	vmul.f32 $8.000000000e+00, v28;
	v41 =	vor.u32 v24, v56;
	v15 =	vand.u32 $0x3F8, v37;
	v37 =	vld.idx.msk [tilespmem:v16+s13+$0x0], $0xffff  }
0x233: {  	[tilespmem:$0x1FBF0] =	vst v43;
	v13 =	vmul.f32 $8.000000000e+00, v13;
	v16 =	vor.u32 v11, v63;
	v63 =	vmovc v18;
	v18 =	vor.u32 v0, v46;
	v0 =	vld [tilespmem:$0x1FBB0]  }
0x234: {  	v43 =	vor.u32 v6, v60;
	v32 =	vor.u32 v51, v54;
	[tilespmem:v39+s16+$0x0] =	vst.idx.msk $0xffff, v28  }
0x235: {  	v28 =	vmul.f32 $8.000000000e+00, v35;
	v35 =	vld.idx.msk [tilespmem:v36+s13+$0x0], $0xffff;
	[tilespmem:v25+s16+$0x0] =	vst.idx.msk $0xffff, v13;
	v25 =	vor.u32 v1, v63  }
0x236: {  	v40 =	vor.u32 v26, v50;
	v17 =	vmovc v7;
	v7 =	vmovc v4;
	v4 =	vmov v12;
	v33 =	vld.idx.msk [tilespmem:v33+s13+$0x0], $0xffff;
	v25 =	vand.u32 $0x3A8, v25  }
0x237: {  	v16 =	vand.u32 $0x3F8, v16;
	v1 =	vmov v4;
	[tilespmem:v41+s16+$0x0] =	vst.idx.msk $0xffff, v28;
	v41 =	vor.u32 v25, v4;
	v4 =	vld [tilespmem:$0x1FCA0]  }
0x238: {  	[tilespmem:$0x1FBE0] =	vst v59;
	v59 =	vor.u32 v16, v0;
	v0 =	vld [tilespmem:$0x1FE20]  }
0x239: {  	v6 =	vld [tilespmem:$0x1FBC0]  }
0x23a: {  	[tilespmem:$0x1FCD0] =	vst v50;
	v36 =	vor.u32 v15, v47;
	v13 =	vmul.f32 $8.000000000e+00, v31;
	v28 =	vld.idx.msk [tilespmem:v43+s13+$0x0], $0xffff  }
0x23b: {  	[tilespmem:$0x1FC70] =	vst v21;
	v37 =	vmul.f32 $8.000000000e+00, v37;
	v21 =	vld.idx.msk [tilespmem:v32+s13+$0x0], $0xffff  }
0x23c: {  	v31 =	vor.u32 v10, v44;
	[tilespmem:v40+s16+$0x0] =	vst.idx.msk $0xffff, v13;
	v40 =	vor.u32 v15, v4;
	v4 =	vld [tilespmem:$0x1FE30]  }
0x23d: {  	v33 =	vmul.f32 $8.000000000e+00, v33;
	[tilespmem:v59+s16+$0x0] =	vst.idx.msk $0xffff, v37;
	v37 =	vor.u32 v0, v46;
	v0 =	vld [tilespmem:$0x1FEC0]  }
0x23e: {  	v50 =	vor.u32 v49, v61;
	v49 =	vmovc v55;
	v12 =	vor.u32 v24, v6;
	v47 =	vmovc v5;
	v5 =	vmov v3;
	v3 =	vld [tilespmem:$0x1FCB0]  }
0x23f: {  	v55 =	vmov v8;
	v32 =	vor.u32 v27, v58;
	v13 =	vshll.u32 v34, $0x7;
	v42 =	vld.idx.msk [tilespmem:v42+s13+$0x0], $0xffff;
	[tilespmem:v36+s16+$0x0] =	vst.idx.msk $0xffff, v33  }
0x240: {  	v9 =	vmovc v52;
	v33 =	vor.u32 v51, v60;
	v51 =	vmul.f32 $8.000000000e+00, v35;
	v36 =	vor.u32 v45, v13;
	v35 =	vld.idx.msk [tilespmem:v20+s13+$0x0], $0xffff  }
0x241: {  	[tilespmem:$0x1FD00] =	vst v63;
	v63 =	vmovc v60;
	v45 =	vor.u32 v26, v22;
	v60 =	vmul.f32 $8.000000000e+00, v21;
	v43 =	vld.idx.msk [tilespmem:v31+s13+$0x0], $0xffff;
	v31 =	vand.u32 $0x400, v13  }
0x242: {  	v52 =	vmovc v56;
	v56 =	vor.u32 v0, v54;
	v0 =	vmovc v22;
	v22 =	vmov v6;
	v6 =	vor.u32 v4, v31;
	v4 =	vld [tilespmem:$0x1FE10]  }
0x243: {  	p1 =	slt.u32 s24, $0xE;
	v27 =	vor.u32 v27, v8;
	v20 =	vand.u32 $0x3D8, v38;
	v28 =	vmul.f32 $8.000000000e+00, v28;
	v38 =	vld.idx.msk [tilespmem:v18+s13+$0x0], $0xffff;
	[tilespmem:v12+s16+$0x0] =	vst.idx.msk $0xffff, v60  }
.Ltmp2:
0x244: {  	v18 =	vor.u32 v14, v44;
	v21 =	vor.u32 v16, v3;
	v59 =	vmov v46;
	[tilespmem:v32+s16+$0x0] =	vst.idx.msk $0xffff, v51;
	(pc) =	sbr.rel @p1 .LBB2_3-.Ltmp2, $4  }
0x245: {  	v46 =	vmovc v54;
	v60 =	vmov v48;
	v32 =	vand.u32 $0x388, v36;
	v26 =	vld.idx.msk [tilespmem:v50+s13+$0x0], $0xffff;
	[tilespmem:v41+s16+$0x0] =	vst.idx.msk $0xffff, v28;
	v28 =	vmul.f32 $8.000000000e+00, v42  }
0x246: {  	v51 =	vmovc v62;
	v36 =	vor.u32 v25, v49;
	v50 =	vmul.f32 $8.000000000e+00, v35;
	v35 =	vor.u32 v24, v5;
	v33 =	vld.idx.msk [tilespmem:v33+s13+$0x0], $0xffff  }
0x247: {  	v12 =	vor.u32 v4, v31;
	v34 =	vld.idx.msk [tilespmem:v56+s13+$0x0], $0xffff;
	[tilespmem:v45+s16+$0x0] =	vst.idx.msk $0xffff, v28;
	v28 =	vor.u32 v2, v61  }
0x248: {  	s25 =	sadd.s32 $0x1, s24;
	s24 =	sadd.s32 $0x2, s24;
	v11 =	vlaneseq.u32;
	v62 =	vmovc v44;
	v56 =	vmul.f32 $8.000000000e+00, v43;
	v39 =	vor.u32 v32, v12;
	v29 =	vld.idx.msk [tilespmem:v29+s13+$0x0], $0xffff;
	[tilespmem:v40+s16+$0x0] =	vst.idx.msk $0xffff, v50  }
0x249: {  	v2 =	vld [tilespmem:$0x1FE00];
	_ =	sdelay $0x2  }
0x24a: {  	v40 =	vadd.s32 s25, v11  }
0x24b: {  	v48 =	vand.u32 $0xF, v40  }
0x24c: {  	v41 =	vor.u32 v2, v48  }
0x24d: {  	v50 =	vld [tilespmem:$0x1FE10];
	_ =	sdelay $0x2  }
0x24e: {  	v54 =	vshll.u32 v40, $0x7  }
0x24f: {  	v45 =	vor.u32 v11, v54;
	v42 =	vand.u32 $0x400, v54;
	v40 =	vld.idx.msk [tilespmem:v41+s13+$0x0], $0xffff  }
0x250: {  	v3 =	vor.u32 v50, v42;
	v41 =	vand.u32 $0x388, v45  }
0x251: {  	v4 =	vld [tilespmem:$0x1FE20];
	v43 =	vor.u32 v41, v3;
	_ =	sdelay $0x1  }
0x252: {  	v38 =	vmul.f32 $8.000000000e+00, v38  }
0x253: {  	v44 =	vmul.f32 $8.000000000e+00, v40  }
0x254: {  	[tilespmem:v39+s16+$0x0] =	vst.idx.msk $0xffff, v38  }
0x255: {  	v45 =	vor.u32 v4, v48;
	[tilespmem:v43+s16+$0x0] =	vst.idx.msk $0xffff, v44  }
0x256: {  	v4 =	vld [tilespmem:$0x1FE30];
	_ =	sdelay $0x2  }
0x257: {  	v37 =	vld.idx.msk [tilespmem:v37+s13+$0x0], $0xffff  }
0x258: {  	v38 =	vld.idx.msk [tilespmem:v45+s13+$0x0], $0xffff  }
0x259: {  	v39 =	vor.u32 v32, v6;
	v11 =	vor.u32 v4, v42  }
0x25a: {  	v45 =	vld [tilespmem:$0x1FE40];
	v43 =	vor.u32 v41, v11;
	_ =	sdelay $0x1  }
0x25b: {  	v37 =	vmul.f32 $8.000000000e+00, v37  }
0x25c: {  	v4 =	vmul.f32 $8.000000000e+00, v38  }
0x25d: {  	[tilespmem:v39+s16+$0x0] =	vst.idx.msk $0xffff, v37  }
0x25e: {  	v40 =	vor.u32 v45, v59;
	[tilespmem:v43+s16+$0x0] =	vst.idx.msk $0xffff, v4  }
0x25f: {  	v45 =	vor.u32 v45, v48;
	v44 =	vld [tilespmem:$0x1FD50];
	_ =	sdelay $0x3  }
0x260: {  	v38 =	vld.idx.msk [tilespmem:v40+s13+$0x0], $0xffff;
	[tilespmem:$0x1FB40] =	vst v53  }
0x261: {  	v37 =	vld.idx.msk [tilespmem:v45+s13+$0x0], $0xffff;
	v14 =	vor.u32 v44, v31  }
0x262: {  	v10 =	vor.u32 v44, v42;
	v39 =	vor.u32 v32, v14  }
0x263: {  	v53 =	vld [tilespmem:$0x1FD60];
	v2 =	vor.u32 v41, v10;
	_ =	sdelay $0x1  }
0x264: {  	v38 =	vmul.f32 $8.000000000e+00, v38  }
0x265: {  	v37 =	vmul.f32 $8.000000000e+00, v37  }
0x266: {  	[tilespmem:v39+s16+$0x0] =	vst.idx.msk $0xffff, v38  }
0x267: {  	v40 =	vor.u32 v53, v59;
	[tilespmem:v2+s16+$0x0] =	vst.idx.msk $0xffff, v37  }
0x268: {  	v44 =	vld [tilespmem:$0x1FD70];
	_ =	sdelay $0x1  }
0x269: {  	v53 =	vor.u32 v53, v48;
	v45 =	vld [tilespmem:$0x1FE50];
	_ =	sdelay $0x1  }
0x26a: {  	v38 =	vld.idx.msk [tilespmem:v40+s13+$0x0], $0xffff  }
0x26b: {  	v4 =	vor.u32 v44, v31  }
0x26c: {  	v31 =	vor.u32 v32, v4  }
0x26d: {  	v32 =	vld.idx.msk [tilespmem:v53+s13+$0x0], $0xffff;
	v53 =	vor.u32 v45, v59  }
0x26e: {  	v43 =	vor.u32 v44, v42  }
0x26f: {  	v38 =	vmul.f32 $8.000000000e+00, v38;
	v39 =	vor.u32 v41, v43  }
0x270: {  	v44 =	vor.u32 v45, v48  }
0x271: {  	[tilespmem:v31+s16+$0x0] =	vst.idx.msk $0xffff, v38  }
0x272: {  	v45 =	vmul.f32 $8.000000000e+00, v32;
	v32 =	vld.idx.msk [tilespmem:v53+s13+$0x0], $0xffff  }
0x273: {  	v53 =	vld [tilespmem:$0x1FD80]  }
0x274: {  	[tilespmem:v39+s16+$0x0] =	vst.idx.msk $0xffff, v45  }
0x275: {  	v37 =	vld.idx.msk [tilespmem:v44+s13+$0x0], $0xffff  }
0x276: {  	v44 =	vld [tilespmem:$0x1FE60];
	_ =	sdelay $0x1  }
0x277: {  	v41 =	vor.u32 v53, v13  }
0x278: {  	v42 =	vor.u32 v53, v54;
	v31 =	vand.u32 $0x398, v41  }
0x279: {  	v39 =	vand.u32 $0x398, v42;
	v38 =	vor.u32 v31, v12  }
0x27a: {  	v40 =	vor.u32 v44, v59;
	v45 =	vor.u32 v39, v3  }
0x27b: {  	v53 =	vor.u32 v44, v48  }
0x27c: {  	v32 =	vmul.f32 $8.000000000e+00, v32  }
0x27d: {  	v2 =	vmul.f32 $8.000000000e+00, v37  }
0x27e: {  	[tilespmem:v38+s16+$0x0] =	vst.idx.msk $0xffff, v32  }
0x27f: {  	[tilespmem:v45+s16+$0x0] =	vst.idx.msk $0xffff, v2;
	v37 =	vld.idx.msk [tilespmem:v40+s13+$0x0], $0xffff  }
0x280: {  	v32 =	vld.idx.msk [tilespmem:v53+s13+$0x0], $0xffff  }
0x281: {  	v44 =	vld [tilespmem:$0x1FE70]  }
0x282: {  	v38 =	vor.u32 v31, v6  }
0x283: {  	v53 =	vor.u32 v39, v11;
	_ =	sdelay $0x1  }
0x284: {  	v37 =	vmul.f32 $8.000000000e+00, v37  }
0x285: {  	v45 =	vor.u32 v44, v59;
	v32 =	vmul.f32 $8.000000000e+00, v32  }
0x286: {  	[tilespmem:v38+s16+$0x0] =	vst.idx.msk $0xffff, v37  }
0x287: {  	v2 =	vor.u32 v44, v48;
	[tilespmem:v53+s16+$0x0] =	vst.idx.msk $0xffff, v32  }
0x288: {  	v44 =	vld [tilespmem:$0x1FE80];
	_ =	sdelay $0x1  }
0x289: {  	v37 =	vld.idx.msk [tilespmem:v45+s13+$0x0], $0xffff;
	_ =	sdelay $0x1  }
0x28a: {  	v38 =	vor.u32 v31, v14;
	v32 =	vld.idx.msk [tilespmem:v2+s13+$0x0], $0xffff  }
0x28b: {  	v45 =	vor.u32 v44, v59  }
0x28c: {  	v53 =	vor.u32 v39, v10  }
0x28d: {  	v37 =	vmul.f32 $8.000000000e+00, v37;
	_ =	sdelay $0x1  }
0x28e: {  	v32 =	vmul.f32 $8.000000000e+00, v32;
	[tilespmem:v38+s16+$0x0] =	vst.idx.msk $0xffff, v37  }
0x28f: {  	v2 =	vor.u32 v44, v48;
	v37 =	vld.idx.msk [tilespmem:v45+s13+$0x0], $0xffff  }
0x290: {  	[tilespmem:v53+s16+$0x0] =	vst.idx.msk $0xffff, v32  }
0x291: {  	v31 =	vor.u32 v31, v4;
	v44 =	vld [tilespmem:$0x1FEA0];
	_ =	sdelay $0x2  }
0x292: {  	v32 =	vld.idx.msk [tilespmem:v2+s13+$0x0], $0xffff;
	v37 =	vmul.f32 $8.000000000e+00, v37;
	_ =	sdelay $0x1  }
0x293: {  	v39 =	vor.u32 v39, v43;
	v53 =	vor.u32 v44, v59;
	[tilespmem:v31+s16+$0x0] =	vst.idx.msk $0xffff, v37  }
0x294: {  	v45 =	vmov v4;
	v4 =	vor.u32 v44, v48;
	v44 =	vld [tilespmem:$0x1FE90];
	_ =	sdelay $0x1  }
0x295: {  	v42 =	vmul.f32 $8.000000000e+00, v32;
	_ =	sdelay $0x1  }
0x296: {  	[tilespmem:v39+s16+$0x0] =	vst.idx.msk $0xffff, v42;
	v32 =	vld.idx.msk [tilespmem:v53+s13+$0x0], $0xffff  }
0x297: {  	v53 =	vor.u32 v44, v13;
	v42 =	vor.u32 v44, v54;
	v44 =	vld [tilespmem:$0x1FEB0];
	_ =	sdelay $0x1  }
0x298: {  	v31 =	vand.u32 $0x3A8, v53  }
0x299: {  	v37 =	vld.idx.msk [tilespmem:v4+s13+$0x0], $0xffff;
	v4 =	vor.u32 v31, v12;
	_ =	sdelay $0x1  }
0x29a: {  	v40 =	vor.u32 v44, v59  }
0x29b: {  	v39 =	vand.u32 $0x3A8, v42;
	v32 =	vmul.f32 $8.000000000e+00, v32  }
0x29c: {  	v41 =	vor.u32 v39, v3  }
0x29d: {  	[tilespmem:v4+s16+$0x0] =	vst.idx.msk $0xffff, v32  }
0x29e: {  	v2 =	vld [tilespmem:$0x1FEC0]  }
0x29f: {  	v42 =	vor.u32 v44, v48;
	v4 =	vmul.f32 $8.000000000e+00, v37;
	v38 =	vld.idx.msk [tilespmem:v40+s13+$0x0], $0xffff;
	_ =	sdelay $0x1  }
0x2a0: {  	[tilespmem:v41+s16+$0x0] =	vst.idx.msk $0xffff, v4;
	v4 =	vor.u32 v31, v6  }
0x2a1: {  	v44 =	vmul.f32 $8.000000000e+00, v33  }
0x2a2: {  	v53 =	vmov v3;
	v3 =	vmul.f32 $8.000000000e+00, v34  }
0x2a3: {  	[tilespmem:v36+s16+$0x0] =	vst.idx.msk $0xffff, v44;
	v34 =	vld.idx.msk [tilespmem:v42+s13+$0x0], $0xffff;
	v37 =	vor.u32 v2, v63;
	v42 =	vmul.f32 $8.000000000e+00, v38  }
0x2a4: {  	[tilespmem:v35+s16+$0x0] =	vst.idx.msk $0xffff, v3  }
0x2a5: {  	[tilespmem:v4+s16+$0x0] =	vst.idx.msk $0xffff, v42  }
0x2a6: {  	v35 =	vor.u32 v39, v11;
	v41 =	vmov v11;
	v11 =	vld [tilespmem:$0x1FD90]  }
0x2a7: {  	v32 =	vor.u32 v2, v59;
	v44 =	vor.u32 v2, v48;
	v2 =	vld [tilespmem:$0x1FED0]  }
0x2a8: {  	v33 =	vld.idx.msk [tilespmem:v37+s13+$0x0], $0xffff  }
0x2a9: {  	v30 =	vld.idx.msk [tilespmem:v30+s13+$0x0], $0xffff  }
0x2aa: {  	v38 =	vor.u32 v25, v57  }
0x2ab: {  	v24 =	vor.u32 v24, v19;
	v34 =	vmul.f32 $8.000000000e+00, v34;
	v36 =	vor.u32 v11, v63  }
0x2ac: {  	v32 =	vld.idx.msk [tilespmem:v32+s13+$0x0], $0xffff;
	v40 =	vor.u32 v2, v46  }
0x2ad: {  	[tilespmem:v35+s16+$0x0] =	vst.idx.msk $0xffff, v34;
	v33 =	vmul.f32 $8.000000000e+00, v33  }
0x2ae: {  	v3 =	vor.u32 v31, v14;
	v30 =	vmul.f32 $8.000000000e+00, v30;
	v34 =	vld.idx.msk [tilespmem:v44+s13+$0x0], $0xffff  }
0x2af: {  	[tilespmem:v38+s16+$0x0] =	vst.idx.msk $0xffff, v33  }
0x2b0: {  	[tilespmem:v24+s16+$0x0] =	vst.idx.msk $0xffff, v30;
	v30 =	vor.u32 v39, v10;
	v24 =	vld.idx.msk [tilespmem:v36+s13+$0x0], $0xffff  }
0x2b1: {  	v44 =	vor.u32 v11, v59;
	v32 =	vmul.f32 $8.000000000e+00, v32;
	v36 =	vld.idx.msk [tilespmem:v40+s13+$0x0], $0xffff  }
0x2b2: {  	v23 =	vand.u32 $0x3B8, v23;
	v25 =	vor.u32 v25, v17  }
0x2b3: {  	[tilespmem:v3+s16+$0x0] =	vst.idx.msk $0xffff, v32;
	v32 =	vmul.f32 $8.000000000e+00, v34;
	v40 =	vor.u32 v23, v52;
	_ =	sdelay $0x1  }
0x2b4: {  	v42 =	vmov v14;
	v14 =	vmov v10;
	v10 =	vld [tilespmem:$0x1FEE0];
	[tilespmem:v30+s16+$0x0] =	vst.idx.msk $0xffff, v32;
	v24 =	vmul.f32 $8.000000000e+00, v24  }
0x2b5: {  	v33 =	vld.idx.msk [tilespmem:v44+s13+$0x0], $0xffff;
	[tilespmem:$0x1FB50] =	vst v45;
	v36 =	vmul.f32 $8.000000000e+00, v36  }
0x2b6: {  	[tilespmem:v25+s16+$0x0] =	vst.idx.msk $0xffff, v24  }
0x2b7: {  	[tilespmem:v40+s16+$0x0] =	vst.idx.msk $0xffff, v36  }
0x2b8: {  	v37 =	vor.u32 v11, v48;
	v11 =	vld [tilespmem:$0x1FDA0]  }
0x2b9: {  	v34 =	vor.u32 v2, v63;
	v3 =	vmov v52;
	v52 =	vld [tilespmem:$0x1FD00]  }
0x2ba: {  	v31 =	vor.u32 v31, v45;
	v44 =	vor.u32 v10, v46;
	_ =	sdelay $0x2  }
0x2bb: {  	v32 =	vld.idx.msk [tilespmem:v37+s13+$0x0], $0xffff;
	v33 =	vmul.f32 $8.000000000e+00, v33  }
0x2bc: {  	v24 =	vor.u32 v2, v59;
	v25 =	vld.idx.msk [tilespmem:v34+s13+$0x0], $0xffff;
	v40 =	vor.u32 v11, v52  }
0x2bd: {  	v34 =	vor.u32 v39, v43;
	v35 =	vld.idx.msk [tilespmem:v44+s13+$0x0], $0xffff;
	[tilespmem:v31+s16+$0x0] =	vst.idx.msk $0xffff, v33;
	v30 =	vand.u32 $0x3B8, v40  }
0x2be: {  	v4 =	vmovc v12;
	v12 =	vmovc v45;
	v45 =	vmov v1;
	v36 =	vor.u32 v2, v48;
	v37 =	vor.u32 v30, v1;
	v1 =	vld [tilespmem:$0x1FEF0];
	_ =	sdelay $0x1  }
0x2bf: {  	v44 =	vmul.f32 $8.000000000e+00, v32  }
0x2c0: {  	v24 =	vld.idx.msk [tilespmem:v24+s13+$0x0], $0xffff;
	v2 =	vor.u32 v11, v13  }
0x2c1: {  	v32 =	vor.u32 v10, v63;
	v33 =	vor.u32 v23, v22;
	v31 =	vand.u32 $0x3B8, v2;
	[tilespmem:v34+s16+$0x0] =	vst.idx.msk $0xffff, v44  }
0x2c2: {  	v44 =	vmul.f32 $8.000000000e+00, v35;
	v35 =	vld.idx.msk [tilespmem:v36+s13+$0x0], $0xffff;
	v36 =	vor.u32 v31, v4;
	v38 =	vor.u32 v1, v46  }
0x2c3: {  	v25 =	vmul.f32 $8.000000000e+00, v25;
	_ =	sdelay $0x1  }
0x2c4: {  	v50 =	vmov v59;
	v2 =	vor.u32 v11, v54;
	v24 =	vmul.f32 $8.000000000e+00, v24;
	[tilespmem:v37+s16+$0x0] =	vst.idx.msk $0xffff, v25  }
0x2c5: {  	[tilespmem:v33+s16+$0x0] =	vst.idx.msk $0xffff, v44;
	v25 =	vand.u32 $0x3B8, v2;
	v37 =	vor.u32 v10, v50;
	v32 =	vld.idx.msk [tilespmem:v32+s13+$0x0], $0xffff  }
0x2c6: {  	v44 =	vor.u32 v25, v53;
	[tilespmem:v36+s16+$0x0] =	vst.idx.msk $0xffff, v24;
	v34 =	vld.idx.msk [tilespmem:v38+s13+$0x0], $0xffff  }
0x2c7: {  	v38 =	vor.u32 v10, v48;
	v10 =	vld [tilespmem:$0x1FF00];
	_ =	sdelay $0x1  }
0x2c8: {  	v39 =	vor.u32 v30, v49;
	v2 =	vmul.f32 $8.000000000e+00, v35  }
0x2c9: {  	v35 =	vor.u32 v1, v63;
	v37 =	vld.idx.msk [tilespmem:v37+s13+$0x0], $0xffff  }
0x2ca: {  	v36 =	vor.u32 v23, v5;
	[tilespmem:v44+s16+$0x0] =	vst.idx.msk $0xffff, v2;
	v44 =	vmul.f32 $8.000000000e+00, v32  }
0x2cb: {  	v40 =	vor.u32 v10, v46;
	v2 =	vmul.f32 $8.000000000e+00, v34;
	v34 =	vor.u32 v31, v6;
	_ =	sdelay $0x1  }
0x2cc: {  	[tilespmem:v39+s16+$0x0] =	vst.idx.msk $0xffff, v44  }
0x2cd: {  	v32 =	vld.idx.msk [tilespmem:v35+s13+$0x0], $0xffff;
	v37 =	vmul.f32 $8.000000000e+00, v37  }
0x2ce: {  	v33 =	vld.idx.msk [tilespmem:v38+s13+$0x0], $0xffff;
	[tilespmem:v36+s16+$0x0] =	vst.idx.msk $0xffff, v2  }
0x2cf: {  	v24 =	vor.u32 v1, v50;
	v39 =	vor.u32 v30, v57;
	v36 =	vld.idx.msk [tilespmem:v40+s13+$0x0], $0xffff;
	[tilespmem:v34+s16+$0x0] =	vst.idx.msk $0xffff, v37  }
0x2d0: {  	v44 =	vor.u32 v1, v48;
	v35 =	vor.u32 v25, v41;
	v1 =	vld [tilespmem:$0x1FF20]  }
0x2d1: {  	v23 =	vor.u32 v23, v19  }
0x2d2: {  	v32 =	vmul.f32 $8.000000000e+00, v32  }
0x2d3: {  	v33 =	vmul.f32 $8.000000000e+00, v33  }
0x2d4: {  	v34 =	vor.u32 v10, v63;
	v24 =	vld.idx.msk [tilespmem:v24+s13+$0x0], $0xffff;
	[tilespmem:v39+s16+$0x0] =	vst.idx.msk $0xffff, v32;
	v40 =	vmul.f32 $8.000000000e+00, v36  }
0x2d5: {  	[tilespmem:v35+s16+$0x0] =	vst.idx.msk $0xffff, v33;
	v37 =	vor.u32 v1, v46  }
0x2d6: {  	v35 =	vld.idx.msk [tilespmem:v44+s13+$0x0], $0xffff;
	v44 =	vor.u32 v31, v42;
	[tilespmem:v23+s16+$0x0] =	vst.idx.msk $0xffff, v40  }
0x2d7: {  	v8 =	vmov v17;
	v17 =	vmov v14;
	v33 =	vor.u32 v25, v14;
	v14 =	vld [tilespmem:$0x1FCF0]  }
0x2d8: {  	v32 =	vor.u32 v10, v50;
	v11 =	vld [tilespmem:$0x1FF10]  }
0x2d9: {  	v24 =	vmul.f32 $8.000000000e+00, v24;
	v23 =	vld.idx.msk [tilespmem:v34+s13+$0x0], $0xffff  }
0x2da: {  	v34 =	vld.idx.msk [tilespmem:v37+s13+$0x0], $0xffff;
	[tilespmem:$0x1FB60] =	vst v8  }
0x2db: {  	[tilespmem:v44+s16+$0x0] =	vst.idx.msk $0xffff, v24;
	v44 =	vmul.f32 $8.000000000e+00, v35  }
0x2dc: {  	v30 =	vor.u32 v30, v8  }
0x2dd: {  	v40 =	vor.u32 v11, v14;
	v32 =	vld.idx.msk [tilespmem:v32+s13+$0x0], $0xffff;
	[tilespmem:v33+s16+$0x0] =	vst.idx.msk $0xffff, v44  }
0x2de: {  	v38 =	vor.u32 v10, v48;
	v10 =	vmov v6;
	v37 =	vand.u32 $0x3C8, v40;
	v6 =	vld [tilespmem:$0x1FF30]  }
0x2df: {  	v23 =	vmul.f32 $8.000000000e+00, v23;
	v40 =	vor.u32 v1, v63;
	v35 =	vor.u32 v37, v3  }
0x2e0: {  	v31 =	vor.u32 v31, v12  }
0x2e1: {  	[tilespmem:v30+s16+$0x0] =	vst.idx.msk $0xffff, v23;
	v23 =	vor.u32 v1, v50  }
0x2e2: {  	v59 =	vmovc v22;
	v22 =	vmov v8;
	v8 =	vmov v3;
	v3 =	vmul.f32 $8.000000000e+00, v34  }
0x2e3: {  	v32 =	vmul.f32 $8.000000000e+00, v32;
	v44 =	vor.u32 v6, v46  }
0x2e4: {  	v30 =	vld.idx.msk [tilespmem:v40+s13+$0x0], $0xffff;
	[tilespmem:v35+s16+$0x0] =	vst.idx.msk $0xffff, v3  }
0x2e5: {  	v39 =	vld.idx.msk [tilespmem:v38+s13+$0x0], $0xffff;
	v40 =	vor.u32 v11, v52;
	[tilespmem:v31+s16+$0x0] =	vst.idx.msk $0xffff, v32  }
0x2e6: {  	v33 =	vand.u32 $0x3C8, v40;
	v35 =	vor.u32 v1, v48;
	v1 =	vor.u32 v11, v13;
	v23 =	vld.idx.msk [tilespmem:v23+s13+$0x0], $0xffff  }
0x2e7: {  	v31 =	vor.u32 v33, v45;
	v38 =	vand.u32 $0x3C8, v1;
	v1 =	vld [tilespmem:$0x1FF40]  }
0x2e8: {  	v25 =	vor.u32 v25, v43;
	v24 =	vld.idx.msk [tilespmem:v44+s13+$0x0], $0xffff  }
0x2e9: {  	v3 =	vmul.f32 $8.000000000e+00, v30;
	v30 =	vor.u32 v38, v4  }
0x2ea: {  	v36 =	vor.u32 v37, v59;
	v34 =	vor.u32 v6, v63  }
0x2eb: {  	v44 =	vmul.f32 $8.000000000e+00, v39  }
0x2ec: {  	v39 =	vor.u32 v1, v46;
	[tilespmem:v31+s16+$0x0] =	vst.idx.msk $0xffff, v3;
	v23 =	vmul.f32 $8.000000000e+00, v23  }
0x2ed: {  	[tilespmem:v25+s16+$0x0] =	vst.idx.msk $0xffff, v44;
	v24 =	vmul.f32 $8.000000000e+00, v24  }
0x2ee: {  	v44 =	vor.u32 v11, v54;
	v32 =	vld.idx.msk [tilespmem:v35+s13+$0x0], $0xffff;
	[tilespmem:v30+s16+$0x0] =	vst.idx.msk $0xffff, v23  }
0x2ef: {  	v35 =	vor.u32 v6, v50;
	v25 =	vand.u32 $0x3C8, v44;
	[tilespmem:v36+s16+$0x0] =	vst.idx.msk $0xffff, v24;
	v24 =	vld.idx.msk [tilespmem:v34+s13+$0x0], $0xffff  }
0x2f0: {  	v12 =	vmov v4;
	v4 =	vmov v53;
	v53 =	vor.u32 v25, v53;
	v11 =	vld [tilespmem:$0x1FF50]  }
0x2f1: {  	v23 =	vor.u32 v33, v49;
	v34 =	vld.idx.msk [tilespmem:v39+s13+$0x0], $0xffff  }
0x2f2: {  	v44 =	vor.u32 v6, v48  }
0x2f3: {  	v32 =	vmul.f32 $8.000000000e+00, v32;
	v39 =	vor.u32 v37, v5  }
0x2f4: {  	v30 =	vld.idx.msk [tilespmem:v35+s13+$0x0], $0xffff;
	v35 =	vor.u32 v1, v63;
	v24 =	vmul.f32 $8.000000000e+00, v24  }
0x2f5: {  	[tilespmem:v53+s16+$0x0] =	vst.idx.msk $0xffff, v32;
	v3 =	vor.u32 v11, v46  }
0x2f6: {  	v31 =	vor.u32 v38, v10;
	v6 =	vmul.f32 $8.000000000e+00, v34;
	[tilespmem:v23+s16+$0x0] =	vst.idx.msk $0xffff, v24  }
0x2f7: {  	v34 =	vld.idx.msk [tilespmem:v44+s13+$0x0], $0xffff;
	v23 =	vmul.f32 $8.000000000e+00, v26;
	v24 =	vor.u32 v20, v9;
	[tilespmem:$0x1FC60] =	vst v9  }
0x2f8: {  	v36 =	vor.u32 v1, v50;
	[tilespmem:v39+s16+$0x0] =	vst.idx.msk $0xffff, v6  }
0x2f9: {  	v2 =	vmov v41;
	v41 =	vor.u32 v25, v41;
	v30 =	vmul.f32 $8.000000000e+00, v30;
	v26 =	vld.idx.msk [tilespmem:v35+s13+$0x0], $0xffff;
	[tilespmem:v27+s16+$0x0] =	vst.idx.msk $0xffff, v23  }
0x2fa: {  	v29 =	vmul.f32 $8.000000000e+00, v29;
	v23 =	vld.idx.msk [tilespmem:v3+s13+$0x0], $0xffff;
	[tilespmem:$0x1FB80] =	vst v47  }
0x2fb: {  	v6 =	vld [tilespmem:$0x1FF60];
	[tilespmem:v31+s16+$0x0] =	vst.idx.msk $0xffff, v30  }
0x2fc: {  	v34 =	vmul.f32 $8.000000000e+00, v34;
	v28 =	vld.idx.msk [tilespmem:v28+s13+$0x0], $0xffff;
	[tilespmem:v24+s16+$0x0] =	vst.idx.msk $0xffff, v29  }
0x2fd: {  	v36 =	vld.idx.msk [tilespmem:v36+s13+$0x0], $0xffff;
	[tilespmem:$0x1FBB0] =	vst v7  }
0x2fe: {  	v53 =	vmov v10;
	v10 =	vld [tilespmem:$0x1FDB0];
	[tilespmem:v41+s16+$0x0] =	vst.idx.msk $0xffff, v34  }
0x2ff: {  	v41 =	vld [tilespmem:$0x1FB40]  }
0x300: {  	v35 =	vor.u32 v1, v48  }
0x301: {  	v30 =	vor.u32 v33, v57;
	_ =	sdelay $0x1  }
0x302: {  	v31 =	vor.u32 v37, v19  }
0x303: {  	v26 =	vmul.f32 $8.000000000e+00, v26;
	v3 =	vor.u32 v6, v47  }
0x304: {  	v34 =	vld.idx.msk [tilespmem:v35+s13+$0x0], $0xffff;
	v27 =	vand.u32 $0x3D8, v3  }
0x305: {  	v37 =	vor.u32 v11, v63;
	v1 =	vld [tilespmem:$0x1FF70];
	v23 =	vmul.f32 $8.000000000e+00, v23;
	v24 =	vor.u32 v27, v7;
	[tilespmem:v30+s16+$0x0] =	vst.idx.msk $0xffff, v26  }
0x306: {  	v32 =	vor.u32 v38, v42;
	v3 =	vmov v57;
	v57 =	vmov v19;
	v19 =	vld.idx.msk [tilespmem:v41+s13+$0x0], $0xffff;
	[tilespmem:$0x1FCA0] =	vst v51  }
0x307: {  	[tilespmem:v31+s16+$0x0] =	vst.idx.msk $0xffff, v23;
	v31 =	vmul.f32 $8.000000000e+00, v36;
	v36 =	vor.u32 v25, v17  }
0x308: {  	v40 =	vmov v42;
	v42 =	vmul.f32 $8.000000000e+00, v28;
	v28 =	vor.u32 v20, v51;
	_ =	sdelay $0x1  }
0x309: {  	v23 =	vld.idx.msk [tilespmem:v37+s13+$0x0], $0xffff;
	[tilespmem:v24+s16+$0x0] =	vst.idx.msk $0xffff, v42;
	v37 =	vmul.f32 $8.000000000e+00, v34  }
0x30a: {  	v7 =	vor.u32 v10, v46;
	[tilespmem:v32+s16+$0x0] =	vst.idx.msk $0xffff, v31;
	v19 =	vmul.f32 $8.000000000e+00, v19  }
0x30b: {  	v35 =	vor.u32 v1, v61;
	[tilespmem:v36+s16+$0x0] =	vst.idx.msk $0xffff, v37  }
0x30c: {  	[tilespmem:v28+s16+$0x0] =	vst.idx.msk $0xffff, v19  }
0x30d: {  	v29 =	vor.u32 v11, v48;
	v30 =	vor.u32 v11, v50;
	v11 =	vld [tilespmem:$0x1FC80];
	_ =	sdelay $0x1  }
0x30e: {  	v24 =	vld.idx.msk [tilespmem:v7+s13+$0x0], $0xffff;
	v7 =	vor.u32 v6, v14  }
0x30f: {  	v26 =	vand.u32 $0x3D8, v7;
	v31 =	vor.u32 v33, v22;
	v32 =	vld.idx.msk [tilespmem:v35+s13+$0x0], $0xffff  }
0x310: {  	v35 =	vor.u32 v26, v8  }
0x311: {  	v41 =	vor.u32 v1, v46;
	v7 =	vor.u32 v27, v60;
	v19 =	vld.idx.msk [tilespmem:v30+s13+$0x0], $0xffff  }
0x312: {  	v23 =	vmul.f32 $8.000000000e+00, v23;
	v29 =	vld.idx.msk [tilespmem:v29+s13+$0x0], $0xffff  }
0x313: {  	v42 =	vmov v14;
	v24 =	vmul.f32 $8.000000000e+00, v24;
	v14 =	vld [tilespmem:$0x1FB50]  }
0x314: {  	v39 =	vmov v17;
	[tilespmem:v31+s16+$0x0] =	vst.idx.msk $0xffff, v23;
	v32 =	vmul.f32 $8.000000000e+00, v32;
	v17 =	vld.idx.msk [tilespmem:v11+s13+$0x0], $0xffff  }
0x315: {  	v11 =	vld [tilespmem:$0x1FF80];
	[tilespmem:v35+s16+$0x0] =	vst.idx.msk $0xffff, v24  }
0x316: {  	[tilespmem:v7+s16+$0x0] =	vst.idx.msk $0xffff, v32;
	v28 =	vld.idx.msk [tilespmem:v41+s13+$0x0], $0xffff  }
0x317: {  	v34 =	vor.u32 v10, v63;
	v22 =	vld [tilespmem:$0x1FCD0]  }
0x318: {  	v37 =	vor.u32 v10, v50;
	v35 =	vor.u32 v10, v48;
	v10 =	vld [tilespmem:$0x1FF90]  }
0x319: {  	v36 =	vor.u32 v38, v14;
	v41 =	vld [tilespmem:$0x1FCC0];
	_ =	sdelay $0x1  }
0x31a: {  	v19 =	vmul.f32 $8.000000000e+00, v19;
	v24 =	vor.u32 v25, v43  }
0x31b: {  	v34 =	vld.idx.msk [tilespmem:v34+s13+$0x0], $0xffff;
	v38 =	vor.u32 v6, v52;
	v23 =	vor.u32 v11, v61;
	v32 =	vor.u32 v20, v22  }
0x31c: {  	v25 =	vand.u32 $0x3D8, v38  }
0x31d: {  	v29 =	vmul.f32 $8.000000000e+00, v29;
	[tilespmem:v36+s16+$0x0] =	vst.idx.msk $0xffff, v19;
	v19 =	vor.u32 v25, v45;
	v30 =	vor.u32 v10, v41  }
0x31e: {  	v33 =	vor.u32 v1, v63;
	v36 =	vor.u32 v26, v59;
	v17 =	vmul.f32 $8.000000000e+00, v17  }
0x31f: {  	v7 =	vor.u32 v6, v13;
	v6 =	vor.u32 v6, v54;
	v31 =	vld.idx.msk [tilespmem:v37+s13+$0x0], $0xffff;
	[tilespmem:v24+s16+$0x0] =	vst.idx.msk $0xffff, v29  }
0x320: {  	v24 =	vmul.f32 $8.000000000e+00, v34;
	v29 =	vand.u32 $0x3D8, v7;
	v34 =	vor.u32 v11, v46;
	v23 =	vld.idx.msk [tilespmem:v23+s13+$0x0], $0xffff;
	[tilespmem:v32+s16+$0x0] =	vst.idx.msk $0xffff, v17  }
0x321: {  	v28 =	vmul.f32 $8.000000000e+00, v28;
	v35 =	vld.idx.msk [tilespmem:v35+s13+$0x0], $0xffff;
	v37 =	vor.u32 v29, v12;
	v17 =	vand.u32 $0x3D8, v6;
	[tilespmem:$0x1FB70] =	vst v58  }
0x322: {  	v32 =	vor.u32 v27, v58;
	v6 =	vor.u32 v1, v50;
	[tilespmem:v19+s16+$0x0] =	vst.idx.msk $0xffff, v24;
	v19 =	vld.idx.msk [tilespmem:v30+s13+$0x0], $0xffff  }
0x323: {  	v58 =	vor.u32 v17, v4;
	v24 =	vor.u32 v10, v61;
	[tilespmem:v36+s16+$0x0] =	vst.idx.msk $0xffff, v28  }
0x324: {  	v20 =	vor.u32 v20, v0;
	v31 =	vmul.f32 $8.000000000e+00, v31;
	v28 =	vld.idx.msk [tilespmem:v33+s13+$0x0], $0xffff;
	[tilespmem:$0x1FD10] =	vst v0  }
0x325: {  	v33 =	vor.u32 v1, v48;
	v23 =	vmul.f32 $8.000000000e+00, v23;
	v34 =	vld.idx.msk [tilespmem:v34+s13+$0x0], $0xffff  }
0x326: {  	v1 =	vmul.f32 $8.000000000e+00, v35;
	v35 =	vor.u32 v25, v49;
	[tilespmem:v37+s16+$0x0] =	vst.idx.msk $0xffff, v31  }
0x327: {  	[tilespmem:v32+s16+$0x0] =	vst.idx.msk $0xffff, v23;
	v32 =	vld.idx.msk [tilespmem:v6+s13+$0x0], $0xffff;
	v6 =	vor.u32 v26, v5;
	v19 =	vmul.f32 $8.000000000e+00, v19  }
0x328: {  	[tilespmem:v58+s16+$0x0] =	vst.idx.msk $0xffff, v1;
	v24 =	vld.idx.msk [tilespmem:v24+s13+$0x0], $0xffff  }
0x329: {  	v7 =	vmov v12;
	v12 =	vld [tilespmem:$0x1FFB0];
	v28 =	vmul.f32 $8.000000000e+00, v28;
	[tilespmem:v20+s16+$0x0] =	vst.idx.msk $0xffff, v19  }
0x32a: {  	v31 =	vld.idx.msk [tilespmem:v33+s13+$0x0], $0xffff;
	v20 =	vmul.f32 $8.000000000e+00, v34;
	[tilespmem:$0x1FD30] =	vst v55  }
0x32b: {  	v23 =	vor.u32 v11, v63;
	[tilespmem:v35+s16+$0x0] =	vst.idx.msk $0xffff, v28  }
0x32c: {  	[tilespmem:v6+s16+$0x0] =	vst.idx.msk $0xffff, v20  }
0x32d: {  	v44 =	vmov v9;
	v33 =	vor.u32 v10, v46;
	v9 =	vld [tilespmem:$0x1FC90]  }
0x32e: {  	v58 =	vor.u32 v12, v41;
	v6 =	vld [tilespmem:$0x1FFA0]  }
0x32f: {  	v0 =	vor.u32 v29, v53  }
0x330: {  	v19 =	vor.u32 v27, v55;
	v23 =	vld.idx.msk [tilespmem:v23+s13+$0x0], $0xffff  }
0x331: {  	v28 =	vor.u32 v17, v2  }
0x332: {  	v34 =	vor.u32 v25, v3;
	v32 =	vmul.f32 $8.000000000e+00, v32;
	v33 =	vld.idx.msk [tilespmem:v33+s13+$0x0], $0xffff  }
0x333: {  	v24 =	vmul.f32 $8.000000000e+00, v24;
	v36 =	vor.u32 v6, v9;
	v30 =	vld.idx.msk [tilespmem:v58+s13+$0x0], $0xffff  }
0x334: {  	v26 =	vor.u32 v26, v57;
	[tilespmem:v0+s16+$0x0] =	vst.idx.msk $0xffff, v32;
	v31 =	vmul.f32 $8.000000000e+00, v31;
	v32 =	vand.u32 $0x3E8, v36  }
0x335: {  	v1 =	vor.u32 v11, v50;
	[tilespmem:v19+s16+$0x0] =	vst.idx.msk $0xffff, v24;
	v23 =	vmul.f32 $8.000000000e+00, v23;
	v19 =	vor.u32 v32, v44  }
0x336: {  	[tilespmem:v28+s16+$0x0] =	vst.idx.msk $0xffff, v31  }
0x337: {  	v20 =	vor.u32 v11, v48;
	v11 =	vld [tilespmem:$0x1FFC0];
	[tilespmem:v34+s16+$0x0] =	vst.idx.msk $0xffff, v23;
	v23 =	vmul.f32 $8.000000000e+00, v33  }
0x338: {  	v30 =	vmul.f32 $8.000000000e+00, v30  }
0x339: {  	v38 =	vor.u32 v12, v61;
	[tilespmem:v26+s16+$0x0] =	vst.idx.msk $0xffff, v23  }
0x33a: {  	v24 =	vor.u32 v10, v63;
	v27 =	vld.idx.msk [tilespmem:v1+s13+$0x0], $0xffff;
	[tilespmem:v19+s16+$0x0] =	vst.idx.msk $0xffff, v30  }
0x33b: {  	v55 =	vmov v2;
	v2 =	vmov v57;
	v57 =	vld [tilespmem:$0x1FBB0]  }
0x33c: {  	v0 =	vld [tilespmem:$0x1FB60]  }
0x33d: {  	v20 =	vld.idx.msk [tilespmem:v20+s13+$0x0], $0xffff  }
0x33e: {  	v31 =	vor.u32 v29, v40;
	v35 =	vld.idx.msk [tilespmem:v38+s13+$0x0], $0xffff;
	v44 =	vmov v40;
	v40 =	vor.u32 v6, v47  }
0x33f: {  	v1 =	vmovc v39;
	v39 =	vor.u32 v17, v39;
	v47 =	vor.u32 v10, v50;
	v24 =	vld.idx.msk [tilespmem:v24+s13+$0x0], $0xffff;
	v19 =	vand.u32 $0x3E8, v40  }
0x340: {  	v28 =	vor.u32 v11, v41;
	v23 =	vor.u32 v19, v57  }
0x341: {  	v27 =	vmul.f32 $8.000000000e+00, v27;
	v30 =	vor.u32 v10, v48;
	v25 =	vor.u32 v25, v0  }
0x342: {  	v20 =	vmul.f32 $8.000000000e+00, v20  }
0x343: {  	v33 =	vor.u32 v12, v46;
	v40 =	vmul.f32 $8.000000000e+00, v35;
	[tilespmem:v31+s16+$0x0] =	vst.idx.msk $0xffff, v27  }
0x344: {  	[tilespmem:v39+s16+$0x0] =	vst.idx.msk $0xffff, v20;
	v24 =	vmul.f32 $8.000000000e+00, v24;
	v38 =	vld.idx.msk [tilespmem:v47+s13+$0x0], $0xffff  }
0x345: {  	v26 =	vld.idx.msk [tilespmem:v28+s13+$0x0], $0xffff;
	[tilespmem:v23+s16+$0x0] =	vst.idx.msk $0xffff, v40  }
0x346: {  	v36 =	vor.u32 v12, v63;
	v30 =	vld.idx.msk [tilespmem:v30+s13+$0x0], $0xffff;
	[tilespmem:v25+s16+$0x0] =	vst.idx.msk $0xffff, v24  }
0x347: {  	v29 =	vor.u32 v29, v14;
	v58 =	vmov v3;
	v3 =	vmov v14;
	v14 =	vld [tilespmem:$0x1FFD0]  }
0x348: {  	v33 =	vld.idx.msk [tilespmem:v33+s13+$0x0], $0xffff;
	v20 =	vor.u32 v32, v51;
	v39 =	vor.u32 v6, v42  }
0x349: {  	v17 =	vor.u32 v17, v43;
	v27 =	vor.u32 v11, v61;
	v34 =	vand.u32 $0x3E8, v39  }
0x34a: {  	v28 =	vor.u32 v12, v50;
	v35 =	vmul.f32 $8.000000000e+00, v38;
	v23 =	vor.u32 v34, v8  }
0x34b: {  	v40 =	vmul.f32 $8.000000000e+00, v26;
	v31 =	vld.idx.msk [tilespmem:v36+s13+$0x0], $0xffff;
	v36 =	vor.u32 v12, v48  }
0x34c: {  	v51 =	vor.u32 v11, v46;
	v30 =	vmul.f32 $8.000000000e+00, v30;
	[tilespmem:v29+s16+$0x0] =	vst.idx.msk $0xffff, v35;
	v24 =	vor.u32 v14, v41  }
0x34d: {  	v47 =	vmov v42;
	v42 =	vmul.f32 $8.000000000e+00, v33;
	[tilespmem:v20+s16+$0x0] =	vst.idx.msk $0xffff, v40;
	v20 =	vor.u32 v6, v52  }
0x34e: {  	v26 =	vor.u32 v19, v60;
	v27 =	vld.idx.msk [tilespmem:v27+s13+$0x0], $0xffff;
	[tilespmem:v17+s16+$0x0] =	vst.idx.msk $0xffff, v30;
	v20 =	vand.u32 $0x3E8, v20  }
0x34f: {  	v40 =	vor.u32 v6, v13;
	v28 =	vld.idx.msk [tilespmem:v28+s13+$0x0], $0xffff;
	[tilespmem:v23+s16+$0x0] =	vst.idx.msk $0xffff, v42;
	v23 =	vor.u32 v20, v45  }
0x350: {  	v25 =	vand.u32 $0x3E8, v40;
	v42 =	vor.u32 v6, v54;
	v30 =	vmul.f32 $8.000000000e+00, v31;
	v31 =	vld.idx.msk [tilespmem:v36+s13+$0x0], $0xffff  }
0x351: {  	v36 =	vor.u32 v25, v7;
	v35 =	vand.u32 $0x3E8, v42;
	v24 =	vld.idx.msk [tilespmem:v24+s13+$0x0], $0xffff  }
0x352: {  	v40 =	vor.u32 v35, v4  }
0x353: {  	v33 =	vld.idx.msk [tilespmem:v51+s13+$0x0], $0xffff;
	v51 =	vor.u32 v32, v22;
	v27 =	vmul.f32 $8.000000000e+00, v27  }
0x354: {  	v10 =	vld [tilespmem:$0x1FFE0];
	[tilespmem:v23+s16+$0x0] =	vst.idx.msk $0xffff, v30;
	v23 =	vmul.f32 $8.000000000e+00, v28  }
0x355: {  	v17 =	vor.u32 v11, v63;
	[tilespmem:v26+s16+$0x0] =	vst.idx.msk $0xffff, v27;
	v42 =	vmul.f32 $8.000000000e+00, v31  }
0x356: {  	v29 =	vor.u32 v14, v61;
	[tilespmem:v36+s16+$0x0] =	vst.idx.msk $0xffff, v23;
	v24 =	vmul.f32 $8.000000000e+00, v24  }
0x357: {  	v38 =	vor.u32 v11, v50;
	v28 =	vor.u32 v34, v59;
	[tilespmem:v40+s16+$0x0] =	vst.idx.msk $0xffff, v42  }
0x358: {  	[tilespmem:v51+s16+$0x0] =	vst.idx.msk $0xffff, v24  }
0x359: {  	v12 =	vmov v59;
	v59 =	vld [tilespmem:$0x1FB70]  }
0x35a: {  	v6 =	vor.u32 v11, v48;
	v17 =	vld.idx.msk [tilespmem:v17+s13+$0x0], $0xffff;
	v51 =	vmul.f32 $8.000000000e+00, v33  }
0x35b: {  	v39 =	vor.u32 v10, v41;
	v23 =	vld.idx.msk [tilespmem:v29+s13+$0x0], $0xffff  }
0x35c: {  	v29 =	vld.idx.msk [tilespmem:v38+s13+$0x0], $0xffff;
	[tilespmem:v28+s16+$0x0] =	vst.idx.msk $0xffff, v51  }
0x35d: {  	v31 =	vor.u32 v20, v49;
	v42 =	vld [tilespmem:$0x1FD10]  }
0x35e: {  	v26 =	vor.u32 v14, v46;
	v27 =	vor.u32 v19, v59  }
0x35f: {  	v24 =	vld.idx.msk [tilespmem:v6+s13+$0x0], $0xffff;
	v6 =	vor.u32 v25, v53  }
0x360: {  	v17 =	vmul.f32 $8.000000000e+00, v17;
	v33 =	vld.idx.msk [tilespmem:v39+s13+$0x0], $0xffff  }
0x361: {  	v36 =	vor.u32 v14, v63;
	v23 =	vmul.f32 $8.000000000e+00, v23  }
0x362: {  	v40 =	vor.u32 v14, v50;
	[tilespmem:v31+s16+$0x0] =	vst.idx.msk $0xffff, v17;
	v17 =	vmul.f32 $8.000000000e+00, v29;
	v30 =	vor.u32 v32, v42  }
0x363: {  	v37 =	vor.u32 v10, v61;
	v51 =	vor.u32 v35, v55;
	v26 =	vld.idx.msk [tilespmem:v26+s13+$0x0], $0xffff;
	[tilespmem:v27+s16+$0x0] =	vst.idx.msk $0xffff, v23  }
0x364: {  	v11 =	vld [tilespmem:$0x1FDD0];
	[tilespmem:v6+s16+$0x0] =	vst.idx.msk $0xffff, v17  }
0x365: {  	v29 =	vor.u32 v34, v5;
	v23 =	vmul.f32 $8.000000000e+00, v33;
	v39 =	vld [tilespmem:$0x1FC30]  }
0x366: {  	v27 =	vld.idx.msk [tilespmem:v36+s13+$0x0], $0xffff;
	v17 =	vmul.f32 $8.000000000e+00, v24  }
0x367: {  	v24 =	vor.u32 v10, v46;
	[tilespmem:v30+s16+$0x0] =	vst.idx.msk $0xffff, v23;
	v28 =	vld.idx.msk [tilespmem:v40+s13+$0x0], $0xffff  }
0x368: {  	v26 =	vmul.f32 $8.000000000e+00, v26;
	v23 =	vor.u32 v20, v58;
	v30 =	vld.idx.msk [tilespmem:v37+s13+$0x0], $0xffff;
	[tilespmem:v51+s16+$0x0] =	vst.idx.msk $0xffff, v17  }
0x369: {  	v40 =	vld [tilespmem:$0x1FBD0]  }
0x36a: {  	v6 =	vld [tilespmem:$0x1FDC0];
	[tilespmem:v29+s16+$0x0] =	vst.idx.msk $0xffff, v26  }
0x36b: {  	v31 =	vor.u32 v14, v48;
	v37 =	vld [tilespmem:$0x1FD30];
	v27 =	vmul.f32 $8.000000000e+00, v27  }
0x36c: {  	[tilespmem:v21+s16+$0x0] =	vst.idx.msk $0xffff, v56;
	v33 =	vor.u32 v11, v41;
	v22 =	vld.idx.msk [tilespmem:v24+s13+$0x0], $0xffff  }
0x36d: {  	[tilespmem:v23+s16+$0x0] =	vst.idx.msk $0xffff, v27;
	v14 =	vld.idx.msk [tilespmem:v39+s13+$0x0], $0xffff  }
0x36e: {  	v29 =	vor.u32 v25, v44;
	v56 =	vld [tilespmem:$0x1FC60]  }
0x36f: {  	v17 =	vor.u32 v15, v40  }
0x370: {  	v38 =	vor.u32 v34, v2;
	v26 =	vld.idx.msk [tilespmem:v31+s13+$0x0], $0xffff  }
0x371: {  	v28 =	vmul.f32 $8.000000000e+00, v28;
	v51 =	vor.u32 v6, v9;
	v19 =	vor.u32 v19, v37;
	v31 =	vld.idx.msk [tilespmem:v33+s13+$0x0], $0xffff  }
0x372: {  	v21 =	vmul.f32 $8.000000000e+00, v14;
	v14 =	vand.u32 $0x3F8, v51;
	v51 =	vor.u32 v35, v1  }
0x373: {  	v32 =	vor.u32 v10, v63;
	[tilespmem:v29+s16+$0x0] =	vst.idx.msk $0xffff, v28;
	v22 =	vmul.f32 $8.000000000e+00, v22;
	v23 =	vor.u32 v14, v56  }
0x374: {  	[tilespmem:v17+s16+$0x0] =	vst.idx.msk $0xffff, v21;
	v17 =	vmul.f32 $8.000000000e+00, v30  }
0x375: {  	v40 =	vor.u32 v10, v50;
	v26 =	vmul.f32 $8.000000000e+00, v26;
	[tilespmem:v38+s16+$0x0] =	vst.idx.msk $0xffff, v22  }
0x376: {  	[tilespmem:v19+s16+$0x0] =	vst.idx.msk $0xffff, v17;
	v17 =	vmul.f32 $8.000000000e+00, v31  }
0x377: {  	v36 =	vmov v1;
	v1 =	vor.u32 v10, v48;
	[tilespmem:v51+s16+$0x0] =	vst.idx.msk $0xffff, v26  }
0x378: {  	v21 =	vld.idx.msk [tilespmem:v32+s13+$0x0], $0xffff;
	[tilespmem:v23+s16+$0x0] =	vst.idx.msk $0xffff, v17  }
0x379: {  	v39 =	vor.u32 v11, v61;
	v56 =	vld [tilespmem:$0x1FB80]  }
0x37a: {  	v19 =	vor.u32 v20, v0;
	v20 =	vld.idx.msk [tilespmem:v40+s13+$0x0], $0xffff  }
0x37b: {  	v40 =	vor.u32 v11, v46  }
0x37c: {  	v25 =	vor.u32 v25, v3;
	v17 =	vor.u32 v11, v63;
	v23 =	vld.idx.msk [tilespmem:v1+s13+$0x0], $0xffff  }
0x37d: {  	v34 =	vor.u32 v35, v43;
	v22 =	vor.u32 v11, v50;
	v10 =	vld [tilespmem:$0x1FDE0]  }
0x37e: {  	v13 =	vor.u32 v6, v13;
	v33 =	vmovc v3;
	v51 =	vld.idx.msk [tilespmem:v39+s13+$0x0], $0xffff;
	v21 =	vmul.f32 $8.000000000e+00, v21;
	v3 =	vor.u32 v6, v56  }
0x37f: {  	v38 =	vor.u32 v6, v47;
	v20 =	vmul.f32 $8.000000000e+00, v20;
	v28 =	vand.u32 $0x3F8, v3  }
0x380: {  	[tilespmem:v19+s16+$0x0] =	vst.idx.msk $0xffff, v21;
	v19 =	vor.u32 v11, v48;
	v24 =	vld.idx.msk [tilespmem:v40+s13+$0x0], $0xffff;
	v21 =	vor.u32 v28, v57  }
0x381: {  	v39 =	vor.u32 v6, v52;
	v1 =	vand.u32 $0x3F8, v38;
	[tilespmem:v25+s16+$0x0] =	vst.idx.msk $0xffff, v20;
	v17 =	vld.idx.msk [tilespmem:v17+s13+$0x0], $0xffff;
	v20 =	vmul.f32 $8.000000000e+00, v23  }
0x382: {  	v32 =	vmovc v2;
	v2 =	vand.u32 $0x3F8, v39;
	v40 =	vor.u32 v1, v8;
	v26 =	vor.u32 v10, v41;
	v22 =	vld.idx.msk [tilespmem:v22+s13+$0x0], $0xffff  }
0x383: {  	v13 =	vand.u32 $0x3F8, v13;
	v47 =	vor.u32 v2, v45;
	[tilespmem:v34+s16+$0x0] =	vst.idx.msk $0xffff, v20;
	v20 =	vmul.f32 $8.000000000e+00, v51  }
0x384: {  	v11 =	vmov v12;
	v12 =	vor.u32 v13, v7;
	v35 =	vor.u32 v10, v61  }
0x385: {  	v19 =	vld.idx.msk [tilespmem:v19+s13+$0x0], $0xffff;
	[tilespmem:v21+s16+$0x0] =	vst.idx.msk $0xffff, v20;
	v21 =	vmul.f32 $8.000000000e+00, v24  }
0x386: {  	v23 =	vor.u32 v10, v46;
	v57 =	vld.idx.msk [tilespmem:v18+s13+$0x0], $0xffff;
	v17 =	vmul.f32 $8.000000000e+00, v17  }
0x387: {  	v26 =	vld.idx.msk [tilespmem:v26+s13+$0x0], $0xffff;
	v22 =	vmul.f32 $8.000000000e+00, v22;
	[tilespmem:v40+s16+$0x0] =	vst.idx.msk $0xffff, v21  }
0x388: {  	v31 =	vmov v0;
	v51 =	vor.u32 v6, v54;
	v0 =	vld [tilespmem:$0x1FCA0];
	[tilespmem:v47+s16+$0x0] =	vst.idx.msk $0xffff, v17  }
0x389: {  	v24 =	vand.u32 $0x3F8, v51;
	v52 =	vld.idx.msk [tilespmem:v35+s13+$0x0], $0xffff;
	[tilespmem:v12+s16+$0x0] =	vst.idx.msk $0xffff, v22  }
0x38a: {  	v20 =	vor.u32 v10, v63;
	v56 =	vor.u32 v24, v4;
	v30 =	vld [tilespmem:$0x1FC70]  }
0x38b: {  	v54 =	vor.u32 v10, v50;
	v18 =	vld.idx.msk [tilespmem:v23+s13+$0x0], $0xffff  }
0x38c: {  	v17 =	vor.u32 v28, v60;
	v60 =	vld [tilespmem:$0x1FDF0]  }
0x38d: {  	v34 =	vor.u32 v1, v11;
	v19 =	vmul.f32 $8.000000000e+00, v19  }
0x38e: {  	v21 =	vor.u32 v10, v48;
	v0 =	vor.u32 v14, v0  }
0x38f: {  	v20 =	vld.idx.msk [tilespmem:v20+s13+$0x0], $0xffff;
	[tilespmem:v56+s16+$0x0] =	vst.idx.msk $0xffff, v19;
	v19 =	vmul.f32 $8.000000000e+00, v52;
	v22 =	vor.u32 v16, v30  }
0x390: {  	v27 =	vld.idx.msk [tilespmem:v54+s13+$0x0], $0xffff;
	v18 =	vmul.f32 $8.000000000e+00, v18  }
0x391: {  	v35 =	vor.u32 v2, v49;
	v26 =	vmul.f32 $8.000000000e+00, v26;
	[tilespmem:v17+s16+$0x0] =	vst.idx.msk $0xffff, v19;
	v12 =	vor.u32 v60, v41  }
0x392: {  	v3 =	vmul.f32 $8.000000000e+00, v57;
	v10 =	vor.u32 v13, v53;
	v23 =	vor.u32 v60, v61;
	[tilespmem:v34+s16+$0x0] =	vst.idx.msk $0xffff, v18  }
0x393: {  	[tilespmem:v0+s16+$0x0] =	vst.idx.msk $0xffff, v26  }
0x394: {  	v8 =	vld.idx.msk [tilespmem:v21+s13+$0x0], $0xffff;
	v20 =	vmul.f32 $8.000000000e+00, v20;
	[tilespmem:v22+s16+$0x0] =	vst.idx.msk $0xffff, v3  }
0x395: {  	v40 =	vmul.f32 $8.000000000e+00, v27;
	v39 =	vld [tilespmem:$0x1FCD0]  }
0x396: {  	v17 =	vor.u32 v60, v46;
	v12 =	vld.idx.msk [tilespmem:v12+s13+$0x0], $0xffff;
	[tilespmem:v35+s16+$0x0] =	vst.idx.msk $0xffff, v20  }
0x397: {  	v19 =	vor.u32 v60, v63;
	v38 =	vld.idx.msk [tilespmem:v23+s13+$0x0], $0xffff;
	[tilespmem:v10+s16+$0x0] =	vst.idx.msk $0xffff, v40  }
0x398: {  	v21 =	vor.u32 v24, v55;
	v22 =	vor.u32 v60, v50;
	v47 =	vld [tilespmem:$0x1FFF0]  }
0x399: {  	v45 =	vor.u32 v28, v59  }
0x39a: {  	v23 =	vor.u32 v60, v48;
	v18 =	vor.u32 v14, v39  }
0x39b: {  	v8 =	vmul.f32 $8.000000000e+00, v8;
	v17 =	vld.idx.msk [tilespmem:v17+s13+$0x0], $0xffff  }
0x39c: {  	v49 =	vor.u32 v1, v5;
	v19 =	vld.idx.msk [tilespmem:v19+s13+$0x0], $0xffff;
	v3 =	vmul.f32 $8.000000000e+00, v38  }
0x39d: {  	[tilespmem:v21+s16+$0x0] =	vst.idx.msk $0xffff, v8;
	v12 =	vmul.f32 $8.000000000e+00, v12;
	v21 =	vld.idx.msk [tilespmem:v22+s13+$0x0], $0xffff;
	v8 =	vor.u32 v47, v41  }
0x39e: {  	v51 =	vor.u32 v2, v58;
	[tilespmem:v45+s16+$0x0] =	vst.idx.msk $0xffff, v3  }
0x39f: {  	v11 =	vor.u32 v13, v44;
	v52 =	vor.u32 v47, v63;
	[tilespmem:v18+s16+$0x0] =	vst.idx.msk $0xffff, v12;
	v18 =	vld.idx.msk [tilespmem:v23+s13+$0x0], $0xffff  }
0x3a0: {  	v17 =	vmul.f32 $8.000000000e+00, v17;
	v9 =	vor.u32 v47, v50;
	v23 =	vld [tilespmem:$0x1FBE0]  }
0x3a1: {  	v10 =	vor.u32 v47, v62;
	v19 =	vmul.f32 $8.000000000e+00, v19;
	v0 =	vld [tilespmem:$0x1FC40]  }
0x3a2: {  	v12 =	vor.u32 v47, v46;
	v8 =	vld.idx.msk [tilespmem:v8+s13+$0x0], $0xffff;
	[tilespmem:v49+s16+$0x0] =	vst.idx.msk $0xffff, v17;
	v17 =	vmul.f32 $8.000000000e+00, v21  }
0x3a3: {  	v20 =	vor.u32 v47, v61;
	v5 =	vld [tilespmem:$0x1FBF0];
	[tilespmem:v51+s16+$0x0] =	vst.idx.msk $0xffff, v19  }
0x3a4: {  	v22 =	vor.u32 v24, v36;
	[tilespmem:v11+s16+$0x0] =	vst.idx.msk $0xffff, v17;
	v3 =	vld.idx.msk [tilespmem:v52+s13+$0x0], $0xffff  }
0x3a5: {  	v53 =	vor.u32 v14, v42;
	v9 =	vld.idx.msk [tilespmem:v9+s13+$0x0], $0xffff;
	v15 =	vor.u32 v15, v23;
	v23 =	vor.u32 v47, v48  }
0x3a6: {  	v55 =	vor.u32 v2, v31;
	v10 =	vld.idx.msk [tilespmem:v10+s13+$0x0], $0xffff  }
0x3a7: {  	v58 =	vor.u32 v13, v33;
	v12 =	vld.idx.msk [tilespmem:v12+s13+$0x0], $0xffff;
	v14 =	vmul.f32 $8.000000000e+00, v18  }
0x3a8: {  	v56 =	vmul.f32 $8.000000000e+00, v8;
	v5 =	vor.u32 v16, v5;
	v16 =	vld.idx.msk [tilespmem:v20+s13+$0x0], $0xffff  }
0x3a9: {  	v1 =	vor.u32 v1, v32;
	[tilespmem:v22+s16+$0x0] =	vst.idx.msk $0xffff, v14;
	v3 =	vmul.f32 $8.000000000e+00, v3;
	v0 =	vld.idx.msk [tilespmem:v0+s13+$0x0], $0xffff  }
0x3aa: {  	v11 =	vor.u32 v28, v37;
	[tilespmem:v53+s16+$0x0] =	vst.idx.msk $0xffff, v56;
	v62 =	vmul.f32 $8.000000000e+00, v9;
	v57 =	vld.idx.msk [tilespmem:v23+s13+$0x0], $0xffff  }
0x3ab: {  	v54 =	vmul.f32 $8.000000000e+00, v10;
	[tilespmem:v55+s16+$0x0] =	vst.idx.msk $0xffff, v3  }
0x3ac: {  	v60 =	vor.u32 v24, v43;
	v61 =	vmul.f32 $8.000000000e+00, v12;
	[tilespmem:v58+s16+$0x0] =	vst.idx.msk $0xffff, v62  }
0x3ad: {  	[tilespmem:v5+s16+$0x0] =	vst.idx.msk $0xffff, v54;
	v59 =	vmul.f32 $8.000000000e+00, v16  }
0x3ae: {  	[tilespmem:v1+s16+$0x0] =	vst.idx.msk $0xffff, v61;
	v0 =	vmul.f32 $8.000000000e+00, v0  }
0x3af: {  	[tilespmem:v11+s16+$0x0] =	vst.idx.msk $0xffff, v59;
	v63 =	vmul.f32 $8.000000000e+00, v57  }
0x3b0: {  	[tilespmem:v15+s16+$0x0] =	vst.idx.msk $0xffff, v0  }
0x3b1: {  	[tilespmem:v60+s16+$0x0] =	vst.idx.msk $0xffff, v63  }
0x3b2: {  	v63 =	vld [tilespmem:$0x1FE10]  }
0x3b3: {  	v14 =	vld [tilespmem:$0x1FE20]  }
0x3b4: {  	v18 =	vld [tilespmem:$0x1FE30]  }
0x3b5: {  	v19 =	vld [tilespmem:$0x1FE40]  }
0x3b6: {  	p1 =	sne.s32 s22, $0x63;
	v20 =	vld [tilespmem:$0x1FD50]  }
.Ltmp3:
0x3b7: {  	s24 =	sshll.u32 s22, $0x13;
	v21 =	vld [tilespmem:$0x1FD60];
	(pc) =	sbr.rel @p1 .LBB2_6-.Ltmp3, $4  }
0x3b8: {  	s24 =	sor.u32 s4, s24;
	v9 =	vld [tilespmem:$0x1FD70]  }
0x3b9: {  	s24 =	sshrl.u32 s24, $0x3;
	v12 =	vld [tilespmem:$0x1FD80]  }
0x3ba: {  	s31 =	sadd.s32 s1, s24;
	v45 =	vld [tilespmem:$0x1FD90]  }
0x3bb: {  	[hbm4b:s31+s9] =	stream.strided.scatter [tilespmem:s16], [sflag:$0x3], $0x2000, s10, s9, $0x38;
	v43 =	vld [tilespmem:$0x1FDA0]  }
.Ltmp4:
0x3bc: {  	(pc) =	sbr.rel .LBB2_7-.Ltmp4, $4  }
0x3bd: {  	_ = 	snop  }
0x3be: {  	_ =	swait.ge [sflag:s17], $0x2000  }
0x3bf: {  	[sflag:s17] =	ssyncset.done $0x0  }
0x3c0: {  	[sflag:s17] =	ssyncadd.s32 $0xFFFFE000  }
.LBB2_6:
0x3c1: {  	s25 =	sadd.s32 $0x100, s23  }
.Ltmp5:
0x3c2: {  	s25 =	sand.u32 $0xFF00, s25;
	(pc) =	sbr.rel @p0 .LBB2_8-.Ltmp5, $4  }
0x3c3: {  	[tilespmem:s13], [sflag:$0x1] =	stream.indirect.gather [hbm4b:s5+s12], $0x40, s25, s12, $0xb8;
	[tilespmem:$0xE400] =	vst v63  }
0x3c4: {  	_ =	swait.ge [sflag:s17], $0x2000  }
0x3c5: {  	[sflag:s17] =	ssyncset.done $0x0  }
0x3c6: {  	[sflag:s17] =	ssyncadd.s32 $0xFFFFE000  }
.LBB2_7:
0x3c7: {  	_ =	swait.ge [sflag:s18], $0x2000  }
0x3c8: {  	[sflag:s18] =	ssyncset.done $0x0  }
0x3c9: {  	[sflag:s18] =	ssyncadd.s32 $0xFFFFE000  }
.LBB2_8:
0x3ca: {  	v13 =	vld [tilespmem:$0x1FE00];
	_ =	sdelay $0x1  }
0x3cb: {  	s25 =	simm.s32 $0x0;
	v34 =	vlaneseq.u32  }
0x3cc: {  	v0 =	vadd.s32 s25, v34  }
0x3cd: {  	v15 =	vand.u32 $0xF, v0  }
0x3ce: {  	v1 =	vor.u32 v13, v15;
	_ =	sdelay $0x1  }
0x3cf: {  	s31 =	simm.s32 $0x1  }
0x3d0: {  	v2 =	vadd.s32 s31, v34  }
0x3d1: {  	v52 =	vand.u32 $0xF, v2;
	v48 =	vshll.u32 v0, $0x7  }
0x3d2: {  	v3 =	vor.u32 v34, v48;
	v4 =	vand.u32 $0x400, v48;
	v0 =	vor.u32 v13, v52;
	v1 =	vld.idx.msk [tilespmem:v1+s14+$0x0], $0xffff  }
0x3d3: {  	v3 =	vand.u32 $0x388, v3;
	v29 =	vor.u32 v63, v4  }
0x3d4: {  	v5 =	vor.u32 v3, v29  }
0x3d5: {  	v6 =	vor.u32 v14, v15  }
0x3d6: {  	v33 =	vshll.u32 v2, $0x7  }
0x3d7: {  	v2 =	vor.u32 v34, v33;
	v7 =	vand.u32 $0x400, v33;
	v0 =	vld.idx.msk [tilespmem:v0+s14+$0x0], $0xffff;
	v1 =	vmul.f32 $8.000000000e+00, v1  }
0x3d8: {  	v2 =	vand.u32 $0x388, v2;
	v32 =	vor.u32 v63, v7  }
0x3d9: {  	v8 =	vor.u32 v2, v32;
	[tilespmem:v5+s19+$0x0] =	vst.idx.msk $0xffff, v1  }
0x3da: {  	v1 =	vor.u32 v14, v52;
	v5 =	vld.idx.msk [tilespmem:v6+s14+$0x0], $0xffff  }
0x3db: {  	v16 =	vor.u32 v18, v4  }
0x3dc: {  	v0 =	vmul.f32 $8.000000000e+00, v0;
	v6 =	vor.u32 v3, v16  }
0x3dd: {  	v11 =	vor.u32 v19, v15  }
0x3de: {  	[tilespmem:v8+s19+$0x0] =	vst.idx.msk $0xffff, v0  }
0x3df: {  	v0 =	vld.idx.msk [tilespmem:v1+s14+$0x0], $0xffff;
	v1 =	vmul.f32 $8.000000000e+00, v5  }
0x3e0: {  	v22 =	vor.u32 v18, v7  }
0x3e1: {  	v5 =	vor.u32 v2, v22;
	[tilespmem:v6+s19+$0x0] =	vst.idx.msk $0xffff, v1  }
0x3e2: {  	v1 =	vor.u32 v19, v52;
	v6 =	vld.idx.msk [tilespmem:v11+s14+$0x0], $0xffff  }
0x3e3: {  	v38 =	vor.u32 v20, v4  }
0x3e4: {  	v8 =	vor.u32 v3, v38;
	v0 =	vmul.f32 $8.000000000e+00, v0  }
0x3e5: {  	v11 =	vor.u32 v21, v15  }
0x3e6: {  	[tilespmem:v5+s19+$0x0] =	vst.idx.msk $0xffff, v0  }
0x3e7: {  	v0 =	vld.idx.msk [tilespmem:v1+s14+$0x0], $0xffff;
	v1 =	vmul.f32 $8.000000000e+00, v6;
	_ =	sdelay $0x1  }
0x3e8: {  	v37 =	vor.u32 v20, v7;
	[tilespmem:v8+s19+$0x0] =	vst.idx.msk $0xffff, v1  }
0x3e9: {  	v5 =	vor.u32 v2, v37;
	v6 =	vld.idx.msk [tilespmem:v11+s14+$0x0], $0xffff  }
0x3ea: {  	v1 =	vor.u32 v21, v52;
	v59 =	vld [tilespmem:$0x1FE50]  }
0x3eb: {  	v35 =	vor.u32 v9, v4  }
0x3ec: {  	v3 =	vor.u32 v3, v35;
	v0 =	vmul.f32 $8.000000000e+00, v0;
	_ =	sdelay $0x1  }
0x3ed: {  	[tilespmem:v5+s19+$0x0] =	vst.idx.msk $0xffff, v0  }
0x3ee: {  	v0 =	vld.idx.msk [tilespmem:v1+s14+$0x0], $0xffff;
	v4 =	vor.u32 v59, v15;
	v1 =	vmul.f32 $8.000000000e+00, v6;
	_ =	sdelay $0x1  }
0x3ef: {  	[tilespmem:v3+s19+$0x0] =	vst.idx.msk $0xffff, v1  }
0x3f0: {  	v40 =	vld [tilespmem:$0x1FE60]  }
0x3f1: {  	v47 =	vor.u32 v9, v7  }
0x3f2: {  	v2 =	vor.u32 v2, v47;
	v3 =	vor.u32 v12, v48;
	v4 =	vld.idx.msk [tilespmem:v4+s14+$0x0], $0xffff  }
0x3f3: {  	v1 =	vor.u32 v59, v52;
	v3 =	vand.u32 $0x398, v3  }
0x3f4: {  	v5 =	vor.u32 v3, v29  }
0x3f5: {  	v0 =	vmul.f32 $8.000000000e+00, v0;
	v6 =	vor.u32 v40, v15;
	_ =	sdelay $0x1  }
0x3f6: {  	[tilespmem:v2+s19+$0x0] =	vst.idx.msk $0xffff, v0;
	v2 =	vmul.f32 $8.000000000e+00, v4  }
0x3f7: {  	v0 =	vld.idx.msk [tilespmem:v1+s14+$0x0], $0xffff;
	v1 =	vor.u32 v12, v33  }
0x3f8: {  	v1 =	vand.u32 $0x398, v1;
	[tilespmem:v5+s19+$0x0] =	vst.idx.msk $0xffff, v2  }
0x3f9: {  	v4 =	vor.u32 v1, v32;
	v5 =	vld.idx.msk [tilespmem:v6+s14+$0x0], $0xffff  }
0x3fa: {  	v2 =	vor.u32 v40, v52;
	v31 =	vld [tilespmem:$0x1FE70];
	_ =	sdelay $0x1  }
0x3fb: {  	v0 =	vmul.f32 $8.000000000e+00, v0;
	v6 =	vor.u32 v3, v16;
	_ =	sdelay $0x1  }
0x3fc: {  	[tilespmem:v4+s19+$0x0] =	vst.idx.msk $0xffff, v0  }
0x3fd: {  	v0 =	vld.idx.msk [tilespmem:v2+s14+$0x0], $0xffff;
	v7 =	vor.u32 v31, v15;
	v2 =	vmul.f32 $8.000000000e+00, v5;
	_ =	sdelay $0x1  }
0x3fe: {  	[tilespmem:v6+s19+$0x0] =	vst.idx.msk $0xffff, v2  }
0x3ff: {  	v42 =	vld [tilespmem:$0x1FE80]  }
0x400: {  	v4 =	vor.u32 v1, v22  }
0x401: {  	v2 =	vor.u32 v31, v52;
	v5 =	vld.idx.msk [tilespmem:v7+s14+$0x0], $0xffff;
	_ =	sdelay $0x1  }
0x402: {  	v6 =	vor.u32 v3, v38;
	v0 =	vmul.f32 $8.000000000e+00, v0  }
0x403: {  	v7 =	vor.u32 v42, v15  }
0x404: {  	[tilespmem:v4+s19+$0x0] =	vst.idx.msk $0xffff, v0  }
0x405: {  	v0 =	vld.idx.msk [tilespmem:v2+s14+$0x0], $0xffff;
	v2 =	vmul.f32 $8.000000000e+00, v5;
	_ =	sdelay $0x1  }
0x406: {  	v4 =	vor.u32 v1, v37;
	[tilespmem:v6+s19+$0x0] =	vst.idx.msk $0xffff, v2  }
0x407: {  	v2 =	vor.u32 v42, v52;
	v5 =	vld.idx.msk [tilespmem:v7+s14+$0x0], $0xffff;
	_ =	sdelay $0x1  }
0x408: {  	v3 =	vor.u32 v3, v35;
	v0 =	vmul.f32 $8.000000000e+00, v0  }
0x409: {  	v36 =	vld [tilespmem:$0x1FEA0]  }
0x40a: {  	[tilespmem:v4+s19+$0x0] =	vst.idx.msk $0xffff, v0  }
0x40b: {  	v0 =	vld.idx.msk [tilespmem:v2+s14+$0x0], $0xffff;
	v2 =	vmul.f32 $8.000000000e+00, v5;
	_ =	sdelay $0x1  }
0x40c: {  	[tilespmem:v3+s19+$0x0] =	vst.idx.msk $0xffff, v2  }
0x40d: {  	v6 =	vor.u32 v36, v15;
	v28 =	vld [tilespmem:$0x1FE90];
	_ =	sdelay $0x2  }
0x40e: {  	v8 =	vld [tilespmem:$0x1FEB0]  }
0x40f: {  	v1 =	vor.u32 v1, v47  }
0x410: {  	v2 =	vor.u32 v36, v52;
	v4 =	vld.idx.msk [tilespmem:v6+s14+$0x0], $0xffff;
	v3 =	vor.u32 v28, v48  }
0x411: {  	v3 =	vand.u32 $0x3A8, v3  }
0x412: {  	v0 =	vmul.f32 $8.000000000e+00, v0;
	v5 =	vor.u32 v3, v29  }
0x413: {  	v6 =	vor.u32 v8, v15  }
0x414: {  	[tilespmem:v1+s19+$0x0] =	vst.idx.msk $0xffff, v0  }
0x415: {  	v0 =	vld.idx.msk [tilespmem:v2+s14+$0x0], $0xffff;
	v1 =	vor.u32 v28, v33;
	v2 =	vmul.f32 $8.000000000e+00, v4  }
0x416: {  	v1 =	vand.u32 $0x3A8, v1  }
0x417: {  	v4 =	vor.u32 v1, v32;
	[tilespmem:v5+s19+$0x0] =	vst.idx.msk $0xffff, v2  }
0x418: {  	v2 =	vor.u32 v8, v52;
	v5 =	vld.idx.msk [tilespmem:v6+s14+$0x0], $0xffff  }
0x419: {  	v24 =	vmov v18;
	s26 =	simm.s32 $0x2;
	v18 =	vld [tilespmem:$0x1FEC0]  }
0x41a: {  	v7 =	vadd.s32 s26, v34;
	v0 =	vmul.f32 $8.000000000e+00, v0  }
0x41b: {  	v50 =	vand.u32 $0xF, v7;
	v25 =	vmov v8;
	v8 =	vor.u32 v3, v16  }
0x41c: {  	v6 =	vor.u32 v13, v50;
	[tilespmem:v4+s19+$0x0] =	vst.idx.msk $0xffff, v0  }
0x41d: {  	v0 =	vld.idx.msk [tilespmem:v2+s14+$0x0], $0xffff  }
0x41e: {  	v11 =	vor.u32 v18, v15;
	v5 =	vmul.f32 $8.000000000e+00, v5  }
0x41f: {  	s28 =	simm.s32 $0x3;
	v57 =	vshll.u32 v7, $0x7;
	v7 =	vor.u32 v1, v22  }
0x420: {  	v27 =	vmovc v14;
	v14 =	vadd.s32 s28, v34;
	v4 =	vand.u32 $0x400, v57;
	[tilespmem:v8+s19+$0x0] =	vst.idx.msk $0xffff, v5;
	v5 =	vor.u32 v18, v52  }
0x421: {  	v49 =	vand.u32 $0xF, v14;
	v44 =	vor.u32 v63, v4;
	v2 =	vor.u32 v34, v57;
	v6 =	vld.idx.msk [tilespmem:v6+s14+$0x0], $0xffff  }
0x422: {  	v2 =	vand.u32 $0x388, v2;
	v18 =	vor.u32 v13, v49;
	v0 =	vmul.f32 $8.000000000e+00, v0  }
0x423: {  	v8 =	vld.idx.msk [tilespmem:v11+s14+$0x0], $0xffff;
	v11 =	vor.u32 v2, v44  }
0x424: {  	v53 =	vmov v19;
	v19 =	vor.u32 v27, v50;
	[tilespmem:v7+s19+$0x0] =	vst.idx.msk $0xffff, v0  }
0x425: {  	v5 =	vld.idx.msk [tilespmem:v5+s14+$0x0], $0xffff  }
0x426: {  	v30 =	vmov v20;
	v20 =	vor.u32 v3, v38;
	v6 =	vmul.f32 $8.000000000e+00, v6  }
0x427: {  	v0 =	vor.u32 v45, v15;
	v7 =	vld.idx.msk [tilespmem:v18+s14+$0x0], $0xffff;
	v18 =	vor.u32 v1, v37  }
0x428: {  	[tilespmem:v11+s19+$0x0] =	vst.idx.msk $0xffff, v6  }
0x429: {  	v39 =	vshll.u32 v14, $0x7;
	v6 =	vmul.f32 $8.000000000e+00, v8;
	v14 =	vld.idx.msk [tilespmem:v19+s14+$0x0], $0xffff;
	v19 =	vor.u32 v45, v52  }
0x42a: {  	v5 =	vmul.f32 $8.000000000e+00, v5  }
0x42b: {  	v8 =	vor.u32 v34, v39;
	v11 =	vand.u32 $0x400, v39;
	[tilespmem:v20+s19+$0x0] =	vst.idx.msk $0xffff, v6  }
0x42c: {  	v8 =	vand.u32 $0x388, v8;
	v51 =	vor.u32 v63, v11;
	v0 =	vld.idx.msk [tilespmem:v0+s14+$0x0], $0xffff;
	[tilespmem:v18+s19+$0x0] =	vst.idx.msk $0xffff, v5  }
0x42d: {  	v46 =	vmov v21;
	v56 =	vor.u32 v24, v4;
	v21 =	vor.u32 v8, v51;
	v17 =	vld [tilespmem:$0x1FED0]  }
0x42e: {  	v23 =	vmov v22;
	v22 =	vor.u32 v2, v56;
	v6 =	vor.u32 v27, v49;
	v18 =	vld.idx.msk [tilespmem:v19+s14+$0x0], $0xffff  }
0x42f: {  	v3 =	vor.u32 v3, v35;
	v20 =	vor.u32 v53, v50  }
0x430: {  	v1 =	vor.u32 v1, v47;
	v7 =	vmul.f32 $8.000000000e+00, v7  }
0x431: {  	v14 =	vmul.f32 $8.000000000e+00, v14  }
0x432: {  	[tilespmem:v21+s19+$0x0] =	vst.idx.msk $0xffff, v7;
	v0 =	vmul.f32 $8.000000000e+00, v0  }
0x433: {  	[tilespmem:v22+s19+$0x0] =	vst.idx.msk $0xffff, v14;
	v6 =	vld.idx.msk [tilespmem:v6+s14+$0x0], $0xffff;
	v5 =	vor.u32 v17, v15;
	v18 =	vmul.f32 $8.000000000e+00, v18  }
0x434: {  	v54 =	vor.u32 v30, v4;
	v58 =	vor.u32 v24, v11;
	v7 =	vld.idx.msk [tilespmem:v20+s14+$0x0], $0xffff;
	[tilespmem:v3+s19+$0x0] =	vst.idx.msk $0xffff, v0  }
0x435: {  	v19 =	vor.u32 v8, v58;
	v14 =	vor.u32 v17, v52;
	[tilespmem:v1+s19+$0x0] =	vst.idx.msk $0xffff, v18  }
0x436: {  	v27 =	vmov v35;
	v0 =	vor.u32 v2, v54;
	v35 =	vld [tilespmem:$0x1FEE0]  }
0x437: {  	v55 =	vmov v53  }
0x438: {  	v20 =	vor.u32 v43, v48;
	v3 =	vor.u32 v55, v49;
	v6 =	vmul.f32 $8.000000000e+00, v6;
	v5 =	vld.idx.msk [tilespmem:v5+s14+$0x0], $0xffff  }
0x439: {  	v21 =	vor.u32 v46, v50;
	v20 =	vand.u32 $0x3B8, v20;
	v1 =	vmul.f32 $8.000000000e+00, v7  }
0x43a: {  	v22 =	vor.u32 v20, v29;
	v14 =	vld.idx.msk [tilespmem:v14+s14+$0x0], $0xffff;
	[tilespmem:v19+s19+$0x0] =	vst.idx.msk $0xffff, v6;
	v6 =	vor.u32 v43, v33  }
0x43b: {  	[tilespmem:v0+s19+$0x0] =	vst.idx.msk $0xffff, v1;
	v1 =	vand.u32 $0x3B8, v6;
	v7 =	vor.u32 v35, v15  }
0x43c: {  	v6 =	vor.u32 v1, v32  }
0x43d: {  	v0 =	vld.idx.msk [tilespmem:v3+s14+$0x0], $0xffff;
	v3 =	vmul.f32 $8.000000000e+00, v5;
	_ =	sdelay $0x1  }
0x43e: {  	v10 =	vor.u32 v9, v4;
	v5 =	vld.idx.msk [tilespmem:v21+s14+$0x0], $0xffff;
	v14 =	vmul.f32 $8.000000000e+00, v14;
	[tilespmem:v22+s19+$0x0] =	vst.idx.msk $0xffff, v3  }
0x43f: {  	v55 =	vor.u32 v30, v11;
	v7 =	vld.idx.msk [tilespmem:v7+s14+$0x0], $0xffff;
	[tilespmem:$0x1FB20] =	vst v16  }
0x440: {  	v2 =	vor.u32 v2, v10;
	v4 =	vor.u32 v35, v52;
	[tilespmem:v6+s19+$0x0] =	vst.idx.msk $0xffff, v14  }
0x441: {  	v18 =	vor.u32 v8, v55;
	v21 =	vor.u32 v20, v16;
	v22 =	vmovc v10;
	v10 =	vmov v16;
	v16 =	vld [tilespmem:$0x1FEF0]  }
0x442: {  	v3 =	vor.u32 v46, v49;
	_ =	sdelay $0x1  }
0x443: {  	v19 =	vor.u32 v59, v50;
	v0 =	vmul.f32 $8.000000000e+00, v0  }
0x444: {  	v5 =	vmul.f32 $8.000000000e+00, v5;
	v4 =	vld.idx.msk [tilespmem:v4+s14+$0x0], $0xffff  }
0x445: {  	[tilespmem:v18+s19+$0x0] =	vst.idx.msk $0xffff, v0;
	v6 =	vor.u32 v16, v15  }
0x446: {  	[tilespmem:v2+s19+$0x0] =	vst.idx.msk $0xffff, v5;
	v2 =	vld.idx.msk [tilespmem:v3+s14+$0x0], $0xffff;
	v3 =	vmul.f32 $8.000000000e+00, v7;
	v7 =	vor.u32 v1, v23  }
0x447: {  	v53 =	vmov v24;
	v24 =	vor.u32 v9, v11  }
0x448: {  	v5 =	vld.idx.msk [tilespmem:v19+s14+$0x0], $0xffff;
	[tilespmem:$0x1FB30] =	vst v24  }
0x449: {  	[tilespmem:v21+s19+$0x0] =	vst.idx.msk $0xffff, v3;
	v4 =	vmul.f32 $8.000000000e+00, v4  }
0x44a: {  	v11 =	vor.u32 v16, v52;
	v6 =	vld.idx.msk [tilespmem:v6+s14+$0x0], $0xffff;
	[tilespmem:$0x1F9B0] =	vst v38  }
0x44b: {  	v0 =	vor.u32 v12, v57;
	[tilespmem:v7+s19+$0x0] =	vst.idx.msk $0xffff, v4  }
0x44c: {  	v9 =	vmovc v38;
	v8 =	vor.u32 v8, v24;
	v0 =	vand.u32 $0x398, v0;
	v19 =	vor.u32 v20, v38;
	v38 =	vld [tilespmem:$0x1FF00]  }
0x44d: {  	v3 =	vor.u32 v0, v44  }
0x44e: {  	v14 =	vor.u32 v59, v49  }
0x44f: {  	v18 =	vor.u32 v40, v50;
	v2 =	vmul.f32 $8.000000000e+00, v2;
	v7 =	vld.idx.msk [tilespmem:v11+s14+$0x0], $0xffff  }
0x450: {  	v4 =	vmul.f32 $8.000000000e+00, v5  }
0x451: {  	[tilespmem:v8+s19+$0x0] =	vst.idx.msk $0xffff, v2;
	v8 =	vor.u32 v1, v37;
	v5 =	vor.u32 v38, v15  }
0x452: {  	[tilespmem:v3+s19+$0x0] =	vst.idx.msk $0xffff, v4  }
0x453: {  	v2 =	vld.idx.msk [tilespmem:v14+s14+$0x0], $0xffff;
	[tilespmem:$0x1F9C0] =	vst v39;
	v4 =	vmul.f32 $8.000000000e+00, v6  }
0x454: {  	v3 =	vor.u32 v12, v39;
	v6 =	vld.idx.msk [tilespmem:v18+s14+$0x0], $0xffff;
	[tilespmem:$0x1F9D0] =	vst v37;
	v7 =	vmul.f32 $8.000000000e+00, v7  }
0x455: {  	v3 =	vand.u32 $0x398, v3;
	[tilespmem:v19+s19+$0x0] =	vst.idx.msk $0xffff, v4  }
0x456: {  	v11 =	vor.u32 v38, v52;
	v4 =	vor.u32 v0, v56;
	[tilespmem:v8+s19+$0x0] =	vst.idx.msk $0xffff, v7;
	v5 =	vld.idx.msk [tilespmem:v5+s14+$0x0], $0xffff  }
0x457: {  	v14 =	vor.u32 v3, v51;
	v41 =	vld [tilespmem:$0x1FF20]  }
0x458: {  	v20 =	vor.u32 v20, v27;
	v18 =	vor.u32 v40, v49  }
0x459: {  	v6 =	vmul.f32 $8.000000000e+00, v6  }
0x45a: {  	v19 =	vor.u32 v31, v50;
	v2 =	vmul.f32 $8.000000000e+00, v2  }
0x45b: {  	v8 =	vld.idx.msk [tilespmem:v11+s14+$0x0], $0xffff;
	[tilespmem:v4+s19+$0x0] =	vst.idx.msk $0xffff, v6;
	v4 =	vmul.f32 $8.000000000e+00, v5  }
0x45c: {  	[tilespmem:v14+s19+$0x0] =	vst.idx.msk $0xffff, v2;
	v7 =	vor.u32 v41, v15  }
0x45d: {  	v1 =	vor.u32 v1, v47;
	v2 =	vld.idx.msk [tilespmem:v18+s14+$0x0], $0xffff;
	[tilespmem:v20+s19+$0x0] =	vst.idx.msk $0xffff, v4  }
0x45e: {  	v62 =	vmov v46;
	v46 =	vld [tilespmem:$0x1FF10]  }
0x45f: {  	v11 =	vor.u32 v3, v58;
	v6 =	vor.u32 v41, v52;
	v5 =	vld.idx.msk [tilespmem:v19+s14+$0x0], $0xffff  }
0x460: {  	v8 =	vmul.f32 $8.000000000e+00, v8  }
0x461: {  	v18 =	vor.u32 v0, v54;
	v7 =	vld.idx.msk [tilespmem:v7+s14+$0x0], $0xffff;
	[tilespmem:$0x1F9F0] =	vst v29  }
0x462: {  	v2 =	vmul.f32 $8.000000000e+00, v2;
	[tilespmem:v1+s19+$0x0] =	vst.idx.msk $0xffff, v8  }
0x463: {  	v12 =	vld [tilespmem:$0x1FF30];
	v14 =	vor.u32 v46, v48  }
0x464: {  	v1 =	vmul.f32 $8.000000000e+00, v5;
	v6 =	vld.idx.msk [tilespmem:v6+s14+$0x0], $0xffff;
	[tilespmem:v11+s19+$0x0] =	vst.idx.msk $0xffff, v2;
	v2 =	vor.u32 v46, v33;
	v14 =	vand.u32 $0x3C8, v14  }
0x465: {  	v4 =	vor.u32 v31, v49;
	v2 =	vand.u32 $0x3C8, v2;
	v20 =	vor.u32 v14, v29  }
0x466: {  	v19 =	vor.u32 v42, v50;
	[tilespmem:v18+s19+$0x0] =	vst.idx.msk $0xffff, v1;
	v1 =	vmul.f32 $8.000000000e+00, v7;
	v7 =	vor.u32 v2, v32;
	_ =	sdelay $0x1  }
0x467: {  	v5 =	vor.u32 v12, v15  }
0x468: {  	v6 =	vmul.f32 $8.000000000e+00, v6  }
0x469: {  	v4 =	vld.idx.msk [tilespmem:v4+s14+$0x0], $0xffff;
	[tilespmem:v20+s19+$0x0] =	vst.idx.msk $0xffff, v1  }
0x46a: {  	v8 =	vld.idx.msk [tilespmem:v19+s14+$0x0], $0xffff;
	v11 =	vor.u32 v12, v52;
	[tilespmem:v7+s19+$0x0] =	vst.idx.msk $0xffff, v6  }
0x46b: {  	v18 =	vor.u32 v3, v55;
	v20 =	vor.u32 v14, v10;
	v10 =	vld [tilespmem:$0x1FF40]  }
0x46c: {  	v0 =	vor.u32 v0, v22;
	v5 =	vld.idx.msk [tilespmem:v5+s14+$0x0], $0xffff  }
0x46d: {  	v1 =	vor.u32 v42, v49  }
0x46e: {  	v19 =	vor.u32 v36, v50;
	v4 =	vmul.f32 $8.000000000e+00, v4  }
0x46f: {  	v6 =	vmul.f32 $8.000000000e+00, v8;
	v8 =	vld.idx.msk [tilespmem:v11+s14+$0x0], $0xffff  }
0x470: {  	[tilespmem:v18+s19+$0x0] =	vst.idx.msk $0xffff, v4;
	v7 =	vor.u32 v10, v15  }
0x471: {  	v4 =	vor.u32 v2, v23;
	[tilespmem:v0+s19+$0x0] =	vst.idx.msk $0xffff, v6;
	v0 =	vmul.f32 $8.000000000e+00, v5  }
0x472: {  	v1 =	vld.idx.msk [tilespmem:v1+s14+$0x0], $0xffff;
	[tilespmem:$0x1FA30] =	vst v23  }
0x473: {  	v3 =	vor.u32 v3, v24;
	v5 =	vor.u32 v28, v57;
	v6 =	vld.idx.msk [tilespmem:v19+s14+$0x0], $0xffff;
	[tilespmem:v20+s19+$0x0] =	vst.idx.msk $0xffff, v0  }
0x474: {  	v11 =	vor.u32 v10, v52;
	v8 =	vmul.f32 $8.000000000e+00, v8;
	v5 =	vand.u32 $0x3A8, v5;
	[tilespmem:$0x1FA40] =	vst v44  }
0x475: {  	v0 =	vor.u32 v36, v49;
	v18 =	vor.u32 v5, v44;
	v7 =	vld.idx.msk [tilespmem:v7+s14+$0x0], $0xffff  }
0x476: {  	v19 =	vor.u32 v25, v50;
	[tilespmem:v4+s19+$0x0] =	vst.idx.msk $0xffff, v8  }
0x477: {  	v20 =	vor.u32 v14, v9;
	v1 =	vmul.f32 $8.000000000e+00, v1;
	v9 =	vld [tilespmem:$0x1FF50]  }
0x478: {  	v6 =	vmul.f32 $8.000000000e+00, v6  }
0x479: {  	v26 =	vmov v13;
	v13 =	vmov v39;
	v8 =	vld.idx.msk [tilespmem:v11+s14+$0x0], $0xffff;
	[tilespmem:v3+s19+$0x0] =	vst.idx.msk $0xffff, v1  }
0x47a: {  	v21 =	vmov v51;
	v1 =	vor.u32 v28, v13;
	v0 =	vld.idx.msk [tilespmem:v0+s14+$0x0], $0xffff;
	[tilespmem:v18+s19+$0x0] =	vst.idx.msk $0xffff, v6;
	v3 =	vmul.f32 $8.000000000e+00, v7  }
0x47b: {  	v6 =	vor.u32 v2, v37;
	v11 =	vld.idx.msk [tilespmem:v19+s14+$0x0], $0xffff;
	[tilespmem:$0x1FA60] =	vst v21;
	v7 =	vand.u32 $0x3A8, v1  }
0x47c: {  	s29 =	simm.s32 $0x4;
	v4 =	vor.u32 v9, v15;
	v19 =	vor.u32 v7, v21;
	[tilespmem:v20+s19+$0x0] =	vst.idx.msk $0xffff, v3  }
0x47d: {  	v1 =	vadd.s32 s29, v34;
	v18 =	vor.u32 v9, v52;
	v42 =	vld [tilespmem:$0x1FF70]  }
0x47e: {  	v8 =	vmul.f32 $8.000000000e+00, v8;
	v60 =	vand.u32 $0xF, v1;
	v3 =	vor.u32 v25, v49;
	v28 =	vld [tilespmem:$0x1FEC0]  }
0x47f: {  	v13 =	vmovc v21;
	v21 =	vor.u32 v5, v56;
	v20 =	vor.u32 v26, v60;
	v0 =	vmul.f32 $8.000000000e+00, v0;
	v36 =	vld [tilespmem:$0x1FF60]  }
0x480: {  	v9 =	vld [tilespmem:$0x1FDB0];
	[tilespmem:v6+s19+$0x0] =	vst.idx.msk $0xffff, v8  }
0x481: {  	v4 =	vld.idx.msk [tilespmem:v4+s14+$0x0], $0xffff;
	[tilespmem:v19+s19+$0x0] =	vst.idx.msk $0xffff, v0  }
0x482: {  	v8 =	vmul.f32 $8.000000000e+00, v11;
	v11 =	vld.idx.msk [tilespmem:v18+s14+$0x0], $0xffff;
	[tilespmem:$0x1FA90] =	vst v27  }
0x483: {  	v14 =	vor.u32 v14, v27;
	v43 =	vshll.u32 v1, $0x7;
	v25 =	vor.u32 v28, v50;
	v3 =	vld.idx.msk [tilespmem:v3+s14+$0x0], $0xffff  }
0x484: {  	v2 =	vor.u32 v2, v47;
	v0 =	vor.u32 v34, v43;
	v19 =	vld.idx.msk [tilespmem:v20+s14+$0x0], $0xffff;
	[tilespmem:v21+s19+$0x0] =	vst.idx.msk $0xffff, v8  }
0x485: {  	v30 =	vmovc v33;
	v31 =	vmovc v32;
	v18 =	vand.u32 $0x400, v43;
	v24 =	vor.u32 v9, v15;
	v20 =	vand.u32 $0x388, v0;
	v33 =	vld [tilespmem:$0x1FE20]  }
0x486: {  	v0 =	vor.u32 v63, v18;
	v8 =	vor.u32 v9, v52;
	v21 =	vor.u32 v7, v58;
	[tilespmem:$0x1FAA0] =	vst v47  }
0x487: {  	s30 =	simm.s32 $0x5;
	v32 =	vmovc v26;
	[tilespmem:$0x1F9E0] =	vst v0;
	v26 =	vor.u32 v20, v0;
	v0 =	vor.u32 v53, v18;
	v4 =	vmul.f32 $8.000000000e+00, v4  }
0x488: {  	v51 =	vmov v23;
	v10 =	vmov v27;
	v27 =	vadd.s32 s30, v34;
	v25 =	vld.idx.msk [tilespmem:v25+s14+$0x0], $0xffff;
	[tilespmem:$0x1FA00] =	vst v0  }
0x489: {  	v23 =	vor.u32 v36, v48;
	v28 =	vor.u32 v28, v49;
	v11 =	vmul.f32 $8.000000000e+00, v11;
	[tilespmem:v14+s19+$0x0] =	vst.idx.msk $0xffff, v4  }
0x48a: {  	v39 =	vmovc v29;
	v1 =	vmovc v63;
	v63 =	vand.u32 $0xF, v27;
	v3 =	vmul.f32 $8.000000000e+00, v3;
	v29 =	vor.u32 v33, v60;
	[tilespmem:$0x1FAC0] =	vst v54  }
0x48b: {  	v19 =	vmul.f32 $8.000000000e+00, v19;
	v4 =	vor.u32 v32, v63;
	v14 =	vand.u32 $0x3D8, v23;
	v24 =	vld.idx.msk [tilespmem:v24+s14+$0x0], $0xffff;
	[tilespmem:v2+s19+$0x0] =	vst.idx.msk $0xffff, v11  }
0x48c: {  	v23 =	vor.u32 v5, v54;
	[tilespmem:v21+s19+$0x0] =	vst.idx.msk $0xffff, v3;
	v2 =	vor.u32 v36, v30;
	v8 =	vld.idx.msk [tilespmem:v8+s14+$0x0], $0xffff  }
0x48d: {  	v6 =	vor.u32 v45, v50;
	v11 =	vor.u32 v14, v39;
	[tilespmem:v26+s19+$0x0] =	vst.idx.msk $0xffff, v19;
	v26 =	vand.u32 $0x3D8, v2  }
0x48e: {  	v36 =	vshll.u32 v27, $0x7;
	v21 =	vmul.f32 $8.000000000e+00, v25;
	v25 =	vld.idx.msk [tilespmem:v28+s14+$0x0], $0xffff;
	v27 =	vor.u32 v26, v31  }
0x48f: {  	v40 =	vmovc v54;
	v12 =	vmov v22;
	v22 =	vor.u32 v42, v15;
	v9 =	vmov v30;
	v28 =	vld.idx.msk [tilespmem:v29+s14+$0x0], $0xffff  }
0x490: {  	v54 =	vmovc v31;
	v19 =	vor.u32 v20, v0;
	[tilespmem:$0x1FAE0] =	vst v31;
	v31 =	vor.u32 v7, v55;
	v24 =	vmul.f32 $8.000000000e+00, v24  }
0x491: {  	v3 =	vor.u32 v34, v36;
	v30 =	vand.u32 $0x400, v36;
	v4 =	vld.idx.msk [tilespmem:v4+s14+$0x0], $0xffff;
	[tilespmem:v23+s19+$0x0] =	vst.idx.msk $0xffff, v21;
	v8 =	vmul.f32 $8.000000000e+00, v8  }
0x492: {  	v32 =	vand.u32 $0x388, v3;
	v61 =	vor.u32 v1, v30;
	[tilespmem:v11+s19+$0x0] =	vst.idx.msk $0xffff, v24  }
0x493: {  	v23 =	vor.u32 v32, v61;
	v6 =	vld.idx.msk [tilespmem:v6+s14+$0x0], $0xffff;
	v24 =	vmul.f32 $8.000000000e+00, v25;
	[tilespmem:v27+s19+$0x0] =	vst.idx.msk $0xffff, v8  }
0x494: {  	v22 =	vld.idx.msk [tilespmem:v22+s14+$0x0], $0xffff;
	v8 =	vmul.f32 $8.000000000e+00, v28;
	[tilespmem:$0x1FB10] =	vst v12  }
0x495: {  	v29 =	vor.u32 v42, v52;
	v1 =	vld [tilespmem:$0x1FE40];
	[tilespmem:v31+s19+$0x0] =	vst.idx.msk $0xffff, v24  }
0x496: {  	v21 =	vor.u32 v45, v49;
	v4 =	vmul.f32 $8.000000000e+00, v4;
	[tilespmem:v19+s19+$0x0] =	vst.idx.msk $0xffff, v8  }
0x497: {  	v27 =	vor.u32 v5, v12;
	v5 =	vld [tilespmem:$0x1FB20]  }
0x498: {  	v11 =	vor.u32 v33, v63;
	v37 =	vld [tilespmem:$0x1FF80];
	[tilespmem:v23+s19+$0x0] =	vst.idx.msk $0xffff, v4  }
0x499: {  	v39 =	vmov v12;
	v12 =	vld [tilespmem:$0x1FB30]  }
0x49a: {  	v28 =	vld.idx.msk [tilespmem:v29+s14+$0x0], $0xffff  }
0x49b: {  	v6 =	vmul.f32 $8.000000000e+00, v6;
	v21 =	vld.idx.msk [tilespmem:v21+s14+$0x0], $0xffff  }
0x49c: {  	v4 =	vor.u32 v26, v51;
	v0 =	vld [tilespmem:$0x1FD50]  }
0x49d: {  	v11 =	vld.idx.msk [tilespmem:v11+s14+$0x0], $0xffff;
	[tilespmem:v27+s19+$0x0] =	vst.idx.msk $0xffff, v6;
	v25 =	vor.u32 v1, v60;
	v19 =	vor.u32 v14, v5  }
0x49e: {  	v3 =	vld [tilespmem:$0x1FDA0];
	v29 =	vor.u32 v37, v15;
	v7 =	vor.u32 v7, v12  }
0x49f: {  	v45 =	vor.u32 v53, v30;
	v27 =	vmul.f32 $8.000000000e+00, v28  }
0x4a0: {  	v22 =	vmul.f32 $8.000000000e+00, v22;
	v28 =	vor.u32 v32, v45  }
0x4a1: {  	v21 =	vmul.f32 $8.000000000e+00, v21;
	[tilespmem:v4+s19+$0x0] =	vst.idx.msk $0xffff, v27  }
0x4a2: {  	v25 =	vld.idx.msk [tilespmem:v25+s14+$0x0], $0xffff;
	[tilespmem:v19+s19+$0x0] =	vst.idx.msk $0xffff, v22  }
0x4a3: {  	v4 =	vmul.f32 $8.000000000e+00, v11;
	v31 =	vor.u32 v3, v57;
	v22 =	vld.idx.msk [tilespmem:v29+s14+$0x0], $0xffff;
	[tilespmem:v7+s19+$0x0] =	vst.idx.msk $0xffff, v21  }
0x4a4: {  	v27 =	vand.u32 $0x3B8, v31;
	v19 =	vor.u32 v1, v63;
	v1 =	vld [tilespmem:$0x1FF90]  }
0x4a5: {  	v24 =	vor.u32 v17, v50;
	v11 =	vor.u32 v27, v44;
	v44 =	vld [tilespmem:$0x1F9B0];
	[tilespmem:v28+s19+$0x0] =	vst.idx.msk $0xffff, v4  }
0x4a6: {  	v6 =	vor.u32 v17, v49;
	v17 =	vmov v62;
	v29 =	vor.u32 v62, v60;
	v62 =	vld [tilespmem:$0x1F9C0]  }
0x4a7: {  	v23 =	vor.u32 v37, v52;
	v51 =	vor.u32 v0, v18  }
0x4a8: {  	v53 =	vor.u32 v20, v51;
	_ =	sdelay $0x1  }
0x4a9: {  	v24 =	vld.idx.msk [tilespmem:v24+s14+$0x0], $0xffff  }
0x4aa: {  	v21 =	vmul.f32 $8.000000000e+00, v25;
	v4 =	vor.u32 v3, v62;
	v3 =	vld [tilespmem:$0x1F9D0]  }
0x4ab: {  	v23 =	vld.idx.msk [tilespmem:v23+s14+$0x0], $0xffff  }
0x4ac: {  	v31 =	vld.idx.msk [tilespmem:v6+s14+$0x0], $0xffff;
	[tilespmem:v53+s19+$0x0] =	vst.idx.msk $0xffff, v21  }
0x4ad: {  	v6 =	vld [tilespmem:$0x1FD70]  }
0x4ae: {  	v25 =	vor.u32 v35, v50;
	v34 =	vor.u32 v14, v44  }
0x4af: {  	v7 =	vor.u32 v1, v15;
	v28 =	vor.u32 v26, v3  }
0x4b0: {  	v19 =	vld.idx.msk [tilespmem:v19+s14+$0x0], $0xffff;
	v21 =	vmul.f32 $8.000000000e+00, v24  }
0x4b1: {  	v22 =	vmul.f32 $8.000000000e+00, v22;
	v53 =	vor.u32 v1, v52;
	v24 =	vand.u32 $0x3B8, v4;
	v29 =	vld.idx.msk [tilespmem:v29+s14+$0x0], $0xffff  }
0x4b2: {  	[tilespmem:v11+s19+$0x0] =	vst.idx.msk $0xffff, v21;
	v11 =	vmul.f32 $8.000000000e+00, v23;
	v4 =	vor.u32 v6, v18;
	v18 =	vor.u32 v24, v13  }
0x4b3: {  	v8 =	vor.u32 v0, v30;
	v35 =	vor.u32 v35, v49;
	v23 =	vld.idx.msk [tilespmem:v25+s14+$0x0], $0xffff;
	[tilespmem:v34+s19+$0x0] =	vst.idx.msk $0xffff, v22  }
0x4b4: {  	v21 =	vor.u32 v32, v8;
	v7 =	vld.idx.msk [tilespmem:v7+s14+$0x0], $0xffff;
	[tilespmem:v28+s19+$0x0] =	vst.idx.msk $0xffff, v11  }
0x4b5: {  	v25 =	vmul.f32 $8.000000000e+00, v31;
	v20 =	vor.u32 v20, v4;
	v1 =	vld [tilespmem:$0x1FFA0]  }
0x4b6: {  	v31 =	vld.idx.msk [tilespmem:v53+s14+$0x0], $0xffff  }
0x4b7: {  	v33 =	vor.u32 v27, v56;
	v19 =	vmul.f32 $8.000000000e+00, v19;
	v22 =	vor.u32 v17, v63;
	v2 =	vld [tilespmem:$0x1FFB0];
	[tilespmem:v18+s19+$0x0] =	vst.idx.msk $0xffff, v25  }
0x4b8: {  	v14 =	vor.u32 v14, v10;
	v18 =	vmul.f32 $8.000000000e+00, v29;
	v29 =	vld.idx.msk [tilespmem:v35+s14+$0x0], $0xffff  }
0x4b9: {  	v11 =	vor.u32 v59, v60;
	v17 =	vld [tilespmem:$0x1FD80];
	[tilespmem:v21+s19+$0x0] =	vst.idx.msk $0xffff, v19;
	v19 =	vor.u32 v26, v47  }
0x4ba: {  	[tilespmem:v20+s19+$0x0] =	vst.idx.msk $0xffff, v18;
	v20 =	vmul.f32 $8.000000000e+00, v23;
	v23 =	vor.u32 v24, v58  }
0x4bb: {  	v26 =	vmul.f32 $8.000000000e+00, v7  }
0x4bc: {  	v10 =	vor.u32 v6, v30;
	v18 =	vld.idx.msk [tilespmem:v22+s14+$0x0], $0xffff;
	[tilespmem:v33+s19+$0x0] =	vst.idx.msk $0xffff, v20;
	v30 =	vmul.f32 $8.000000000e+00, v31  }
0x4bd: {  	v25 =	vor.u32 v16, v50;
	v47 =	vld [tilespmem:$0x1F9E0];
	[tilespmem:v14+s19+$0x0] =	vst.idx.msk $0xffff, v26;
	v26 =	vmul.f32 $8.000000000e+00, v29  }
0x4be: {  	v11 =	vld.idx.msk [tilespmem:v11+s14+$0x0], $0xffff;
	v34 =	vor.u32 v2, v15;
	[tilespmem:v19+s19+$0x0] =	vst.idx.msk $0xffff, v30  }
0x4bf: {  	v21 =	vor.u32 v2, v52;
	v0 =	vld [tilespmem:$0x1FE60];
	[tilespmem:v23+s19+$0x0] =	vst.idx.msk $0xffff, v26  }
0x4c0: {  	v53 =	vor.u32 v17, v43;
	v6 =	vld [tilespmem:$0x1F9F0]  }
0x4c1: {  	v31 =	vor.u32 v32, v10;
	v53 =	vand.u32 $0x398, v53  }
0x4c2: {  	v20 =	vor.u32 v16, v49;
	v25 =	vld.idx.msk [tilespmem:v25+s14+$0x0], $0xffff;
	v32 =	vor.u32 v53, v47  }
0x4c3: {  	v28 =	vor.u32 v1, v48;
	v14 =	vor.u32 v59, v63;
	v59 =	vor.u32 v27, v40;
	v29 =	vld.idx.msk [tilespmem:v34+s14+$0x0], $0xffff  }
0x4c4: {  	v28 =	vand.u32 $0x3E8, v28;
	v18 =	vmul.f32 $8.000000000e+00, v18;
	v23 =	vor.u32 v1, v9;
	v21 =	vld.idx.msk [tilespmem:v21+s14+$0x0], $0xffff  }
0x4c5: {  	v11 =	vmul.f32 $8.000000000e+00, v11;
	v23 =	vand.u32 $0x3E8, v23;
	v26 =	vor.u32 v28, v6  }
0x4c6: {  	[tilespmem:v31+s19+$0x0] =	vst.idx.msk $0xffff, v18;
	v31 =	vor.u32 v23, v54  }
0x4c7: {  	v2 =	vld [tilespmem:$0x1FFC0];
	[tilespmem:v32+s19+$0x0] =	vst.idx.msk $0xffff, v11;
	v11 =	vmul.f32 $8.000000000e+00, v25  }
0x4c8: {  	v29 =	vmul.f32 $8.000000000e+00, v29  }
0x4c9: {  	v20 =	vld.idx.msk [tilespmem:v20+s14+$0x0], $0xffff;
	[tilespmem:v59+s19+$0x0] =	vst.idx.msk $0xffff, v11;
	v11 =	vmul.f32 $8.000000000e+00, v21  }
0x4ca: {  	v54 =	vld [tilespmem:$0x1FA00];
	[tilespmem:v26+s19+$0x0] =	vst.idx.msk $0xffff, v29  }
0x4cb: {  	v19 =	vor.u32 v0, v60;
	v25 =	vld.idx.msk [tilespmem:v14+s14+$0x0], $0xffff;
	v14 =	vor.u32 v17, v36;
	[tilespmem:v31+s19+$0x0] =	vst.idx.msk $0xffff, v11  }
0x4cc: {  	v30 =	vor.u32 v38, v50;
	v35 =	vand.u32 $0x398, v14;
	v14 =	vld [tilespmem:$0x1FDF0]  }
0x4cd: {  	v1 =	vmov v36;
	v36 =	vor.u32 v38, v49;
	v18 =	vor.u32 v2, v15;
	v38 =	vld [tilespmem:$0x1FFF0];
	_ =	sdelay $0x1  }
0x4ce: {  	v34 =	vor.u32 v24, v55  }
0x4cf: {  	v19 =	vld.idx.msk [tilespmem:v19+s14+$0x0], $0xffff  }
0x4d0: {  	v32 =	vor.u32 v2, v52;
	v30 =	vld.idx.msk [tilespmem:v30+s14+$0x0], $0xffff;
	v2 =	vor.u32 v14, v15  }
0x4d1: {  	v20 =	vmul.f32 $8.000000000e+00, v20;
	v29 =	vld.idx.msk [tilespmem:v18+s14+$0x0], $0xffff;
	[tilespmem:$0x1FA10] =	vst v2;
	v2 =	vor.u32 v38, v15  }
0x4d2: {  	[tilespmem:$0x1FA20] =	vst v2  }
0x4d3: {  	v7 =	vld [tilespmem:$0x1FE70];
	[tilespmem:v34+s19+$0x0] =	vst.idx.msk $0xffff, v20  }
0x4d4: {  	v11 =	vmov v3;
	v3 =	vld [tilespmem:$0x1FDE0];
	_ =	sdelay $0x1  }
0x4d5: {  	v59 =	vor.u32 v35, v61;
	_ =	sdelay $0x2  }
0x4d6: {  	v26 =	vor.u32 v0, v63;
	v25 =	vmul.f32 $8.000000000e+00, v25;
	v0 =	vor.u32 v3, v15  }
0x4d7: {  	v32 =	vld.idx.msk [tilespmem:v32+s14+$0x0], $0xffff;
	[tilespmem:$0x1FB00] =	vst v0  }
0x4d8: {  	[tilespmem:v59+s19+$0x0] =	vst.idx.msk $0xffff, v25  }
0x4d9: {  	v21 =	vor.u32 v53, v54;
	v59 =	vld [tilespmem:$0x1FA30];
	_ =	sdelay $0x2  }
0x4da: {  	v19 =	vmul.f32 $8.000000000e+00, v19;
	v31 =	vor.u32 v7, v60;
	v34 =	vor.u32 v28, v5  }
0x4db: {  	v27 =	vor.u32 v27, v39  }
0x4dc: {  	v18 =	vmov v55;
	v20 =	vor.u32 v41, v50;
	v2 =	vld [tilespmem:$0x1FFD0];
	[tilespmem:v21+s19+$0x0] =	vst.idx.msk $0xffff, v19;
	v55 =	vor.u32 v23, v59  }
0x4dd: {  	v29 =	vmul.f32 $8.000000000e+00, v29;
	v13 =	vld [tilespmem:$0x1FDC0]  }
0x4de: {  	v36 =	vld.idx.msk [tilespmem:v36+s14+$0x0], $0xffff;
	v19 =	vmul.f32 $8.000000000e+00, v30  }
0x4df: {  	v17 =	vld.idx.msk [tilespmem:v31+s14+$0x0], $0xffff;
	v31 =	vmul.f32 $8.000000000e+00, v32;
	[tilespmem:v34+s19+$0x0] =	vst.idx.msk $0xffff, v29  }
0x4e0: {  	v26 =	vld.idx.msk [tilespmem:v26+s14+$0x0], $0xffff;
	[tilespmem:v27+s19+$0x0] =	vst.idx.msk $0xffff, v19  }
0x4e1: {  	v24 =	vor.u32 v24, v12;
	v20 =	vld.idx.msk [tilespmem:v20+s14+$0x0], $0xffff;
	v21 =	vor.u32 v2, v52;
	[tilespmem:v55+s19+$0x0] =	vst.idx.msk $0xffff, v31  }
0x4e2: {  	v30 =	vor.u32 v13, v48;
	v48 =	vld [tilespmem:$0x1FE80]  }
0x4e3: {  	v32 =	vor.u32 v35, v45;
	v25 =	vor.u32 v2, v15;
	v16 =	vld [tilespmem:$0x1FDD0]  }
0x4e4: {  	v40 =	vmov v9;
	v29 =	vor.u32 v53, v51;
	v36 =	vmul.f32 $8.000000000e+00, v36;
	v9 =	vld [tilespmem:$0x1FA40]  }
0x4e5: {  	v19 =	vor.u32 v46, v57;
	v2 =	vld [tilespmem:$0x1FFE0]  }
0x4e6: {  	v33 =	vand.u32 $0x3C8, v19;
	v19 =	vld.idx.msk [tilespmem:v21+s14+$0x0], $0xffff;
	v21 =	vmul.f32 $8.000000000e+00, v26;
	[tilespmem:v24+s19+$0x0] =	vst.idx.msk $0xffff, v36  }
0x4e7: {  	v27 =	vor.u32 v41, v49;
	v17 =	vmul.f32 $8.000000000e+00, v17;
	v5 =	vld [tilespmem:$0x1FF30]  }
0x4e8: {  	v41 =	vor.u32 v7, v63;
	v25 =	vld.idx.msk [tilespmem:v25+s14+$0x0], $0xffff;
	[tilespmem:v32+s19+$0x0] =	vst.idx.msk $0xffff, v21;
	v21 =	vor.u32 v46, v62  }
0x4e9: {  	[tilespmem:v29+s19+$0x0] =	vst.idx.msk $0xffff, v17;
	v39 =	vand.u32 $0x3C8, v21;
	v31 =	vor.u32 v48, v60;
	v12 =	vor.u32 v16, v15  }
0x4ea: {  	v26 =	vor.u32 v33, v9;
	v15 =	vor.u32 v2, v15;
	v21 =	vor.u32 v2, v52;
	v2 =	vld [tilespmem:$0x1FA60];
	_ =	sdelay $0x1  }
0x4eb: {  	v55 =	vor.u32 v28, v44;
	v27 =	vld.idx.msk [tilespmem:v27+s14+$0x0], $0xffff;
	v24 =	vor.u32 v5, v50  }
0x4ec: {  	v0 =	vor.u32 v37, v50;
	v20 =	vmul.f32 $8.000000000e+00, v20;
	v62 =	vor.u32 v23, v11;
	v29 =	vld.idx.msk [tilespmem:v41+s14+$0x0], $0xffff  }
0x4ed: {  	v31 =	vld.idx.msk [tilespmem:v31+s14+$0x0], $0xffff;
	[tilespmem:$0x1FA50] =	vst v0  }
0x4ee: {  	v22 =	vmov v44;
	v25 =	vmul.f32 $8.000000000e+00, v25;
	v44 =	vor.u32 v39, v2;
	[tilespmem:v26+s19+$0x0] =	vst.idx.msk $0xffff, v20  }
0x4ef: {  	v46 =	vmul.f32 $8.000000000e+00, v19;
	[tilespmem:$0x1FA70] =	vst v8  }
0x4f0: {  	v24 =	vld.idx.msk [tilespmem:v24+s14+$0x0], $0xffff;
	[tilespmem:v55+s19+$0x0] =	vst.idx.msk $0xffff, v25  }
0x4f1: {  	v27 =	vmul.f32 $8.000000000e+00, v27;
	[tilespmem:v62+s19+$0x0] =	vst.idx.msk $0xffff, v46;
	v15 =	vld.idx.msk [tilespmem:v15+s14+$0x0], $0xffff  }
0x4f2: {  	v7 =	vld [tilespmem:$0x1FEA0];
	[tilespmem:$0x1FA80] =	vst v57  }
0x4f3: {  	v26 =	vor.u32 v35, v8;
	v0 =	vld [tilespmem:$0x1FF60];
	[tilespmem:v44+s19+$0x0] =	vst.idx.msk $0xffff, v27  }
0x4f4: {  	v2 =	vld [tilespmem:$0x1FA90];
	_ =	sdelay $0x1  }
0x4f5: {  	v29 =	vmul.f32 $8.000000000e+00, v29;
	_ =	sdelay $0x1  }
0x4f6: {  	v20 =	vor.u32 v5, v49;
	v36 =	vor.u32 v0, v57;
	v0 =	vld [tilespmem:$0x1FF40];
	[tilespmem:v26+s19+$0x0] =	vst.idx.msk $0xffff, v29  }
0x4f7: {  	v25 =	vor.u32 v48, v63;
	v28 =	vor.u32 v28, v2;
	v2 =	vld [tilespmem:$0x1FAA0]  }
0x4f8: {  	v5 =	vor.u32 v53, v4  }
0x4f9: {  	v57 =	vor.u32 v33, v56  }
0x4fa: {  	v21 =	vld.idx.msk [tilespmem:v21+s14+$0x0], $0xffff;
	v55 =	vor.u32 v7, v60  }
0x4fb: {  	v27 =	vmul.f32 $8.000000000e+00, v31;
	v20 =	vld.idx.msk [tilespmem:v20+s14+$0x0], $0xffff  }
0x4fc: {  	v8 =	vld.idx.msk [tilespmem:v25+s14+$0x0], $0xffff;
	v25 =	vmul.f32 $8.000000000e+00, v24;
	v23 =	vor.u32 v23, v2  }
0x4fd: {  	v48 =	vld [tilespmem:$0x1FDB0];
	[tilespmem:v5+s19+$0x0] =	vst.idx.msk $0xffff, v27  }
0x4fe: {  	v15 =	vmul.f32 $8.000000000e+00, v15;
	v41 =	vld [tilespmem:$0x1FE90];
	[tilespmem:v57+s19+$0x0] =	vst.idx.msk $0xffff, v25  }
0x4ff: {  	v21 =	vmul.f32 $8.000000000e+00, v21;
	v27 =	vld.idx.msk [tilespmem:v55+s14+$0x0], $0xffff;
	[tilespmem:$0x1FAB0] =	vst v50  }
0x500: {  	v19 =	vor.u32 v42, v50;
	v62 =	vor.u32 v39, v58;
	v42 =	vld [tilespmem:$0x1FF50];
	[tilespmem:v28+s19+$0x0] =	vst.idx.msk $0xffff, v15  }
0x501: {  	v53 =	vor.u32 v35, v10;
	[tilespmem:v23+s19+$0x0] =	vst.idx.msk $0xffff, v21  }
0x502: {  	v2 =	vld [tilespmem:$0x1FAC0]  }
0x503: {  	v20 =	vmul.f32 $8.000000000e+00, v20  }
0x504: {  	v31 =	vor.u32 v0, v50;
	v28 =	vor.u32 v7, v63;
	v7 =	vmul.f32 $8.000000000e+00, v8  }
0x505: {  	v29 =	vld [tilespmem:$0x1FEB0];
	[tilespmem:v62+s19+$0x0] =	vst.idx.msk $0xffff, v20  }
0x506: {  	v26 =	vor.u32 v16, v52;
	[tilespmem:v53+s19+$0x0] =	vst.idx.msk $0xffff, v7  }
0x507: {  	v15 =	vand.u32 $0x3F8, v30;
	v24 =	vor.u32 v41, v43;
	v30 =	vor.u32 v33, v2;
	v2 =	vld [tilespmem:$0x1FDA0]  }
0x508: {  	v25 =	vor.u32 v0, v49;
	v24 =	vand.u32 $0x3A8, v24  }
0x509: {  	v55 =	vor.u32 v24, v47;
	v31 =	vld.idx.msk [tilespmem:v31+s14+$0x0], $0xffff  }
0x50a: {  	v57 =	vld.idx.msk [tilespmem:v12+s14+$0x0], $0xffff  }
0x50b: {  	v26 =	vld.idx.msk [tilespmem:v26+s14+$0x0], $0xffff  }
0x50c: {  	v20 =	vmul.f32 $8.000000000e+00, v27;
	v62 =	vor.u32 v15, v6;
	v23 =	vor.u32 v2, v43;
	v2 =	vld [tilespmem:$0x1FAE0]  }
0x50d: {  	v32 =	vld.idx.msk [tilespmem:v25+s14+$0x0], $0xffff;
	[tilespmem:$0x1FAD0] =	vst v43  }
0x50e: {  	v17 =	vmov v10;
	v10 =	vmul.f32 $8.000000000e+00, v31;
	[tilespmem:v55+s19+$0x0] =	vst.idx.msk $0xffff, v20  }
0x50f: {  	v16 =	vor.u32 v13, v40;
	v53 =	vmul.f32 $8.000000000e+00, v57;
	v20 =	vld.idx.msk [tilespmem:v28+s14+$0x0], $0xffff;
	[tilespmem:$0x1FAF0] =	vst v1  }
0x510: {  	v16 =	vand.u32 $0x3F8, v16;
	[tilespmem:v30+s19+$0x0] =	vst.idx.msk $0xffff, v10  }
0x511: {  	v25 =	vor.u32 v41, v1;
	v1 =	vld [tilespmem:$0x1FD90];
	[tilespmem:v62+s19+$0x0] =	vst.idx.msk $0xffff, v53;
	v13 =	vor.u32 v16, v2  }
0x512: {  	v2 =	vld [tilespmem:$0x1FE00];
	_ =	sdelay $0x1  }
0x513: {  	s31 =	simm.s32 $0x6;
	v5 =	vmov v45;
	v45 =	vlaneseq.u32;
	v26 =	vmul.f32 $8.000000000e+00, v26  }
0x514: {  	v44 =	vor.u32 v48, v50;
	v27 =	vadd.s32 s31, v45  }
0x515: {  	v35 =	vor.u32 v42, v50;
	v50 =	vand.u32 $0xF, v27;
	v28 =	vor.u32 v39, v18;
	[tilespmem:v13+s19+$0x0] =	vst.idx.msk $0xffff, v26  }
0x516: {  	v34 =	vor.u32 v2, v50;
	v2 =	vld [tilespmem:$0x1FEC0];
	_ =	sdelay $0x1  }
0x517: {  	v32 =	vmul.f32 $8.000000000e+00, v32  }
0x518: {  	v25 =	vand.u32 $0x3A8, v25;
	v30 =	vor.u32 v1, v60;
	v1 =	vld [tilespmem:$0x1FB00]  }
0x519: {  	v55 =	vor.u32 v25, v61;
	v46 =	vld [tilespmem:$0x1FB10];
	[tilespmem:v28+s19+$0x0] =	vst.idx.msk $0xffff, v32  }
0x51a: {  	v13 =	vshll.u32 v27, $0x7;
	v27 =	vor.u32 v2, v60;
	v2 =	vld [tilespmem:$0x1FE20];
	_ =	sdelay $0x1  }
0x51b: {  	v0 =	vmovc v9;
	v9 =	vmovc v47;
	v47 =	vmov v18;
	v21 =	vor.u32 v29, v60;
	v18 =	vmul.f32 $8.000000000e+00, v20;
	_ =	sdelay $0x1  }
0x51c: {  	[tilespmem:v55+s19+$0x0] =	vst.idx.msk $0xffff, v18  }
0x51d: {  	v37 =	vor.u32 v2, v50;
	v2 =	vld [tilespmem:$0x1FB20];
	_ =	sdelay $0x1  }
0x51e: {  	v21 =	vld.idx.msk [tilespmem:v21+s14+$0x0], $0xffff;
	_ =	sdelay $0x1  }
0x51f: {  	v40 =	vor.u32 v24, v54;
	v31 =	vor.u32 v3, v52  }
0x520: {  	v41 =	vor.u32 v29, v63;
	v29 =	vor.u32 v15, v2;
	v2 =	vld [tilespmem:$0x1FE30];
	_ =	sdelay $0x1  }
0x521: {  	v18 =	vmul.f32 $8.000000000e+00, v21;
	_ =	sdelay $0x1  }
0x522: {  	v43 =	vld.idx.msk [tilespmem:v31+s14+$0x0], $0xffff;
	v31 =	vand.u32 $0x400, v13;
	[tilespmem:v40+s19+$0x0] =	vst.idx.msk $0xffff, v18  }
0x523: {  	v57 =	vmov v60;
	v60 =	vor.u32 v2, v31;
	v2 =	vld [tilespmem:$0x1FE10]  }
0x524: {  	v10 =	vor.u32 v42, v49;
	v35 =	vld.idx.msk [tilespmem:v35+s14+$0x0], $0xffff  }
0x525: {  	v42 =	vld.idx.msk [tilespmem:v1+s14+$0x0], $0xffff  }
0x526: {  	v1 =	vor.u32 v33, v46;
	_ =	sdelay $0x1  }
0x527: {  	v28 =	vor.u32 v45, v13;
	v18 =	vor.u32 v14, v52;
	v14 =	vor.u32 v2, v31;
	v2 =	vld [tilespmem:$0x1FB30]  }
0x528: {  	v54 =	vand.u32 $0x3D8, v36;
	v26 =	vld.idx.msk [tilespmem:v10+s14+$0x0], $0xffff;
	v32 =	vand.u32 $0x388, v28;
	v28 =	vmul.f32 $8.000000000e+00, v35  }
0x529: {  	v36 =	vor.u32 v25, v5;
	v38 =	vld.idx.msk [tilespmem:v34+s14+$0x0], $0xffff;
	v21 =	vor.u32 v16, v59;
	v59 =	vmul.f32 $8.000000000e+00, v42  }
0x52a: {  	v62 =	vmov v63;
	v35 =	vor.u32 v24, v51;
	v33 =	vld.idx.msk [tilespmem:v41+s14+$0x0], $0xffff;
	[tilespmem:v1+s19+$0x0] =	vst.idx.msk $0xffff, v28  }
0x52b: {  	v20 =	vmov v51;
	v51 =	vmov v5;
	v34 =	vld.idx.msk [tilespmem:v27+s14+$0x0], $0xffff;
	v28 =	vor.u32 v48, v49;
	[tilespmem:v29+s19+$0x0] =	vst.idx.msk $0xffff, v59  }
0x52c: {  	s25 =	simm.s32 $0x8;
	s26 =	simm.s32 $0x7;
	v63 =	vmul.f32 $8.000000000e+00, v43;
	v29 =	vld.idx.msk [tilespmem:v44+s14+$0x0], $0xffff;
	v12 =	vmovc v2;
	v27 =	vor.u32 v39, v2;
	v39 =	vor.u32 v32, v14  }
.LBB2_9:
0x52d: {  	v2 =	vld [tilespmem:$0x1FEC0];
	_ =	sdelay $0x4  }
0x52e: {  	v41 =	vor.u32 v2, v62;
	v2 =	vld [tilespmem:$0x1FA10];
	_ =	sdelay $0x7  }
0x52f: {  	v42 =	vld.idx.msk [tilespmem:v2+s14+$0x0], $0xffff  }
0x530: {  	v2 =	vld [tilespmem:$0x1FAC0];
	_ =	sdelay $0x4  }
0x531: {  	v1 =	vmov v62;
	v62 =	vmov v2;
	v2 =	vmov v20  }
0x532: {  	[tilespmem:$0x1FAC0] =	vst v2;
	v2 =	vld [tilespmem:$0x1FE00];
	_ =	sdelay $0x2  }
0x533: {  	v40 =	vadd.s32 s26, v45  }
0x534: {  	v59 =	vmov v51;
	v51 =	vld [tilespmem:$0x1F9C0];
	[tilespmem:v21+s19+$0x0] =	vst.idx.msk $0xffff, v63;
	v21 =	vand.u32 $0xF, v40  }
0x535: {  	v5 =	vor.u32 v2, v21;
	v2 =	vld [tilespmem:$0x1FF60]  }
0x536: {  	v26 =	vmul.f32 $8.000000000e+00, v26  }
0x537: {  	v3 =	vmov v13;
	v13 =	vmov v14;
	[tilespmem:$0x1F980] =	vst v14;
	v14 =	vmul.f32 $8.000000000e+00, v38;
	v43 =	vld.idx.msk [tilespmem:v18+s14+$0x0], $0xffff  }
0x538: {  	v38 =	vor.u32 v15, v22;
	[tilespmem:v27+s19+$0x0] =	vst.idx.msk $0xffff, v26;
	v22 =	vld [tilespmem:$0x1FFF0];
	v18 =	vmul.f32 $8.000000000e+00, v33  }
0x539: {  	v28 =	vld.idx.msk [tilespmem:v28+s14+$0x0], $0xffff;
	[tilespmem:v39+s19+$0x0] =	vst.idx.msk $0xffff, v14;
	v14 =	vmul.f32 $8.000000000e+00, v34  }
0x53a: {  	v48 =	vmov v0;
	v33 =	vor.u32 v54, v0;
	v0 =	vld [tilespmem:$0x1FF70];
	[tilespmem:v36+s19+$0x0] =	vst.idx.msk $0xffff, v18;
	v18 =	vor.u32 v2, v51  }
0x53b: {  	v6 =	vlaneseq.u32;
	v8 =	vld.idx.msk [tilespmem:v37+s14+$0x0], $0xffff;
	[tilespmem:v35+s19+$0x0] =	vst.idx.msk $0xffff, v14;
	v14 =	vand.u32 $0x3D8, v18;
	v18 =	vshll.u32 v40, $0x7  }
0x53c: {  	v63 =	vmov v21;
	v21 =	vor.u32 v6, v18;
	v6 =	vld [tilespmem:$0x1FE10]  }
0x53d: {  	v55 =	vld [tilespmem:$0x1FA60]  }
0x53e: {  	v7 =	vld [tilespmem:$0x1FA70]  }
0x53f: {  	v44 =	vld [tilespmem:$0x1FE40]  }
0x540: {  	v36 =	vor.u32 v22, v52;
	v52 =	vmovc v49;
	v49 =	vmov v1;
	v1 =	vld [tilespmem:$0x1FD90];
	v27 =	vand.u32 $0x400, v18  }
0x541: {  	v10 =	vmov v56;
	v56 =	vor.u32 v0, v52;
	v0 =	vor.u32 v6, v27;
	v6 =	vld [tilespmem:$0x1FA20]  }
0x542: {  	v45 =	vmul.f32 $8.000000000e+00, v43;
	v43 =	vld [tilespmem:$0x1FD70]  }
0x543: {  	v34 =	vor.u32 v16, v11;
	v35 =	vld.idx.msk [tilespmem:v41+s14+$0x0], $0xffff  }
0x544: {  	v41 =	vld [tilespmem:$0x1FF80]  }
0x545: {  	v30 =	vld.idx.msk [tilespmem:v30+s14+$0x0], $0xffff;
	v26 =	vmul.f32 $8.000000000e+00, v42;
	v37 =	vor.u32 v14, v55  }
0x546: {  	v42 =	vld [tilespmem:$0x1FED0]  }
0x547: {  	v29 =	vmul.f32 $8.000000000e+00, v29;
	[tilespmem:v38+s19+$0x0] =	vst.idx.msk $0xffff, v26;
	v5 =	vld.idx.msk [tilespmem:v5+s14+$0x0], $0xffff  }
0x548: {  	v28 =	vmul.f32 $8.000000000e+00, v28;
	[tilespmem:v34+s19+$0x0] =	vst.idx.msk $0xffff, v45;
	v40 =	vor.u32 v1, v49;
	v1 =	vld [tilespmem:$0x1FE20]  }
0x549: {  	v11 =	vld.idx.msk [tilespmem:v6+s14+$0x0], $0xffff;
	[tilespmem:v33+s19+$0x0] =	vst.idx.msk $0xffff, v29  }
0x54a: {  	v29 =	vld.idx.msk [tilespmem:v36+s14+$0x0], $0xffff;
	[tilespmem:v37+s19+$0x0] =	vst.idx.msk $0xffff, v28  }
0x54b: {  	v36 =	vld.idx.msk [tilespmem:v56+s14+$0x0], $0xffff  }
0x54c: {  	v53 =	vor.u32 v25, v7;
	v25 =	vor.u32 v25, v17;
	v56 =	vld [tilespmem:$0x1FA90]  }
0x54d: {  	v39 =	vor.u32 v32, v60;
	v2 =	vmovc v17;
	v17 =	vand.u32 $0x3B8, v23;
	v37 =	vmul.f32 $8.000000000e+00, v5;
	v5 =	vld [tilespmem:$0x1FAA0]  }
0x54e: {  	[tilespmem:$0x1F9E0] =	vst v9;
	v23 =	vor.u32 v17, v9;
	v9 =	vld [tilespmem:$0x1FAB0];
	v26 =	vand.u32 $0x388, v21  }
0x54f: {  	v21 =	vmov v7;
	v7 =	vld [tilespmem:$0x1FA50];
	v34 =	vor.u32 v26, v0  }
0x550: {  	v24 =	vor.u32 v24, v4;
	v8 =	vmul.f32 $8.000000000e+00, v8;
	v33 =	vor.u32 v1, v63;
	v1 =	vld [tilespmem:$0x1FE30]  }
0x551: {  	[tilespmem:$0x1F990] =	vst v60;
	v35 =	vmul.f32 $8.000000000e+00, v35;
	v28 =	vor.u32 v44, v50;
	v19 =	vld.idx.msk [tilespmem:v19+s14+$0x0], $0xffff;
	v15 =	vor.u32 v15, v56  }
0x552: {  	v38 =	vor.u32 v42, v57;
	[tilespmem:v39+s19+$0x0] =	vst.idx.msk $0xffff, v8;
	v39 =	vld [tilespmem:$0x1FD50];
	v16 =	vor.u32 v16, v5  }
0x553: {  	[tilespmem:v53+s19+$0x0] =	vst.idx.msk $0xffff, v35;
	v8 =	vmul.f32 $8.000000000e+00, v30;
	v53 =	vmov v60;
	v60 =	vld [tilespmem:$0x1FAF0]  }
0x554: {  	v30 =	vld.idx.msk [tilespmem:v40+s14+$0x0], $0xffff;
	[tilespmem:v34+s19+$0x0] =	vst.idx.msk $0xffff, v37;
	v11 =	vmul.f32 $8.000000000e+00, v11  }
0x555: {  	[tilespmem:v24+s19+$0x0] =	vst.idx.msk $0xffff, v8;
	v33 =	vld.idx.msk [tilespmem:v33+s14+$0x0], $0xffff;
	v29 =	vmul.f32 $8.000000000e+00, v29  }
0x556: {  	v35 =	vor.u32 v54, v10;
	v6 =	vld.idx.msk [tilespmem:v28+s14+$0x0], $0xffff;
	[tilespmem:v15+s19+$0x0] =	vst.idx.msk $0xffff, v11  }
0x557: {  	[tilespmem:v16+s19+$0x0] =	vst.idx.msk $0xffff, v29;
	v29 =	vld.idx.msk [tilespmem:v38+s14+$0x0], $0xffff  }
0x558: {  	[tilespmem:$0x1F9A0] =	vst v10;
	v20 =	vmovc v47;
	v47 =	vmov v46;
	v46 =	vmov v4;
	v4 =	vor.u32 v14, v58;
	v38 =	vld [tilespmem:$0x1FD60]  }
0x559: {  	v24 =	vor.u32 v41, v52;
	v8 =	vld [tilespmem:$0x1FEE0];
	v5 =	vmovc v12;
	v12 =	vor.u32 v1, v27;
	v56 =	vmovc v57;
	v19 =	vmul.f32 $8.000000000e+00, v19  }
0x55a: {  	v40 =	vld [tilespmem:$0x1FD80];
	v57 =	vmovc v10;
	v45 =	vor.u32 v39, v31;
	v28 =	vor.u32 v26, v12;
	v11 =	vor.u32 v42, v49  }
0x55b: {  	v10 =	vld [tilespmem:$0x1FDA0];
	v16 =	vor.u32 v32, v45;
	v15 =	vmul.f32 $8.000000000e+00, v36;
	[tilespmem:v35+s19+$0x0] =	vst.idx.msk $0xffff, v19;
	v19 =	vor.u32 v44, v63  }
0x55c: {  	[tilespmem:$0x1FA40] =	vst v48;
	v30 =	vmul.f32 $8.000000000e+00, v30;
	v44 =	vld [tilespmem:$0x1FF90]  }
0x55d: {  	v37 =	vld.idx.msk [tilespmem:v7+s14+$0x0], $0xffff;
	[tilespmem:v4+s19+$0x0] =	vst.idx.msk $0xffff, v15;
	v15 =	vmul.f32 $8.000000000e+00, v33;
	v4 =	vor.u32 v38, v50  }
0x55e: {  	v6 =	vmul.f32 $8.000000000e+00, v6;
	v7 =	vld.idx.msk [tilespmem:v24+s14+$0x0], $0xffff;
	[tilespmem:v25+s19+$0x0] =	vst.idx.msk $0xffff, v30;
	v25 =	vor.u32 v8, v56  }
0x55f: {  	v30 =	vor.u32 v54, v62;
	v11 =	vld.idx.msk [tilespmem:v11+s14+$0x0], $0xffff;
	[tilespmem:v28+s19+$0x0] =	vst.idx.msk $0xffff, v15  }
0x560: {  	[tilespmem:v16+s19+$0x0] =	vst.idx.msk $0xffff, v6;
	v15 =	vor.u32 v10, v60;
	v16 =	vld.idx.msk [tilespmem:v19+s14+$0x0], $0xffff;
	v29 =	vmul.f32 $8.000000000e+00, v29  }
0x561: {  	[tilespmem:$0x1F960] =	vst v0;
	v24 =	vor.u32 v44, v9;
	v19 =	vand.u32 $0x3B8, v15;
	v15 =	vor.u32 v44, v52;
	v44 =	vld [tilespmem:$0x1FA00]  }
0x562: {  	v0 =	vmov v48;
	v48 =	vmov v62;
	v34 =	vmul.f32 $8.000000000e+00, v37;
	v62 =	vld.idx.msk [tilespmem:v4+s14+$0x0], $0xffff;
	[tilespmem:v23+s19+$0x0] =	vst.idx.msk $0xffff, v29  }
0x563: {  	v28 =	vor.u32 v14, v20;
	v25 =	vld.idx.msk [tilespmem:v25+s14+$0x0], $0xffff  }
0x564: {  	[tilespmem:v30+s19+$0x0] =	vst.idx.msk $0xffff, v34;
	v30 =	vor.u32 v38, v63;
	v38 =	vld [tilespmem:$0x1FE50]  }
0x565: {  	v1 =	vld [tilespmem:$0x1FA80];
	v6 =	vor.u32 v43, v31;
	v31 =	vor.u32 v19, v61  }
0x566: {  	v42 =	vor.u32 v39, v27;
	v39 =	vld [tilespmem:$0x1FEF0];
	v7 =	vmul.f32 $8.000000000e+00, v7;
	v23 =	vor.u32 v8, v49  }
0x567: {  	[tilespmem:$0x1F970] =	vst v61;
	v61 =	vld [tilespmem:$0x1FFB0];
	v29 =	vor.u32 v32, v6;
	v32 =	vor.u32 v26, v42  }
0x568: {  	v36 =	vld [tilespmem:$0x1FFA0];
	v11 =	vmul.f32 $8.000000000e+00, v11;
	[tilespmem:v28+s19+$0x0] =	vst.idx.msk $0xffff, v7  }
0x569: {  	v15 =	vld.idx.msk [tilespmem:v15+s14+$0x0], $0xffff;
	v34 =	vor.u32 v17, v44;
	v7 =	vor.u32 v38, v50  }
0x56a: {  	v16 =	vmul.f32 $8.000000000e+00, v16;
	v4 =	vld [tilespmem:$0x1FAC0];
	[tilespmem:v31+s19+$0x0] =	vst.idx.msk $0xffff, v11  }
0x56b: {  	v14 =	vor.u32 v14, v5;
	v31 =	vmul.f32 $8.000000000e+00, v62;
	v62 =	vor.u32 v39, v56;
	v23 =	vld.idx.msk [tilespmem:v23+s14+$0x0], $0xffff  }
0x56c: {  	v11 =	vor.u32 v61, v9;
	v24 =	vld.idx.msk [tilespmem:v24+s14+$0x0], $0xffff;
	[tilespmem:v32+s19+$0x0] =	vst.idx.msk $0xffff, v16;
	v25 =	vmul.f32 $8.000000000e+00, v25  }
0x56d: {  	[tilespmem:v29+s19+$0x0] =	vst.idx.msk $0xffff, v31;
	v29 =	vld.idx.msk [tilespmem:v30+s14+$0x0], $0xffff;
	v30 =	vor.u32 v61, v52;
	v61 =	vor.u32 v19, v59  }
0x56e: {  	v31 =	vld.idx.msk [tilespmem:v7+s14+$0x0], $0xffff;
	[tilespmem:v34+s19+$0x0] =	vst.idx.msk $0xffff, v25;
	v25 =	vor.u32 v39, v49  }
0x56f: {  	v15 =	vmul.f32 $8.000000000e+00, v15;
	v7 =	vld [tilespmem:$0x1FE60]  }
0x570: {  	[tilespmem:$0x1F9D0] =	vst v20;
	v20 =	vor.u32 v54, v47;
	v54 =	vor.u32 v40, v3;
	v23 =	vmul.f32 $8.000000000e+00, v23;
	v33 =	vld.idx.msk [tilespmem:v62+s14+$0x0], $0xffff  }
0x571: {  	v28 =	vor.u32 v36, v1;
	v8 =	vor.u32 v43, v27;
	[tilespmem:v14+s19+$0x0] =	vst.idx.msk $0xffff, v15;
	v62 =	vld [tilespmem:$0x1FF00]  }
0x572: {  	v26 =	vor.u32 v26, v8;
	v16 =	vand.u32 $0x398, v54;
	v15 =	vand.u32 $0x3E8, v28;
	v28 =	vld.idx.msk [tilespmem:v30+s14+$0x0], $0xffff;
	[tilespmem:v61+s19+$0x0] =	vst.idx.msk $0xffff, v23  }
0x573: {  	v27 =	vor.u32 v16, v13;
	v24 =	vmul.f32 $8.000000000e+00, v24;
	v32 =	vld.idx.msk [tilespmem:v25+s14+$0x0], $0xffff  }
0x574: {  	v14 =	vor.u32 v7, v50;
	v25 =	vld [tilespmem:$0x1FFC0]  }
0x575: {  	v39 =	vor.u32 v15, v0;
	[tilespmem:v20+s19+$0x0] =	vst.idx.msk $0xffff, v24;
	v29 =	vmul.f32 $8.000000000e+00, v29;
	v23 =	vor.u32 v36, v51;
	v61 =	vld [tilespmem:$0x1FDE0]  }
0x576: {  	[tilespmem:$0x1FA60] =	vst v55;
	v20 =	vor.u32 v38, v63;
	v11 =	vld.idx.msk [tilespmem:v11+s14+$0x0], $0xffff;
	v24 =	vand.u32 $0x3E8, v23;
	v31 =	vmul.f32 $8.000000000e+00, v31  }
0x577: {  	v30 =	vor.u32 v17, v4;
	[tilespmem:v26+s19+$0x0] =	vst.idx.msk $0xffff, v29;
	v26 =	vor.u32 v24, v55;
	v55 =	vld [tilespmem:$0x1F960]  }
0x578: {  	v43 =	vor.u32 v7, v63;
	v7 =	vld [tilespmem:$0x1FE70];
	v38 =	vor.u32 v62, v56;
	[tilespmem:v27+s19+$0x0] =	vst.idx.msk $0xffff, v31;
	v27 =	vmul.f32 $8.000000000e+00, v33  }
0x579: {  	v23 =	vor.u32 v25, v9;
	v29 =	vor.u32 v25, v52;
	v31 =	vld.idx.msk [tilespmem:v14+s14+$0x0], $0xffff;
	v14 =	vor.u32 v40, v18  }
0x57a: {  	v25 =	vand.u32 $0x398, v14;
	v14 =	vmul.f32 $8.000000000e+00, v28;
	v28 =	vor.u32 v16, v53;
	v53 =	vld [tilespmem:$0x1FDF0]  }
0x57b: {  	v20 =	vld.idx.msk [tilespmem:v20+s14+$0x0], $0xffff;
	v11 =	vmul.f32 $8.000000000e+00, v11  }
0x57c: {  	[tilespmem:v30+s19+$0x0] =	vst.idx.msk $0xffff, v27;
	v27 =	vor.u32 v62, v49;
	v62 =	vld [tilespmem:$0x1FDC0]  }
0x57d: {  	v34 =	vld.idx.msk [tilespmem:v38+s14+$0x0], $0xffff;
	[tilespmem:v39+s19+$0x0] =	vst.idx.msk $0xffff, v11  }
0x57e: {  	v40 =	vor.u32 v19, v21;
	[tilespmem:v26+s19+$0x0] =	vst.idx.msk $0xffff, v14;
	v14 =	vld [tilespmem:$0x1FFD0]  }
0x57f: {  	v30 =	vor.u32 v25, v55;
	v23 =	vld.idx.msk [tilespmem:v23+s14+$0x0], $0xffff;
	v11 =	vor.u32 v53, v9  }
0x580: {  	v29 =	vld.idx.msk [tilespmem:v29+s14+$0x0], $0xffff;
	[tilespmem:$0x1FA10] =	vst v11;
	v11 =	vor.u32 v22, v9  }
0x581: {  	v32 =	vmul.f32 $8.000000000e+00, v32;
	[tilespmem:$0x1FA20] =	vst v11;
	v11 =	vld [tilespmem:$0x1FF20]  }
0x582: {  	v54 =	vmul.f32 $8.000000000e+00, v20;
	v26 =	vor.u32 v7, v50;
	v37 =	vor.u32 v62, v1;
	v1 =	vld [tilespmem:$0x1FAD0]  }
0x583: {  	[tilespmem:v40+s19+$0x0] =	vst.idx.msk $0xffff, v32;
	v31 =	vmul.f32 $8.000000000e+00, v31;
	v40 =	vld [tilespmem:$0x1FE80]  }
0x584: {  	v33 =	vor.u32 v15, v57;
	v57 =	vor.u32 v24, v58;
	v27 =	vld.idx.msk [tilespmem:v27+s14+$0x0], $0xffff;
	[tilespmem:v30+s19+$0x0] =	vst.idx.msk $0xffff, v54  }
0x585: {  	v17 =	vor.u32 v17, v46;
	[tilespmem:v28+s19+$0x0] =	vst.idx.msk $0xffff, v31;
	v31 =	vmul.f32 $8.000000000e+00, v34;
	v22 =	vld [tilespmem:$0x1F9D0];
	v34 =	vor.u32 v14, v52  }
0x586: {  	v28 =	vld.idx.msk [tilespmem:v43+s14+$0x0], $0xffff;
	v32 =	vor.u32 v11, v56  }
0x587: {  	[tilespmem:$0x1F9C0] =	vst v51;
	v30 =	vor.u32 v14, v9;
	v51 =	vld.idx.msk [tilespmem:v26+s14+$0x0], $0xffff;
	v14 =	vmov v1;
	v1 =	vmul.f32 $8.000000000e+00, v29  }
0x588: {  	v43 =	vld [tilespmem:$0x1FF10]  }
0x589: {  	v19 =	vor.u32 v19, v2;
	[tilespmem:v57+s19+$0x0] =	vst.idx.msk $0xffff, v1;
	v57 =	vld [tilespmem:$0x1FDD0]  }
0x58a: {  	[tilespmem:v17+s19+$0x0] =	vst.idx.msk $0xffff, v31;
	v23 =	vmul.f32 $8.000000000e+00, v23;
	v34 =	vld.idx.msk [tilespmem:v34+s14+$0x0], $0xffff  }
0x58b: {  	v54 =	vor.u32 v25, v12;
	v31 =	vor.u32 v11, v49;
	v32 =	vld.idx.msk [tilespmem:v32+s14+$0x0], $0xffff  }
0x58c: {  	v20 =	vor.u32 v61, v9;
	v27 =	vmul.f32 $8.000000000e+00, v27;
	[tilespmem:v33+s19+$0x0] =	vst.idx.msk $0xffff, v23;
	v23 =	vor.u32 v7, v63;
	v7 =	vld [tilespmem:$0x1FFE0]  }
0x58d: {  	v39 =	vor.u32 v15, v48;
	v29 =	vor.u32 v16, v45;
	v17 =	vor.u32 v43, v14;
	v1 =	vmovc v3;
	v3 =	vld [tilespmem:$0x1F9E0]  }
0x58e: {  	v13 =	vor.u32 v40, v50;
	[tilespmem:v19+s19+$0x0] =	vst.idx.msk $0xffff, v27;
	v11 =	vld [tilespmem:$0x1FF30];
	v26 =	vand.u32 $0x3C8, v17;
	v17 =	vmul.f32 $8.000000000e+00, v28  }
0x58f: {  	v19 =	vmul.f32 $8.000000000e+00, v51;
	v51 =	vmovc v48;
	v48 =	vmov v56;
	v33 =	vor.u32 v57, v9;
	v30 =	vld.idx.msk [tilespmem:v30+s14+$0x0], $0xffff  }
0x590: {  	v31 =	vld.idx.msk [tilespmem:v31+s14+$0x0], $0xffff;
	[tilespmem:v54+s19+$0x0] =	vst.idx.msk $0xffff, v17;
	v17 =	vor.u32 v43, v60;
	v43 =	vor.u32 v24, v22  }
0x591: {  	v36 =	vor.u32 v7, v9;
	v9 =	vld.idx.msk [tilespmem:v23+s14+$0x0], $0xffff;
	v23 =	vor.u32 v7, v52;
	v7 =	vor.u32 v41, v48  }
0x592: {  	v28 =	vor.u32 v26, v3;
	[tilespmem:$0x1FA50] =	vst v7;
	v7 =	vld [tilespmem:$0x1F970];
	_ =	sdelay $0x1  }
0x593: {  	v35 =	vor.u32 v11, v56;
	[tilespmem:v29+s19+$0x0] =	vst.idx.msk $0xffff, v19;
	v29 =	vmul.f32 $8.000000000e+00, v30;
	v30 =	vmul.f32 $8.000000000e+00, v34  }
0x594: {  	v13 =	vld.idx.msk [tilespmem:v13+s14+$0x0], $0xffff;
	v19 =	vmul.f32 $8.000000000e+00, v32  }
0x595: {  	v27 =	vand.u32 $0x3C8, v17;
	[tilespmem:v43+s19+$0x0] =	vst.idx.msk $0xffff, v30;
	v43 =	vld [tilespmem:$0x1FEA0]  }
0x596: {  	[tilespmem:v28+s19+$0x0] =	vst.idx.msk $0xffff, v19;
	v28 =	vor.u32 v11, v49;
	v11 =	vld [tilespmem:$0x1FF40];
	v32 =	vor.u32 v27, v7  }
0x597: {  	v0 =	vld [tilespmem:$0x1FF70]  }
0x598: {  	v56 =	vmov v50;
	v50 =	vor.u32 v25, v42;
	v35 =	vld.idx.msk [tilespmem:v35+s14+$0x0], $0xffff  }
0x599: {  	v16 =	vor.u32 v16, v6;
	v31 =	vmul.f32 $8.000000000e+00, v31;
	[tilespmem:v39+s19+$0x0] =	vst.idx.msk $0xffff, v29  }
0x59a: {  	v54 =	vor.u32 v26, v44;
	v39 =	vor.u32 v40, v63;
	v36 =	vld.idx.msk [tilespmem:v36+s14+$0x0], $0xffff;
	v30 =	vor.u32 v43, v56  }
0x59b: {  	v40 =	vld.idx.msk [tilespmem:v23+s14+$0x0], $0xffff;
	v9 =	vmul.f32 $8.000000000e+00, v9;
	[tilespmem:v32+s19+$0x0] =	vst.idx.msk $0xffff, v31;
	v31 =	vor.u32 v11, v48  }
0x59c: {  	[tilespmem:$0x1FB30] =	vst v2;
	v15 =	vor.u32 v15, v47;
	v19 =	vor.u32 v0, v48;
	v13 =	vmul.f32 $8.000000000e+00, v13;
	v0 =	vld [tilespmem:$0x1FD90]  }
0x59d: {  	v28 =	vld.idx.msk [tilespmem:v28+s14+$0x0], $0xffff;
	[tilespmem:v50+s19+$0x0] =	vst.idx.msk $0xffff, v9;
	v9 =	vmul.f32 $8.000000000e+00, v35  }
0x59e: {  	v2 =	vld [tilespmem:$0x1FF60];
	[tilespmem:v16+s19+$0x0] =	vst.idx.msk $0xffff, v13  }
0x59f: {  	v32 =	vor.u32 v24, v5;
	v35 =	vld.idx.msk [tilespmem:v30+s14+$0x0], $0xffff;
	v30 =	vmul.f32 $8.000000000e+00, v36;
	[tilespmem:v54+s19+$0x0] =	vst.idx.msk $0xffff, v9  }
0x5a0: {  	v16 =	vor.u32 v57, v52;
	v31 =	vld.idx.msk [tilespmem:v31+s14+$0x0], $0xffff  }
0x5a1: {  	[tilespmem:v15+s19+$0x0] =	vst.idx.msk $0xffff, v30;
	v30 =	vor.u32 v0, v56;
	v0 =	vld [tilespmem:$0x1F9C0]  }
0x5a2: {  	v40 =	vmul.f32 $8.000000000e+00, v40  }
0x5a3: {  	[tilespmem:$0x1FA80] =	vst v14;
	v38 =	vor.u32 v2, v14;
	v14 =	vld [tilespmem:$0x1FF50]  }
0x5a4: {  	v13 =	vld.idx.msk [tilespmem:v39+s14+$0x0], $0xffff;
	[tilespmem:v32+s19+$0x0] =	vst.idx.msk $0xffff, v40  }
0x5a5: {  	v15 =	vand.u32 $0x3F8, v37;
	v37 =	vld.idx.msk [tilespmem:v16+s14+$0x0], $0xffff  }
0x5a6: {  	v16 =	vor.u32 v62, v0;
	v0 =	vld [tilespmem:$0x1FA40]  }
0x5a7: {  	v2 =	vld [tilespmem:$0x1FDB0]  }
0x5a8: {  	[tilespmem:$0x1FA90] =	vst v47;
	v47 =	vld [tilespmem:$0x1FE90];
	_ =	sdelay $0x1  }
0x5a9: {  	v57 =	vld [tilespmem:$0x1F980];
	v39 =	vor.u32 v27, v59  }
0x5aa: {  	[tilespmem:$0x1FA70] =	vst v42;
	v42 =	vor.u32 v14, v48;
	v36 =	vor.u32 v15, v0;
	v0 =	vld [tilespmem:$0x1FA60]  }
0x5ab: {  	v25 =	vor.u32 v25, v8;
	v29 =	vor.u32 v2, v48;
	v23 =	vor.u32 v10, v1;
	v10 =	vld [tilespmem:$0x1FE00]  }
0x5ac: {  	[tilespmem:$0x1FAA0] =	vst v5;
	v24 =	vor.u32 v47, v1;
	v54 =	vor.u32 v11, v49;
	v11 =	vld [tilespmem:$0x1FEB0];
	v28 =	vmul.f32 $8.000000000e+00, v28  }
0x5ad: {  	[tilespmem:$0x1FAB0] =	vst v48;
	v43 =	vor.u32 v43, v63;
	v48 =	vlaneseq.u32;
	v24 =	vand.u32 $0x3A8, v24  }
0x5ae: {  	v5 =	vmovc v7;
	v34 =	vadd.s32 s25, v48;
	v41 =	vor.u32 v24, v57;
	[tilespmem:v39+s19+$0x0] =	vst.idx.msk $0xffff, v28;
	v16 =	vand.u32 $0x3F8, v16  }
0x5af: {  	v50 =	vand.u32 $0xF, v34;
	[tilespmem:$0x1FA60] =	vst v5;
	v5 =	vld [tilespmem:$0x1FE20];
	v39 =	vor.u32 v16, v0  }
0x5b0: {  	v17 =	vmovc v8;
	v8 =	vmovc v45;
	v45 =	vmov v18;
	v18 =	vor.u32 v10, v50;
	v10 =	vld [tilespmem:$0x1FEC0];
	v13 =	vmul.f32 $8.000000000e+00, v13  }
0x5b1: {  	v33 =	vld.idx.msk [tilespmem:v33+s14+$0x0], $0xffff;
	v32 =	vor.u32 v11, v56;
	v28 =	vmul.f32 $8.000000000e+00, v35  }
0x5b2: {  	v40 =	vor.u32 v26, v4;
	v35 =	vld.idx.msk [tilespmem:v54+s14+$0x0], $0xffff;
	[tilespmem:v25+s19+$0x0] =	vst.idx.msk $0xffff, v13;
	v37 =	vmul.f32 $8.000000000e+00, v37  }
0x5b3: {  	[tilespmem:v41+s19+$0x0] =	vst.idx.msk $0xffff, v28;
	v28 =	vld.idx.msk [tilespmem:v43+s14+$0x0], $0xffff;
	v13 =	vmul.f32 $8.000000000e+00, v31;
	v31 =	vor.u32 v61, v52  }
0x5b4: {  	[tilespmem:v39+s19+$0x0] =	vst.idx.msk $0xffff, v37;
	v37 =	vor.u32 v5, v50;
	v5 =	vld [tilespmem:$0x1FE30]  }
0x5b5: {  	v4 =	vmov v6;
	v6 =	vld [tilespmem:$0x1F990]  }
0x5b6: {  	[tilespmem:$0x1FAD0] =	vst v1;
	v1 =	vmovc v12;
	v12 =	vmov v21;
	v25 =	vor.u32 v47, v45;
	v61 =	vmov v55;
	v21 =	vld.idx.msk [tilespmem:v32+s14+$0x0], $0xffff  }
0x5b7: {  	v55 =	vor.u32 v27, v12;
	v25 =	vand.u32 $0x3A8, v25;
	[tilespmem:v40+s19+$0x0] =	vst.idx.msk $0xffff, v13;
	v13 =	vshll.u32 v34, $0x7;
	v0 =	vmovc v3;
	v3 =	vld [tilespmem:$0x1F9A0]  }
0x5b8: {  	v9 =	vmovc v60;
	v33 =	vmul.f32 $8.000000000e+00, v33;
	v40 =	vor.u32 v14, v49;
	v43 =	vld.idx.msk [tilespmem:v31+s14+$0x0], $0xffff;
	v31 =	vand.u32 $0x400, v13  }
0x5b9: {  	v41 =	vor.u32 v25, v61;
	v60 =	vor.u32 v5, v31;
	v5 =	vld [tilespmem:$0x1FE10]  }
0x5ba: {  	v62 =	vmov v63;
	v42 =	vld.idx.msk [tilespmem:v42+s14+$0x0], $0xffff;
	[tilespmem:v36+s19+$0x0] =	vst.idx.msk $0xffff, v33;
	v33 =	vor.u32 v11, v63;
	v63 =	vmul.f32 $8.000000000e+00, v35  }
0x5bb: {  	[tilespmem:$0x1F9C0] =	vst v9;
	v9 =	vmovc v57;
	v47 =	vmov v12;
	v12 =	vor.u32 v24, v6;
	v36 =	vor.u32 v48, v13  }
0x5bc: {  	v48 =	vor.u32 v26, v46;
	v35 =	vld.idx.msk [tilespmem:v20+s14+$0x0], $0xffff;
	v39 =	vor.u32 v10, v56;
	[tilespmem:v55+s19+$0x0] =	vst.idx.msk $0xffff, v63  }
0x5bd: {  	[tilespmem:$0x1FAF0] =	vst v45;
	v54 =	vand.u32 $0x3D8, v38;
	v28 =	vmul.f32 $8.000000000e+00, v28;
	v11 =	vmovc v22;
	v22 =	vmovc v51;
	v51 =	vmul.f32 $8.000000000e+00, v21;
	v26 =	vld.idx.msk [tilespmem:v40+s14+$0x0], $0xffff  }
0x5be: {  	p0 =	slt.u32 s25, $0xE;
	v57 =	vmovc v56;
	v21 =	vor.u32 v16, v58;
	v40 =	vor.u32 v15, v3;
	v14 =	vor.u32 v5, v31;
	v5 =	vld [tilespmem:$0x1FB30]  }
.Ltmp6:
0x5bf: {  	v58 =	vmov v59;
	v38 =	vld.idx.msk [tilespmem:v18+s14+$0x0], $0xffff;
	v18 =	vor.u32 v53, v52;
	[tilespmem:v41+s19+$0x0] =	vst.idx.msk $0xffff, v28;
	v28 =	vmul.f32 $8.000000000e+00, v42;
	(pc) =	sbr.rel @p0 .LBB2_9-.Ltmp6, $4  }
0x5c0: {  	v32 =	vand.u32 $0x388, v36;
	v20 =	vmov v8;
	v36 =	vor.u32 v25, v1;
	[tilespmem:v12+s19+$0x0] =	vst.idx.msk $0xffff, v51;
	v33 =	vld.idx.msk [tilespmem:v33+s14+$0x0], $0xffff  }
0x5c1: {  	v51 =	vmovc v1;
	v56 =	vmov v44;
	v55 =	vmul.f32 $8.000000000e+00, v35;
	v3 =	vmov v6;
	v34 =	vld.idx.msk [tilespmem:v39+s14+$0x0], $0xffff;
	[tilespmem:v48+s19+$0x0] =	vst.idx.msk $0xffff, v28  }
0x5c2: {  	v35 =	vor.u32 v24, v8;
	[tilespmem:$0x1FA00] =	vst v3;
	v28 =	vor.u32 v2, v49;
	v63 =	vmul.f32 $8.000000000e+00, v43;
	v29 =	vld.idx.msk [tilespmem:v29+s14+$0x0], $0xffff  }
0x5c3: {  	s26 =	sadd.s32 $0x1, s25;
	s25 =	sadd.s32 $0x2, s25;
	v45 =	vlaneseq.u32;
	[tilespmem:v40+s19+$0x0] =	vst.idx.msk $0xffff, v55;
	v39 =	vor.u32 v32, v14;
	v12 =	vmovc v5;
	v27 =	vor.u32 v27, v5  }
0x5c4: {  	v2 =	vld [tilespmem:$0x1FE00];
	_ =	sdelay $0x2  }
0x5c5: {  	v40 =	vadd.s32 s26, v45  }
0x5c6: {  	v44 =	vand.u32 $0xF, v40  }
0x5c7: {  	v41 =	vor.u32 v2, v44  }
0x5c8: {  	v55 =	vld [tilespmem:$0x1FE10];
	_ =	sdelay $0x2  }
0x5c9: {  	v6 =	vshll.u32 v40, $0x7  }
0x5ca: {  	v53 =	vor.u32 v45, v6;
	v42 =	vand.u32 $0x400, v6;
	v48 =	vld.idx.msk [tilespmem:v41+s14+$0x0], $0xffff  }
0x5cb: {  	v3 =	vor.u32 v55, v42;
	v41 =	vand.u32 $0x388, v53  }
0x5cc: {  	v59 =	vld [tilespmem:$0x1FE20];
	v43 =	vor.u32 v41, v3;
	_ =	sdelay $0x1  }
0x5cd: {  	v38 =	vmul.f32 $8.000000000e+00, v38  }
0x5ce: {  	v5 =	vmul.f32 $8.000000000e+00, v48  }
0x5cf: {  	[tilespmem:v39+s19+$0x0] =	vst.idx.msk $0xffff, v38  }
0x5d0: {  	v2 =	vor.u32 v59, v44;
	[tilespmem:v43+s19+$0x0] =	vst.idx.msk $0xffff, v5  }
0x5d1: {  	v10 =	vld [tilespmem:$0x1FE30];
	_ =	sdelay $0x2  }
0x5d2: {  	v37 =	vld.idx.msk [tilespmem:v37+s14+$0x0], $0xffff  }
0x5d3: {  	v38 =	vld.idx.msk [tilespmem:v2+s14+$0x0], $0xffff  }
0x5d4: {  	v7 =	vor.u32 v32, v60;
	v59 =	vmov v60;
	v60 =	vor.u32 v10, v42  }
0x5d5: {  	v45 =	vld [tilespmem:$0x1FE40];
	v53 =	vor.u32 v41, v60;
	_ =	sdelay $0x1  }
0x5d6: {  	v37 =	vmul.f32 $8.000000000e+00, v37  }
0x5d7: {  	v5 =	vmul.f32 $8.000000000e+00, v38  }
0x5d8: {  	[tilespmem:v7+s19+$0x0] =	vst.idx.msk $0xffff, v37  }
0x5d9: {  	v48 =	vor.u32 v45, v50;
	[tilespmem:v53+s19+$0x0] =	vst.idx.msk $0xffff, v5  }
0x5da: {  	v55 =	vor.u32 v45, v44;
	v7 =	vld [tilespmem:$0x1FD50];
	_ =	sdelay $0x3  }
0x5db: {  	v38 =	vld.idx.msk [tilespmem:v48+s14+$0x0], $0xffff  }
0x5dc: {  	v37 =	vld.idx.msk [tilespmem:v55+s14+$0x0], $0xffff;
	v1 =	vor.u32 v7, v31  }
0x5dd: {  	v5 =	vor.u32 v7, v42;
	v8 =	vor.u32 v32, v1  }
0x5de: {  	v48 =	vld [tilespmem:$0x1FD60];
	v55 =	vor.u32 v41, v5;
	_ =	sdelay $0x1  }
0x5df: {  	v38 =	vmul.f32 $8.000000000e+00, v38  }
0x5e0: {  	v37 =	vmul.f32 $8.000000000e+00, v37  }
0x5e1: {  	[tilespmem:v8+s19+$0x0] =	vst.idx.msk $0xffff, v38  }
0x5e2: {  	v53 =	vor.u32 v48, v50;
	[tilespmem:v55+s19+$0x0] =	vst.idx.msk $0xffff, v37  }
0x5e3: {  	v39 =	vld [tilespmem:$0x1FD70]  }
0x5e4: {  	v7 =	vor.u32 v48, v44;
	_ =	sdelay $0x2  }
0x5e5: {  	v38 =	vld.idx.msk [tilespmem:v53+s14+$0x0], $0xffff  }
0x5e6: {  	v43 =	vor.u32 v39, v31  }
0x5e7: {  	v48 =	vld.idx.msk [tilespmem:v7+s14+$0x0], $0xffff;
	v31 =	vor.u32 v32, v43  }
0x5e8: {  	v53 =	vld [tilespmem:$0x1FE50]  }
0x5e9: {  	v45 =	vor.u32 v39, v42  }
0x5ea: {  	v38 =	vmul.f32 $8.000000000e+00, v38;
	v7 =	vor.u32 v41, v45;
	_ =	sdelay $0x1  }
0x5eb: {  	[tilespmem:v31+s19+$0x0] =	vst.idx.msk $0xffff, v38  }
0x5ec: {  	v55 =	vor.u32 v53, v50;
	v10 =	vmul.f32 $8.000000000e+00, v48;
	v41 =	vld [tilespmem:$0x1FD80]  }
0x5ed: {  	v8 =	vor.u32 v53, v44  }
0x5ee: {  	[tilespmem:v7+s19+$0x0] =	vst.idx.msk $0xffff, v10  }
0x5ef: {  	v53 =	vld [tilespmem:$0x1FE60];
	_ =	sdelay $0x1  }
0x5f0: {  	v32 =	vld.idx.msk [tilespmem:v55+s14+$0x0], $0xffff;
	v42 =	vor.u32 v41, v13  }
0x5f1: {  	v37 =	vld.idx.msk [tilespmem:v8+s14+$0x0], $0xffff;
	v48 =	vor.u32 v41, v6;
	v31 =	vand.u32 $0x398, v42  }
0x5f2: {  	v39 =	vand.u32 $0x398, v48;
	v38 =	vor.u32 v31, v14  }
0x5f3: {  	v55 =	vor.u32 v53, v50;
	v7 =	vor.u32 v39, v3  }
0x5f4: {  	v8 =	vor.u32 v53, v44  }
0x5f5: {  	v32 =	vmul.f32 $8.000000000e+00, v32  }
0x5f6: {  	v48 =	vmul.f32 $8.000000000e+00, v37  }
0x5f7: {  	[tilespmem:v38+s19+$0x0] =	vst.idx.msk $0xffff, v32  }
0x5f8: {  	[tilespmem:v7+s19+$0x0] =	vst.idx.msk $0xffff, v48;
	v53 =	vld.idx.msk [tilespmem:v55+s14+$0x0], $0xffff  }
0x5f9: {  	v32 =	vld.idx.msk [tilespmem:v8+s14+$0x0], $0xffff  }
0x5fa: {  	v7 =	vld [tilespmem:$0x1FE70]  }
0x5fb: {  	v55 =	vor.u32 v31, v59  }
0x5fc: {  	v48 =	vor.u32 v39, v60;
	_ =	sdelay $0x1  }
0x5fd: {  	v37 =	vmul.f32 $8.000000000e+00, v53  }
0x5fe: {  	v8 =	vor.u32 v7, v50;
	v32 =	vmul.f32 $8.000000000e+00, v32  }
0x5ff: {  	[tilespmem:v55+s19+$0x0] =	vst.idx.msk $0xffff, v37  }
0x600: {  	[tilespmem:v48+s19+$0x0] =	vst.idx.msk $0xffff, v32  }
0x601: {  	v53 =	vor.u32 v7, v44;
	v7 =	vld [tilespmem:$0x1FE80];
	_ =	sdelay $0x1  }
0x602: {  	v37 =	vld.idx.msk [tilespmem:v8+s14+$0x0], $0xffff;
	_ =	sdelay $0x1  }
0x603: {  	v55 =	vor.u32 v31, v1  }
0x604: {  	v32 =	vld.idx.msk [tilespmem:v53+s14+$0x0], $0xffff;
	v8 =	vor.u32 v7, v50;
	_ =	sdelay $0x1  }
0x605: {  	v48 =	vor.u32 v39, v5;
	v37 =	vmul.f32 $8.000000000e+00, v37;
	_ =	sdelay $0x1  }
0x606: {  	v53 =	vor.u32 v7, v44;
	[tilespmem:v55+s19+$0x0] =	vst.idx.msk $0xffff, v37  }
0x607: {  	v32 =	vmul.f32 $8.000000000e+00, v32;
	v37 =	vld.idx.msk [tilespmem:v8+s14+$0x0], $0xffff;
	_ =	sdelay $0x1  }
0x608: {  	v31 =	vor.u32 v31, v43;
	[tilespmem:v48+s19+$0x0] =	vst.idx.msk $0xffff, v32  }
0x609: {  	v55 =	vld [tilespmem:$0x1FEA0]  }
0x60a: {  	v32 =	vld.idx.msk [tilespmem:v53+s14+$0x0], $0xffff  }
0x60b: {  	v37 =	vmul.f32 $8.000000000e+00, v37  }
0x60c: {  	v39 =	vor.u32 v39, v45  }
0x60d: {  	[tilespmem:v31+s19+$0x0] =	vst.idx.msk $0xffff, v37  }
0x60e: {  	v10 =	vmov v3;
	v3 =	vmov v43;
	v7 =	vor.u32 v55, v50;
	v43 =	vld [tilespmem:$0x1FE90]  }
0x60f: {  	v42 =	vmul.f32 $8.000000000e+00, v32;
	_ =	sdelay $0x1  }
0x610: {  	[tilespmem:v39+s19+$0x0] =	vst.idx.msk $0xffff, v42  }
0x611: {  	v8 =	vor.u32 v55, v44;
	v55 =	vld [tilespmem:$0x1FEB0]  }
0x612: {  	v32 =	vld.idx.msk [tilespmem:v7+s14+$0x0], $0xffff;
	v48 =	vor.u32 v43, v13  }
0x613: {  	v31 =	vand.u32 $0x3A8, v48  }
0x614: {  	v38 =	vor.u32 v31, v14;
	_ =	sdelay $0x1  }
0x615: {  	v37 =	vld.idx.msk [tilespmem:v8+s14+$0x0], $0xffff;
	v53 =	vor.u32 v43, v6;
	v48 =	vor.u32 v55, v50  }
0x616: {  	v39 =	vand.u32 $0x3A8, v53;
	v32 =	vmul.f32 $8.000000000e+00, v32  }
0x617: {  	v53 =	vor.u32 v39, v10  }
0x618: {  	[tilespmem:v38+s19+$0x0] =	vst.idx.msk $0xffff, v32  }
0x619: {  	[tilespmem:$0x1FB10] =	vst v46;
	v2 =	vld [tilespmem:$0x1FEC0]  }
0x61a: {  	v7 =	vmul.f32 $8.000000000e+00, v37;
	v38 =	vld.idx.msk [tilespmem:v48+s14+$0x0], $0xffff  }
0x61b: {  	v55 =	vor.u32 v55, v44  }
0x61c: {  	[tilespmem:v53+s19+$0x0] =	vst.idx.msk $0xffff, v7;
	v53 =	vor.u32 v31, v59  }
0x61d: {  	v46 =	vmul.f32 $8.000000000e+00, v33  }
0x61e: {  	v8 =	vmov v10;
	v48 =	vmul.f32 $8.000000000e+00, v34;
	v10 =	vor.u32 v2, v62  }
0x61f: {  	[tilespmem:v36+s19+$0x0] =	vst.idx.msk $0xffff, v46;
	v7 =	vmul.f32 $8.000000000e+00, v38  }
0x620: {  	v34 =	vld.idx.msk [tilespmem:v55+s14+$0x0], $0xffff;
	[tilespmem:v35+s19+$0x0] =	vst.idx.msk $0xffff, v48  }
0x621: {  	v41 =	vld [tilespmem:$0x1FA70];
	[tilespmem:v53+s19+$0x0] =	vst.idx.msk $0xffff, v7  }
0x622: {  	v7 =	vld [tilespmem:$0x1FD90]  }
0x623: {  	v33 =	vld.idx.msk [tilespmem:v10+s14+$0x0], $0xffff  }
0x624: {  	v55 =	vor.u32 v2, v50;
	v10 =	vor.u32 v2, v44;
	v2 =	vld [tilespmem:$0x1FED0]  }
0x625: {  	v35 =	vor.u32 v39, v60  }
0x626: {  	v30 =	vld.idx.msk [tilespmem:v30+s14+$0x0], $0xffff  }
0x627: {  	v48 =	vor.u32 v25, v41  }
0x628: {  	v24 =	vor.u32 v24, v4;
	v34 =	vmul.f32 $8.000000000e+00, v34;
	v53 =	vor.u32 v7, v62  }
0x629: {  	v32 =	vld.idx.msk [tilespmem:v55+s14+$0x0], $0xffff;
	v55 =	vor.u32 v2, v57  }
0x62a: {  	[tilespmem:v35+s19+$0x0] =	vst.idx.msk $0xffff, v34;
	v33 =	vmul.f32 $8.000000000e+00, v33  }
0x62b: {  	v30 =	vmul.f32 $8.000000000e+00, v30;
	v34 =	vld.idx.msk [tilespmem:v10+s14+$0x0], $0xffff;
	v10 =	vor.u32 v31, v1  }
0x62c: {  	[tilespmem:v48+s19+$0x0] =	vst.idx.msk $0xffff, v33  }
0x62d: {  	[tilespmem:v24+s19+$0x0] =	vst.idx.msk $0xffff, v30;
	v24 =	vld.idx.msk [tilespmem:v53+s14+$0x0], $0xffff  }
0x62e: {  	v30 =	vor.u32 v39, v5;
	v32 =	vmul.f32 $8.000000000e+00, v32;
	v55 =	vld.idx.msk [tilespmem:v55+s14+$0x0], $0xffff  }
0x62f: {  	v23 =	vand.u32 $0x3B8, v23;
	v43 =	vmovc v62;
	v42 =	vor.u32 v7, v50;
	v53 =	vor.u32 v25, v17  }
0x630: {  	v40 =	vor.u32 v23, v9;
	[tilespmem:v10+s19+$0x0] =	vst.idx.msk $0xffff, v32;
	v10 =	vor.u32 v2, v43  }
0x631: {  	v62 =	vmov v1;
	v1 =	vmul.f32 $8.000000000e+00, v34  }
0x632: {  	v24 =	vmul.f32 $8.000000000e+00, v24  }
0x633: {  	v48 =	vor.u32 v7, v44;
	v7 =	vld [tilespmem:$0x1FEE0];
	[tilespmem:v30+s19+$0x0] =	vst.idx.msk $0xffff, v1;
	v55 =	vmul.f32 $8.000000000e+00, v55  }
0x634: {  	v33 =	vld.idx.msk [tilespmem:v42+s14+$0x0], $0xffff;
	[tilespmem:v53+s19+$0x0] =	vst.idx.msk $0xffff, v24  }
0x635: {  	[tilespmem:v40+s19+$0x0] =	vst.idx.msk $0xffff, v55;
	v25 =	vld.idx.msk [tilespmem:v10+s14+$0x0], $0xffff  }
0x636: {  	v10 =	vld [tilespmem:$0x1FDA0]  }
0x637: {  	v31 =	vor.u32 v31, v3;
	v53 =	vld [tilespmem:$0x1FAF0];
	_ =	sdelay $0x2  }
0x638: {  	v42 =	vor.u32 v7, v57;
	v33 =	vmul.f32 $8.000000000e+00, v33;
	_ =	sdelay $0x1  }
0x639: {  	v32 =	vld.idx.msk [tilespmem:v48+s14+$0x0], $0xffff;
	[tilespmem:v31+s19+$0x0] =	vst.idx.msk $0xffff, v33;
	v48 =	vor.u32 v10, v53  }
0x63a: {  	v1 =	vmov v3;
	v3 =	vor.u32 v2, v50;
	v30 =	vand.u32 $0x3B8, v48;
	v48 =	vld [tilespmem:$0x1FA00]  }
0x63b: {  	v36 =	vor.u32 v2, v44;
	v34 =	vor.u32 v39, v45;
	v2 =	vld [tilespmem:$0x1FEF0]  }
0x63c: {  	v35 =	vld.idx.msk [tilespmem:v42+s14+$0x0], $0xffff;
	_ =	sdelay $0x1  }
0x63d: {  	v31 =	vmul.f32 $8.000000000e+00, v32;
	v37 =	vor.u32 v30, v61  }
0x63e: {  	v24 =	vld.idx.msk [tilespmem:v3+s14+$0x0], $0xffff;
	v55 =	vor.u32 v10, v13;
	v33 =	vor.u32 v23, v48  }
0x63f: {  	v46 =	vmovc v60;
	v32 =	vor.u32 v7, v43;
	v25 =	vmul.f32 $8.000000000e+00, v25;
	[tilespmem:v34+s19+$0x0] =	vst.idx.msk $0xffff, v31;
	v31 =	vand.u32 $0x3B8, v55  }
0x640: {  	v60 =	vmovc v57;
	v38 =	vor.u32 v2, v57;
	v57 =	vmul.f32 $8.000000000e+00, v35;
	v35 =	vld.idx.msk [tilespmem:v36+s14+$0x0], $0xffff;
	v36 =	vor.u32 v31, v14;
	_ =	sdelay $0x1  }
0x641: {  	[tilespmem:v37+s19+$0x0] =	vst.idx.msk $0xffff, v25  }
0x642: {  	v42 =	vmovc v4;
	v4 =	vmov v6;
	v6 =	vor.u32 v10, v6;
	v24 =	vmul.f32 $8.000000000e+00, v24;
	[tilespmem:v33+s19+$0x0] =	vst.idx.msk $0xffff, v57  }
0x643: {  	v25 =	vand.u32 $0x3B8, v6;
	v37 =	vor.u32 v7, v50;
	v32 =	vld.idx.msk [tilespmem:v32+s14+$0x0], $0xffff;
	[tilespmem:$0x1F920] =	vst v8  }
0x644: {  	v33 =	vor.u32 v25, v8;
	[tilespmem:v36+s19+$0x0] =	vst.idx.msk $0xffff, v24  }
0x645: {  	v10 =	vor.u32 v7, v44;
	v7 =	vld [tilespmem:$0x1FF00];
	_ =	sdelay $0x1  }
0x646: {  	v39 =	vor.u32 v30, v51;
	v55 =	vmov v51;
	v51 =	vmul.f32 $8.000000000e+00, v35;
	v34 =	vld.idx.msk [tilespmem:v38+s14+$0x0], $0xffff  }
0x647: {  	v37 =	vld.idx.msk [tilespmem:v37+s14+$0x0], $0xffff  }
0x648: {  	v3 =	vor.u32 v23, v20;
	v35 =	vor.u32 v2, v43;
	[tilespmem:v33+s19+$0x0] =	vst.idx.msk $0xffff, v51  }
0x649: {  	v33 =	vld.idx.msk [tilespmem:v10+s14+$0x0], $0xffff;
	v10 =	vmov v59;
	v59 =	vor.u32 v31, v59;
	v40 =	vor.u32 v7, v60  }
0x64a: {  	v6 =	vmov v20;
	v20 =	vmul.f32 $8.000000000e+00, v32  }
0x64b: {  	v51 =	vmul.f32 $8.000000000e+00, v34  }
0x64c: {  	[tilespmem:v39+s19+$0x0] =	vst.idx.msk $0xffff, v20;
	v37 =	vmul.f32 $8.000000000e+00, v37  }
0x64d: {  	v32 =	vld.idx.msk [tilespmem:v35+s14+$0x0], $0xffff;
	[tilespmem:v3+s19+$0x0] =	vst.idx.msk $0xffff, v51  }
0x64e: {  	v24 =	vor.u32 v2, v50;
	[tilespmem:v59+s19+$0x0] =	vst.idx.msk $0xffff, v37;
	v36 =	vld.idx.msk [tilespmem:v40+s14+$0x0], $0xffff  }
0x64f: {  	v3 =	vor.u32 v25, v46;
	v40 =	vld [tilespmem:$0x1FF20]  }
0x650: {  	v57 =	vmov v8;
	v8 =	vor.u32 v2, v44  }
0x651: {  	v51 =	vor.u32 v30, v41  }
0x652: {  	v23 =	vor.u32 v23, v42;
	v33 =	vmul.f32 $8.000000000e+00, v33  }
0x653: {  	v24 =	vld.idx.msk [tilespmem:v24+s14+$0x0], $0xffff  }
0x654: {  	v32 =	vmul.f32 $8.000000000e+00, v32;
	[tilespmem:v3+s19+$0x0] =	vst.idx.msk $0xffff, v33;
	v2 =	vor.u32 v40, v60  }
0x655: {  	v35 =	vld.idx.msk [tilespmem:v8+s14+$0x0], $0xffff;
	v8 =	vor.u32 v31, v62;
	v3 =	vmul.f32 $8.000000000e+00, v36  }
0x656: {  	[tilespmem:v51+s19+$0x0] =	vst.idx.msk $0xffff, v32  }
0x657: {  	v33 =	vor.u32 v25, v5;
	[tilespmem:v23+s19+$0x0] =	vst.idx.msk $0xffff, v3  }
0x658: {  	v24 =	vmul.f32 $8.000000000e+00, v24;
	v3 =	vld [tilespmem:$0x1FF10]  }
0x659: {  	v59 =	vor.u32 v7, v43;
	v34 =	vld.idx.msk [tilespmem:v2+s14+$0x0], $0xffff  }
0x65a: {  	v2 =	vld [tilespmem:$0x1FAD0];
	[tilespmem:v8+s19+$0x0] =	vst.idx.msk $0xffff, v24;
	v8 =	vmul.f32 $8.000000000e+00, v35  }
0x65b: {  	v51 =	vor.u32 v7, v50  }
0x65c: {  	[tilespmem:v33+s19+$0x0] =	vst.idx.msk $0xffff, v8  }
0x65d: {  	v38 =	vor.u32 v7, v44;
	v7 =	vld [tilespmem:$0x1FF30]  }
0x65e: {  	v23 =	vld.idx.msk [tilespmem:v59+s14+$0x0], $0xffff  }
0x65f: {  	v59 =	vor.u32 v3, v2  }
0x660: {  	v30 =	vor.u32 v30, v17;
	v32 =	vld.idx.msk [tilespmem:v51+s14+$0x0], $0xffff;
	v37 =	vand.u32 $0x3C8, v59  }
0x661: {  	v51 =	vor.u32 v40, v43;
	v35 =	vor.u32 v37, v9  }
0x662: {  	v31 =	vor.u32 v31, v1;
	v24 =	vor.u32 v7, v60  }
0x663: {  	v23 =	vmul.f32 $8.000000000e+00, v23  }
0x664: {  	v39 =	vor.u32 v40, v50;
	v59 =	vmul.f32 $8.000000000e+00, v34  }
0x665: {  	v38 =	vld.idx.msk [tilespmem:v38+s14+$0x0], $0xffff;
	[tilespmem:v30+s19+$0x0] =	vst.idx.msk $0xffff, v23;
	v32 =	vmul.f32 $8.000000000e+00, v32  }
0x666: {  	v30 =	vld.idx.msk [tilespmem:v51+s14+$0x0], $0xffff;
	[tilespmem:v35+s19+$0x0] =	vst.idx.msk $0xffff, v59  }
0x667: {  	[tilespmem:v31+s19+$0x0] =	vst.idx.msk $0xffff, v32;
	v59 =	vor.u32 v3, v53;
	v24 =	vld.idx.msk [tilespmem:v24+s14+$0x0], $0xffff  }
0x668: {  	v25 =	vor.u32 v25, v45;
	v36 =	vor.u32 v37, v48;
	v33 =	vand.u32 $0x3C8, v59;
	v59 =	vld [tilespmem:$0x1FF40]  }
0x669: {  	v23 =	vld.idx.msk [tilespmem:v39+s14+$0x0], $0xffff;
	v35 =	vor.u32 v40, v44;
	v40 =	vor.u32 v3, v13;
	v31 =	vor.u32 v33, v61  }
0x66a: {  	v8 =	vmovc v1;
	v1 =	vmul.f32 $8.000000000e+00, v38;
	v34 =	vor.u32 v7, v43;
	v38 =	vand.u32 $0x3C8, v40  }
0x66b: {  	v51 =	vmov v45;
	v45 =	vmul.f32 $8.000000000e+00, v30;
	v30 =	vor.u32 v38, v14;
	_ =	sdelay $0x1  }
0x66c: {  	[tilespmem:v25+s19+$0x0] =	vst.idx.msk $0xffff, v1;
	v39 =	vor.u32 v59, v60;
	v24 =	vmul.f32 $8.000000000e+00, v24  }
0x66d: {  	v3 =	vor.u32 v3, v4;
	v23 =	vmul.f32 $8.000000000e+00, v23;
	v32 =	vld.idx.msk [tilespmem:v35+s14+$0x0], $0xffff;
	[tilespmem:v31+s19+$0x0] =	vst.idx.msk $0xffff, v45  }
0x66e: {  	v1 =	vor.u32 v7, v50;
	v25 =	vand.u32 $0x3C8, v3;
	[tilespmem:v36+s19+$0x0] =	vst.idx.msk $0xffff, v24;
	v24 =	vld.idx.msk [tilespmem:v34+s14+$0x0], $0xffff  }
0x66f: {  	v45 =	vor.u32 v25, v57;
	[tilespmem:v30+s19+$0x0] =	vst.idx.msk $0xffff, v23  }
0x670: {  	v20 =	vmovc v9;
	v9 =	vmov v48;
	v48 =	vmov v4;
	v57 =	vor.u32 v33, v55;
	v4 =	vld [tilespmem:$0x1FF50]  }
0x671: {  	v36 =	vor.u32 v7, v44;
	v34 =	vld.idx.msk [tilespmem:v39+s14+$0x0], $0xffff  }
0x672: {  	v35 =	vor.u32 v59, v43;
	v32 =	vmul.f32 $8.000000000e+00, v32  }
0x673: {  	v30 =	vld.idx.msk [tilespmem:v1+s14+$0x0], $0xffff;
	v39 =	vor.u32 v37, v6;
	v24 =	vmul.f32 $8.000000000e+00, v24  }
0x674: {  	[tilespmem:v45+s19+$0x0] =	vst.idx.msk $0xffff, v32  }
0x675: {  	v31 =	vor.u32 v38, v10;
	v1 =	vmul.f32 $8.000000000e+00, v26;
	[tilespmem:v57+s19+$0x0] =	vst.idx.msk $0xffff, v24  }
0x676: {  	v7 =	vmovc v55;
	v45 =	vmov v10;
	v40 =	vor.u32 v4, v60;
	v55 =	vmul.f32 $8.000000000e+00, v34;
	v34 =	vld.idx.msk [tilespmem:v36+s14+$0x0], $0xffff;
	[tilespmem:$0x1FA40] =	vst v0  }
0x677: {  	v10 =	vor.u32 v54, v0;
	v36 =	vor.u32 v59, v50;
	v26 =	vld.idx.msk [tilespmem:v35+s14+$0x0], $0xffff;
	[tilespmem:v27+s19+$0x0] =	vst.idx.msk $0xffff, v1  }
0x678: {  	v30 =	vmul.f32 $8.000000000e+00, v30;
	[tilespmem:v39+s19+$0x0] =	vst.idx.msk $0xffff, v55;
	v28 =	vld.idx.msk [tilespmem:v28+s14+$0x0], $0xffff  }
0x679: {  	v32 =	vor.u32 v25, v46;
	v55 =	vld [tilespmem:$0x1FF60]  }
0x67a: {  	v29 =	vmul.f32 $8.000000000e+00, v29;
	v39 =	vld [tilespmem:$0x1F9C0];
	[tilespmem:v31+s19+$0x0] =	vst.idx.msk $0xffff, v30  }
0x67b: {  	v23 =	vld.idx.msk [tilespmem:v40+s14+$0x0], $0xffff;
	[tilespmem:$0x1F940] =	vst v42  }
0x67c: {  	v36 =	vld.idx.msk [tilespmem:v36+s14+$0x0], $0xffff;
	v34 =	vmul.f32 $8.000000000e+00, v34;
	[tilespmem:v10+s19+$0x0] =	vst.idx.msk $0xffff, v29  }
0x67d: {  	v3 =	vmov v59;
	v57 =	vld [tilespmem:$0x1FA60]  }
0x67e: {  	v41 =	vor.u32 v33, v41;
	v35 =	vor.u32 v3, v44;
	v3 =	vld [tilespmem:$0x1FDB0];
	[tilespmem:v32+s19+$0x0] =	vst.idx.msk $0xffff, v34  }
0x67f: {  	v59 =	vmov v0;
	v31 =	vor.u32 v37, v42;
	v0 =	vld [tilespmem:$0x1FF70]  }
0x680: {  	v37 =	vor.u32 v4, v43;
	v40 =	vor.u32 v55, v39  }
0x681: {  	v26 =	vmul.f32 $8.000000000e+00, v26;
	v32 =	vor.u32 v38, v62;
	v27 =	vand.u32 $0x3D8, v40  }
0x682: {  	v23 =	vmul.f32 $8.000000000e+00, v23;
	v10 =	vor.u32 v27, v57  }
0x683: {  	v19 =	vld.idx.msk [tilespmem:v19+s14+$0x0], $0xffff;
	[tilespmem:v41+s19+$0x0] =	vst.idx.msk $0xffff, v26;
	v40 =	vor.u32 v3, v60  }
0x684: {  	v34 =	vld.idx.msk [tilespmem:v35+s14+$0x0], $0xffff;
	[tilespmem:v31+s19+$0x0] =	vst.idx.msk $0xffff, v23;
	v1 =	vmul.f32 $8.000000000e+00, v36;
	v35 =	vor.u32 v0, v49  }
0x685: {  	v41 =	vmul.f32 $8.000000000e+00, v28;
	v28 =	vor.u32 v54, v56;
	v23 =	vld.idx.msk [tilespmem:v37+s14+$0x0], $0xffff;
	[tilespmem:$0x1F930] =	vst v5  }
0x686: {  	v36 =	vor.u32 v25, v5;
	[tilespmem:v32+s19+$0x0] =	vst.idx.msk $0xffff, v1  }
0x687: {  	[tilespmem:v10+s19+$0x0] =	vst.idx.msk $0xffff, v41  }
0x688: {  	v19 =	vmul.f32 $8.000000000e+00, v19;
	v24 =	vld.idx.msk [tilespmem:v40+s14+$0x0], $0xffff;
	v10 =	vor.u32 v55, v2;
	[tilespmem:$0x1F950] =	vst v17  }
0x689: {  	v31 =	vor.u32 v33, v17;
	v37 =	vmul.f32 $8.000000000e+00, v34;
	v26 =	vand.u32 $0x3D8, v10;
	v32 =	vld.idx.msk [tilespmem:v35+s14+$0x0], $0xffff;
	[tilespmem:$0x1F9E0] =	vst v20  }
0x68a: {  	v29 =	vor.u32 v4, v44;
	v35 =	vor.u32 v26, v20;
	[tilespmem:v28+s19+$0x0] =	vst.idx.msk $0xffff, v19  }
0x68b: {  	v57 =	vor.u32 v4, v50;
	v4 =	vor.u32 v27, v58;
	[tilespmem:v36+s19+$0x0] =	vst.idx.msk $0xffff, v37  }
0x68c: {  	v23 =	vmul.f32 $8.000000000e+00, v23;
	v33 =	vld [tilespmem:$0x1FA50]  }
0x68d: {  	v24 =	vmul.f32 $8.000000000e+00, v24  }
0x68e: {  	v34 =	vor.u32 v3, v43;
	[tilespmem:v31+s19+$0x0] =	vst.idx.msk $0xffff, v23;
	v32 =	vmul.f32 $8.000000000e+00, v32  }
0x68f: {  	v40 =	vmov v2;
	v2 =	vld [tilespmem:$0x1FF80];
	[tilespmem:v35+s19+$0x0] =	vst.idx.msk $0xffff, v24  }
0x690: {  	v19 =	vld.idx.msk [tilespmem:v57+s14+$0x0], $0xffff;
	v57 =	vor.u32 v0, v60;
	[tilespmem:v4+s19+$0x0] =	vst.idx.msk $0xffff, v32  }
0x691: {  	v37 =	vor.u32 v3, v50;
	v35 =	vor.u32 v3, v44;
	v3 =	vld [tilespmem:$0x1FAC0]  }
0x692: {  	v29 =	vld.idx.msk [tilespmem:v29+s14+$0x0], $0xffff  }
0x693: {  	v36 =	vor.u32 v38, v8;
	v38 =	vor.u32 v55, v53;
	v34 =	vld.idx.msk [tilespmem:v34+s14+$0x0], $0xffff  }
0x694: {  	v1 =	vmov v17;
	v24 =	vor.u32 v25, v51;
	v25 =	vand.u32 $0x3D8, v38;
	v17 =	vld.idx.msk [tilespmem:v33+s14+$0x0], $0xffff  }
0x695: {  	v39 =	vmov v8;
	v28 =	vld.idx.msk [tilespmem:v57+s14+$0x0], $0xffff;
	v8 =	vor.u32 v25, v61  }
0x696: {  	v19 =	vmul.f32 $8.000000000e+00, v19;
	v57 =	vld [tilespmem:$0x1FF90];
	v32 =	vor.u32 v54, v3  }
0x697: {  	v29 =	vmul.f32 $8.000000000e+00, v29;
	v4 =	vld [tilespmem:$0x1FAB0]  }
0x698: {  	v41 =	vmov v20;
	[tilespmem:v36+s19+$0x0] =	vst.idx.msk $0xffff, v19;
	v20 =	vmul.f32 $8.000000000e+00, v34  }
0x699: {  	v23 =	vor.u32 v2, v49;
	v36 =	vor.u32 v26, v9;
	[tilespmem:v24+s19+$0x0] =	vst.idx.msk $0xffff, v29;
	v17 =	vmul.f32 $8.000000000e+00, v17  }
0x69a: {  	[tilespmem:v8+s19+$0x0] =	vst.idx.msk $0xffff, v20  }
0x69b: {  	v31 =	vld.idx.msk [tilespmem:v37+s14+$0x0], $0xffff;
	[tilespmem:v32+s19+$0x0] =	vst.idx.msk $0xffff, v17  }
0x69c: {  	v28 =	vmul.f32 $8.000000000e+00, v28;
	v30 =	vor.u32 v57, v4;
	v9 =	vld [tilespmem:$0x1F920]  }
0x69d: {  	v10 =	vor.u32 v55, v13;
	v35 =	vld.idx.msk [tilespmem:v35+s14+$0x0], $0xffff  }
0x69e: {  	v33 =	vor.u32 v0, v43;
	v29 =	vand.u32 $0x3D8, v10;
	v23 =	vld.idx.msk [tilespmem:v23+s14+$0x0], $0xffff;
	[tilespmem:v36+s19+$0x0] =	vst.idx.msk $0xffff, v28  }
0x69f: {  	v55 =	vor.u32 v55, v48;
	v34 =	vor.u32 v2, v60;
	v37 =	vor.u32 v29, v14;
	v10 =	vld [tilespmem:$0x1FB10]  }
0x6a0: {  	v17 =	vand.u32 $0x3D8, v55;
	v32 =	vor.u32 v27, v47  }
0x6a1: {  	v38 =	vor.u32 v0, v50;
	v19 =	vld.idx.msk [tilespmem:v30+s14+$0x0], $0xffff;
	v30 =	vor.u32 v17, v9  }
0x6a2: {  	v31 =	vmul.f32 $8.000000000e+00, v31  }
0x6a3: {  	v0 =	vor.u32 v0, v44;
	v23 =	vmul.f32 $8.000000000e+00, v23;
	v28 =	vld.idx.msk [tilespmem:v33+s14+$0x0], $0xffff  }
0x6a4: {  	v55 =	vmov v47;
	v47 =	vmul.f32 $8.000000000e+00, v35;
	v34 =	vld.idx.msk [tilespmem:v34+s14+$0x0], $0xffff;
	[tilespmem:v37+s19+$0x0] =	vst.idx.msk $0xffff, v31;
	v20 =	vor.u32 v54, v10  }
0x6a5: {  	v35 =	vor.u32 v25, v7;
	[tilespmem:v32+s19+$0x0] =	vst.idx.msk $0xffff, v23  }
0x6a6: {  	v24 =	vor.u32 v57, v49;
	v32 =	vld.idx.msk [tilespmem:v38+s14+$0x0], $0xffff;
	v54 =	vor.u32 v26, v6;
	[tilespmem:v30+s19+$0x0] =	vst.idx.msk $0xffff, v47  }
0x6a7: {  	v19 =	vmul.f32 $8.000000000e+00, v19;
	v47 =	vld [tilespmem:$0x1FFB0]  }
0x6a8: {  	v28 =	vmul.f32 $8.000000000e+00, v28;
	v31 =	vld.idx.msk [tilespmem:v0+s14+$0x0], $0xffff;
	v0 =	vor.u32 v29, v45  }
0x6a9: {  	v34 =	vmul.f32 $8.000000000e+00, v34;
	[tilespmem:v20+s19+$0x0] =	vst.idx.msk $0xffff, v19  }
0x6aa: {  	[tilespmem:v35+s19+$0x0] =	vst.idx.msk $0xffff, v28  }
0x6ab: {  	v33 =	vor.u32 v57, v60;
	v24 =	vld.idx.msk [tilespmem:v24+s14+$0x0], $0xffff;
	v32 =	vmul.f32 $8.000000000e+00, v32;
	[tilespmem:v54+s19+$0x0] =	vst.idx.msk $0xffff, v34  }
0x6ac: {  	v23 =	vor.u32 v2, v43;
	v19 =	vor.u32 v27, v12;
	v54 =	vld [tilespmem:$0x1FA80]  }
0x6ad: {  	v12 =	vmov v46;
	v28 =	vor.u32 v17, v46;
	v46 =	vld [tilespmem:$0x1FFA0];
	v30 =	vor.u32 v47, v4;
	[tilespmem:v0+s19+$0x0] =	vst.idx.msk $0xffff, v32  }
0x6ae: {  	v0 =	vld [tilespmem:$0x1FA70];
	_ =	sdelay $0x1  }
0x6af: {  	v33 =	vld.idx.msk [tilespmem:v33+s14+$0x0], $0xffff  }
0x6b0: {  	v38 =	vor.u32 v2, v44;
	v26 =	vor.u32 v26, v42;
	v24 =	vmul.f32 $8.000000000e+00, v24;
	v23 =	vld.idx.msk [tilespmem:v23+s14+$0x0], $0xffff  }
0x6b1: {  	v27 =	vor.u32 v2, v50;
	v31 =	vmul.f32 $8.000000000e+00, v31;
	v2 =	vor.u32 v46, v54;
	v30 =	vld.idx.msk [tilespmem:v30+s14+$0x0], $0xffff  }
0x6b2: {  	[tilespmem:v19+s19+$0x0] =	vst.idx.msk $0xffff, v24;
	v32 =	vand.u32 $0x3E8, v2;
	v34 =	vor.u32 v25, v0  }
0x6b3: {  	[tilespmem:v28+s19+$0x0] =	vst.idx.msk $0xffff, v31;
	v19 =	vor.u32 v32, v59  }
0x6b4: {  	v8 =	vmov v7;
	v7 =	vmov v45;
	v45 =	vld [tilespmem:$0x1FFC0];
	v59 =	vmul.f32 $8.000000000e+00, v33  }
0x6b5: {  	v23 =	vmul.f32 $8.000000000e+00, v23;
	v20 =	vld.idx.msk [tilespmem:v38+s14+$0x0], $0xffff  }
0x6b6: {  	v24 =	vor.u32 v57, v43;
	v38 =	vld [tilespmem:$0x1F9C0];
	[tilespmem:v26+s19+$0x0] =	vst.idx.msk $0xffff, v59;
	v30 =	vmul.f32 $8.000000000e+00, v30  }
0x6b7: {  	v36 =	vor.u32 v47, v49;
	[tilespmem:v34+s19+$0x0] =	vst.idx.msk $0xffff, v23  }
0x6b8: {  	v27 =	vld.idx.msk [tilespmem:v27+s14+$0x0], $0xffff;
	[tilespmem:v19+s19+$0x0] =	vst.idx.msk $0xffff, v30  }
0x6b9: {  	v59 =	vld [tilespmem:$0x1FA60]  }
0x6ba: {  	v28 =	vor.u32 v45, v4  }
0x6bb: {  	v31 =	vor.u32 v29, v62;
	v33 =	vor.u32 v47, v60;
	v24 =	vld.idx.msk [tilespmem:v24+s14+$0x0], $0xffff  }
0x6bc: {  	v2 =	vor.u32 v17, v5;
	v35 =	vld.idx.msk [tilespmem:v36+s14+$0x0], $0xffff;
	v42 =	vor.u32 v46, v38  }
0x6bd: {  	v37 =	vor.u32 v57, v50;
	v25 =	vor.u32 v25, v1;
	v19 =	vand.u32 $0x3E8, v42  }
0x6be: {  	v5 =	vor.u32 v57, v44;
	v27 =	vmul.f32 $8.000000000e+00, v27;
	v42 =	vor.u32 v19, v59  }
0x6bf: {  	v36 =	vor.u32 v47, v43;
	v20 =	vmul.f32 $8.000000000e+00, v20;
	v26 =	vld.idx.msk [tilespmem:v28+s14+$0x0], $0xffff  }
0x6c0: {  	v38 =	vor.u32 v46, v40;
	v33 =	vld.idx.msk [tilespmem:v33+s14+$0x0], $0xffff;
	[tilespmem:v31+s19+$0x0] =	vst.idx.msk $0xffff, v27;
	v24 =	vmul.f32 $8.000000000e+00, v24  }
0x6c1: {  	v57 =	vmul.f32 $8.000000000e+00, v35;
	v34 =	vand.u32 $0x3E8, v38;
	[tilespmem:v2+s19+$0x0] =	vst.idx.msk $0xffff, v20;
	v20 =	vor.u32 v32, v56  }
0x6c2: {  	v23 =	vor.u32 v34, v41;
	v37 =	vld.idx.msk [tilespmem:v37+s14+$0x0], $0xffff;
	[tilespmem:v25+s19+$0x0] =	vst.idx.msk $0xffff, v24  }
0x6c3: {  	v30 =	vld.idx.msk [tilespmem:v5+s14+$0x0], $0xffff;
	[tilespmem:v42+s19+$0x0] =	vst.idx.msk $0xffff, v57  }
0x6c4: {  	v29 =	vor.u32 v29, v39;
	v41 =	vmul.f32 $8.000000000e+00, v26;
	v42 =	vld [tilespmem:$0x1FFD0]  }
0x6c5: {  	v38 =	vor.u32 v46, v53;
	v27 =	vor.u32 v45, v49;
	v5 =	vmovc v39;
	v39 =	vmul.f32 $8.000000000e+00, v33;
	v31 =	vld.idx.msk [tilespmem:v36+s14+$0x0], $0xffff  }
0x6c6: {  	v17 =	vor.u32 v17, v51;
	v28 =	vor.u32 v47, v50;
	[tilespmem:v20+s19+$0x0] =	vst.idx.msk $0xffff, v41;
	v20 =	vand.u32 $0x3E8, v38  }
0x6c7: {  	[tilespmem:v23+s19+$0x0] =	vst.idx.msk $0xffff, v39;
	v23 =	vor.u32 v20, v61  }
0x6c8: {  	v35 =	vmul.f32 $8.000000000e+00, v37  }
0x6c9: {  	v30 =	vmul.f32 $8.000000000e+00, v30;
	v24 =	vor.u32 v42, v4  }
0x6ca: {  	v1 =	vmovc v40;
	v2 =	vmov v51;
	v51 =	vmov v53;
	[tilespmem:v29+s19+$0x0] =	vst.idx.msk $0xffff, v35;
	v27 =	vld.idx.msk [tilespmem:v27+s14+$0x0], $0xffff;
	v53 =	vmul.f32 $8.000000000e+00, v31  }
0x6cb: {  	v40 =	vor.u32 v45, v60;
	[tilespmem:v17+s19+$0x0] =	vst.idx.msk $0xffff, v30;
	v41 =	vor.u32 v46, v48;
	v28 =	vld.idx.msk [tilespmem:v28+s14+$0x0], $0xffff  }
0x6cc: {  	v57 =	vor.u32 v47, v44;
	v35 =	vand.u32 $0x3E8, v41;
	v41 =	vld [tilespmem:$0x1FFE0];
	[tilespmem:v23+s19+$0x0] =	vst.idx.msk $0xffff, v53  }
0x6cd: {  	v47 =	vor.u32 v46, v13;
	v53 =	vld [tilespmem:$0x1FA00]  }
0x6ce: {  	v26 =	vor.u32 v19, v58;
	v17 =	vor.u32 v45, v43;
	v25 =	vand.u32 $0x3E8, v47;
	v24 =	vld.idx.msk [tilespmem:v24+s14+$0x0], $0xffff  }
0x6cf: {  	v36 =	vor.u32 v25, v14;
	v29 =	vor.u32 v42, v49  }
0x6d0: {  	v46 =	vor.u32 v32, v3;
	v47 =	vor.u32 v45, v50;
	v33 =	vld.idx.msk [tilespmem:v40+s14+$0x0], $0xffff  }
0x6d1: {  	v31 =	vld.idx.msk [tilespmem:v57+s14+$0x0], $0xffff;
	v27 =	vmul.f32 $8.000000000e+00, v27  }
0x6d2: {  	v57 =	vor.u32 v35, v9;
	v3 =	vmul.f32 $8.000000000e+00, v28;
	v28 =	vor.u32 v34, v53  }
0x6d3: {  	v39 =	vor.u32 v41, v4;
	[tilespmem:v26+s19+$0x0] =	vst.idx.msk $0xffff, v27;
	v17 =	vld.idx.msk [tilespmem:v17+s14+$0x0], $0xffff;
	v24 =	vmul.f32 $8.000000000e+00, v24  }
0x6d4: {  	v30 =	vor.u32 v45, v44;
	[tilespmem:v36+s19+$0x0] =	vst.idx.msk $0xffff, v3;
	v23 =	vld.idx.msk [tilespmem:v29+s14+$0x0], $0xffff  }
0x6d5: {  	v45 =	vmul.f32 $8.000000000e+00, v33;
	v29 =	vld.idx.msk [tilespmem:v47+s14+$0x0], $0xffff;
	[tilespmem:v46+s19+$0x0] =	vst.idx.msk $0xffff, v24;
	v46 =	vor.u32 v20, v8  }
0x6d6: {  	v36 =	vmul.f32 $8.000000000e+00, v31;
	v47 =	vor.u32 v19, v55  }
0x6d7: {  	[tilespmem:v28+s19+$0x0] =	vst.idx.msk $0xffff, v45;
	v45 =	vor.u32 v25, v7  }
0x6d8: {  	[tilespmem:v57+s19+$0x0] =	vst.idx.msk $0xffff, v36;
	v17 =	vmul.f32 $8.000000000e+00, v17;
	v57 =	vld.idx.msk [tilespmem:v39+s14+$0x0], $0xffff  }
0x6d9: {  	v23 =	vmul.f32 $8.000000000e+00, v23  }
0x6da: {  	[tilespmem:v46+s19+$0x0] =	vst.idx.msk $0xffff, v17;
	v46 =	vmul.f32 $8.000000000e+00, v29  }
0x6db: {  	[tilespmem:v47+s19+$0x0] =	vst.idx.msk $0xffff, v23  }
0x6dc: {  	v40 =	vmov v7;
	v38 =	vor.u32 v35, v12;
	v7 =	vmov v12;
	v12 =	vld [tilespmem:$0x1FDD0];
	[tilespmem:v45+s19+$0x0] =	vst.idx.msk $0xffff, v46  }
0x6dd: {  	v47 =	vmul.f32 $8.000000000e+00, v57;
	v57 =	vld [tilespmem:$0x1FA10]  }
0x6de: {  	v26 =	vor.u32 v42, v60  }
0x6df: {  	v3 =	vor.u32 v42, v43;
	v24 =	vld.idx.msk [tilespmem:v30+s14+$0x0], $0xffff  }
0x6e0: {  	v30 =	vor.u32 v32, v10  }
0x6e1: {  	v37 =	vor.u32 v41, v49;
	_ =	sdelay $0x1  }
0x6e2: {  	v26 =	vld.idx.msk [tilespmem:v26+s14+$0x0], $0xffff  }
0x6e3: {  	v27 =	vld.idx.msk [tilespmem:v3+s14+$0x0], $0xffff;
	v45 =	vmul.f32 $8.000000000e+00, v24  }
0x6e4: {  	[tilespmem:v30+s19+$0x0] =	vst.idx.msk $0xffff, v47;
	v3 =	vld.idx.msk [tilespmem:v57+s14+$0x0], $0xffff  }
0x6e5: {  	v29 =	vor.u32 v34, v6;
	[tilespmem:v38+s19+$0x0] =	vst.idx.msk $0xffff, v45;
	v57 =	vld.idx.msk [tilespmem:v37+s14+$0x0], $0xffff  }
0x6e6: {  	v37 =	vld [tilespmem:$0x1FDC0];
	_ =	sdelay $0x1  }
0x6e7: {  	v32 =	vor.u32 v42, v50;
	v26 =	vmul.f32 $8.000000000e+00, v26;
	_ =	sdelay $0x1  }
0x6e8: {  	v46 =	vor.u32 v41, v60;
	[tilespmem:v29+s19+$0x0] =	vst.idx.msk $0xffff, v26  }
0x6e9: {  	v47 =	vor.u32 v20, v0;
	v10 =	vor.u32 v37, v54;
	v54 =	vld [tilespmem:$0x1FB30];
	_ =	sdelay $0x1  }
0x6ea: {  	v17 =	vor.u32 v15, v22;
	v28 =	vld.idx.msk [tilespmem:v32+s14+$0x0], $0xffff;
	v32 =	vor.u32 v41, v43  }
0x6eb: {  	v27 =	vmul.f32 $8.000000000e+00, v27  }
0x6ec: {  	v31 =	vor.u32 v42, v44;
	v29 =	vor.u32 v25, v62;
	v0 =	vld.idx.msk [tilespmem:v46+s14+$0x0], $0xffff;
	[tilespmem:v21+s19+$0x0] =	vst.idx.msk $0xffff, v63  }
0x6ed: {  	v42 =	vor.u32 v12, v4;
	v45 =	vmul.f32 $8.000000000e+00, v3;
	v36 =	vld [tilespmem:$0x1F930];
	[tilespmem:v47+s19+$0x0] =	vst.idx.msk $0xffff, v27;
	v19 =	vor.u32 v19, v54  }
0x6ee: {  	v46 =	vld [tilespmem:$0x1FA40]  }
0x6ef: {  	v28 =	vmul.f32 $8.000000000e+00, v28;
	[tilespmem:v17+s19+$0x0] =	vst.idx.msk $0xffff, v45;
	v63 =	vld.idx.msk [tilespmem:v32+s14+$0x0], $0xffff  }
0x6f0: {  	v57 =	vmul.f32 $8.000000000e+00, v57;
	v32 =	vld [tilespmem:$0x1F940]  }
0x6f1: {  	v26 =	vld.idx.msk [tilespmem:v31+s14+$0x0], $0xffff;
	[tilespmem:v29+s19+$0x0] =	vst.idx.msk $0xffff, v28  }
0x6f2: {  	v33 =	vor.u32 v41, v50;
	v42 =	vld.idx.msk [tilespmem:v42+s14+$0x0], $0xffff;
	[tilespmem:v19+s19+$0x0] =	vst.idx.msk $0xffff, v57  }
0x6f3: {  	v39 =	vmov v14;
	v14 =	vand.u32 $0x3F8, v10;
	v24 =	vor.u32 v35, v36;
	v31 =	vld [tilespmem:$0x1F950]  }
0x6f4: {  	v47 =	vor.u32 v14, v46  }
0x6f5: {  	v27 =	vor.u32 v41, v44;
	v10 =	vor.u32 v34, v32  }
0x6f6: {  	v26 =	vmul.f32 $8.000000000e+00, v26  }
0x6f7: {  	v38 =	vor.u32 v12, v49;
	v41 =	vmul.f32 $8.000000000e+00, v42;
	v45 =	vld.idx.msk [tilespmem:v33+s14+$0x0], $0xffff  }
0x6f8: {  	v0 =	vmul.f32 $8.000000000e+00, v0;
	[tilespmem:v24+s19+$0x0] =	vst.idx.msk $0xffff, v26;
	v42 =	vor.u32 v20, v31  }
0x6f9: {  	v25 =	vor.u32 v25, v5;
	[tilespmem:v47+s19+$0x0] =	vst.idx.msk $0xffff, v41;
	v47 =	vor.u32 v12, v43  }
0x6fa: {  	v57 =	vld.idx.msk [tilespmem:v27+s14+$0x0], $0xffff;
	[tilespmem:v10+s19+$0x0] =	vst.idx.msk $0xffff, v0  }
0x6fb: {  	v46 =	vor.u32 v12, v60;
	v21 =	vmul.f32 $8.000000000e+00, v63;
	v0 =	vld [tilespmem:$0x1F9C0]  }
0x6fc: {  	v33 =	vmov v5;
	v63 =	vor.u32 v12, v50;
	v5 =	vld.idx.msk [tilespmem:v38+s14+$0x0], $0xffff;
	v20 =	vmul.f32 $8.000000000e+00, v45  }
0x6fd: {  	v38 =	vor.u32 v35, v2;
	v10 =	vld [tilespmem:$0x1FDE0];
	[tilespmem:v42+s19+$0x0] =	vst.idx.msk $0xffff, v21  }
0x6fe: {  	v41 =	vor.u32 v12, v44;
	[tilespmem:v25+s19+$0x0] =	vst.idx.msk $0xffff, v20;
	v17 =	vld.idx.msk [tilespmem:v47+s14+$0x0], $0xffff  }
0x6ff: {  	v47 =	vld [tilespmem:$0x1F9E0]  }
0x700: {  	v1 =	vor.u32 v37, v1;
	v24 =	vld.idx.msk [tilespmem:v46+s14+$0x0], $0xffff;
	v46 =	vmul.f32 $8.000000000e+00, v57;
	v22 =	vor.u32 v37, v0  }
0x701: {  	v45 =	vor.u32 v37, v51;
	v51 =	vor.u32 v37, v13;
	v57 =	vld.idx.msk [tilespmem:v63+s14+$0x0], $0xffff;
	v28 =	vand.u32 $0x3F8, v22  }
0x702: {  	v13 =	vand.u32 $0x3F8, v51;
	v26 =	vor.u32 v10, v4;
	v42 =	vor.u32 v28, v59;
	[tilespmem:v38+s19+$0x0] =	vst.idx.msk $0xffff, v46  }
0x703: {  	v1 =	vand.u32 $0x3F8, v1;
	v30 =	vor.u32 v10, v49;
	v19 =	vld.idx.msk [tilespmem:v41+s14+$0x0], $0xffff;
	v41 =	vor.u32 v13, v39  }
0x704: {  	v34 =	vmov v2;
	v2 =	vand.u32 $0x3F8, v45;
	v0 =	vor.u32 v1, v47  }
0x705: {  	v63 =	vor.u32 v2, v61;
	v35 =	vor.u32 v10, v60;
	v59 =	vmul.f32 $8.000000000e+00, v5  }
0x706: {  	v38 =	vor.u32 v37, v48;
	v22 =	vmul.f32 $8.000000000e+00, v57  }
0x707: {  	v45 =	vmul.f32 $8.000000000e+00, v24;
	v24 =	vand.u32 $0x3F8, v38;
	v26 =	vld.idx.msk [tilespmem:v26+s14+$0x0], $0xffff;
	[tilespmem:v42+s19+$0x0] =	vst.idx.msk $0xffff, v59  }
0x708: {  	v48 =	vor.u32 v24, v9;
	v46 =	vld.idx.msk [tilespmem:v30+s14+$0x0], $0xffff;
	v17 =	vmul.f32 $8.000000000e+00, v17;
	[tilespmem:v41+s19+$0x0] =	vst.idx.msk $0xffff, v22  }
0x709: {  	v51 =	vor.u32 v14, v56;
	v57 =	vld.idx.msk [tilespmem:v18+s14+$0x0], $0xffff;
	[tilespmem:v0+s19+$0x0] =	vst.idx.msk $0xffff, v45  }
0x70a: {  	v42 =	vor.u32 v10, v43;
	v59 =	vor.u32 v28, v58;
	[tilespmem:v63+s19+$0x0] =	vst.idx.msk $0xffff, v17;
	v30 =	vld.idx.msk [tilespmem:v35+s14+$0x0], $0xffff  }
0x70b: {  	v47 =	vor.u32 v10, v50;
	v19 =	vmul.f32 $8.000000000e+00, v19;
	v61 =	vld [tilespmem:$0x1FDF0];
	v35 =	vor.u32 v16, v11  }
0x70c: {  	v56 =	vor.u32 v10, v44;
	v39 =	vor.u32 v1, v53;
	v26 =	vmul.f32 $8.000000000e+00, v26  }
0x70d: {  	v38 =	vmul.f32 $8.000000000e+00, v46;
	[tilespmem:v48+s19+$0x0] =	vst.idx.msk $0xffff, v19  }
0x70e: {  	v3 =	vmul.f32 $8.000000000e+00, v57;
	[tilespmem:v51+s19+$0x0] =	vst.idx.msk $0xffff, v26  }
0x70f: {  	v20 =	vld.idx.msk [tilespmem:v42+s14+$0x0], $0xffff;
	[tilespmem:v59+s19+$0x0] =	vst.idx.msk $0xffff, v38;
	v18 =	vmul.f32 $8.000000000e+00, v30  }
0x710: {  	v27 =	vld.idx.msk [tilespmem:v47+s14+$0x0], $0xffff;
	v63 =	vor.u32 v61, v4;
	[tilespmem:v35+s19+$0x0] =	vst.idx.msk $0xffff, v3  }
0x711: {  	v41 =	vor.u32 v2, v8;
	v42 =	vld.idx.msk [tilespmem:v56+s14+$0x0], $0xffff;
	[tilespmem:v39+s19+$0x0] =	vst.idx.msk $0xffff, v18  }
0x712: {  	v46 =	vor.u32 v13, v40;
	v37 =	vor.u32 v61, v49;
	v56 =	vld [tilespmem:$0x1FAC0];
	_ =	sdelay $0x1  }
0x713: {  	v20 =	vmul.f32 $8.000000000e+00, v20  }
0x714: {  	v59 =	vmul.f32 $8.000000000e+00, v27;
	v12 =	vld.idx.msk [tilespmem:v63+s14+$0x0], $0xffff  }
0x715: {  	v48 =	vor.u32 v24, v7;
	[tilespmem:v41+s19+$0x0] =	vst.idx.msk $0xffff, v20  }
0x716: {  	v45 =	vor.u32 v61, v60;
	[tilespmem:v46+s19+$0x0] =	vst.idx.msk $0xffff, v59;
	v51 =	vld.idx.msk [tilespmem:v37+s14+$0x0], $0xffff;
	v57 =	vor.u32 v14, v56  }
0x717: {  	v47 =	vor.u32 v61, v43;
	v53 =	vor.u32 v61, v50;
	v25 =	vld [tilespmem:$0x1FFF0]  }
0x718: {  	v58 =	vor.u32 v61, v44;
	v61 =	vor.u32 v28, v55;
	v8 =	vmul.f32 $8.000000000e+00, v42  }
0x719: {  	v12 =	vmul.f32 $8.000000000e+00, v12  }
0x71a: {  	[tilespmem:v48+s19+$0x0] =	vst.idx.msk $0xffff, v8  }
0x71b: {  	v17 =	vld.idx.msk [tilespmem:v45+s14+$0x0], $0xffff;
	v3 =	vmul.f32 $8.000000000e+00, v51;
	[tilespmem:v57+s19+$0x0] =	vst.idx.msk $0xffff, v12  }
0x71c: {  	v63 =	vor.u32 v25, v52;
	v37 =	vld [tilespmem:$0x1FA70]  }
0x71d: {  	v29 =	vor.u32 v1, v6;
	v19 =	vld.idx.msk [tilespmem:v47+s14+$0x0], $0xffff;
	[tilespmem:v61+s19+$0x0] =	vst.idx.msk $0xffff, v3  }
0x71e: {  	v0 =	vld [tilespmem:$0x1FA20]  }
0x71f: {  	v30 =	vld.idx.msk [tilespmem:v53+s14+$0x0], $0xffff;
	v27 =	vor.u32 v25, v49  }
0x720: {  	v39 =	vld.idx.msk [tilespmem:v58+s14+$0x0], $0xffff;
	v35 =	vor.u32 v25, v60;
	v17 =	vmul.f32 $8.000000000e+00, v17  }
0x721: {  	v10 =	vld.idx.msk [tilespmem:v63+s14+$0x0], $0xffff;
	v38 =	vor.u32 v2, v37  }
0x722: {  	v45 =	vld [tilespmem:$0x1FA90];
	[tilespmem:v29+s19+$0x0] =	vst.idx.msk $0xffff, v17  }
0x723: {  	v41 =	vor.u32 v13, v62;
	v40 =	vor.u32 v25, v43;
	v5 =	vld [tilespmem:$0x1FAA0]  }
0x724: {  	v42 =	vor.u32 v25, v50;
	v43 =	vor.u32 v24, v36;
	v19 =	vmul.f32 $8.000000000e+00, v19;
	v48 =	vld.idx.msk [tilespmem:v27+s14+$0x0], $0xffff  }
0x725: {  	v53 =	vor.u32 v28, v54;
	v47 =	vor.u32 v25, v44;
	v12 =	vld.idx.msk [tilespmem:v35+s14+$0x0], $0xffff  }
0x726: {  	v26 =	vor.u32 v25, v4;
	v49 =	vmul.f32 $8.000000000e+00, v30;
	v0 =	vld.idx.msk [tilespmem:v0+s14+$0x0], $0xffff;
	[tilespmem:v38+s19+$0x0] =	vst.idx.msk $0xffff, v19  }
0x727: {  	v1 =	vor.u32 v1, v32;
	v52 =	vmul.f32 $8.000000000e+00, v39;
	v50 =	vld [tilespmem:$0x1FB10]  }
0x728: {  	v5 =	vor.u32 v16, v5;
	[tilespmem:v41+s19+$0x0] =	vst.idx.msk $0xffff, v49;
	v3 =	vld.idx.msk [tilespmem:v40+s14+$0x0], $0xffff  }
0x729: {  	v46 =	vor.u32 v15, v45;
	v59 =	vmul.f32 $8.000000000e+00, v48;
	[tilespmem:v43+s19+$0x0] =	vst.idx.msk $0xffff, v52;
	v9 =	vld.idx.msk [tilespmem:v42+s14+$0x0], $0xffff  }
0x72a: {  	v55 =	vor.u32 v2, v31;
	v61 =	vmul.f32 $8.000000000e+00, v12;
	v57 =	vld.idx.msk [tilespmem:v47+s14+$0x0], $0xffff  }
0x72b: {  	v58 =	vor.u32 v13, v33;
	v8 =	vld.idx.msk [tilespmem:v26+s14+$0x0], $0xffff;
	v54 =	vmul.f32 $8.000000000e+00, v10;
	[tilespmem:v53+s19+$0x0] =	vst.idx.msk $0xffff, v59  }
0x72c: {  	v60 =	vor.u32 v24, v34;
	[tilespmem:v1+s19+$0x0] =	vst.idx.msk $0xffff, v61;
	v0 =	vmul.f32 $8.000000000e+00, v0  }
0x72d: {  	[tilespmem:v5+s19+$0x0] =	vst.idx.msk $0xffff, v54;
	v51 =	vor.u32 v14, v50;
	v3 =	vmul.f32 $8.000000000e+00, v3  }
0x72e: {  	p0 =	seq.s32 s22, $0x63;
	[tilespmem:v46+s19+$0x0] =	vst.idx.msk $0xffff, v0;
	v62 =	vmul.f32 $8.000000000e+00, v9  }
.Ltmp7:
0x72f: {  	v63 =	vmul.f32 $8.000000000e+00, v57;
	[tilespmem:v55+s19+$0x0] =	vst.idx.msk $0xffff, v3;
	(pc) =	sbr.rel @p0 .LBB2_12-.Ltmp7, $4  }
0x730: {  	v56 =	vmul.f32 $8.000000000e+00, v8;
	[tilespmem:v58+s19+$0x0] =	vst.idx.msk $0xffff, v62  }
0x731: {  	[tilespmem:v60+s19+$0x0] =	vst.idx.msk $0xffff, v63  }
0x732: {  	s24 =	sadd.s32 s24, s7;
	[tilespmem:v51+s19+$0x0] =	vst.idx.msk $0xffff, v56  }
0x733: {  	[hbm4b:s24+s9] =	stream.strided.scatter [tilespmem:s19], [sflag:$0x4], $0x2000, s10, s9, $0x38;
	[tilespmem:$0xE400] =	vst v63  }
0x734: {  	v30 =	vld [tilespmem:$0x1FE00]  }
0x735: {  	v38 =	vld [tilespmem:$0x1FE10]  }
0x736: {  	v21 =	vld [tilespmem:$0x1FE20]  }
0x737: {  	v22 =	vld [tilespmem:$0x1FE30]  }
0x738: {  	v34 =	vld [tilespmem:$0x1FE40]  }
0x739: {  	v25 =	vld [tilespmem:$0x1FE50]  }
0x73a: {  	v24 =	vld [tilespmem:$0x1FE60]  }
0x73b: {  	v27 =	vld [tilespmem:$0x1FE70]  }
.Ltmp8:
0x73c: {  	v10 =	vld [tilespmem:$0x1FED0];
	(pc) =	sbr.rel .LBB2_2-.Ltmp8, $4  }
0x73d: {  	v29 =	vld [tilespmem:$0x1FEE0]  }
0x73e: {  	s23 =	sadd.s32 $0x180, s23;
	v12 =	vld [tilespmem:$0x1FEF0]  }
0x73f: {  	s22 =	sadd.s32 $0x1, s22;
	v28 =	vld [tilespmem:$0x1FF00];
	s23 =	sand.u32 $0xFF80, s23  }
0x740: {  	v23 =	vlaneseq.u32;
	v26 =	vld [tilespmem:$0x1FF10];
	[tilespmem:s14], [sflag:$0x2] =	stream.indirect.gather [hbm4b:s5+s12], $0x40, s23, s12, $0xb8  }
.LBB2_13:
0x741: {  	_ =	sfence.sel $0x180000  }
0x742: {  	[bflag:$0x0] =	sbarrier.arrive $0xFFFF  }
0x743: {  	p0 =	sne.s32 s2, $0x0;
	_ =	strace $0x90000047  }
0x744: {  	s0 =	sadd.s32 @!p0 $0x100000, s0;
	[bflag:$0x2] =	sbarrier.arrive $0xFFFF  }
0x745: {  	[sflag:s0] =	ssyncadd.tile.s32 @!p0 $0x1;
	_ =	shalt  }
.Lfunc_end2:
_tile_overlayer_lowered:
.L_overlay_start_2:
0x746: {  	(tag) =	ssettag $0x2  }
0x747: {  	s0 =	rddreg [dreg:$0x0];
	s2 =	stileid.u32  }
0x748: {  	s1 =	rddreg [dreg:$0x1];
	p0 =	sne.s32 s2, $0x0  }
0x749: {  	s3 =	rddreg [dreg:$0x2];
	[bflag:$0x3] =	sbarrier.arrive $0xFFFF;
	s2 =	simm.s32 @!p0 $0x1C05  }
0x74a: {  	[timem:s3], [sflag:s2] =	dma.local @!p0 [hbm:s0], s1  }
0x74b: {  	s0 =	simm.s32 @!p0 $0x5  }
0x74c: {  	_ =	swait.ge @!p0 [sflag:s0], s1  }
0x74d: {  	s1 =	ssub.s32 @!p0 $0x0, s1;
	[sflag:s0] =	ssyncset.done @!p0 $0x0  }
0x74e: {  	[sflag:s0] =	ssyncadd.s32 @!p0 s1  }
0x74f: {  	[bflag:$0x3] =	sbarrier.arrive $0xFFFF  }
0x750: {  	_ =	shalt  }

</sc_bundles>
